<compile_context>
chip_gen: v7x
topology: tpu7x:2x2x1
jax: 0.10.2.dev20260603
libtpu: 0.0.44.dev20260713+nightly
codegen_flags: <defaults>
</compile_context>

<pallas_src>
import jax
import jax.numpy as jnp
from jax import lax
from jax.experimental import pallas as pl
from jax.experimental.pallas import tpu as pltpu
from jax.experimental.pallas import tpu_sc as plsc

_NUM_CLASSES = 1000
_HIDDEN = 1024
_BATCH = 16384

_NC = 2
_NS = 16
_NW = _NC * _NS
_LANES = 16

_B_PER_W = _BATCH // _NW
_CHUNK = 16
_NCHUNK = _B_PER_W // _CHUNK

_ROWS = _NUM_CLASSES + 1
_STAGE = 64
_PIECES = _HIDDEN // 128


def _embed_body(labels_hbm, drop_hbm, table_hbm, out_hbm,
                table_s, drop_v, idx_v, row0, row1,
                g0, g1, w0, w1, ssem):
    rowbufs = (row0, row1)
    gsems = (g0, g1)
    wsems = (w0, w1)

    sid = lax.axis_index("s")
    wid = sid * _NC + lax.axis_index("c")
    base = wid * _B_PER_W

    @pl.when(sid < 15)
    def _():
        off = sid * (_STAGE * _PIECES)
        pltpu.async_copy(table_hbm.at[pl.ds(off, _STAGE * _PIECES)],
                         table_s.at[pl.ds(off, _STAGE * _PIECES)], ssem)

    @pl.when(sid == 15)
    def _():
        tail = (_ROWS - 15 * _STAGE) * _PIECES
        off = 15 * _STAGE * _PIECES
        pltpu.async_copy(table_hbm.at[pl.ds(off, tail)],
                         table_s.at[pl.ds(off, tail)], ssem)

    pltpu.sync_copy(labels_hbm.at[pl.ds(base, _B_PER_W)], idx_v)
    pltpu.sync_copy(drop_hbm.at[pl.ds(base, _B_PER_W)], drop_v)

    for i in range(_B_PER_W // _LANES):
        sl = pl.ds(i * _LANES, _LANES)
        idx_v[sl] = jnp.where(drop_v[sl] == 1, jnp.int32(_NUM_CLASSES),
                              idx_v[sl])

    @pl.when(sid < 15)
    def _():
        pltpu.make_async_copy(
            table_hbm.at[pl.ds(0, _STAGE * _PIECES)],
            table_s.at[pl.ds(0, _STAGE * _PIECES)], ssem).wait()

    @pl.when(sid == 15)
    def _():
        tail = (_ROWS - 15 * _STAGE) * _PIECES
        pltpu.make_async_copy(table_hbm.at[pl.ds(0, tail)],
                              table_s.at[pl.ds(0, tail)], ssem).wait()

    plsc.subcore_barrier()

    def start_gather(chunk, slot):
        vec = idx_v[pl.ds(chunk * _CHUNK, _LANES)]
        for j in range(_LANES):
            row = vec[j]
            off = pl.multiple_of(row * _PIECES, _PIECES)
            pltpu.async_copy(table_s.at[pl.ds(off, _PIECES)],
                             rowbufs[slot].at[j // 8, j % 8], gsems[slot])

    def wait_gather(slot):
        for j in range(_LANES):
            pltpu.make_async_copy(
                table_hbm.at[pl.ds(0, _PIECES)],
                rowbufs[slot].at[j // 8, j % 8], gsems[slot]).wait()

    def start_write(chunk, slot):
        r0 = pl.multiple_of((base + chunk * _CHUNK) // 8, 2)
        for c in range(_PIECES):
            pltpu.async_copy(
                rowbufs[slot].at[:, :, c, :],
                out_hbm.at[pl.ds(r0, 2), c], wsems[slot])

    def wait_write(slot):
        for c in range(_PIECES):
            pltpu.make_async_copy(
                rowbufs[slot].at[:, :, c, :],
                out_hbm.at[pl.ds(0, 2), c], wsems[slot]).wait()

    start_gather(0, 0)

    def step(g, _):
        a = 2 * g
        b = 2 * g + 1

        wait_gather(0)
        start_gather(b, 1)

        @pl.when(g >= 1)
        def _():
            wait_write(0)

        start_write(a, 0)

        wait_gather(1)

        @pl.when(g < _NCHUNK // 2 - 1)
        def _():
            start_gather(a + 2, 0)

        @pl.when(g >= 1)
        def _():
            wait_write(1)

        start_write(b, 1)
        return _

    lax.fori_loop(0, _NCHUNK // 2, step, None)
    wait_write(0)
    wait_write(1)


@jax.jit
def kernel(labels, force_drop_ids, embedding_table):
    labels = labels.astype(jnp.int32)
    drops = force_drop_ids.astype(jnp.int32)
    table_v = embedding_table.reshape(_ROWS * 8, 128)
    mesh = plsc.VectorSubcoreMesh(core_axis_name="c", subcore_axis_name="s")
    run = pl.kernel(
        _embed_body,
        out_type=jax.ShapeDtypeStruct((_BATCH // 8, _PIECES, 8, 128),
                                      jnp.float32),
        mesh=mesh,
        scratch_types=[
            pltpu.VMEM_SHARED((_ROWS * 8, 128), jnp.float32),
            pltpu.VMEM((_B_PER_W,), jnp.int32),
            pltpu.VMEM((_B_PER_W,), jnp.int32),
            pltpu.VMEM((_CHUNK // 8, 8, 8, 128), jnp.float32),
            pltpu.VMEM((_CHUNK // 8, 8, 8, 128), jnp.float32),
            pltpu.SemaphoreType.DMA,
            pltpu.SemaphoreType.DMA,
            pltpu.SemaphoreType.DMA,
            pltpu.SemaphoreType.DMA,
            pltpu.SemaphoreType.DMA,
        ],
    )
    out4 = run(labels, drops, table_v)
    return out4.transpose(0, 2, 1, 3).reshape(_BATCH, _HIDDEN)

# --- scband reference (transcript-rebuilt; emitter-appended) ---
"""Pipeline reference for scband-label-embedder-13108240188020 (READ-ONLY COPY).

The authoritative reference and input builder live on the scoring server;
editing this copy changes nothing except your own understanding.
"""

import jax, jax.numpy as jnp
import numpy as np

NUM_CLASSES = 1000
HIDDEN = 1024
BATCH = 16384

def setup_inputs(seed: int = 0) -> dict:
    key = jax.random.key(seed)
    k1, k2, k3 = jax.random.split(key, 3)
    labels = jax.random.randint(k1, (BATCH,), 0, NUM_CLASSES, dtype=jnp.int64 if jax.config.jax_enable_x64 else jnp.int32)
    force_drop_ids = jax.random.randint(k2, (BATCH,), 0, 2, dtype=labels.dtype)
    embedding_table = jax.random.normal(k3, (NUM_CLASSES + 1, HIDDEN), dtype=jnp.float32)
    return {"labels": labels, "force_drop_ids": force_drop_ids, "embedding_table": embedding_table}

def reference(labels, force_drop_ids, embedding_table):
    # token_drop with force_drop_ids provided: drop where force_drop_ids == 1
    drop_ids = force_drop_ids == 1
    labels = jnp.where(drop_ids, NUM_CLASSES, labels)
    # embedding lookup -> gather
    return jnp.take(embedding_table, labels, axis=0)

if __name__ == "__main__":
    import jax
    _d = setup_inputs()
    print(jax.jit(kernel)(*tuple(_d.values())))

</pallas_src>

<mosaic_0001>
#map = affine_map<(d0, d1) -> (0)>
#map1 = affine_map<(d0, d1) -> (0, 0)>
#map2 = affine_map<(d0, d1) -> (0, 0, 0, 0)>
module attributes {stable_mosaic.version = 14 : i64} {
  func.func @_embed_body(%arg0: i32, %arg1: i32, %arg2: memref<16384xi32, #tpu.memory_space<hbm>>, %arg3: memref<16384xi32, #tpu.memory_space<hbm>>, %arg4: memref<8008x128xf32, #tpu.memory_space<hbm>>, %arg5: memref<2048x8x8x128xf32, #tpu.memory_space<hbm>>, %arg6: memref<8008x128xf32, #tpu.memory_space<vmem_shared>>, %arg7: memref<512xi32, #tpu.memory_space<vmem>>, %arg8: memref<512xi32, #tpu.memory_space<vmem>>, %arg9: memref<2x8x8x128xf32, #tpu.memory_space<vmem>>, %arg10: memref<2x8x8x128xf32, #tpu.memory_space<vmem>>, %arg11: memref<!tpu.dma_semaphore, #tpu.memory_space<semaphore_mem>>, %arg12: memref<!tpu.dma_semaphore, #tpu.memory_space<semaphore_mem>>, %arg13: memref<!tpu.dma_semaphore, #tpu.memory_space<semaphore_mem>>, %arg14: memref<!tpu.dma_semaphore, #tpu.memory_space<semaphore_mem>>, %arg15: memref<!tpu.dma_semaphore, #tpu.memory_space<semaphore_mem>>) attributes {dimension_semantics = [#tpu.dimension_semantics<core_parallel>, #tpu.dimension_semantics<subcore_parallel>], iteration_bounds = array<i64: 2, 16>, scalar_prefetch = 0 : i64, scratch_operands = 10 : i64, tpu.core_type = #tpu.core_type<sc_vector_subcore>, window_params = [{transform_indices = #map}, {transform_indices = #map}, {transform_indices = #map1}, {transform_indices = #map2}]} {
    %mul3A = arith.constant 2 : i32
    %mul3A_0 = arith.muli %arg1, %mul3A : i32
    %add3A = arith.addi %mul3A_0, %arg0 : i32
    %mul3A_1 = arith.constant 512 : i32
    %mul3A_2 = arith.muli %add3A, %mul3A_1 : i32
    %lt3A = arith.constant 15 : i32
    %lt3A_3 = arith.cmpi slt, %arg1, %lt3A : i32
    %convert_element_type3A = arith.extui %lt3A_3 : i1 to i32
    %cond3A = arith.constant 0 : i32
    %cond3A_4 = arith.cmpi ne, %convert_element_type3A, %cond3A : i32
    scf.if %cond3A_4 {
      %mul3A_1184 = arith.constant 512 : i32
      %mul3A_1185 = arith.muli %arg1, %mul3A_1184 : i32
      %dma_start3A_1186 = arith.constant 0 : i32
      %dma_start3A_1187 = tpu.memref_slice %arg6[%mul3A_1185, %dma_start3A_1186] : memref<8008x128xf32, #tpu.memory_space<vmem_shared>> -> memref<512x128xf32, #tpu.memory_space<vmem_shared>>
      %dma_start3A_1188 = arith.constant 0 : i32
      %dma_start3A_1189 = tpu.memref_slice %arg4[%mul3A_1185, %dma_start3A_1188] : memref<8008x128xf32, #tpu.memory_space<hbm>> -> memref<512x128xf32, #tpu.memory_space<hbm>>
      tpu.enqueue_dma source(%dma_start3A_1189 : memref<512x128xf32, #tpu.memory_space<hbm>>) target(%dma_start3A_1187 : memref<512x128xf32, #tpu.memory_space<vmem_shared>>) target_semaphore(%arg15 : memref<!tpu.dma_semaphore, #tpu.memory_space<semaphore_mem>>)
    } else {
    }
    %eq3A = arith.constant 15 : i32
    %eq3A_5 = arith.cmpi eq, %arg1, %eq3A : i32
    %convert_element_type3A_6 = arith.extui %eq3A_5 : i1 to i32
    %cond3A_7 = arith.constant 0 : i32
    %cond3A_8 = arith.cmpi ne, %convert_element_type3A_6, %cond3A_7 : i32
    scf.if %cond3A_8 {
      %dma_start3A_1184 = arith.constant 7680 : i32
      %dma_start3A_1185 = arith.constant 0 : i32
      %dma_start3A_1186 = tpu.memref_slice %arg6[%dma_start3A_1184, %dma_start3A_1185] : memref<8008x128xf32, #tpu.memory_space<vmem_shared>> -> memref<328x128xf32, #tpu.memory_space<vmem_shared>>
      %dma_start3A_1187 = arith.constant 7680 : i32
      %dma_start3A_1188 = arith.constant 0 : i32
      %dma_start3A_1189 = tpu.memref_slice %arg4[%dma_start3A_1187, %dma_start3A_1188] : memref<8008x128xf32, #tpu.memory_space<hbm>> -> memref<328x128xf32, #tpu.memory_space<hbm>>
      tpu.enqueue_dma source(%dma_start3A_1189 : memref<328x128xf32, #tpu.memory_space<hbm>>) target(%dma_start3A_1186 : memref<328x128xf32, #tpu.memory_space<vmem_shared>>) target_semaphore(%arg15 : memref<!tpu.dma_semaphore, #tpu.memory_space<semaphore_mem>>)
    } else {
    }
    "tpu.region"() ({
      %run_scoped3A = tpu.sem_alloc : memref<!tpu.dma_semaphore, #tpu.memory_space<semaphore_mem>>
      %dma_start3A_1184 = tpu.memref_slice %arg2[%mul3A_2] : memref<16384xi32, #tpu.memory_space<hbm>> -> memref<512xi32, #tpu.memory_space<hbm>>
      %dma_start3A_1185 = tpu.memref_slice %arg2[%mul3A_2] : memref<16384xi32, #tpu.memory_space<hbm>> -> memref<512xi32, #tpu.memory_space<hbm>>
      tpu.enqueue_dma source(%dma_start3A_1185 : memref<512xi32, #tpu.memory_space<hbm>>) target(%arg8 : memref<512xi32, #tpu.memory_space<vmem>>) target_semaphore(%run_scoped3A : memref<!tpu.dma_semaphore, #tpu.memory_space<semaphore_mem>>)
      %dma_wait3A_1186 = tpu.memref_slice %arg2[%mul3A_2] : memref<16384xi32, #tpu.memory_space<hbm>> -> memref<512xi32, #tpu.memory_space<hbm>>
      %dma_wait3A_1187 = tpu.memref_slice %arg2[%mul3A_2] : memref<16384xi32, #tpu.memory_space<hbm>> -> memref<512xi32, #tpu.memory_space<hbm>>
      tpu.wait_dma2 semaphore(%run_scoped3A : memref<!tpu.dma_semaphore, #tpu.memory_space<semaphore_mem>>) src(%dma_wait3A_1187 : memref<512xi32, #tpu.memory_space<hbm>>) dst(%arg8 : memref<512xi32, #tpu.memory_space<vmem>>)
      tpu.yield
    }) : () -> ()
    "tpu.region"() ({
      %run_scoped3A = tpu.sem_alloc : memref<!tpu.dma_semaphore, #tpu.memory_space<semaphore_mem>>
      %dma_start3A_1184 = tpu.memref_slice %arg3[%mul3A_2] : memref<16384xi32, #tpu.memory_space<hbm>> -> memref<512xi32, #tpu.memory_space<hbm>>
      %dma_start3A_1185 = tpu.memref_slice %arg3[%mul3A_2] : memref<16384xi32, #tpu.memory_space<hbm>> -> memref<512xi32, #tpu.memory_space<hbm>>
      tpu.enqueue_dma source(%dma_start3A_1185 : memref<512xi32, #tpu.memory_space<hbm>>) target(%arg7 : memref<512xi32, #tpu.memory_space<vmem>>) target_semaphore(%run_scoped3A : memref<!tpu.dma_semaphore, #tpu.memory_space<semaphore_mem>>)
      %dma_wait3A_1186 = tpu.memref_slice %arg3[%mul3A_2] : memref<16384xi32, #tpu.memory_space<hbm>> -> memref<512xi32, #tpu.memory_space<hbm>>
      %dma_wait3A_1187 = tpu.memref_slice %arg3[%mul3A_2] : memref<16384xi32, #tpu.memory_space<hbm>> -> memref<512xi32, #tpu.memory_space<hbm>>
      tpu.wait_dma2 semaphore(%run_scoped3A : memref<!tpu.dma_semaphore, #tpu.memory_space<semaphore_mem>>) src(%dma_wait3A_1187 : memref<512xi32, #tpu.memory_space<hbm>>) dst(%arg7 : memref<512xi32, #tpu.memory_space<vmem>>)
      tpu.yield
    }) : () -> ()
    %get3A = arith.constant 0 : index
    %get3A_9 = tpu.vector_load %arg7[%get3A] {strides = array<i32>} : memref<512xi32, #tpu.memory_space<vmem>>, vector<16xi32>,
    %get3A_10 = vector.shape_cast %get3A_9 : vector<16xi32> to vector<16xi32>
    %eq3A_11 = arith.constant 1 : i32
    %eq3A_12 = vector.broadcast %eq3A_11 : i32 to vector<16xi32>
    %eq3A_13 = arith.cmpi eq, %get3A_10, %eq3A_12 : vector<16xi32>
    %get3A_14 = arith.constant 0 : index
    %get3A_15 = tpu.vector_load %arg8[%get3A_14] {strides = array<i32>} : memref<512xi32, #tpu.memory_space<vmem>>, vector<16xi32>,
    %get3A_16 = vector.shape_cast %get3A_15 : vector<16xi32> to vector<16xi32>
    %jit3A = arith.constant 1000 : i32
    %broadcast_in_dim3A = vector.broadcast %jit3A : i32 to vector<16xi32>
    %select_n3A = arith.select %eq3A_13, %broadcast_in_dim3A, %get3A_16 : vector<16xi1>, vector<16xi32>
    %swap3A = arith.constant 0 : index
    %swap3A_17 = tpu.vector_load %arg8[%swap3A] {strides = array<i32>} : memref<512xi32, #tpu.memory_space<vmem>>, vector<16xi32>,
    %swap3A_18 = vector.shape_cast %swap3A_17 : vector<16xi32> to vector<16xi32>
    %swap3A_19 = vector.shape_cast %select_n3A : vector<16xi32> to vector<16xi32>
    tpu.vector_store %arg8[%swap3A], %swap3A_19 {strides = array<i32>} : memref<512xi32, #tpu.memory_space<vmem>>, vector<16xi32>,
    %get3A_20 = arith.constant 16 : index
    %get3A_21 = tpu.vector_load %arg7[%get3A_20] {strides = array<i32>} : memref<512xi32, #tpu.memory_space<vmem>>, vector<16xi32>,
    %get3A_22 = vector.shape_cast %get3A_21 : vector<16xi32> to vector<16xi32>
    %eq3A_23 = arith.constant 1 : i32
    %eq3A_24 = vector.broadcast %eq3A_23 : i32 to vector<16xi32>
    %eq3A_25 = arith.cmpi eq, %get3A_22, %eq3A_24 : vector<16xi32>
    %get3A_26 = arith.constant 16 : index
    %get3A_27 = tpu.vector_load %arg8[%get3A_26] {strides = array<i32>} : memref<512xi32, #tpu.memory_space<vmem>>, vector<16xi32>,
    %get3A_28 = vector.shape_cast %get3A_27 : vector<16xi32> to vector<16xi32>
    %jit3A_29 = arith.constant 1000 : i32
    %broadcast_in_dim3A_30 = vector.broadcast %jit3A_29 : i32 to vector<16xi32>
    %select_n3A_31 = arith.select %eq3A_25, %broadcast_in_dim3A_30, %get3A_28 : vector<16xi1>, vector<16xi32>
    %swap3A_32 = arith.constant 16 : index
    %swap3A_33 = tpu.vector_load %arg8[%swap3A_32] {strides = array<i32>} : memref<512xi32, #tpu.memory_space<vmem>>, vector<16xi32>,
    %swap3A_34 = vector.shape_cast %swap3A_33 : vector<16xi32> to vector<16xi32>
    %swap3A_35 = vector.shape_cast %select_n3A_31 : vector<16xi32> to vector<16xi32>
    tpu.vector_store %arg8[%swap3A_32], %swap3A_35 {strides = array<i32>} : memref<512xi32, #tpu.memory_space<vmem>>, vector<16xi32>,
    %get3A_36 = arith.constant 32 : index
    %get3A_37 = tpu.vector_load %arg7[%get3A_36] {strides = array<i32>} : memref<512xi32, #tpu.memory_space<vmem>>, vector<16xi32>,
    %get3A_38 = vector.shape_cast %get3A_37 : vector<16xi32> to vector<16xi32>
    %eq3A_39 = arith.constant 1 : i32
    %eq3A_40 = vector.broadcast %eq3A_39 : i32 to vector<16xi32>
    %eq3A_41 = arith.cmpi eq, %get3A_38, %eq3A_40 : vector<16xi32>
    %get3A_42 = arith.constant 32 : index
    %get3A_43 = tpu.vector_load %arg8[%get3A_42] {strides = array<i32>} : memref<512xi32, #tpu.memory_space<vmem>>, vector<16xi32>,
    %get3A_44 = vector.shape_cast %get3A_43 : vector<16xi32> to vector<16xi32>
    %jit3A_45 = arith.constant 1000 : i32
    %broadcast_in_dim3A_46 = vector.broadcast %jit3A_45 : i32 to vector<16xi32>
    %select_n3A_47 = arith.select %eq3A_41, %broadcast_in_dim3A_46, %get3A_44 : vector<16xi1>, vector<16xi32>
    %swap3A_48 = arith.constant 32 : index
    %swap3A_49 = tpu.vector_load %arg8[%swap3A_48] {strides = array<i32>} : memref<512xi32, #tpu.memory_space<vmem>>, vector<16xi32>,
    %swap3A_50 = vector.shape_cast %swap3A_49 : vector<16xi32> to vector<16xi32>
    %swap3A_51 = vector.shape_cast %select_n3A_47 : vector<16xi32> to vector<16xi32>
    tpu.vector_store %arg8[%swap3A_48], %swap3A_51 {strides = array<i32>} : memref<512xi32, #tpu.memory_space<vmem>>, vector<16xi32>,
    %get3A_52 = arith.constant 48 : index
    %get3A_53 = tpu.vector_load %arg7[%get3A_52] {strides = array<i32>} : memref<512xi32, #tpu.memory_space<vmem>>, vector<16xi32>,
    %get3A_54 = vector.shape_cast %get3A_53 : vector<16xi32> to vector<16xi32>
    %eq3A_55 = arith.constant 1 : i32
    %eq3A_56 = vector.broadcast %eq3A_55 : i32 to vector<16xi32>
    %eq3A_57 = arith.cmpi eq, %get3A_54, %eq3A_56 : vector<16xi32>
    %get3A_58 = arith.constant 48 : index
    %get3A_59 = tpu.vector_load %arg8[%get3A_58] {strides = array<i32>} : memref<512xi32, #tpu.memory_space<vmem>>, vector<16xi32>,
    %get3A_60 = vector.shape_cast %get3A_59 : vector<16xi32> to vector<16xi32>
    %jit3A_61 = arith.constant 1000 : i32
    %broadcast_in_dim3A_62 = vector.broadcast %jit3A_61 : i32 to vector<16xi32>
    %select_n3A_63 = arith.select %eq3A_57, %broadcast_in_dim3A_62, %get3A_60 : vector<16xi1>, vector<16xi32>
    %swap3A_64 = arith.constant 48 : index
    %swap3A_65 = tpu.vector_load %arg8[%swap3A_64] {strides = array<i32>} : memref<512xi32, #tpu.memory_space<vmem>>, vector<16xi32>,
    %swap3A_66 = vector.shape_cast %swap3A_65 : vector<16xi32> to vector<16xi32>
    %swap3A_67 = vector.shape_cast %select_n3A_63 : vector<16xi32> to vector<16xi32>
    tpu.vector_store %arg8[%swap3A_64], %swap3A_67 {strides = array<i32>} : memref<512xi32, #tpu.memory_space<vmem>>, vector<16xi32>,
    %get3A_68 = arith.constant 64 : index
    %get3A_69 = tpu.vector_load %arg7[%get3A_68] {strides = array<i32>} : memref<512xi32, #tpu.memory_space<vmem>>, vector<16xi32>,
    %get3A_70 = vector.shape_cast %get3A_69 : vector<16xi32> to vector<16xi32>
    %eq3A_71 = arith.constant 1 : i32
    %eq3A_72 = vector.broadcast %eq3A_71 : i32 to vector<16xi32>
    %eq3A_73 = arith.cmpi eq, %get3A_70, %eq3A_72 : vector<16xi32>
    %get3A_74 = arith.constant 64 : index
    %get3A_75 = tpu.vector_load %arg8[%get3A_74] {strides = array<i32>} : memref<512xi32, #tpu.memory_space<vmem>>, vector<16xi32>,
    %get3A_76 = vector.shape_cast %get3A_75 : vector<16xi32> to vector<16xi32>
    %jit3A_77 = arith.constant 1000 : i32
    %broadcast_in_dim3A_78 = vector.broadcast %jit3A_77 : i32 to vector<16xi32>
    %select_n3A_79 = arith.select %eq3A_73, %broadcast_in_dim3A_78, %get3A_76 : vector<16xi1>, vector<16xi32>
    %swap3A_80 = arith.constant 64 : index
    %swap3A_81 = tpu.vector_load %arg8[%swap3A_80] {strides = array<i32>} : memref<512xi32, #tpu.memory_space<vmem>>, vector<16xi32>,
    %swap3A_82 = vector.shape_cast %swap3A_81 : vector<16xi32> to vector<16xi32>
    %swap3A_83 = vector.shape_cast %select_n3A_79 : vector<16xi32> to vector<16xi32>
    tpu.vector_store %arg8[%swap3A_80], %swap3A_83 {strides = array<i32>} : memref<512xi32, #tpu.memory_space<vmem>>, vector<16xi32>,
    %get3A_84 = arith.constant 80 : index
    %get3A_85 = tpu.vector_load %arg7[%get3A_84] {strides = array<i32>} : memref<512xi32, #tpu.memory_space<vmem>>, vector<16xi32>,
    %get3A_86 = vector.shape_cast %get3A_85 : vector<16xi32> to vector<16xi32>
    %eq3A_87 = arith.constant 1 : i32
    %eq3A_88 = vector.broadcast %eq3A_87 : i32 to vector<16xi32>
    %eq3A_89 = arith.cmpi eq, %get3A_86, %eq3A_88 : vector<16xi32>
    %get3A_90 = arith.constant 80 : index
    %get3A_91 = tpu.vector_load %arg8[%get3A_90] {strides = array<i32>} : memref<512xi32, #tpu.memory_space<vmem>>, vector<16xi32>,
    %get3A_92 = vector.shape_cast %get3A_91 : vector<16xi32> to vector<16xi32>
    %jit3A_93 = arith.constant 1000 : i32
    %broadcast_in_dim3A_94 = vector.broadcast %jit3A_93 : i32 to vector<16xi32>
    %select_n3A_95 = arith.select %eq3A_89, %broadcast_in_dim3A_94, %get3A_92 : vector<16xi1>, vector<16xi32>
    %swap3A_96 = arith.constant 80 : index
    %swap3A_97 = tpu.vector_load %arg8[%swap3A_96] {strides = array<i32>} : memref<512xi32, #tpu.memory_space<vmem>>, vector<16xi32>,
    %swap3A_98 = vector.shape_cast %swap3A_97 : vector<16xi32> to vector<16xi32>
    %swap3A_99 = vector.shape_cast %select_n3A_95 : vector<16xi32> to vector<16xi32>
    tpu.vector_store %arg8[%swap3A_96], %swap3A_99 {strides = array<i32>} : memref<512xi32, #tpu.memory_space<vmem>>, vector<16xi32>,
    %get3A_100 = arith.constant 96 : index
    %get3A_101 = tpu.vector_load %arg7[%get3A_100] {strides = array<i32>} : memref<512xi32, #tpu.memory_space<vmem>>, vector<16xi32>,
    %get3A_102 = vector.shape_cast %get3A_101 : vector<16xi32> to vector<16xi32>
    %eq3A_103 = arith.constant 1 : i32
    %eq3A_104 = vector.broadcast %eq3A_103 : i32 to vector<16xi32>
    %eq3A_105 = arith.cmpi eq, %get3A_102, %eq3A_104 : vector<16xi32>
    %get3A_106 = arith.constant 96 : index
    %get3A_107 = tpu.vector_load %arg8[%get3A_106] {strides = array<i32>} : memref<512xi32, #tpu.memory_space<vmem>>, vector<16xi32>,
    %get3A_108 = vector.shape_cast %get3A_107 : vector<16xi32> to vector<16xi32>
    %jit3A_109 = arith.constant 1000 : i32
    %broadcast_in_dim3A_110 = vector.broadcast %jit3A_109 : i32 to vector<16xi32>
    %select_n3A_111 = arith.select %eq3A_105, %broadcast_in_dim3A_110, %get3A_108 : vector<16xi1>, vector<16xi32>
    %swap3A_112 = arith.constant 96 : index
    %swap3A_113 = tpu.vector_load %arg8[%swap3A_112] {strides = array<i32>} : memref<512xi32, #tpu.memory_space<vmem>>, vector<16xi32>,
    %swap3A_114 = vector.shape_cast %swap3A_113 : vector<16xi32> to vector<16xi32>
    %swap3A_115 = vector.shape_cast %select_n3A_111 : vector<16xi32> to vector<16xi32>
    tpu.vector_store %arg8[%swap3A_112], %swap3A_115 {strides = array<i32>} : memref<512xi32, #tpu.memory_space<vmem>>, vector<16xi32>,
    %get3A_116 = arith.constant 112 : index
    %get3A_117 = tpu.vector_load %arg7[%get3A_116] {strides = array<i32>} : memref<512xi32, #tpu.memory_space<vmem>>, vector<16xi32>,
    %get3A_118 = vector.shape_cast %get3A_117 : vector<16xi32> to vector<16xi32>
    %eq3A_119 = arith.constant 1 : i32
    %eq3A_120 = vector.broadcast %eq3A_119 : i32 to vector<16xi32>
    %eq3A_121 = arith.cmpi eq, %get3A_118, %eq3A_120 : vector<16xi32>
    %get3A_122 = arith.constant 112 : index
    %get3A_123 = tpu.vector_load %arg8[%get3A_122] {strides = array<i32>} : memref<512xi32, #tpu.memory_space<vmem>>, vector<16xi32>,
    %get3A_124 = vector.shape_cast %get3A_123 : vector<16xi32> to vector<16xi32>
    %jit3A_125 = arith.constant 1000 : i32
    %broadcast_in_dim3A_126 = vector.broadcast %jit3A_125 : i32 to vector<16xi32>
    %select_n3A_127 = arith.select %eq3A_121, %broadcast_in_dim3A_126, %get3A_124 : vector<16xi1>, vector<16xi32>
    %swap3A_128 = arith.constant 112 : index
    %swap3A_129 = tpu.vector_load %arg8[%swap3A_128] {strides = array<i32>} : memref<512xi32, #tpu.memory_space<vmem>>, vector<16xi32>,
    %swap3A_130 = vector.shape_cast %swap3A_129 : vector<16xi32> to vector<16xi32>
    %swap3A_131 = vector.shape_cast %select_n3A_127 : vector<16xi32> to vector<16xi32>
    tpu.vector_store %arg8[%swap3A_128], %swap3A_131 {strides = array<i32>} : memref<512xi32, #tpu.memory_space<vmem>>, vector<16xi32>,
    %get3A_132 = arith.constant 128 : index
    %get3A_133 = tpu.vector_load %arg7[%get3A_132] {strides = array<i32>} : memref<512xi32, #tpu.memory_space<vmem>>, vector<16xi32>,
    %get3A_134 = vector.shape_cast %get3A_133 : vector<16xi32> to vector<16xi32>
    %eq3A_135 = arith.constant 1 : i32
    %eq3A_136 = vector.broadcast %eq3A_135 : i32 to vector<16xi32>
    %eq3A_137 = arith.cmpi eq, %get3A_134, %eq3A_136 : vector<16xi32>
    %get3A_138 = arith.constant 128 : index
    %get3A_139 = tpu.vector_load %arg8[%get3A_138] {strides = array<i32>} : memref<512xi32, #tpu.memory_space<vmem>>, vector<16xi32>,
    %get3A_140 = vector.shape_cast %get3A_139 : vector<16xi32> to vector<16xi32>
    %jit3A_141 = arith.constant 1000 : i32
    %broadcast_in_dim3A_142 = vector.broadcast %jit3A_141 : i32 to vector<16xi32>
    %select_n3A_143 = arith.select %eq3A_137, %broadcast_in_dim3A_142, %get3A_140 : vector<16xi1>, vector<16xi32>
    %swap3A_144 = arith.constant 128 : index
    %swap3A_145 = tpu.vector_load %arg8[%swap3A_144] {strides = array<i32>} : memref<512xi32, #tpu.memory_space<vmem>>, vector<16xi32>,
    %swap3A_146 = vector.shape_cast %swap3A_145 : vector<16xi32> to vector<16xi32>
    %swap3A_147 = vector.shape_cast %select_n3A_143 : vector<16xi32> to vector<16xi32>
    tpu.vector_store %arg8[%swap3A_144], %swap3A_147 {strides = array<i32>} : memref<512xi32, #tpu.memory_space<vmem>>, vector<16xi32>,
    %get3A_148 = arith.constant 144 : index
    %get3A_149 = tpu.vector_load %arg7[%get3A_148] {strides = array<i32>} : memref<512xi32, #tpu.memory_space<vmem>>, vector<16xi32>,
    %get3A_150 = vector.shape_cast %get3A_149 : vector<16xi32> to vector<16xi32>
    %eq3A_151 = arith.constant 1 : i32
    %eq3A_152 = vector.broadcast %eq3A_151 : i32 to vector<16xi32>
    %eq3A_153 = arith.cmpi eq, %get3A_150, %eq3A_152 : vector<16xi32>
    %get3A_154 = arith.constant 144 : index
    %get3A_155 = tpu.vector_load %arg8[%get3A_154] {strides = array<i32>} : memref<512xi32, #tpu.memory_space<vmem>>, vector<16xi32>,
    %get3A_156 = vector.shape_cast %get3A_155 : vector<16xi32> to vector<16xi32>
    %jit3A_157 = arith.constant 1000 : i32
    %broadcast_in_dim3A_158 = vector.broadcast %jit3A_157 : i32 to vector<16xi32>
    %select_n3A_159 = arith.select %eq3A_153, %broadcast_in_dim3A_158, %get3A_156 : vector<16xi1>, vector<16xi32>
    %swap3A_160 = arith.constant 144 : index
    %swap3A_161 = tpu.vector_load %arg8[%swap3A_160] {strides = array<i32>} : memref<512xi32, #tpu.memory_space<vmem>>, vector<16xi32>,
    %swap3A_162 = vector.shape_cast %swap3A_161 : vector<16xi32> to vector<16xi32>
    %swap3A_163 = vector.shape_cast %select_n3A_159 : vector<16xi32> to vector<16xi32>
    tpu.vector_store %arg8[%swap3A_160], %swap3A_163 {strides = array<i32>} : memref<512xi32, #tpu.memory_space<vmem>>, vector<16xi32>,
    %get3A_164 = arith.constant 160 : index
    %get3A_165 = tpu.vector_load %arg7[%get3A_164] {strides = array<i32>} : memref<512xi32, #tpu.memory_space<vmem>>, vector<16xi32>,
    %get3A_166 = vector.shape_cast %get3A_165 : vector<16xi32> to vector<16xi32>
    %eq3A_167 = arith.constant 1 : i32
    %eq3A_168 = vector.broadcast %eq3A_167 : i32 to vector<16xi32>
    %eq3A_169 = arith.cmpi eq, %get3A_166, %eq3A_168 : vector<16xi32>
    %get3A_170 = arith.constant 160 : index
    %get3A_171 = tpu.vector_load %arg8[%get3A_170] {strides = array<i32>} : memref<512xi32, #tpu.memory_space<vmem>>, vector<16xi32>,
    %get3A_172 = vector.shape_cast %get3A_171 : vector<16xi32> to vector<16xi32>
    %jit3A_173 = arith.constant 1000 : i32
    %broadcast_in_dim3A_174 = vector.broadcast %jit3A_173 : i32 to vector<16xi32>
    %select_n3A_175 = arith.select %eq3A_169, %broadcast_in_dim3A_174, %get3A_172 : vector<16xi1>, vector<16xi32>
    %swap3A_176 = arith.constant 160 : index
    %swap3A_177 = tpu.vector_load %arg8[%swap3A_176] {strides = array<i32>} : memref<512xi32, #tpu.memory_space<vmem>>, vector<16xi32>,
    %swap3A_178 = vector.shape_cast %swap3A_177 : vector<16xi32> to vector<16xi32>
    %swap3A_179 = vector.shape_cast %select_n3A_175 : vector<16xi32> to vector<16xi32>
    tpu.vector_store %arg8[%swap3A_176], %swap3A_179 {strides = array<i32>} : memref<512xi32, #tpu.memory_space<vmem>>, vector<16xi32>,
    %get3A_180 = arith.constant 176 : index
    %get3A_181 = tpu.vector_load %arg7[%get3A_180] {strides = array<i32>} : memref<512xi32, #tpu.memory_space<vmem>>, vector<16xi32>,
    %get3A_182 = vector.shape_cast %get3A_181 : vector<16xi32> to vector<16xi32>
    %eq3A_183 = arith.constant 1 : i32
    %eq3A_184 = vector.broadcast %eq3A_183 : i32 to vector<16xi32>
    %eq3A_185 = arith.cmpi eq, %get3A_182, %eq3A_184 : vector<16xi32>
    %get3A_186 = arith.constant 176 : index
    %get3A_187 = tpu.vector_load %arg8[%get3A_186] {strides = array<i32>} : memref<512xi32, #tpu.memory_space<vmem>>, vector<16xi32>,
    %get3A_188 = vector.shape_cast %get3A_187 : vector<16xi32> to vector<16xi32>
    %jit3A_189 = arith.constant 1000 : i32
    %broadcast_in_dim3A_190 = vector.broadcast %jit3A_189 : i32 to vector<16xi32>
    %select_n3A_191 = arith.select %eq3A_185, %broadcast_in_dim3A_190, %get3A_188 : vector<16xi1>, vector<16xi32>
    %swap3A_192 = arith.constant 176 : index
    %swap3A_193 = tpu.vector_load %arg8[%swap3A_192] {strides = array<i32>} : memref<512xi32, #tpu.memory_space<vmem>>, vector<16xi32>,
    %swap3A_194 = vector.shape_cast %swap3A_193 : vector<16xi32> to vector<16xi32>
    %swap3A_195 = vector.shape_cast %select_n3A_191 : vector<16xi32> to vector<16xi32>
    tpu.vector_store %arg8[%swap3A_192], %swap3A_195 {strides = array<i32>} : memref<512xi32, #tpu.memory_space<vmem>>, vector<16xi32>,
    %get3A_196 = arith.constant 192 : index
    %get3A_197 = tpu.vector_load %arg7[%get3A_196] {strides = array<i32>} : memref<512xi32, #tpu.memory_space<vmem>>, vector<16xi32>,
    %get3A_198 = vector.shape_cast %get3A_197 : vector<16xi32> to vector<16xi32>
    %eq3A_199 = arith.constant 1 : i32
    %eq3A_200 = vector.broadcast %eq3A_199 : i32 to vector<16xi32>
    %eq3A_201 = arith.cmpi eq, %get3A_198, %eq3A_200 : vector<16xi32>
    %get3A_202 = arith.constant 192 : index
    %get3A_203 = tpu.vector_load %arg8[%get3A_202] {strides = array<i32>} : memref<512xi32, #tpu.memory_space<vmem>>, vector<16xi32>,
    %get3A_204 = vector.shape_cast %get3A_203 : vector<16xi32> to vector<16xi32>
    %jit3A_205 = arith.constant 1000 : i32
    %broadcast_in_dim3A_206 = vector.broadcast %jit3A_205 : i32 to vector<16xi32>
    %select_n3A_207 = arith.select %eq3A_201, %broadcast_in_dim3A_206, %get3A_204 : vector<16xi1>, vector<16xi32>
    %swap3A_208 = arith.constant 192 : index
    %swap3A_209 = tpu.vector_load %arg8[%swap3A_208] {strides = array<i32>} : memref<512xi32, #tpu.memory_space<vmem>>, vector<16xi32>,
    %swap3A_210 = vector.shape_cast %swap3A_209 : vector<16xi32> to vector<16xi32>
    %swap3A_211 = vector.shape_cast %select_n3A_207 : vector<16xi32> to vector<16xi32>
    tpu.vector_store %arg8[%swap3A_208], %swap3A_211 {strides = array<i32>} : memref<512xi32, #tpu.memory_space<vmem>>, vector<16xi32>,
    %get3A_212 = arith.constant 208 : index
    %get3A_213 = tpu.vector_load %arg7[%get3A_212] {strides = array<i32>} : memref<512xi32, #tpu.memory_space<vmem>>, vector<16xi32>,
    %get3A_214 = vector.shape_cast %get3A_213 : vector<16xi32> to vector<16xi32>
    %eq3A_215 = arith.constant 1 : i32
    %eq3A_216 = vector.broadcast %eq3A_215 : i32 to vector<16xi32>
    %eq3A_217 = arith.cmpi eq, %get3A_214, %eq3A_216 : vector<16xi32>
    %get3A_218 = arith.constant 208 : index
    %get3A_219 = tpu.vector_load %arg8[%get3A_218] {strides = array<i32>} : memref<512xi32, #tpu.memory_space<vmem>>, vector<16xi32>,
    %get3A_220 = vector.shape_cast %get3A_219 : vector<16xi32> to vector<16xi32>
    %jit3A_221 = arith.constant 1000 : i32
    %broadcast_in_dim3A_222 = vector.broadcast %jit3A_221 : i32 to vector<16xi32>
    %select_n3A_223 = arith.select %eq3A_217, %broadcast_in_dim3A_222, %get3A_220 : vector<16xi1>, vector<16xi32>
    %swap3A_224 = arith.constant 208 : index
    %swap3A_225 = tpu.vector_load %arg8[%swap3A_224] {strides = array<i32>} : memref<512xi32, #tpu.memory_space<vmem>>, vector<16xi32>,
    %swap3A_226 = vector.shape_cast %swap3A_225 : vector<16xi32> to vector<16xi32>
    %swap3A_227 = vector.shape_cast %select_n3A_223 : vector<16xi32> to vector<16xi32>
    tpu.vector_store %arg8[%swap3A_224], %swap3A_227 {strides = array<i32>} : memref<512xi32, #tpu.memory_space<vmem>>, vector<16xi32>,
    %get3A_228 = arith.constant 224 : index
    %get3A_229 = tpu.vector_load %arg7[%get3A_228] {strides = array<i32>} : memref<512xi32, #tpu.memory_space<vmem>>, vector<16xi32>,
    %get3A_230 = vector.shape_cast %get3A_229 : vector<16xi32> to vector<16xi32>
    %eq3A_231 = arith.constant 1 : i32
    %eq3A_232 = vector.broadcast %eq3A_231 : i32 to vector<16xi32>
    %eq3A_233 = arith.cmpi eq, %get3A_230, %eq3A_232 : vector<16xi32>
    %get3A_234 = arith.constant 224 : index
    %get3A_235 = tpu.vector_load %arg8[%get3A_234] {strides = array<i32>} : memref<512xi32, #tpu.memory_space<vmem>>, vector<16xi32>,
    %get3A_236 = vector.shape_cast %get3A_235 : vector<16xi32> to vector<16xi32>
    %jit3A_237 = arith.constant 1000 : i32
    %broadcast_in_dim3A_238 = vector.broadcast %jit3A_237 : i32 to vector<16xi32>
    %select_n3A_239 = arith.select %eq3A_233, %broadcast_in_dim3A_238, %get3A_236 : vector<16xi1>, vector<16xi32>
    %swap3A_240 = arith.constant 224 : index
    %swap3A_241 = tpu.vector_load %arg8[%swap3A_240] {strides = array<i32>} : memref<512xi32, #tpu.memory_space<vmem>>, vector<16xi32>,
    %swap3A_242 = vector.shape_cast %swap3A_241 : vector<16xi32> to vector<16xi32>
    %swap3A_243 = vector.shape_cast %select_n3A_239 : vector<16xi32> to vector<16xi32>
    tpu.vector_store %arg8[%swap3A_240], %swap3A_243 {strides = array<i32>} : memref<512xi32, #tpu.memory_space<vmem>>, vector<16xi32>,
    %get3A_244 = arith.constant 240 : index
    %get3A_245 = tpu.vector_load %arg7[%get3A_244] {strides = array<i32>} : memref<512xi32, #tpu.memory_space<vmem>>, vector<16xi32>,
    %get3A_246 = vector.shape_cast %get3A_245 : vector<16xi32> to vector<16xi32>
    %eq3A_247 = arith.constant 1 : i32
    %eq3A_248 = vector.broadcast %eq3A_247 : i32 to vector<16xi32>
    %eq3A_249 = arith.cmpi eq, %get3A_246, %eq3A_248 : vector<16xi32>
    %get3A_250 = arith.constant 240 : index
    %get3A_251 = tpu.vector_load %arg8[%get3A_250] {strides = array<i32>} : memref<512xi32, #tpu.memory_space<vmem>>, vector<16xi32>,
    %get3A_252 = vector.shape_cast %get3A_251 : vector<16xi32> to vector<16xi32>
    %jit3A_253 = arith.constant 1000 : i32
    %broadcast_in_dim3A_254 = vector.broadcast %jit3A_253 : i32 to vector<16xi32>
    %select_n3A_255 = arith.select %eq3A_249, %broadcast_in_dim3A_254, %get3A_252 : vector<16xi1>, vector<16xi32>
    %swap3A_256 = arith.constant 240 : index
    %swap3A_257 = tpu.vector_load %arg8[%swap3A_256] {strides = array<i32>} : memref<512xi32, #tpu.memory_space<vmem>>, vector<16xi32>,
    %swap3A_258 = vector.shape_cast %swap3A_257 : vector<16xi32> to vector<16xi32>
    %swap3A_259 = vector.shape_cast %select_n3A_255 : vector<16xi32> to vector<16xi32>
    tpu.vector_store %arg8[%swap3A_256], %swap3A_259 {strides = array<i32>} : memref<512xi32, #tpu.memory_space<vmem>>, vector<16xi32>,
    %get3A_260 = arith.constant 256 : index
    %get3A_261 = tpu.vector_load %arg7[%get3A_260] {strides = array<i32>} : memref<512xi32, #tpu.memory_space<vmem>>, vector<16xi32>,
    %get3A_262 = vector.shape_cast %get3A_261 : vector<16xi32> to vector<16xi32>
    %eq3A_263 = arith.constant 1 : i32
    %eq3A_264 = vector.broadcast %eq3A_263 : i32 to vector<16xi32>
    %eq3A_265 = arith.cmpi eq, %get3A_262, %eq3A_264 : vector<16xi32>
    %get3A_266 = arith.constant 256 : index
    %get3A_267 = tpu.vector_load %arg8[%get3A_266] {strides = array<i32>} : memref<512xi32, #tpu.memory_space<vmem>>, vector<16xi32>,
    %get3A_268 = vector.shape_cast %get3A_267 : vector<16xi32> to vector<16xi32>
    %jit3A_269 = arith.constant 1000 : i32
    %broadcast_in_dim3A_270 = vector.broadcast %jit3A_269 : i32 to vector<16xi32>
    %select_n3A_271 = arith.select %eq3A_265, %broadcast_in_dim3A_270, %get3A_268 : vector<16xi1>, vector<16xi32>
    %swap3A_272 = arith.constant 256 : index
    %swap3A_273 = tpu.vector_load %arg8[%swap3A_272] {strides = array<i32>} : memref<512xi32, #tpu.memory_space<vmem>>, vector<16xi32>,
    %swap3A_274 = vector.shape_cast %swap3A_273 : vector<16xi32> to vector<16xi32>
    %swap3A_275 = vector.shape_cast %select_n3A_271 : vector<16xi32> to vector<16xi32>
    tpu.vector_store %arg8[%swap3A_272], %swap3A_275 {strides = array<i32>} : memref<512xi32, #tpu.memory_space<vmem>>, vector<16xi32>,
    %get3A_276 = arith.constant 272 : index
    %get3A_277 = tpu.vector_load %arg7[%get3A_276] {strides = array<i32>} : memref<512xi32, #tpu.memory_space<vmem>>, vector<16xi32>,
    %get3A_278 = vector.shape_cast %get3A_277 : vector<16xi32> to vector<16xi32>
    %eq3A_279 = arith.constant 1 : i32
    %eq3A_280 = vector.broadcast %eq3A_279 : i32 to vector<16xi32>
    %eq3A_281 = arith.cmpi eq, %get3A_278, %eq3A_280 : vector<16xi32>
    %get3A_282 = arith.constant 272 : index
    %get3A_283 = tpu.vector_load %arg8[%get3A_282] {strides = array<i32>} : memref<512xi32, #tpu.memory_space<vmem>>, vector<16xi32>,
    %get3A_284 = vector.shape_cast %get3A_283 : vector<16xi32> to vector<16xi32>
    %jit3A_285 = arith.constant 1000 : i32
    %broadcast_in_dim3A_286 = vector.broadcast %jit3A_285 : i32 to vector<16xi32>
    %select_n3A_287 = arith.select %eq3A_281, %broadcast_in_dim3A_286, %get3A_284 : vector<16xi1>, vector<16xi32>
    %swap3A_288 = arith.constant 272 : index
    %swap3A_289 = tpu.vector_load %arg8[%swap3A_288] {strides = array<i32>} : memref<512xi32, #tpu.memory_space<vmem>>, vector<16xi32>,
    %swap3A_290 = vector.shape_cast %swap3A_289 : vector<16xi32> to vector<16xi32>
    %swap3A_291 = vector.shape_cast %select_n3A_287 : vector<16xi32> to vector<16xi32>
    tpu.vector_store %arg8[%swap3A_288], %swap3A_291 {strides = array<i32>} : memref<512xi32, #tpu.memory_space<vmem>>, vector<16xi32>,
    %get3A_292 = arith.constant 288 : index
    %get3A_293 = tpu.vector_load %arg7[%get3A_292] {strides = array<i32>} : memref<512xi32, #tpu.memory_space<vmem>>, vector<16xi32>,
    %get3A_294 = vector.shape_cast %get3A_293 : vector<16xi32> to vector<16xi32>
    %eq3A_295 = arith.constant 1 : i32
    %eq3A_296 = vector.broadcast %eq3A_295 : i32 to vector<16xi32>
    %eq3A_297 = arith.cmpi eq, %get3A_294, %eq3A_296 : vector<16xi32>
    %get3A_298 = arith.constant 288 : index
    %get3A_299 = tpu.vector_load %arg8[%get3A_298] {strides = array<i32>} : memref<512xi32, #tpu.memory_space<vmem>>, vector<16xi32>,
    %get3A_300 = vector.shape_cast %get3A_299 : vector<16xi32> to vector<16xi32>
    %jit3A_301 = arith.constant 1000 : i32
    %broadcast_in_dim3A_302 = vector.broadcast %jit3A_301 : i32 to vector<16xi32>
    %select_n3A_303 = arith.select %eq3A_297, %broadcast_in_dim3A_302, %get3A_300 : vector<16xi1>, vector<16xi32>
    %swap3A_304 = arith.constant 288 : index
    %swap3A_305 = tpu.vector_load %arg8[%swap3A_304] {strides = array<i32>} : memref<512xi32, #tpu.memory_space<vmem>>, vector<16xi32>,
    %swap3A_306 = vector.shape_cast %swap3A_305 : vector<16xi32> to vector<16xi32>
    %swap3A_307 = vector.shape_cast %select_n3A_303 : vector<16xi32> to vector<16xi32>
    tpu.vector_store %arg8[%swap3A_304], %swap3A_307 {strides = array<i32>} : memref<512xi32, #tpu.memory_space<vmem>>, vector<16xi32>,
    %get3A_308 = arith.constant 304 : index
    %get3A_309 = tpu.vector_load %arg7[%get3A_308] {strides = array<i32>} : memref<512xi32, #tpu.memory_space<vmem>>, vector<16xi32>,
    %get3A_310 = vector.shape_cast %get3A_309 : vector<16xi32> to vector<16xi32>
    %eq3A_311 = arith.constant 1 : i32
    %eq3A_312 = vector.broadcast %eq3A_311 : i32 to vector<16xi32>
    %eq3A_313 = arith.cmpi eq, %get3A_310, %eq3A_312 : vector<16xi32>
    %get3A_314 = arith.constant 304 : index
    %get3A_315 = tpu.vector_load %arg8[%get3A_314] {strides = array<i32>} : memref<512xi32, #tpu.memory_space<vmem>>, vector<16xi32>,
    %get3A_316 = vector.shape_cast %get3A_315 : vector<16xi32> to vector<16xi32>
    %jit3A_317 = arith.constant 1000 : i32
    %broadcast_in_dim3A_318 = vector.broadcast %jit3A_317 : i32 to vector<16xi32>
    %select_n3A_319 = arith.select %eq3A_313, %broadcast_in_dim3A_318, %get3A_316 : vector<16xi1>, vector<16xi32>
    %swap3A_320 = arith.constant 304 : index
    %swap3A_321 = tpu.vector_load %arg8[%swap3A_320] {strides = array<i32>} : memref<512xi32, #tpu.memory_space<vmem>>, vector<16xi32>,
    %swap3A_322 = vector.shape_cast %swap3A_321 : vector<16xi32> to vector<16xi32>
    %swap3A_323 = vector.shape_cast %select_n3A_319 : vector<16xi32> to vector<16xi32>
    tpu.vector_store %arg8[%swap3A_320], %swap3A_323 {strides = array<i32>} : memref<512xi32, #tpu.memory_space<vmem>>, vector<16xi32>,
    %get3A_324 = arith.constant 320 : index
    %get3A_325 = tpu.vector_load %arg7[%get3A_324] {strides = array<i32>} : memref<512xi32, #tpu.memory_space<vmem>>, vector<16xi32>,
    %get3A_326 = vector.shape_cast %get3A_325 : vector<16xi32> to vector<16xi32>
    %eq3A_327 = arith.constant 1 : i32
    %eq3A_328 = vector.broadcast %eq3A_327 : i32 to vector<16xi32>
    %eq3A_329 = arith.cmpi eq, %get3A_326, %eq3A_328 : vector<16xi32>
    %get3A_330 = arith.constant 320 : index
    %get3A_331 = tpu.vector_load %arg8[%get3A_330] {strides = array<i32>} : memref<512xi32, #tpu.memory_space<vmem>>, vector<16xi32>,
    %get3A_332 = vector.shape_cast %get3A_331 : vector<16xi32> to vector<16xi32>
    %jit3A_333 = arith.constant 1000 : i32
    %broadcast_in_dim3A_334 = vector.broadcast %jit3A_333 : i32 to vector<16xi32>
    %select_n3A_335 = arith.select %eq3A_329, %broadcast_in_dim3A_334, %get3A_332 : vector<16xi1>, vector<16xi32>
    %swap3A_336 = arith.constant 320 : index
    %swap3A_337 = tpu.vector_load %arg8[%swap3A_336] {strides = array<i32>} : memref<512xi32, #tpu.memory_space<vmem>>, vector<16xi32>,
    %swap3A_338 = vector.shape_cast %swap3A_337 : vector<16xi32> to vector<16xi32>
    %swap3A_339 = vector.shape_cast %select_n3A_335 : vector<16xi32> to vector<16xi32>
    tpu.vector_store %arg8[%swap3A_336], %swap3A_339 {strides = array<i32>} : memref<512xi32, #tpu.memory_space<vmem>>, vector<16xi32>,
    %get3A_340 = arith.constant 336 : index
    %get3A_341 = tpu.vector_load %arg7[%get3A_340] {strides = array<i32>} : memref<512xi32, #tpu.memory_space<vmem>>, vector<16xi32>,
    %get3A_342 = vector.shape_cast %get3A_341 : vector<16xi32> to vector<16xi32>
    %eq3A_343 = arith.constant 1 : i32
    %eq3A_344 = vector.broadcast %eq3A_343 : i32 to vector<16xi32>
    %eq3A_345 = arith.cmpi eq, %get3A_342, %eq3A_344 : vector<16xi32>
    %get3A_346 = arith.constant 336 : index
    %get3A_347 = tpu.vector_load %arg8[%get3A_346] {strides = array<i32>} : memref<512xi32, #tpu.memory_space<vmem>>, vector<16xi32>,
    %get3A_348 = vector.shape_cast %get3A_347 : vector<16xi32> to vector<16xi32>
    %jit3A_349 = arith.constant 1000 : i32
    %broadcast_in_dim3A_350 = vector.broadcast %jit3A_349 : i32 to vector<16xi32>
    %select_n3A_351 = arith.select %eq3A_345, %broadcast_in_dim3A_350, %get3A_348 : vector<16xi1>, vector<16xi32>
    %swap3A_352 = arith.constant 336 : index
    %swap3A_353 = tpu.vector_load %arg8[%swap3A_352] {strides = array<i32>} : memref<512xi32, #tpu.memory_space<vmem>>, vector<16xi32>,
    %swap3A_354 = vector.shape_cast %swap3A_353 : vector<16xi32> to vector<16xi32>
    %swap3A_355 = vector.shape_cast %select_n3A_351 : vector<16xi32> to vector<16xi32>
    tpu.vector_store %arg8[%swap3A_352], %swap3A_355 {strides = array<i32>} : memref<512xi32, #tpu.memory_space<vmem>>, vector<16xi32>,
    %get3A_356 = arith.constant 352 : index
    %get3A_357 = tpu.vector_load %arg7[%get3A_356] {strides = array<i32>} : memref<512xi32, #tpu.memory_space<vmem>>, vector<16xi32>,
    %get3A_358 = vector.shape_cast %get3A_357 : vector<16xi32> to vector<16xi32>
    %eq3A_359 = arith.constant 1 : i32
    %eq3A_360 = vector.broadcast %eq3A_359 : i32 to vector<16xi32>
    %eq3A_361 = arith.cmpi eq, %get3A_358, %eq3A_360 : vector<16xi32>
    %get3A_362 = arith.constant 352 : index
    %get3A_363 = tpu.vector_load %arg8[%get3A_362] {strides = array<i32>} : memref<512xi32, #tpu.memory_space<vmem>>, vector<16xi32>,
    %get3A_364 = vector.shape_cast %get3A_363 : vector<16xi32> to vector<16xi32>
    %jit3A_365 = arith.constant 1000 : i32
    %broadcast_in_dim3A_366 = vector.broadcast %jit3A_365 : i32 to vector<16xi32>
    %select_n3A_367 = arith.select %eq3A_361, %broadcast_in_dim3A_366, %get3A_364 : vector<16xi1>, vector<16xi32>
    %swap3A_368 = arith.constant 352 : index
    %swap3A_369 = tpu.vector_load %arg8[%swap3A_368] {strides = array<i32>} : memref<512xi32, #tpu.memory_space<vmem>>, vector<16xi32>,
    %swap3A_370 = vector.shape_cast %swap3A_369 : vector<16xi32> to vector<16xi32>
    %swap3A_371 = vector.shape_cast %select_n3A_367 : vector<16xi32> to vector<16xi32>
    tpu.vector_store %arg8[%swap3A_368], %swap3A_371 {strides = array<i32>} : memref<512xi32, #tpu.memory_space<vmem>>, vector<16xi32>,
    %get3A_372 = arith.constant 368 : index
    %get3A_373 = tpu.vector_load %arg7[%get3A_372] {strides = array<i32>} : memref<512xi32, #tpu.memory_space<vmem>>, vector<16xi32>,
    %get3A_374 = vector.shape_cast %get3A_373 : vector<16xi32> to vector<16xi32>
    %eq3A_375 = arith.constant 1 : i32
    %eq3A_376 = vector.broadcast %eq3A_375 : i32 to vector<16xi32>
    %eq3A_377 = arith.cmpi eq, %get3A_374, %eq3A_376 : vector<16xi32>
    %get3A_378 = arith.constant 368 : index
    %get3A_379 = tpu.vector_load %arg8[%get3A_378] {strides = array<i32>} : memref<512xi32, #tpu.memory_space<vmem>>, vector<16xi32>,
    %get3A_380 = vector.shape_cast %get3A_379 : vector<16xi32> to vector<16xi32>
    %jit3A_381 = arith.constant 1000 : i32
    %broadcast_in_dim3A_382 = vector.broadcast %jit3A_381 : i32 to vector<16xi32>
    %select_n3A_383 = arith.select %eq3A_377, %broadcast_in_dim3A_382, %get3A_380 : vector<16xi1>, vector<16xi32>
    %swap3A_384 = arith.constant 368 : index
    %swap3A_385 = tpu.vector_load %arg8[%swap3A_384] {strides = array<i32>} : memref<512xi32, #tpu.memory_space<vmem>>, vector<16xi32>,
    %swap3A_386 = vector.shape_cast %swap3A_385 : vector<16xi32> to vector<16xi32>
    %swap3A_387 = vector.shape_cast %select_n3A_383 : vector<16xi32> to vector<16xi32>
    tpu.vector_store %arg8[%swap3A_384], %swap3A_387 {strides = array<i32>} : memref<512xi32, #tpu.memory_space<vmem>>, vector<16xi32>,
    %get3A_388 = arith.constant 384 : index
    %get3A_389 = tpu.vector_load %arg7[%get3A_388] {strides = array<i32>} : memref<512xi32, #tpu.memory_space<vmem>>, vector<16xi32>,
    %get3A_390 = vector.shape_cast %get3A_389 : vector<16xi32> to vector<16xi32>
    %eq3A_391 = arith.constant 1 : i32
    %eq3A_392 = vector.broadcast %eq3A_391 : i32 to vector<16xi32>
    %eq3A_393 = arith.cmpi eq, %get3A_390, %eq3A_392 : vector<16xi32>
    %get3A_394 = arith.constant 384 : index
    %get3A_395 = tpu.vector_load %arg8[%get3A_394] {strides = array<i32>} : memref<512xi32, #tpu.memory_space<vmem>>, vector<16xi32>,
    %get3A_396 = vector.shape_cast %get3A_395 : vector<16xi32> to vector<16xi32>
    %jit3A_397 = arith.constant 1000 : i32
    %broadcast_in_dim3A_398 = vector.broadcast %jit3A_397 : i32 to vector<16xi32>
    %select_n3A_399 = arith.select %eq3A_393, %broadcast_in_dim3A_398, %get3A_396 : vector<16xi1>, vector<16xi32>
    %swap3A_400 = arith.constant 384 : index
    %swap3A_401 = tpu.vector_load %arg8[%swap3A_400] {strides = array<i32>} : memref<512xi32, #tpu.memory_space<vmem>>, vector<16xi32>,
    %swap3A_402 = vector.shape_cast %swap3A_401 : vector<16xi32> to vector<16xi32>
    %swap3A_403 = vector.shape_cast %select_n3A_399 : vector<16xi32> to vector<16xi32>
    tpu.vector_store %arg8[%swap3A_400], %swap3A_403 {strides = array<i32>} : memref<512xi32, #tpu.memory_space<vmem>>, vector<16xi32>,
    %get3A_404 = arith.constant 400 : index
    %get3A_405 = tpu.vector_load %arg7[%get3A_404] {strides = array<i32>} : memref<512xi32, #tpu.memory_space<vmem>>, vector<16xi32>,
    %get3A_406 = vector.shape_cast %get3A_405 : vector<16xi32> to vector<16xi32>
    %eq3A_407 = arith.constant 1 : i32
    %eq3A_408 = vector.broadcast %eq3A_407 : i32 to vector<16xi32>
    %eq3A_409 = arith.cmpi eq, %get3A_406, %eq3A_408 : vector<16xi32>
    %get3A_410 = arith.constant 400 : index
    %get3A_411 = tpu.vector_load %arg8[%get3A_410] {strides = array<i32>} : memref<512xi32, #tpu.memory_space<vmem>>, vector<16xi32>,
    %get3A_412 = vector.shape_cast %get3A_411 : vector<16xi32> to vector<16xi32>
    %jit3A_413 = arith.constant 1000 : i32
    %broadcast_in_dim3A_414 = vector.broadcast %jit3A_413 : i32 to vector<16xi32>
    %select_n3A_415 = arith.select %eq3A_409, %broadcast_in_dim3A_414, %get3A_412 : vector<16xi1>, vector<16xi32>
    %swap3A_416 = arith.constant 400 : index
    %swap3A_417 = tpu.vector_load %arg8[%swap3A_416] {strides = array<i32>} : memref<512xi32, #tpu.memory_space<vmem>>, vector<16xi32>,
    %swap3A_418 = vector.shape_cast %swap3A_417 : vector<16xi32> to vector<16xi32>
    %swap3A_419 = vector.shape_cast %select_n3A_415 : vector<16xi32> to vector<16xi32>
    tpu.vector_store %arg8[%swap3A_416], %swap3A_419 {strides = array<i32>} : memref<512xi32, #tpu.memory_space<vmem>>, vector<16xi32>,
    %get3A_420 = arith.constant 416 : index
    %get3A_421 = tpu.vector_load %arg7[%get3A_420] {strides = array<i32>} : memref<512xi32, #tpu.memory_space<vmem>>, vector<16xi32>,
    %get3A_422 = vector.shape_cast %get3A_421 : vector<16xi32> to vector<16xi32>
    %eq3A_423 = arith.constant 1 : i32
    %eq3A_424 = vector.broadcast %eq3A_423 : i32 to vector<16xi32>
    %eq3A_425 = arith.cmpi eq, %get3A_422, %eq3A_424 : vector<16xi32>
    %get3A_426 = arith.constant 416 : index
    %get3A_427 = tpu.vector_load %arg8[%get3A_426] {strides = array<i32>} : memref<512xi32, #tpu.memory_space<vmem>>, vector<16xi32>,
    %get3A_428 = vector.shape_cast %get3A_427 : vector<16xi32> to vector<16xi32>
    %jit3A_429 = arith.constant 1000 : i32
    %broadcast_in_dim3A_430 = vector.broadcast %jit3A_429 : i32 to vector<16xi32>
    %select_n3A_431 = arith.select %eq3A_425, %broadcast_in_dim3A_430, %get3A_428 : vector<16xi1>, vector<16xi32>
    %swap3A_432 = arith.constant 416 : index
    %swap3A_433 = tpu.vector_load %arg8[%swap3A_432] {strides = array<i32>} : memref<512xi32, #tpu.memory_space<vmem>>, vector<16xi32>,
    %swap3A_434 = vector.shape_cast %swap3A_433 : vector<16xi32> to vector<16xi32>
    %swap3A_435 = vector.shape_cast %select_n3A_431 : vector<16xi32> to vector<16xi32>
    tpu.vector_store %arg8[%swap3A_432], %swap3A_435 {strides = array<i32>} : memref<512xi32, #tpu.memory_space<vmem>>, vector<16xi32>,
    %get3A_436 = arith.constant 432 : index
    %get3A_437 = tpu.vector_load %arg7[%get3A_436] {strides = array<i32>} : memref<512xi32, #tpu.memory_space<vmem>>, vector<16xi32>,
    %get3A_438 = vector.shape_cast %get3A_437 : vector<16xi32> to vector<16xi32>
    %eq3A_439 = arith.constant 1 : i32
    %eq3A_440 = vector.broadcast %eq3A_439 : i32 to vector<16xi32>
    %eq3A_441 = arith.cmpi eq, %get3A_438, %eq3A_440 : vector<16xi32>
    %get3A_442 = arith.constant 432 : index
    %get3A_443 = tpu.vector_load %arg8[%get3A_442] {strides = array<i32>} : memref<512xi32, #tpu.memory_space<vmem>>, vector<16xi32>,
    %get3A_444 = vector.shape_cast %get3A_443 : vector<16xi32> to vector<16xi32>
    %jit3A_445 = arith.constant 1000 : i32
    %broadcast_in_dim3A_446 = vector.broadcast %jit3A_445 : i32 to vector<16xi32>
    %select_n3A_447 = arith.select %eq3A_441, %broadcast_in_dim3A_446, %get3A_444 : vector<16xi1>, vector<16xi32>
    %swap3A_448 = arith.constant 432 : index
    %swap3A_449 = tpu.vector_load %arg8[%swap3A_448] {strides = array<i32>} : memref<512xi32, #tpu.memory_space<vmem>>, vector<16xi32>,
    %swap3A_450 = vector.shape_cast %swap3A_449 : vector<16xi32> to vector<16xi32>
    %swap3A_451 = vector.shape_cast %select_n3A_447 : vector<16xi32> to vector<16xi32>
    tpu.vector_store %arg8[%swap3A_448], %swap3A_451 {strides = array<i32>} : memref<512xi32, #tpu.memory_space<vmem>>, vector<16xi32>,
    %get3A_452 = arith.constant 448 : index
    %get3A_453 = tpu.vector_load %arg7[%get3A_452] {strides = array<i32>} : memref<512xi32, #tpu.memory_space<vmem>>, vector<16xi32>,
    %get3A_454 = vector.shape_cast %get3A_453 : vector<16xi32> to vector<16xi32>
    %eq3A_455 = arith.constant 1 : i32
    %eq3A_456 = vector.broadcast %eq3A_455 : i32 to vector<16xi32>
    %eq3A_457 = arith.cmpi eq, %get3A_454, %eq3A_456 : vector<16xi32>
    %get3A_458 = arith.constant 448 : index
    %get3A_459 = tpu.vector_load %arg8[%get3A_458] {strides = array<i32>} : memref<512xi32, #tpu.memory_space<vmem>>, vector<16xi32>,
    %get3A_460 = vector.shape_cast %get3A_459 : vector<16xi32> to vector<16xi32>
    %jit3A_461 = arith.constant 1000 : i32
    %broadcast_in_dim3A_462 = vector.broadcast %jit3A_461 : i32 to vector<16xi32>
    %select_n3A_463 = arith.select %eq3A_457, %broadcast_in_dim3A_462, %get3A_460 : vector<16xi1>, vector<16xi32>
    %swap3A_464 = arith.constant 448 : index
    %swap3A_465 = tpu.vector_load %arg8[%swap3A_464] {strides = array<i32>} : memref<512xi32, #tpu.memory_space<vmem>>, vector<16xi32>,
    %swap3A_466 = vector.shape_cast %swap3A_465 : vector<16xi32> to vector<16xi32>
    %swap3A_467 = vector.shape_cast %select_n3A_463 : vector<16xi32> to vector<16xi32>
    tpu.vector_store %arg8[%swap3A_464], %swap3A_467 {strides = array<i32>} : memref<512xi32, #tpu.memory_space<vmem>>, vector<16xi32>,
    %get3A_468 = arith.constant 464 : index
    %get3A_469 = tpu.vector_load %arg7[%get3A_468] {strides = array<i32>} : memref<512xi32, #tpu.memory_space<vmem>>, vector<16xi32>,
    %get3A_470 = vector.shape_cast %get3A_469 : vector<16xi32> to vector<16xi32>
    %eq3A_471 = arith.constant 1 : i32
    %eq3A_472 = vector.broadcast %eq3A_471 : i32 to vector<16xi32>
    %eq3A_473 = arith.cmpi eq, %get3A_470, %eq3A_472 : vector<16xi32>
    %get3A_474 = arith.constant 464 : index
    %get3A_475 = tpu.vector_load %arg8[%get3A_474] {strides = array<i32>} : memref<512xi32, #tpu.memory_space<vmem>>, vector<16xi32>,
    %get3A_476 = vector.shape_cast %get3A_475 : vector<16xi32> to vector<16xi32>
    %jit3A_477 = arith.constant 1000 : i32
    %broadcast_in_dim3A_478 = vector.broadcast %jit3A_477 : i32 to vector<16xi32>
    %select_n3A_479 = arith.select %eq3A_473, %broadcast_in_dim3A_478, %get3A_476 : vector<16xi1>, vector<16xi32>
    %swap3A_480 = arith.constant 464 : index
    %swap3A_481 = tpu.vector_load %arg8[%swap3A_480] {strides = array<i32>} : memref<512xi32, #tpu.memory_space<vmem>>, vector<16xi32>,
    %swap3A_482 = vector.shape_cast %swap3A_481 : vector<16xi32> to vector<16xi32>
    %swap3A_483 = vector.shape_cast %select_n3A_479 : vector<16xi32> to vector<16xi32>
    tpu.vector_store %arg8[%swap3A_480], %swap3A_483 {strides = array<i32>} : memref<512xi32, #tpu.memory_space<vmem>>, vector<16xi32>,
    %get3A_484 = arith.constant 480 : index
    %get3A_485 = tpu.vector_load %arg7[%get3A_484] {strides = array<i32>} : memref<512xi32, #tpu.memory_space<vmem>>, vector<16xi32>,
    %get3A_486 = vector.shape_cast %get3A_485 : vector<16xi32> to vector<16xi32>
    %eq3A_487 = arith.constant 1 : i32
    %eq3A_488 = vector.broadcast %eq3A_487 : i32 to vector<16xi32>
    %eq3A_489 = arith.cmpi eq, %get3A_486, %eq3A_488 : vector<16xi32>
    %get3A_490 = arith.constant 480 : index
    %get3A_491 = tpu.vector_load %arg8[%get3A_490] {strides = array<i32>} : memref<512xi32, #tpu.memory_space<vmem>>, vector<16xi32>,
    %get3A_492 = vector.shape_cast %get3A_491 : vector<16xi32> to vector<16xi32>
    %jit3A_493 = arith.constant 1000 : i32
    %broadcast_in_dim3A_494 = vector.broadcast %jit3A_493 : i32 to vector<16xi32>
    %select_n3A_495 = arith.select %eq3A_489, %broadcast_in_dim3A_494, %get3A_492 : vector<16xi1>, vector<16xi32>
    %swap3A_496 = arith.constant 480 : index
    %swap3A_497 = tpu.vector_load %arg8[%swap3A_496] {strides = array<i32>} : memref<512xi32, #tpu.memory_space<vmem>>, vector<16xi32>,
    %swap3A_498 = vector.shape_cast %swap3A_497 : vector<16xi32> to vector<16xi32>
    %swap3A_499 = vector.shape_cast %select_n3A_495 : vector<16xi32> to vector<16xi32>
    tpu.vector_store %arg8[%swap3A_496], %swap3A_499 {strides = array<i32>} : memref<512xi32, #tpu.memory_space<vmem>>, vector<16xi32>,
    %get3A_500 = arith.constant 496 : index
    %get3A_501 = tpu.vector_load %arg7[%get3A_500] {strides = array<i32>} : memref<512xi32, #tpu.memory_space<vmem>>, vector<16xi32>,
    %get3A_502 = vector.shape_cast %get3A_501 : vector<16xi32> to vector<16xi32>
    %eq3A_503 = arith.constant 1 : i32
    %eq3A_504 = vector.broadcast %eq3A_503 : i32 to vector<16xi32>
    %eq3A_505 = arith.cmpi eq, %get3A_502, %eq3A_504 : vector<16xi32>
    %get3A_506 = arith.constant 496 : index
    %get3A_507 = tpu.vector_load %arg8[%get3A_506] {strides = array<i32>} : memref<512xi32, #tpu.memory_space<vmem>>, vector<16xi32>,
    %get3A_508 = vector.shape_cast %get3A_507 : vector<16xi32> to vector<16xi32>
    %jit3A_509 = arith.constant 1000 : i32
    %broadcast_in_dim3A_510 = vector.broadcast %jit3A_509 : i32 to vector<16xi32>
    %select_n3A_511 = arith.select %eq3A_505, %broadcast_in_dim3A_510, %get3A_508 : vector<16xi1>, vector<16xi32>
    %swap3A_512 = arith.constant 496 : index
    %swap3A_513 = tpu.vector_load %arg8[%swap3A_512] {strides = array<i32>} : memref<512xi32, #tpu.memory_space<vmem>>, vector<16xi32>,
    %swap3A_514 = vector.shape_cast %swap3A_513 : vector<16xi32> to vector<16xi32>
    %swap3A_515 = vector.shape_cast %select_n3A_511 : vector<16xi32> to vector<16xi32>
    tpu.vector_store %arg8[%swap3A_512], %swap3A_515 {strides = array<i32>} : memref<512xi32, #tpu.memory_space<vmem>>, vector<16xi32>,
    %lt3A_516 = arith.constant 15 : i32
    %lt3A_517 = arith.cmpi slt, %arg1, %lt3A_516 : i32
    %convert_element_type3A_518 = arith.extui %lt3A_517 : i1 to i32
    %cond3A_519 = arith.constant 0 : i32
    %cond3A_520 = arith.cmpi ne, %convert_element_type3A_518, %cond3A_519 : i32
    scf.if %cond3A_520 {
      %dma_wait3A_1184 = arith.constant 0 : i32
      %dma_wait3A_1185 = arith.constant 0 : i32
      %dma_wait3A_1186 = tpu.memref_slice %arg6[%dma_wait3A_1184, %dma_wait3A_1185] : memref<8008x128xf32, #tpu.memory_space<vmem_shared>> -> memref<512x128xf32, #tpu.memory_space<vmem_shared>>
      %dma_wait3A_1187 = arith.constant 0 : i32
      %dma_wait3A_1188 = arith.constant 0 : i32
      %dma_wait3A_1189 = tpu.memref_slice %arg4[%dma_wait3A_1187, %dma_wait3A_1188] : memref<8008x128xf32, #tpu.memory_space<hbm>> -> memref<512x128xf32, #tpu.memory_space<hbm>>
      tpu.wait_dma2 semaphore(%arg15 : memref<!tpu.dma_semaphore, #tpu.memory_space<semaphore_mem>>) src(%dma_wait3A_1189 : memref<512x128xf32, #tpu.memory_space<hbm>>) dst(%dma_wait3A_1186 : memref<512x128xf32, #tpu.memory_space<vmem_shared>>)
    } else {
    }
    %eq3A_521 = arith.constant 15 : i32
    %eq3A_522 = arith.cmpi eq, %arg1, %eq3A_521 : i32
    %convert_element_type3A_523 = arith.extui %eq3A_522 : i1 to i32
    %cond3A_524 = arith.constant 0 : i32
    %cond3A_525 = arith.cmpi ne, %convert_element_type3A_523, %cond3A_524 : i32
    scf.if %cond3A_525 {
      %dma_wait3A_1184 = arith.constant 0 : i32
      %dma_wait3A_1185 = arith.constant 0 : i32
      %dma_wait3A_1186 = tpu.memref_slice %arg6[%dma_wait3A_1184, %dma_wait3A_1185] : memref<8008x128xf32, #tpu.memory_space<vmem_shared>> -> memref<328x128xf32, #tpu.memory_space<vmem_shared>>
      %dma_wait3A_1187 = arith.constant 0 : i32
      %dma_wait3A_1188 = arith.constant 0 : i32
      %dma_wait3A_1189 = tpu.memref_slice %arg4[%dma_wait3A_1187, %dma_wait3A_1188] : memref<8008x128xf32, #tpu.memory_space<hbm>> -> memref<328x128xf32, #tpu.memory_space<hbm>>
      tpu.wait_dma2 semaphore(%arg15 : memref<!tpu.dma_semaphore, #tpu.memory_space<semaphore_mem>>) src(%dma_wait3A_1189 : memref<328x128xf32, #tpu.memory_space<hbm>>) dst(%dma_wait3A_1186 : memref<328x128xf32, #tpu.memory_space<vmem_shared>>)
    } else {
    }
    %barrier3A = arith.constant 0 : index
    tpu.barrier barrier_id(%barrier3A)
    %get3A_526 = arith.constant 0 : index
    %get3A_527 = tpu.vector_load %arg8[%get3A_526] {strides = array<i32>} : memref<512xi32, #tpu.memory_space<vmem>>, vector<16xi32>,
    %get3A_528 = vector.shape_cast %get3A_527 : vector<16xi32> to vector<16xi32>
    %slice3A = vector.extract_strided_slice %get3A_528 {offsets = [0], sizes = [1], strides = [1]} : vector<16xi32> to vector<1xi32>
    %squeeze3A = vector.extract %slice3A[0] : i32 from vector<1xi32>
    %mul3A_529 = arith.constant 8 : i32
    %mul3A_530 = arith.muli %squeeze3A, %mul3A_529 : i32
    %multiple_of3A = tpu.assume_multiple %mul3A_530, 8 : i32
    %dma_start3A = arith.constant 0 : i32
    %dma_start3A_531 = arith.constant 0 : i32
    %dma_start3A_532 = arith.constant 0 : i32
    %dma_start3A_533 = arith.constant 0 : i32
    %dma_start3A_534 = tpu.memref_slice %arg9[%dma_start3A, %dma_start3A_531, %dma_start3A_532, %dma_start3A_533] : memref<2x8x8x128xf32, #tpu.memory_space<vmem>> -> memref<1x1x8x128xf32, #tpu.memory_space<vmem>>
    %dma_start3A_535 = tpu.memref_squeeze %dma_start3A_534 : memref<1x1x8x128xf32, #tpu.memory_space<vmem>> -> memref<8x128xf32, #tpu.memory_space<vmem>>
    %dma_start3A_536 = arith.constant 0 : i32
    %dma_start3A_537 = tpu.memref_slice %arg6[%multiple_of3A, %dma_start3A_536] : memref<8008x128xf32, #tpu.memory_space<vmem_shared>> -> memref<8x128xf32, #tpu.memory_space<vmem_shared>>
    %dma_start3A_538 = arith.constant 0 : i32
    %dma_start3A_539 = arith.constant 0 : i32
    %dma_start3A_540 = tpu.memref_slice %arg9[%dma_start3A, %dma_start3A_531, %dma_start3A_538, %dma_start3A_539] : memref<2x8x8x128xf32, #tpu.memory_space<vmem>> -> memref<1x1x8x128xf32, #tpu.memory_space<vmem>>
    %dma_start3A_541 = tpu.memref_squeeze %dma_start3A_540 : memref<1x1x8x128xf32, #tpu.memory_space<vmem>> -> memref<8x128xf32, #tpu.memory_space<vmem>>
    %dma_start3A_542 = arith.constant 0 : i32
    %dma_start3A_543 = tpu.memref_slice %arg6[%multiple_of3A, %dma_start3A_542] : memref<8008x128xf32, #tpu.memory_space<vmem_shared>> -> memref<8x128xf32, #tpu.memory_space<vmem_shared>>
    tpu.enqueue_dma source(%dma_start3A_543 : memref<8x128xf32, #tpu.memory_space<vmem_shared>>) target(%dma_start3A_541 : memref<8x128xf32, #tpu.memory_space<vmem>>) target_semaphore(%arg11 : memref<!tpu.dma_semaphore, #tpu.memory_space<semaphore_mem>>)
    %slice3A_544 = vector.extract_strided_slice %get3A_528 {offsets = [1], sizes = [1], strides = [1]} : vector<16xi32> to vector<1xi32>
    %squeeze3A_545 = vector.extract %slice3A_544[0] : i32 from vector<1xi32>
    %mul3A_546 = arith.constant 8 : i32
    %mul3A_547 = arith.muli %squeeze3A_545, %mul3A_546 : i32
    %multiple_of3A_548 = tpu.assume_multiple %mul3A_547, 8 : i32
    %dma_start3A_549 = arith.constant 0 : i32
    %dma_start3A_550 = arith.constant 1 : i32
    %dma_start3A_551 = arith.constant 0 : i32
    %dma_start3A_552 = arith.constant 0 : i32
    %dma_start3A_553 = tpu.memref_slice %arg9[%dma_start3A_549, %dma_start3A_550, %dma_start3A_551, %dma_start3A_552] : memref<2x8x8x128xf32, #tpu.memory_space<vmem>> -> memref<1x1x8x128xf32, #tpu.memory_space<vmem>>
    %dma_start3A_554 = tpu.memref_squeeze %dma_start3A_553 : memref<1x1x8x128xf32, #tpu.memory_space<vmem>> -> memref<8x128xf32, #tpu.memory_space<vmem>>
    %dma_start3A_555 = arith.constant 0 : i32
    %dma_start3A_556 = tpu.memref_slice %arg6[%multiple_of3A_548, %dma_start3A_555] : memref<8008x128xf32, #tpu.memory_space<vmem_shared>> -> memref<8x128xf32, #tpu.memory_space<vmem_shared>>
    %dma_start3A_557 = arith.constant 0 : i32
    %dma_start3A_558 = arith.constant 0 : i32
    %dma_start3A_559 = tpu.memref_slice %arg9[%dma_start3A_549, %dma_start3A_550, %dma_start3A_557, %dma_start3A_558] : memref<2x8x8x128xf32, #tpu.memory_space<vmem>> -> memref<1x1x8x128xf32, #tpu.memory_space<vmem>>
    %dma_start3A_560 = tpu.memref_squeeze %dma_start3A_559 : memref<1x1x8x128xf32, #tpu.memory_space<vmem>> -> memref<8x128xf32, #tpu.memory_space<vmem>>
    %dma_start3A_561 = arith.constant 0 : i32
    %dma_start3A_562 = tpu.memref_slice %arg6[%multiple_of3A_548, %dma_start3A_561] : memref<8008x128xf32, #tpu.memory_space<vmem_shared>> -> memref<8x128xf32, #tpu.memory_space<vmem_shared>>
    tpu.enqueue_dma source(%dma_start3A_562 : memref<8x128xf32, #tpu.memory_space<vmem_shared>>) target(%dma_start3A_560 : memref<8x128xf32, #tpu.memory_space<vmem>>) target_semaphore(%arg11 : memref<!tpu.dma_semaphore, #tpu.memory_space<semaphore_mem>>)
    %slice3A_563 = vector.extract_strided_slice %get3A_528 {offsets = [2], sizes = [1], strides = [1]} : vector<16xi32> to vector<1xi32>
    %squeeze3A_564 = vector.extract %slice3A_563[0] : i32 from vector<1xi32>
    %mul3A_565 = arith.constant 8 : i32
    %mul3A_566 = arith.muli %squeeze3A_564, %mul3A_565 : i32
    %multiple_of3A_567 = tpu.assume_multiple %mul3A_566, 8 : i32
    %dma_start3A_568 = arith.constant 0 : i32
    %dma_start3A_569 = arith.constant 2 : i32
    %dma_start3A_570 = arith.constant 0 : i32
    %dma_start3A_571 = arith.constant 0 : i32
    %dma_start3A_572 = tpu.memref_slice %arg9[%dma_start3A_568, %dma_start3A_569, %dma_start3A_570, %dma_start3A_571] : memref<2x8x8x128xf32, #tpu.memory_space<vmem>> -> memref<1x1x8x128xf32, #tpu.memory_space<vmem>>
    %dma_start3A_573 = tpu.memref_squeeze %dma_start3A_572 : memref<1x1x8x128xf32, #tpu.memory_space<vmem>> -> memref<8x128xf32, #tpu.memory_space<vmem>>
    %dma_start3A_574 = arith.constant 0 : i32
    %dma_start3A_575 = tpu.memref_slice %arg6[%multiple_of3A_567, %dma_start3A_574] : memref<8008x128xf32, #tpu.memory_space<vmem_shared>> -> memref<8x128xf32, #tpu.memory_space<vmem_shared>>
    %dma_start3A_576 = arith.constant 0 : i32
    %dma_start3A_577 = arith.constant 0 : i32
    %dma_start3A_578 = tpu.memref_slice %arg9[%dma_start3A_568, %dma_start3A_569, %dma_start3A_576, %dma_start3A_577] : memref<2x8x8x128xf32, #tpu.memory_space<vmem>> -> memref<1x1x8x128xf32, #tpu.memory_space<vmem>>
    %dma_start3A_579 = tpu.memref_squeeze %dma_start3A_578 : memref<1x1x8x128xf32, #tpu.memory_space<vmem>> -> memref<8x128xf32, #tpu.memory_space<vmem>>
    %dma_start3A_580 = arith.constant 0 : i32
    %dma_start3A_581 = tpu.memref_slice %arg6[%multiple_of3A_567, %dma_start3A_580] : memref<8008x128xf32, #tpu.memory_space<vmem_shared>> -> memref<8x128xf32, #tpu.memory_space<vmem_shared>>
    tpu.enqueue_dma source(%dma_start3A_581 : memref<8x128xf32, #tpu.memory_space<vmem_shared>>) target(%dma_start3A_579 : memref<8x128xf32, #tpu.memory_space<vmem>>) target_semaphore(%arg11 : memref<!tpu.dma_semaphore, #tpu.memory_space<semaphore_mem>>)
    %slice3A_582 = vector.extract_strided_slice %get3A_528 {offsets = [3], sizes = [1], strides = [1]} : vector<16xi32> to vector<1xi32>
    %squeeze3A_583 = vector.extract %slice3A_582[0] : i32 from vector<1xi32>
    %mul3A_584 = arith.constant 8 : i32
    %mul3A_585 = arith.muli %squeeze3A_583, %mul3A_584 : i32
    %multiple_of3A_586 = tpu.assume_multiple %mul3A_585, 8 : i32
    %dma_start3A_587 = arith.constant 0 : i32
    %dma_start3A_588 = arith.constant 3 : i32
    %dma_start3A_589 = arith.constant 0 : i32
    %dma_start3A_590 = arith.constant 0 : i32
    %dma_start3A_591 = tpu.memref_slice %arg9[%dma_start3A_587, %dma_start3A_588, %dma_start3A_589, %dma_start3A_590] : memref<2x8x8x128xf32, #tpu.memory_space<vmem>> -> memref<1x1x8x128xf32, #tpu.memory_space<vmem>>
    %dma_start3A_592 = tpu.memref_squeeze %dma_start3A_591 : memref<1x1x8x128xf32, #tpu.memory_space<vmem>> -> memref<8x128xf32, #tpu.memory_space<vmem>>
    %dma_start3A_593 = arith.constant 0 : i32
    %dma_start3A_594 = tpu.memref_slice %arg6[%multiple_of3A_586, %dma_start3A_593] : memref<8008x128xf32, #tpu.memory_space<vmem_shared>> -> memref<8x128xf32, #tpu.memory_space<vmem_shared>>
    %dma_start3A_595 = arith.constant 0 : i32
    %dma_start3A_596 = arith.constant 0 : i32
    %dma_start3A_597 = tpu.memref_slice %arg9[%dma_start3A_587, %dma_start3A_588, %dma_start3A_595, %dma_start3A_596] : memref<2x8x8x128xf32, #tpu.memory_space<vmem>> -> memref<1x1x8x128xf32, #tpu.memory_space<vmem>>
    %dma_start3A_598 = tpu.memref_squeeze %dma_start3A_597 : memref<1x1x8x128xf32, #tpu.memory_space<vmem>> -> memref<8x128xf32, #tpu.memory_space<vmem>>
    %dma_start3A_599 = arith.constant 0 : i32
    %dma_start3A_600 = tpu.memref_slice %arg6[%multiple_of3A_586, %dma_start3A_599] : memref<8008x128xf32, #tpu.memory_space<vmem_shared>> -> memref<8x128xf32, #tpu.memory_space<vmem_shared>>
    tpu.enqueue_dma source(%dma_start3A_600 : memref<8x128xf32, #tpu.memory_space<vmem_shared>>) target(%dma_start3A_598 : memref<8x128xf32, #tpu.memory_space<vmem>>) target_semaphore(%arg11 : memref<!tpu.dma_semaphore, #tpu.memory_space<semaphore_mem>>)
    %slice3A_601 = vector.extract_strided_slice %get3A_528 {offsets = [4], sizes = [1], strides = [1]} : vector<16xi32> to vector<1xi32>
    %squeeze3A_602 = vector.extract %slice3A_601[0] : i32 from vector<1xi32>
    %mul3A_603 = arith.constant 8 : i32
    %mul3A_604 = arith.muli %squeeze3A_602, %mul3A_603 : i32
    %multiple_of3A_605 = tpu.assume_multiple %mul3A_604, 8 : i32
    %dma_start3A_606 = arith.constant 0 : i32
    %dma_start3A_607 = arith.constant 4 : i32
    %dma_start3A_608 = arith.constant 0 : i32
    %dma_start3A_609 = arith.constant 0 : i32
    %dma_start3A_610 = tpu.memref_slice %arg9[%dma_start3A_606, %dma_start3A_607, %dma_start3A_608, %dma_start3A_609] : memref<2x8x8x128xf32, #tpu.memory_space<vmem>> -> memref<1x1x8x128xf32, #tpu.memory_space<vmem>>
    %dma_start3A_611 = tpu.memref_squeeze %dma_start3A_610 : memref<1x1x8x128xf32, #tpu.memory_space<vmem>> -> memref<8x128xf32, #tpu.memory_space<vmem>>
    %dma_start3A_612 = arith.constant 0 : i32
    %dma_start3A_613 = tpu.memref_slice %arg6[%multiple_of3A_605, %dma_start3A_612] : memref<8008x128xf32, #tpu.memory_space<vmem_shared>> -> memref<8x128xf32, #tpu.memory_space<vmem_shared>>
    %dma_start3A_614 = arith.constant 0 : i32
    %dma_start3A_615 = arith.constant 0 : i32
    %dma_start3A_616 = tpu.memref_slice %arg9[%dma_start3A_606, %dma_start3A_607, %dma_start3A_614, %dma_start3A_615] : memref<2x8x8x128xf32, #tpu.memory_space<vmem>> -> memref<1x1x8x128xf32, #tpu.memory_space<vmem>>
    %dma_start3A_617 = tpu.memref_squeeze %dma_start3A_616 : memref<1x1x8x128xf32, #tpu.memory_space<vmem>> -> memref<8x128xf32, #tpu.memory_space<vmem>>
    %dma_start3A_618 = arith.constant 0 : i32
    %dma_start3A_619 = tpu.memref_slice %arg6[%multiple_of3A_605, %dma_start3A_618] : memref<8008x128xf32, #tpu.memory_space<vmem_shared>> -> memref<8x128xf32, #tpu.memory_space<vmem_shared>>
    tpu.enqueue_dma source(%dma_start3A_619 : memref<8x128xf32, #tpu.memory_space<vmem_shared>>) target(%dma_start3A_617 : memref<8x128xf32, #tpu.memory_space<vmem>>) target_semaphore(%arg11 : memref<!tpu.dma_semaphore, #tpu.memory_space<semaphore_mem>>)
    %slice3A_620 = vector.extract_strided_slice %get3A_528 {offsets = [5], sizes = [1], strides = [1]} : vector<16xi32> to vector<1xi32>
    %squeeze3A_621 = vector.extract %slice3A_620[0] : i32 from vector<1xi32>
    %mul3A_622 = arith.constant 8 : i32
    %mul3A_623 = arith.muli %squeeze3A_621, %mul3A_622 : i32
    %multiple_of3A_624 = tpu.assume_multiple %mul3A_623, 8 : i32
    %dma_start3A_625 = arith.constant 0 : i32
    %dma_start3A_626 = arith.constant 5 : i32
    %dma_start3A_627 = arith.constant 0 : i32
    %dma_start3A_628 = arith.constant 0 : i32
    %dma_start3A_629 = tpu.memref_slice %arg9[%dma_start3A_625, %dma_start3A_626, %dma_start3A_627, %dma_start3A_628] : memref<2x8x8x128xf32, #tpu.memory_space<vmem>> -> memref<1x1x8x128xf32, #tpu.memory_space<vmem>>
    %dma_start3A_630 = tpu.memref_squeeze %dma_start3A_629 : memref<1x1x8x128xf32, #tpu.memory_space<vmem>> -> memref<8x128xf32, #tpu.memory_space<vmem>>
    %dma_start3A_631 = arith.constant 0 : i32
    %dma_start3A_632 = tpu.memref_slice %arg6[%multiple_of3A_624, %dma_start3A_631] : memref<8008x128xf32, #tpu.memory_space<vmem_shared>> -> memref<8x128xf32, #tpu.memory_space<vmem_shared>>
    %dma_start3A_633 = arith.constant 0 : i32
    %dma_start3A_634 = arith.constant 0 : i32
    %dma_start3A_635 = tpu.memref_slice %arg9[%dma_start3A_625, %dma_start3A_626, %dma_start3A_633, %dma_start3A_634] : memref<2x8x8x128xf32, #tpu.memory_space<vmem>> -> memref<1x1x8x128xf32, #tpu.memory_space<vmem>>
    %dma_start3A_636 = tpu.memref_squeeze %dma_start3A_635 : memref<1x1x8x128xf32, #tpu.memory_space<vmem>> -> memref<8x128xf32, #tpu.memory_space<vmem>>
    %dma_start3A_637 = arith.constant 0 : i32
    %dma_start3A_638 = tpu.memref_slice %arg6[%multiple_of3A_624, %dma_start3A_637] : memref<8008x128xf32, #tpu.memory_space<vmem_shared>> -> memref<8x128xf32, #tpu.memory_space<vmem_shared>>
    tpu.enqueue_dma source(%dma_start3A_638 : memref<8x128xf32, #tpu.memory_space<vmem_shared>>) target(%dma_start3A_636 : memref<8x128xf32, #tpu.memory_space<vmem>>) target_semaphore(%arg11 : memref<!tpu.dma_semaphore, #tpu.memory_space<semaphore_mem>>)
    %slice3A_639 = vector.extract_strided_slice %get3A_528 {offsets = [6], sizes = [1], strides = [1]} : vector<16xi32> to vector<1xi32>
    %squeeze3A_640 = vector.extract %slice3A_639[0] : i32 from vector<1xi32>
    %mul3A_641 = arith.constant 8 : i32
    %mul3A_642 = arith.muli %squeeze3A_640, %mul3A_641 : i32
    %multiple_of3A_643 = tpu.assume_multiple %mul3A_642, 8 : i32
    %dma_start3A_644 = arith.constant 0 : i32
    %dma_start3A_645 = arith.constant 6 : i32
    %dma_start3A_646 = arith.constant 0 : i32
    %dma_start3A_647 = arith.constant 0 : i32
    %dma_start3A_648 = tpu.memref_slice %arg9[%dma_start3A_644, %dma_start3A_645, %dma_start3A_646, %dma_start3A_647] : memref<2x8x8x128xf32, #tpu.memory_space<vmem>> -> memref<1x1x8x128xf32, #tpu.memory_space<vmem>>
    %dma_start3A_649 = tpu.memref_squeeze %dma_start3A_648 : memref<1x1x8x128xf32, #tpu.memory_space<vmem>> -> memref<8x128xf32, #tpu.memory_space<vmem>>
    %dma_start3A_650 = arith.constant 0 : i32
    %dma_start3A_651 = tpu.memref_slice %arg6[%multiple_of3A_643, %dma_start3A_650] : memref<8008x128xf32, #tpu.memory_space<vmem_shared>> -> memref<8x128xf32, #tpu.memory_space<vmem_shared>>
    %dma_start3A_652 = arith.constant 0 : i32
    %dma_start3A_653 = arith.constant 0 : i32
    %dma_start3A_654 = tpu.memref_slice %arg9[%dma_start3A_644, %dma_start3A_645, %dma_start3A_652, %dma_start3A_653] : memref<2x8x8x128xf32, #tpu.memory_space<vmem>> -> memref<1x1x8x128xf32, #tpu.memory_space<vmem>>
    %dma_start3A_655 = tpu.memref_squeeze %dma_start3A_654 : memref<1x1x8x128xf32, #tpu.memory_space<vmem>> -> memref<8x128xf32, #tpu.memory_space<vmem>>
    %dma_start3A_656 = arith.constant 0 : i32
    %dma_start3A_657 = tpu.memref_slice %arg6[%multiple_of3A_643, %dma_start3A_656] : memref<8008x128xf32, #tpu.memory_space<vmem_shared>> -> memref<8x128xf32, #tpu.memory_space<vmem_shared>>
    tpu.enqueue_dma source(%dma_start3A_657 : memref<8x128xf32, #tpu.memory_space<vmem_shared>>) target(%dma_start3A_655 : memref<8x128xf32, #tpu.memory_space<vmem>>) target_semaphore(%arg11 : memref<!tpu.dma_semaphore, #tpu.memory_space<semaphore_mem>>)
    %slice3A_658 = vector.extract_strided_slice %get3A_528 {offsets = [7], sizes = [1], strides = [1]} : vector<16xi32> to vector<1xi32>
    %squeeze3A_659 = vector.extract %slice3A_658[0] : i32 from vector<1xi32>
    %mul3A_660 = arith.constant 8 : i32
    %mul3A_661 = arith.muli %squeeze3A_659, %mul3A_660 : i32
    %multiple_of3A_662 = tpu.assume_multiple %mul3A_661, 8 : i32
    %dma_start3A_663 = arith.constant 0 : i32
    %dma_start3A_664 = arith.constant 7 : i32
    %dma_start3A_665 = arith.constant 0 : i32
    %dma_start3A_666 = arith.constant 0 : i32
    %dma_start3A_667 = tpu.memref_slice %arg9[%dma_start3A_663, %dma_start3A_664, %dma_start3A_665, %dma_start3A_666] : memref<2x8x8x128xf32, #tpu.memory_space<vmem>> -> memref<1x1x8x128xf32, #tpu.memory_space<vmem>>
    %dma_start3A_668 = tpu.memref_squeeze %dma_start3A_667 : memref<1x1x8x128xf32, #tpu.memory_space<vmem>> -> memref<8x128xf32, #tpu.memory_space<vmem>>
    %dma_start3A_669 = arith.constant 0 : i32
    %dma_start3A_670 = tpu.memref_slice %arg6[%multiple_of3A_662, %dma_start3A_669] : memref<8008x128xf32, #tpu.memory_space<vmem_shared>> -> memref<8x128xf32, #tpu.memory_space<vmem_shared>>
    %dma_start3A_671 = arith.constant 0 : i32
    %dma_start3A_672 = arith.constant 0 : i32
    %dma_start3A_673 = tpu.memref_slice %arg9[%dma_start3A_663, %dma_start3A_664, %dma_start3A_671, %dma_start3A_672] : memref<2x8x8x128xf32, #tpu.memory_space<vmem>> -> memref<1x1x8x128xf32, #tpu.memory_space<vmem>>
    %dma_start3A_674 = tpu.memref_squeeze %dma_start3A_673 : memref<1x1x8x128xf32, #tpu.memory_space<vmem>> -> memref<8x128xf32, #tpu.memory_space<vmem>>
    %dma_start3A_675 = arith.constant 0 : i32
    %dma_start3A_676 = tpu.memref_slice %arg6[%multiple_of3A_662, %dma_start3A_675] : memref<8008x128xf32, #tpu.memory_space<vmem_shared>> -> memref<8x128xf32, #tpu.memory_space<vmem_shared>>
    tpu.enqueue_dma source(%dma_start3A_676 : memref<8x128xf32, #tpu.memory_space<vmem_shared>>) target(%dma_start3A_674 : memref<8x128xf32, #tpu.memory_space<vmem>>) target_semaphore(%arg11 : memref<!tpu.dma_semaphore, #tpu.memory_space<semaphore_mem>>)
    %slice3A_677 = vector.extract_strided_slice %get3A_528 {offsets = [8], sizes = [1], strides = [1]} : vector<16xi32> to vector<1xi32>
    %squeeze3A_678 = vector.extract %slice3A_677[0] : i32 from vector<1xi32>
    %mul3A_679 = arith.constant 8 : i32
    %mul3A_680 = arith.muli %squeeze3A_678, %mul3A_679 : i32
    %multiple_of3A_681 = tpu.assume_multiple %mul3A_680, 8 : i32
    %dma_start3A_682 = arith.constant 1 : i32
    %dma_start3A_683 = arith.constant 0 : i32
    %dma_start3A_684 = arith.constant 0 : i32
    %dma_start3A_685 = arith.constant 0 : i32
    %dma_start3A_686 = tpu.memref_slice %arg9[%dma_start3A_682, %dma_start3A_683, %dma_start3A_684, %dma_start3A_685] : memref<2x8x8x128xf32, #tpu.memory_space<vmem>> -> memref<1x1x8x128xf32, #tpu.memory_space<vmem>>
    %dma_start3A_687 = tpu.memref_squeeze %dma_start3A_686 : memref<1x1x8x128xf32, #tpu.memory_space<vmem>> -> memref<8x128xf32, #tpu.memory_space<vmem>>
    %dma_start3A_688 = arith.constant 0 : i32
    %dma_start3A_689 = tpu.memref_slice %arg6[%multiple_of3A_681, %dma_start3A_688] : memref<8008x128xf32, #tpu.memory_space<vmem_shared>> -> memref<8x128xf32, #tpu.memory_space<vmem_shared>>
    %dma_start3A_690 = arith.constant 0 : i32
    %dma_start3A_691 = arith.constant 0 : i32
    %dma_start3A_692 = tpu.memref_slice %arg9[%dma_start3A_682, %dma_start3A_683, %dma_start3A_690, %dma_start3A_691] : memref<2x8x8x128xf32, #tpu.memory_space<vmem>> -> memref<1x1x8x128xf32, #tpu.memory_space<vmem>>
    %dma_start3A_693 = tpu.memref_squeeze %dma_start3A_692 : memref<1x1x8x128xf32, #tpu.memory_space<vmem>> -> memref<8x128xf32, #tpu.memory_space<vmem>>
    %dma_start3A_694 = arith.constant 0 : i32
    %dma_start3A_695 = tpu.memref_slice %arg6[%multiple_of3A_681, %dma_start3A_694] : memref<8008x128xf32, #tpu.memory_space<vmem_shared>> -> memref<8x128xf32, #tpu.memory_space<vmem_shared>>
    tpu.enqueue_dma source(%dma_start3A_695 : memref<8x128xf32, #tpu.memory_space<vmem_shared>>) target(%dma_start3A_693 : memref<8x128xf32, #tpu.memory_space<vmem>>) target_semaphore(%arg11 : memref<!tpu.dma_semaphore, #tpu.memory_space<semaphore_mem>>)
    %slice3A_696 = vector.extract_strided_slice %get3A_528 {offsets = [9], sizes = [1], strides = [1]} : vector<16xi32> to vector<1xi32>
    %squeeze3A_697 = vector.extract %slice3A_696[0] : i32 from vector<1xi32>
    %mul3A_698 = arith.constant 8 : i32
    %mul3A_699 = arith.muli %squeeze3A_697, %mul3A_698 : i32
    %multiple_of3A_700 = tpu.assume_multiple %mul3A_699, 8 : i32
    %dma_start3A_701 = arith.constant 1 : i32
    %dma_start3A_702 = arith.constant 1 : i32
    %dma_start3A_703 = arith.constant 0 : i32
    %dma_start3A_704 = arith.constant 0 : i32
    %dma_start3A_705 = tpu.memref_slice %arg9[%dma_start3A_701, %dma_start3A_702, %dma_start3A_703, %dma_start3A_704] : memref<2x8x8x128xf32, #tpu.memory_space<vmem>> -> memref<1x1x8x128xf32, #tpu.memory_space<vmem>>
    %dma_start3A_706 = tpu.memref_squeeze %dma_start3A_705 : memref<1x1x8x128xf32, #tpu.memory_space<vmem>> -> memref<8x128xf32, #tpu.memory_space<vmem>>
    %dma_start3A_707 = arith.constant 0 : i32
    %dma_start3A_708 = tpu.memref_slice %arg6[%multiple_of3A_700, %dma_start3A_707] : memref<8008x128xf32, #tpu.memory_space<vmem_shared>> -> memref<8x128xf32, #tpu.memory_space<vmem_shared>>
    %dma_start3A_709 = arith.constant 0 : i32
    %dma_start3A_710 = arith.constant 0 : i32
    %dma_start3A_711 = tpu.memref_slice %arg9[%dma_start3A_701, %dma_start3A_702, %dma_start3A_709, %dma_start3A_710] : memref<2x8x8x128xf32, #tpu.memory_space<vmem>> -> memref<1x1x8x128xf32, #tpu.memory_space<vmem>>
    %dma_start3A_712 = tpu.memref_squeeze %dma_start3A_711 : memref<1x1x8x128xf32, #tpu.memory_space<vmem>> -> memref<8x128xf32, #tpu.memory_space<vmem>>
    %dma_start3A_713 = arith.constant 0 : i32
    %dma_start3A_714 = tpu.memref_slice %arg6[%multiple_of3A_700, %dma_start3A_713] : memref<8008x128xf32, #tpu.memory_space<vmem_shared>> -> memref<8x128xf32, #tpu.memory_space<vmem_shared>>
    tpu.enqueue_dma source(%dma_start3A_714 : memref<8x128xf32, #tpu.memory_space<vmem_shared>>) target(%dma_start3A_712 : memref<8x128xf32, #tpu.memory_space<vmem>>) target_semaphore(%arg11 : memref<!tpu.dma_semaphore, #tpu.memory_space<semaphore_mem>>)
    %slice3A_715 = vector.extract_strided_slice %get3A_528 {offsets = [10], sizes = [1], strides = [1]} : vector<16xi32> to vector<1xi32>
    %squeeze3A_716 = vector.extract %slice3A_715[0] : i32 from vector<1xi32>
    %mul3A_717 = arith.constant 8 : i32
    %mul3A_718 = arith.muli %squeeze3A_716, %mul3A_717 : i32
    %multiple_of3A_719 = tpu.assume_multiple %mul3A_718, 8 : i32
    %dma_start3A_720 = arith.constant 1 : i32
    %dma_start3A_721 = arith.constant 2 : i32
    %dma_start3A_722 = arith.constant 0 : i32
    %dma_start3A_723 = arith.constant 0 : i32
    %dma_start3A_724 = tpu.memref_slice %arg9[%dma_start3A_720, %dma_start3A_721, %dma_start3A_722, %dma_start3A_723] : memref<2x8x8x128xf32, #tpu.memory_space<vmem>> -> memref<1x1x8x128xf32, #tpu.memory_space<vmem>>
    %dma_start3A_725 = tpu.memref_squeeze %dma_start3A_724 : memref<1x1x8x128xf32, #tpu.memory_space<vmem>> -> memref<8x128xf32, #tpu.memory_space<vmem>>
    %dma_start3A_726 = arith.constant 0 : i32
    %dma_start3A_727 = tpu.memref_slice %arg6[%multiple_of3A_719, %dma_start3A_726] : memref<8008x128xf32, #tpu.memory_space<vmem_shared>> -> memref<8x128xf32, #tpu.memory_space<vmem_shared>>
    %dma_start3A_728 = arith.constant 0 : i32
    %dma_start3A_729 = arith.constant 0 : i32
    %dma_start3A_730 = tpu.memref_slice %arg9[%dma_start3A_720, %dma_start3A_721, %dma_start3A_728, %dma_start3A_729] : memref<2x8x8x128xf32, #tpu.memory_space<vmem>> -> memref<1x1x8x128xf32, #tpu.memory_space<vmem>>
    %dma_start3A_731 = tpu.memref_squeeze %dma_start3A_730 : memref<1x1x8x128xf32, #tpu.memory_space<vmem>> -> memref<8x128xf32, #tpu.memory_space<vmem>>
    %dma_start3A_732 = arith.constant 0 : i32
    %dma_start3A_733 = tpu.memref_slice %arg6[%multiple_of3A_719, %dma_start3A_732] : memref<8008x128xf32, #tpu.memory_space<vmem_shared>> -> memref<8x128xf32, #tpu.memory_space<vmem_shared>>
    tpu.enqueue_dma source(%dma_start3A_733 : memref<8x128xf32, #tpu.memory_space<vmem_shared>>) target(%dma_start3A_731 : memref<8x128xf32, #tpu.memory_space<vmem>>) target_semaphore(%arg11 : memref<!tpu.dma_semaphore, #tpu.memory_space<semaphore_mem>>)
    %slice3A_734 = vector.extract_strided_slice %get3A_528 {offsets = [11], sizes = [1], strides = [1]} : vector<16xi32> to vector<1xi32>
    %squeeze3A_735 = vector.extract %slice3A_734[0] : i32 from vector<1xi32>
    %mul3A_736 = arith.constant 8 : i32
    %mul3A_737 = arith.muli %squeeze3A_735, %mul3A_736 : i32
    %multiple_of3A_738 = tpu.assume_multiple %mul3A_737, 8 : i32
    %dma_start3A_739 = arith.constant 1 : i32
    %dma_start3A_740 = arith.constant 3 : i32
    %dma_start3A_741 = arith.constant 0 : i32
    %dma_start3A_742 = arith.constant 0 : i32
    %dma_start3A_743 = tpu.memref_slice %arg9[%dma_start3A_739, %dma_start3A_740, %dma_start3A_741, %dma_start3A_742] : memref<2x8x8x128xf32, #tpu.memory_space<vmem>> -> memref<1x1x8x128xf32, #tpu.memory_space<vmem>>
    %dma_start3A_744 = tpu.memref_squeeze %dma_start3A_743 : memref<1x1x8x128xf32, #tpu.memory_space<vmem>> -> memref<8x128xf32, #tpu.memory_space<vmem>>
    %dma_start3A_745 = arith.constant 0 : i32
    %dma_start3A_746 = tpu.memref_slice %arg6[%multiple_of3A_738, %dma_start3A_745] : memref<8008x128xf32, #tpu.memory_space<vmem_shared>> -> memref<8x128xf32, #tpu.memory_space<vmem_shared>>
    %dma_start3A_747 = arith.constant 0 : i32
    %dma_start3A_748 = arith.constant 0 : i32
    %dma_start3A_749 = tpu.memref_slice %arg9[%dma_start3A_739, %dma_start3A_740, %dma_start3A_747, %dma_start3A_748] : memref<2x8x8x128xf32, #tpu.memory_space<vmem>> -> memref<1x1x8x128xf32, #tpu.memory_space<vmem>>
    %dma_start3A_750 = tpu.memref_squeeze %dma_start3A_749 : memref<1x1x8x128xf32, #tpu.memory_space<vmem>> -> memref<8x128xf32, #tpu.memory_space<vmem>>
    %dma_start3A_751 = arith.constant 0 : i32
    %dma_start3A_752 = tpu.memref_slice %arg6[%multiple_of3A_738, %dma_start3A_751] : memref<8008x128xf32, #tpu.memory_space<vmem_shared>> -> memref<8x128xf32, #tpu.memory_space<vmem_shared>>
    tpu.enqueue_dma source(%dma_start3A_752 : memref<8x128xf32, #tpu.memory_space<vmem_shared>>) target(%dma_start3A_750 : memref<8x128xf32, #tpu.memory_space<vmem>>) target_semaphore(%arg11 : memref<!tpu.dma_semaphore, #tpu.memory_space<semaphore_mem>>)
    %slice3A_753 = vector.extract_strided_slice %get3A_528 {offsets = [12], sizes = [1], strides = [1]} : vector<16xi32> to vector<1xi32>
    %squeeze3A_754 = vector.extract %slice3A_753[0] : i32 from vector<1xi32>
    %mul3A_755 = arith.constant 8 : i32
    %mul3A_756 = arith.muli %squeeze3A_754, %mul3A_755 : i32
    %multiple_of3A_757 = tpu.assume_multiple %mul3A_756, 8 : i32
    %dma_start3A_758 = arith.constant 1 : i32
    %dma_start3A_759 = arith.constant 4 : i32
    %dma_start3A_760 = arith.constant 0 : i32
    %dma_start3A_761 = arith.constant 0 : i32
    %dma_start3A_762 = tpu.memref_slice %arg9[%dma_start3A_758, %dma_start3A_759, %dma_start3A_760, %dma_start3A_761] : memref<2x8x8x128xf32, #tpu.memory_space<vmem>> -> memref<1x1x8x128xf32, #tpu.memory_space<vmem>>
    %dma_start3A_763 = tpu.memref_squeeze %dma_start3A_762 : memref<1x1x8x128xf32, #tpu.memory_space<vmem>> -> memref<8x128xf32, #tpu.memory_space<vmem>>
    %dma_start3A_764 = arith.constant 0 : i32
    %dma_start3A_765 = tpu.memref_slice %arg6[%multiple_of3A_757, %dma_start3A_764] : memref<8008x128xf32, #tpu.memory_space<vmem_shared>> -> memref<8x128xf32, #tpu.memory_space<vmem_shared>>
    %dma_start3A_766 = arith.constant 0 : i32
    %dma_start3A_767 = arith.constant 0 : i32
    %dma_start3A_768 = tpu.memref_slice %arg9[%dma_start3A_758, %dma_start3A_759, %dma_start3A_766, %dma_start3A_767] : memref<2x8x8x128xf32, #tpu.memory_space<vmem>> -> memref<1x1x8x128xf32, #tpu.memory_space<vmem>>
    %dma_start3A_769 = tpu.memref_squeeze %dma_start3A_768 : memref<1x1x8x128xf32, #tpu.memory_space<vmem>> -> memref<8x128xf32, #tpu.memory_space<vmem>>
    %dma_start3A_770 = arith.constant 0 : i32
    %dma_start3A_771 = tpu.memref_slice %arg6[%multiple_of3A_757, %dma_start3A_770] : memref<8008x128xf32, #tpu.memory_space<vmem_shared>> -> memref<8x128xf32, #tpu.memory_space<vmem_shared>>
    tpu.enqueue_dma source(%dma_start3A_771 : memref<8x128xf32, #tpu.memory_space<vmem_shared>>) target(%dma_start3A_769 : memref<8x128xf32, #tpu.memory_space<vmem>>) target_semaphore(%arg11 : memref<!tpu.dma_semaphore, #tpu.memory_space<semaphore_mem>>)
    %slice3A_772 = vector.extract_strided_slice %get3A_528 {offsets = [13], sizes = [1], strides = [1]} : vector<16xi32> to vector<1xi32>
    %squeeze3A_773 = vector.extract %slice3A_772[0] : i32 from vector<1xi32>
    %mul3A_774 = arith.constant 8 : i32
    %mul3A_775 = arith.muli %squeeze3A_773, %mul3A_774 : i32
    %multiple_of3A_776 = tpu.assume_multiple %mul3A_775, 8 : i32
    %dma_start3A_777 = arith.constant 1 : i32
    %dma_start3A_778 = arith.constant 5 : i32
    %dma_start3A_779 = arith.constant 0 : i32
    %dma_start3A_780 = arith.constant 0 : i32
    %dma_start3A_781 = tpu.memref_slice %arg9[%dma_start3A_777, %dma_start3A_778, %dma_start3A_779, %dma_start3A_780] : memref<2x8x8x128xf32, #tpu.memory_space<vmem>> -> memref<1x1x8x128xf32, #tpu.memory_space<vmem>>
    %dma_start3A_782 = tpu.memref_squeeze %dma_start3A_781 : memref<1x1x8x128xf32, #tpu.memory_space<vmem>> -> memref<8x128xf32, #tpu.memory_space<vmem>>
    %dma_start3A_783 = arith.constant 0 : i32
    %dma_start3A_784 = tpu.memref_slice %arg6[%multiple_of3A_776, %dma_start3A_783] : memref<8008x128xf32, #tpu.memory_space<vmem_shared>> -> memref<8x128xf32, #tpu.memory_space<vmem_shared>>
    %dma_start3A_785 = arith.constant 0 : i32
    %dma_start3A_786 = arith.constant 0 : i32
    %dma_start3A_787 = tpu.memref_slice %arg9[%dma_start3A_777, %dma_start3A_778, %dma_start3A_785, %dma_start3A_786] : memref<2x8x8x128xf32, #tpu.memory_space<vmem>> -> memref<1x1x8x128xf32, #tpu.memory_space<vmem>>
    %dma_start3A_788 = tpu.memref_squeeze %dma_start3A_787 : memref<1x1x8x128xf32, #tpu.memory_space<vmem>> -> memref<8x128xf32, #tpu.memory_space<vmem>>
    %dma_start3A_789 = arith.constant 0 : i32
    %dma_start3A_790 = tpu.memref_slice %arg6[%multiple_of3A_776, %dma_start3A_789] : memref<8008x128xf32, #tpu.memory_space<vmem_shared>> -> memref<8x128xf32, #tpu.memory_space<vmem_shared>>
    tpu.enqueue_dma source(%dma_start3A_790 : memref<8x128xf32, #tpu.memory_space<vmem_shared>>) target(%dma_start3A_788 : memref<8x128xf32, #tpu.memory_space<vmem>>) target_semaphore(%arg11 : memref<!tpu.dma_semaphore, #tpu.memory_space<semaphore_mem>>)
    %slice3A_791 = vector.extract_strided_slice %get3A_528 {offsets = [14], sizes = [1], strides = [1]} : vector<16xi32> to vector<1xi32>
    %squeeze3A_792 = vector.extract %slice3A_791[0] : i32 from vector<1xi32>
    %mul3A_793 = arith.constant 8 : i32
    %mul3A_794 = arith.muli %squeeze3A_792, %mul3A_793 : i32
    %multiple_of3A_795 = tpu.assume_multiple %mul3A_794, 8 : i32
    %dma_start3A_796 = arith.constant 1 : i32
    %dma_start3A_797 = arith.constant 6 : i32
    %dma_start3A_798 = arith.constant 0 : i32
    %dma_start3A_799 = arith.constant 0 : i32
    %dma_start3A_800 = tpu.memref_slice %arg9[%dma_start3A_796, %dma_start3A_797, %dma_start3A_798, %dma_start3A_799] : memref<2x8x8x128xf32, #tpu.memory_space<vmem>> -> memref<1x1x8x128xf32, #tpu.memory_space<vmem>>
    %dma_start3A_801 = tpu.memref_squeeze %dma_start3A_800 : memref<1x1x8x128xf32, #tpu.memory_space<vmem>> -> memref<8x128xf32, #tpu.memory_space<vmem>>
    %dma_start3A_802 = arith.constant 0 : i32
    %dma_start3A_803 = tpu.memref_slice %arg6[%multiple_of3A_795, %dma_start3A_802] : memref<8008x128xf32, #tpu.memory_space<vmem_shared>> -> memref<8x128xf32, #tpu.memory_space<vmem_shared>>
    %dma_start3A_804 = arith.constant 0 : i32
    %dma_start3A_805 = arith.constant 0 : i32
    %dma_start3A_806 = tpu.memref_slice %arg9[%dma_start3A_796, %dma_start3A_797, %dma_start3A_804, %dma_start3A_805] : memref<2x8x8x128xf32, #tpu.memory_space<vmem>> -> memref<1x1x8x128xf32, #tpu.memory_space<vmem>>
    %dma_start3A_807 = tpu.memref_squeeze %dma_start3A_806 : memref<1x1x8x128xf32, #tpu.memory_space<vmem>> -> memref<8x128xf32, #tpu.memory_space<vmem>>
    %dma_start3A_808 = arith.constant 0 : i32
    %dma_start3A_809 = tpu.memref_slice %arg6[%multiple_of3A_795, %dma_start3A_808] : memref<8008x128xf32, #tpu.memory_space<vmem_shared>> -> memref<8x128xf32, #tpu.memory_space<vmem_shared>>
    tpu.enqueue_dma source(%dma_start3A_809 : memref<8x128xf32, #tpu.memory_space<vmem_shared>>) target(%dma_start3A_807 : memref<8x128xf32, #tpu.memory_space<vmem>>) target_semaphore(%arg11 : memref<!tpu.dma_semaphore, #tpu.memory_space<semaphore_mem>>)
    %slice3A_810 = vector.extract_strided_slice %get3A_528 {offsets = [15], sizes = [1], strides = [1]} : vector<16xi32> to vector<1xi32>
    %squeeze3A_811 = vector.extract %slice3A_810[0] : i32 from vector<1xi32>
    %mul3A_812 = arith.constant 8 : i32
    %mul3A_813 = arith.muli %squeeze3A_811, %mul3A_812 : i32
    %multiple_of3A_814 = tpu.assume_multiple %mul3A_813, 8 : i32
    %dma_start3A_815 = arith.constant 1 : i32
    %dma_start3A_816 = arith.constant 7 : i32
    %dma_start3A_817 = arith.constant 0 : i32
    %dma_start3A_818 = arith.constant 0 : i32
    %dma_start3A_819 = tpu.memref_slice %arg9[%dma_start3A_815, %dma_start3A_816, %dma_start3A_817, %dma_start3A_818] : memref<2x8x8x128xf32, #tpu.memory_space<vmem>> -> memref<1x1x8x128xf32, #tpu.memory_space<vmem>>
    %dma_start3A_820 = tpu.memref_squeeze %dma_start3A_819 : memref<1x1x8x128xf32, #tpu.memory_space<vmem>> -> memref<8x128xf32, #tpu.memory_space<vmem>>
    %dma_start3A_821 = arith.constant 0 : i32
    %dma_start3A_822 = tpu.memref_slice %arg6[%multiple_of3A_814, %dma_start3A_821] : memref<8008x128xf32, #tpu.memory_space<vmem_shared>> -> memref<8x128xf32, #tpu.memory_space<vmem_shared>>
    %dma_start3A_823 = arith.constant 0 : i32
    %dma_start3A_824 = arith.constant 0 : i32
    %dma_start3A_825 = tpu.memref_slice %arg9[%dma_start3A_815, %dma_start3A_816, %dma_start3A_823, %dma_start3A_824] : memref<2x8x8x128xf32, #tpu.memory_space<vmem>> -> memref<1x1x8x128xf32, #tpu.memory_space<vmem>>
    %dma_start3A_826 = tpu.memref_squeeze %dma_start3A_825 : memref<1x1x8x128xf32, #tpu.memory_space<vmem>> -> memref<8x128xf32, #tpu.memory_space<vmem>>
    %dma_start3A_827 = arith.constant 0 : i32
    %dma_start3A_828 = tpu.memref_slice %arg6[%multiple_of3A_814, %dma_start3A_827] : memref<8008x128xf32, #tpu.memory_space<vmem_shared>> -> memref<8x128xf32, #tpu.memory_space<vmem_shared>>
    tpu.enqueue_dma source(%dma_start3A_828 : memref<8x128xf32, #tpu.memory_space<vmem_shared>>) target(%dma_start3A_826 : memref<8x128xf32, #tpu.memory_space<vmem>>) target_semaphore(%arg11 : memref<!tpu.dma_semaphore, #tpu.memory_space<semaphore_mem>>)
    %scan3A = arith.constant 0 : i32
    %scan3A_829 = arith.constant 16 : i32
    %scan3A_830 = arith.addi %scan3A, %scan3A_829 : i32
    %scan3A_831 = arith.constant 1 : i32
    scf.for %scan3A_1184 = %scan3A to %scan3A_830 step %scan3A_831  : i32 {
      %mul3A_1185 = arith.constant 2 : i32
      %mul3A_1186 = arith.muli %mul3A_1185, %scan3A_1184 : i32
      %mul3A_1187 = arith.constant 2 : i32
      %mul3A_1188 = arith.muli %mul3A_1187, %scan3A_1184 : i32
      %add3A_1189 = arith.constant 1 : i32
      %add3A_1190 = arith.addi %mul3A_1188, %add3A_1189 : i32
      %dma_wait3A_1191 = arith.constant 0 : i32
      %dma_wait3A_1192 = arith.constant 0 : i32
      %dma_wait3A_1193 = arith.constant 0 : i32
      %dma_wait3A_1194 = arith.constant 0 : i32
      %dma_wait3A_1195 = tpu.memref_slice %arg9[%dma_wait3A_1191, %dma_wait3A_1192, %dma_wait3A_1193, %dma_wait3A_1194] : memref<2x8x8x128xf32, #tpu.memory_space<vmem>> -> memref<1x1x8x128xf32, #tpu.memory_space<vmem>>
      %dma_wait3A_1196 = tpu.memref_squeeze %dma_wait3A_1195 : memref<1x1x8x128xf32, #tpu.memory_space<vmem>> -> memref<8x128xf32, #tpu.memory_space<vmem>>
      %dma_wait3A_1197 = arith.constant 0 : i32
      %dma_wait3A_1198 = arith.constant 0 : i32
      %dma_wait3A_1199 = tpu.memref_slice %arg4[%dma_wait3A_1197, %dma_wait3A_1198] : memref<8008x128xf32, #tpu.memory_space<hbm>> -> memref<8x128xf32, #tpu.memory_space<hbm>>
      %dma_wait3A_1200 = arith.constant 0 : i32
      %dma_wait3A_1201 = arith.constant 0 : i32
      %dma_wait3A_1202 = tpu.memref_slice %arg9[%dma_wait3A_1191, %dma_wait3A_1192, %dma_wait3A_1200, %dma_wait3A_1201] : memref<2x8x8x128xf32, #tpu.memory_space<vmem>> -> memref<1x1x8x128xf32, #tpu.memory_space<vmem>>
      %dma_wait3A_1203 = tpu.memref_squeeze %dma_wait3A_1202 : memref<1x1x8x128xf32, #tpu.memory_space<vmem>> -> memref<8x128xf32, #tpu.memory_space<vmem>>
      %dma_wait3A_1204 = arith.constant 0 : i32
      %dma_wait3A_1205 = arith.constant 0 : i32
      %dma_wait3A_1206 = tpu.memref_slice %arg4[%dma_wait3A_1204, %dma_wait3A_1205] : memref<8008x128xf32, #tpu.memory_space<hbm>> -> memref<8x128xf32, #tpu.memory_space<hbm>>
      tpu.wait_dma2 semaphore(%arg11 : memref<!tpu.dma_semaphore, #tpu.memory_space<semaphore_mem>>) src(%dma_wait3A_1206 : memref<8x128xf32, #tpu.memory_space<hbm>>) dst(%dma_wait3A_1203 : memref<8x128xf32, #tpu.memory_space<vmem>>)
      %dma_wait3A_1207 = arith.constant 0 : i32
      %dma_wait3A_1208 = arith.constant 1 : i32
      %dma_wait3A_1209 = arith.constant 0 : i32
      %dma_wait3A_1210 = arith.constant 0 : i32
      %dma_wait3A_1211 = tpu.memref_slice %arg9[%dma_wait3A_1207, %dma_wait3A_1208, %dma_wait3A_1209, %dma_wait3A_1210] : memref<2x8x8x128xf32, #tpu.memory_space<vmem>> -> memref<1x1x8x128xf32, #tpu.memory_space<vmem>>
      %dma_wait3A_1212 = tpu.memref_squeeze %dma_wait3A_1211 : memref<1x1x8x128xf32, #tpu.memory_space<vmem>> -> memref<8x128xf32, #tpu.memory_space<vmem>>
      %dma_wait3A_1213 = arith.constant 0 : i32
      %dma_wait3A_1214 = arith.constant 0 : i32
      %dma_wait3A_1215 = tpu.memref_slice %arg4[%dma_wait3A_1213, %dma_wait3A_1214] : memref<8008x128xf32, #tpu.memory_space<hbm>> -> memref<8x128xf32, #tpu.memory_space<hbm>>
      %dma_wait3A_1216 = arith.constant 0 : i32
      %dma_wait3A_1217 = arith.constant 0 : i32
      %dma_wait3A_1218 = tpu.memref_slice %arg9[%dma_wait3A_1207, %dma_wait3A_1208, %dma_wait3A_1216, %dma_wait3A_1217] : memref<2x8x8x128xf32, #tpu.memory_space<vmem>> -> memref<1x1x8x128xf32, #tpu.memory_space<vmem>>
      %dma_wait3A_1219 = tpu.memref_squeeze %dma_wait3A_1218 : memref<1x1x8x128xf32, #tpu.memory_space<vmem>> -> memref<8x128xf32, #tpu.memory_space<vmem>>
      %dma_wait3A_1220 = arith.constant 0 : i32
      %dma_wait3A_1221 = arith.constant 0 : i32
      %dma_wait3A_1222 = tpu.memref_slice %arg4[%dma_wait3A_1220, %dma_wait3A_1221] : memref<8008x128xf32, #tpu.memory_space<hbm>> -> memref<8x128xf32, #tpu.memory_space<hbm>>
      tpu.wait_dma2 semaphore(%arg11 : memref<!tpu.dma_semaphore, #tpu.memory_space<semaphore_mem>>) src(%dma_wait3A_1222 : memref<8x128xf32, #tpu.memory_space<hbm>>) dst(%dma_wait3A_1219 : memref<8x128xf32, #tpu.memory_space<vmem>>)
      %dma_wait3A_1223 = arith.constant 0 : i32
      %dma_wait3A_1224 = arith.constant 2 : i32
      %dma_wait3A_1225 = arith.constant 0 : i32
      %dma_wait3A_1226 = arith.constant 0 : i32
      %dma_wait3A_1227 = tpu.memref_slice %arg9[%dma_wait3A_1223, %dma_wait3A_1224, %dma_wait3A_1225, %dma_wait3A_1226] : memref<2x8x8x128xf32, #tpu.memory_space<vmem>> -> memref<1x1x8x128xf32, #tpu.memory_space<vmem>>
      %dma_wait3A_1228 = tpu.memref_squeeze %dma_wait3A_1227 : memref<1x1x8x128xf32, #tpu.memory_space<vmem>> -> memref<8x128xf32, #tpu.memory_space<vmem>>
      %dma_wait3A_1229 = arith.constant 0 : i32
      %dma_wait3A_1230 = arith.constant 0 : i32
      %dma_wait3A_1231 = tpu.memref_slice %arg4[%dma_wait3A_1229, %dma_wait3A_1230] : memref<8008x128xf32, #tpu.memory_space<hbm>> -> memref<8x128xf32, #tpu.memory_space<hbm>>
      %dma_wait3A_1232 = arith.constant 0 : i32
      %dma_wait3A_1233 = arith.constant 0 : i32
      %dma_wait3A_1234 = tpu.memref_slice %arg9[%dma_wait3A_1223, %dma_wait3A_1224, %dma_wait3A_1232, %dma_wait3A_1233] : memref<2x8x8x128xf32, #tpu.memory_space<vmem>> -> memref<1x1x8x128xf32, #tpu.memory_space<vmem>>
      %dma_wait3A_1235 = tpu.memref_squeeze %dma_wait3A_1234 : memref<1x1x8x128xf32, #tpu.memory_space<vmem>> -> memref<8x128xf32, #tpu.memory_space<vmem>>
      %dma_wait3A_1236 = arith.constant 0 : i32
      %dma_wait3A_1237 = arith.constant 0 : i32
      %dma_wait3A_1238 = tpu.memref_slice %arg4[%dma_wait3A_1236, %dma_wait3A_1237] : memref<8008x128xf32, #tpu.memory_space<hbm>> -> memref<8x128xf32, #tpu.memory_space<hbm>>
      tpu.wait_dma2 semaphore(%arg11 : memref<!tpu.dma_semaphore, #tpu.memory_space<semaphore_mem>>) src(%dma_wait3A_1238 : memref<8x128xf32, #tpu.memory_space<hbm>>) dst(%dma_wait3A_1235 : memref<8x128xf32, #tpu.memory_space<vmem>>)
      %dma_wait3A_1239 = arith.constant 0 : i32
      %dma_wait3A_1240 = arith.constant 3 : i32
      %dma_wait3A_1241 = arith.constant 0 : i32
      %dma_wait3A_1242 = arith.constant 0 : i32
      %dma_wait3A_1243 = tpu.memref_slice %arg9[%dma_wait3A_1239, %dma_wait3A_1240, %dma_wait3A_1241, %dma_wait3A_1242] : memref<2x8x8x128xf32, #tpu.memory_space<vmem>> -> memref<1x1x8x128xf32, #tpu.memory_space<vmem>>
      %dma_wait3A_1244 = tpu.memref_squeeze %dma_wait3A_1243 : memref<1x1x8x128xf32, #tpu.memory_space<vmem>> -> memref<8x128xf32, #tpu.memory_space<vmem>>
      %dma_wait3A_1245 = arith.constant 0 : i32
      %dma_wait3A_1246 = arith.constant 0 : i32
      %dma_wait3A_1247 = tpu.memref_slice %arg4[%dma_wait3A_1245, %dma_wait3A_1246] : memref<8008x128xf32, #tpu.memory_space<hbm>> -> memref<8x128xf32, #tpu.memory_space<hbm>>
      %dma_wait3A_1248 = arith.constant 0 : i32
      %dma_wait3A_1249 = arith.constant 0 : i32
      %dma_wait3A_1250 = tpu.memref_slice %arg9[%dma_wait3A_1239, %dma_wait3A_1240, %dma_wait3A_1248, %dma_wait3A_1249] : memref<2x8x8x128xf32, #tpu.memory_space<vmem>> -> memref<1x1x8x128xf32, #tpu.memory_space<vmem>>
      %dma_wait3A_1251 = tpu.memref_squeeze %dma_wait3A_1250 : memref<1x1x8x128xf32, #tpu.memory_space<vmem>> -> memref<8x128xf32, #tpu.memory_space<vmem>>
      %dma_wait3A_1252 = arith.constant 0 : i32
      %dma_wait3A_1253 = arith.constant 0 : i32
      %dma_wait3A_1254 = tpu.memref_slice %arg4[%dma_wait3A_1252, %dma_wait3A_1253] : memref<8008x128xf32, #tpu.memory_space<hbm>> -> memref<8x128xf32, #tpu.memory_space<hbm>>
      tpu.wait_dma2 semaphore(%arg11 : memref<!tpu.dma_semaphore, #tpu.memory_space<semaphore_mem>>) src(%dma_wait3A_1254 : memref<8x128xf32, #tpu.memory_space<hbm>>) dst(%dma_wait3A_1251 : memref<8x128xf32, #tpu.memory_space<vmem>>)
      %dma_wait3A_1255 = arith.constant 0 : i32
      %dma_wait3A_1256 = arith.constant 4 : i32
      %dma_wait3A_1257 = arith.constant 0 : i32
      %dma_wait3A_1258 = arith.constant 0 : i32
      %dma_wait3A_1259 = tpu.memref_slice %arg9[%dma_wait3A_1255, %dma_wait3A_1256, %dma_wait3A_1257, %dma_wait3A_1258] : memref<2x8x8x128xf32, #tpu.memory_space<vmem>> -> memref<1x1x8x128xf32, #tpu.memory_space<vmem>>
      %dma_wait3A_1260 = tpu.memref_squeeze %dma_wait3A_1259 : memref<1x1x8x128xf32, #tpu.memory_space<vmem>> -> memref<8x128xf32, #tpu.memory_space<vmem>>
      %dma_wait3A_1261 = arith.constant 0 : i32
      %dma_wait3A_1262 = arith.constant 0 : i32
      %dma_wait3A_1263 = tpu.memref_slice %arg4[%dma_wait3A_1261, %dma_wait3A_1262] : memref<8008x128xf32, #tpu.memory_space<hbm>> -> memref<8x128xf32, #tpu.memory_space<hbm>>
      %dma_wait3A_1264 = arith.constant 0 : i32
      %dma_wait3A_1265 = arith.constant 0 : i32
      %dma_wait3A_1266 = tpu.memref_slice %arg9[%dma_wait3A_1255, %dma_wait3A_1256, %dma_wait3A_1264, %dma_wait3A_1265] : memref<2x8x8x128xf32, #tpu.memory_space<vmem>> -> memref<1x1x8x128xf32, #tpu.memory_space<vmem>>
      %dma_wait3A_1267 = tpu.memref_squeeze %dma_wait3A_1266 : memref<1x1x8x128xf32, #tpu.memory_space<vmem>> -> memref<8x128xf32, #tpu.memory_space<vmem>>
      %dma_wait3A_1268 = arith.constant 0 : i32
      %dma_wait3A_1269 = arith.constant 0 : i32
      %dma_wait3A_1270 = tpu.memref_slice %arg4[%dma_wait3A_1268, %dma_wait3A_1269] : memref<8008x128xf32, #tpu.memory_space<hbm>> -> memref<8x128xf32, #tpu.memory_space<hbm>>
      tpu.wait_dma2 semaphore(%arg11 : memref<!tpu.dma_semaphore, #tpu.memory_space<semaphore_mem>>) src(%dma_wait3A_1270 : memref<8x128xf32, #tpu.memory_space<hbm>>) dst(%dma_wait3A_1267 : memref<8x128xf32, #tpu.memory_space<vmem>>)
      %dma_wait3A_1271 = arith.constant 0 : i32
      %dma_wait3A_1272 = arith.constant 5 : i32
      %dma_wait3A_1273 = arith.constant 0 : i32
      %dma_wait3A_1274 = arith.constant 0 : i32
      %dma_wait3A_1275 = tpu.memref_slice %arg9[%dma_wait3A_1271, %dma_wait3A_1272, %dma_wait3A_1273, %dma_wait3A_1274] : memref<2x8x8x128xf32, #tpu.memory_space<vmem>> -> memref<1x1x8x128xf32, #tpu.memory_space<vmem>>
      %dma_wait3A_1276 = tpu.memref_squeeze %dma_wait3A_1275 : memref<1x1x8x128xf32, #tpu.memory_space<vmem>> -> memref<8x128xf32, #tpu.memory_space<vmem>>
      %dma_wait3A_1277 = arith.constant 0 : i32
      %dma_wait3A_1278 = arith.constant 0 : i32
      %dma_wait3A_1279 = tpu.memref_slice %arg4[%dma_wait3A_1277, %dma_wait3A_1278] : memref<8008x128xf32, #tpu.memory_space<hbm>> -> memref<8x128xf32, #tpu.memory_space<hbm>>
      %dma_wait3A_1280 = arith.constant 0 : i32
      %dma_wait3A_1281 = arith.constant 0 : i32
      %dma_wait3A_1282 = tpu.memref_slice %arg9[%dma_wait3A_1271, %dma_wait3A_1272, %dma_wait3A_1280, %dma_wait3A_1281] : memref<2x8x8x128xf32, #tpu.memory_space<vmem>> -> memref<1x1x8x128xf32, #tpu.memory_space<vmem>>
      %dma_wait3A_1283 = tpu.memref_squeeze %dma_wait3A_1282 : memref<1x1x8x128xf32, #tpu.memory_space<vmem>> -> memref<8x128xf32, #tpu.memory_space<vmem>>
      %dma_wait3A_1284 = arith.constant 0 : i32
      %dma_wait3A_1285 = arith.constant 0 : i32
      %dma_wait3A_1286 = tpu.memref_slice %arg4[%dma_wait3A_1284, %dma_wait3A_1285] : memref<8008x128xf32, #tpu.memory_space<hbm>> -> memref<8x128xf32, #tpu.memory_space<hbm>>
      tpu.wait_dma2 semaphore(%arg11 : memref<!tpu.dma_semaphore, #tpu.memory_space<semaphore_mem>>) src(%dma_wait3A_1286 : memref<8x128xf32, #tpu.memory_space<hbm>>) dst(%dma_wait3A_1283 : memref<8x128xf32, #tpu.memory_space<vmem>>)
      %dma_wait3A_1287 = arith.constant 0 : i32
      %dma_wait3A_1288 = arith.constant 6 : i32
      %dma_wait3A_1289 = arith.constant 0 : i32
      %dma_wait3A_1290 = arith.constant 0 : i32
      %dma_wait3A_1291 = tpu.memref_slice %arg9[%dma_wait3A_1287, %dma_wait3A_1288, %dma_wait3A_1289, %dma_wait3A_1290] : memref<2x8x8x128xf32, #tpu.memory_space<vmem>> -> memref<1x1x8x128xf32, #tpu.memory_space<vmem>>
      %dma_wait3A_1292 = tpu.memref_squeeze %dma_wait3A_1291 : memref<1x1x8x128xf32, #tpu.memory_space<vmem>> -> memref<8x128xf32, #tpu.memory_space<vmem>>
      %dma_wait3A_1293 = arith.constant 0 : i32
      %dma_wait3A_1294 = arith.constant 0 : i32
      %dma_wait3A_1295 = tpu.memref_slice %arg4[%dma_wait3A_1293, %dma_wait3A_1294] : memref<8008x128xf32, #tpu.memory_space<hbm>> -> memref<8x128xf32, #tpu.memory_space<hbm>>
      %dma_wait3A_1296 = arith.constant 0 : i32
      %dma_wait3A_1297 = arith.constant 0 : i32
      %dma_wait3A_1298 = tpu.memref_slice %arg9[%dma_wait3A_1287, %dma_wait3A_1288, %dma_wait3A_1296, %dma_wait3A_1297] : memref<2x8x8x128xf32, #tpu.memory_space<vmem>> -> memref<1x1x8x128xf32, #tpu.memory_space<vmem>>
      %dma_wait3A_1299 = tpu.memref_squeeze %dma_wait3A_1298 : memref<1x1x8x128xf32, #tpu.memory_space<vmem>> -> memref<8x128xf32, #tpu.memory_space<vmem>>
      %dma_wait3A_1300 = arith.constant 0 : i32
      %dma_wait3A_1301 = arith.constant 0 : i32
      %dma_wait3A_1302 = tpu.memref_slice %arg4[%dma_wait3A_1300, %dma_wait3A_1301] : memref<8008x128xf32, #tpu.memory_space<hbm>> -> memref<8x128xf32, #tpu.memory_space<hbm>>
      tpu.wait_dma2 semaphore(%arg11 : memref<!tpu.dma_semaphore, #tpu.memory_space<semaphore_mem>>) src(%dma_wait3A_1302 : memref<8x128xf32, #tpu.memory_space<hbm>>) dst(%dma_wait3A_1299 : memref<8x128xf32, #tpu.memory_space<vmem>>)
      %dma_wait3A_1303 = arith.constant 0 : i32
      %dma_wait3A_1304 = arith.constant 7 : i32
      %dma_wait3A_1305 = arith.constant 0 : i32
      %dma_wait3A_1306 = arith.constant 0 : i32
      %dma_wait3A_1307 = tpu.memref_slice %arg9[%dma_wait3A_1303, %dma_wait3A_1304, %dma_wait3A_1305, %dma_wait3A_1306] : memref<2x8x8x128xf32, #tpu.memory_space<vmem>> -> memref<1x1x8x128xf32, #tpu.memory_space<vmem>>
      %dma_wait3A_1308 = tpu.memref_squeeze %dma_wait3A_1307 : memref<1x1x8x128xf32, #tpu.memory_space<vmem>> -> memref<8x128xf32, #tpu.memory_space<vmem>>
      %dma_wait3A_1309 = arith.constant 0 : i32
      %dma_wait3A_1310 = arith.constant 0 : i32
      %dma_wait3A_1311 = tpu.memref_slice %arg4[%dma_wait3A_1309, %dma_wait3A_1310] : memref<8008x128xf32, #tpu.memory_space<hbm>> -> memref<8x128xf32, #tpu.memory_space<hbm>>
      %dma_wait3A_1312 = arith.constant 0 : i32
      %dma_wait3A_1313 = arith.constant 0 : i32
      %dma_wait3A_1314 = tpu.memref_slice %arg9[%dma_wait3A_1303, %dma_wait3A_1304, %dma_wait3A_1312, %dma_wait3A_1313] : memref<2x8x8x128xf32, #tpu.memory_space<vmem>> -> memref<1x1x8x128xf32, #tpu.memory_space<vmem>>
      %dma_wait3A_1315 = tpu.memref_squeeze %dma_wait3A_1314 : memref<1x1x8x128xf32, #tpu.memory_space<vmem>> -> memref<8x128xf32, #tpu.memory_space<vmem>>
      %dma_wait3A_1316 = arith.constant 0 : i32
      %dma_wait3A_1317 = arith.constant 0 : i32
      %dma_wait3A_1318 = tpu.memref_slice %arg4[%dma_wait3A_1316, %dma_wait3A_1317] : memref<8008x128xf32, #tpu.memory_space<hbm>> -> memref<8x128xf32, #tpu.memory_space<hbm>>
      tpu.wait_dma2 semaphore(%arg11 : memref<!tpu.dma_semaphore, #tpu.memory_space<semaphore_mem>>) src(%dma_wait3A_1318 : memref<8x128xf32, #tpu.memory_space<hbm>>) dst(%dma_wait3A_1315 : memref<8x128xf32, #tpu.memory_space<vmem>>)
      %dma_wait3A_1319 = arith.constant 1 : i32
      %dma_wait3A_1320 = arith.constant 0 : i32
      %dma_wait3A_1321 = arith.constant 0 : i32
      %dma_wait3A_1322 = arith.constant 0 : i32
      %dma_wait3A_1323 = tpu.memref_slice %arg9[%dma_wait3A_1319, %dma_wait3A_1320, %dma_wait3A_1321, %dma_wait3A_1322] : memref<2x8x8x128xf32, #tpu.memory_space<vmem>> -> memref<1x1x8x128xf32, #tpu.memory_space<vmem>>
      %dma_wait3A_1324 = tpu.memref_squeeze %dma_wait3A_1323 : memref<1x1x8x128xf32, #tpu.memory_space<vmem>> -> memref<8x128xf32, #tpu.memory_space<vmem>>
      %dma_wait3A_1325 = arith.constant 0 : i32
      %dma_wait3A_1326 = arith.constant 0 : i32
      %dma_wait3A_1327 = tpu.memref_slice %arg4[%dma_wait3A_1325, %dma_wait3A_1326] : memref<8008x128xf32, #tpu.memory_space<hbm>> -> memref<8x128xf32, #tpu.memory_space<hbm>>
      %dma_wait3A_1328 = arith.constant 0 : i32
      %dma_wait3A_1329 = arith.constant 0 : i32
      %dma_wait3A_1330 = tpu.memref_slice %arg9[%dma_wait3A_1319, %dma_wait3A_1320, %dma_wait3A_1328, %dma_wait3A_1329] : memref<2x8x8x128xf32, #tpu.memory_space<vmem>> -> memref<1x1x8x128xf32, #tpu.memory_space<vmem>>
      %dma_wait3A_1331 = tpu.memref_squeeze %dma_wait3A_1330 : memref<1x1x8x128xf32, #tpu.memory_space<vmem>> -> memref<8x128xf32, #tpu.memory_space<vmem>>
      %dma_wait3A_1332 = arith.constant 0 : i32
      %dma_wait3A_1333 = arith.constant 0 : i32
      %dma_wait3A_1334 = tpu.memref_slice %arg4[%dma_wait3A_1332, %dma_wait3A_1333] : memref<8008x128xf32, #tpu.memory_space<hbm>> -> memref<8x128xf32, #tpu.memory_space<hbm>>
      tpu.wait_dma2 semaphore(%arg11 : memref<!tpu.dma_semaphore, #tpu.memory_space<semaphore_mem>>) src(%dma_wait3A_1334 : memref<8x128xf32, #tpu.memory_space<hbm>>) dst(%dma_wait3A_1331 : memref<8x128xf32, #tpu.memory_space<vmem>>)
      %dma_wait3A_1335 = arith.constant 1 : i32
      %dma_wait3A_1336 = arith.constant 1 : i32
      %dma_wait3A_1337 = arith.constant 0 : i32
      %dma_wait3A_1338 = arith.constant 0 : i32
      %dma_wait3A_1339 = tpu.memref_slice %arg9[%dma_wait3A_1335, %dma_wait3A_1336, %dma_wait3A_1337, %dma_wait3A_1338] : memref<2x8x8x128xf32, #tpu.memory_space<vmem>> -> memref<1x1x8x128xf32, #tpu.memory_space<vmem>>
      %dma_wait3A_1340 = tpu.memref_squeeze %dma_wait3A_1339 : memref<1x1x8x128xf32, #tpu.memory_space<vmem>> -> memref<8x128xf32, #tpu.memory_space<vmem>>
      %dma_wait3A_1341 = arith.constant 0 : i32
      %dma_wait3A_1342 = arith.constant 0 : i32
      %dma_wait3A_1343 = tpu.memref_slice %arg4[%dma_wait3A_1341, %dma_wait3A_1342] : memref<8008x128xf32, #tpu.memory_space<hbm>> -> memref<8x128xf32, #tpu.memory_space<hbm>>
      %dma_wait3A_1344 = arith.constant 0 : i32
      %dma_wait3A_1345 = arith.constant 0 : i32
      %dma_wait3A_1346 = tpu.memref_slice %arg9[%dma_wait3A_1335, %dma_wait3A_1336, %dma_wait3A_1344, %dma_wait3A_1345] : memref<2x8x8x128xf32, #tpu.memory_space<vmem>> -> memref<1x1x8x128xf32, #tpu.memory_space<vmem>>
      %dma_wait3A_1347 = tpu.memref_squeeze %dma_wait3A_1346 : memref<1x1x8x128xf32, #tpu.memory_space<vmem>> -> memref<8x128xf32, #tpu.memory_space<vmem>>
      %dma_wait3A_1348 = arith.constant 0 : i32
      %dma_wait3A_1349 = arith.constant 0 : i32
      %dma_wait3A_1350 = tpu.memref_slice %arg4[%dma_wait3A_1348, %dma_wait3A_1349] : memref<8008x128xf32, #tpu.memory_space<hbm>> -> memref<8x128xf32, #tpu.memory_space<hbm>>
      tpu.wait_dma2 semaphore(%arg11 : memref<!tpu.dma_semaphore, #tpu.memory_space<semaphore_mem>>) src(%dma_wait3A_1350 : memref<8x128xf32, #tpu.memory_space<hbm>>) dst(%dma_wait3A_1347 : memref<8x128xf32, #tpu.memory_space<vmem>>)
      %dma_wait3A_1351 = arith.constant 1 : i32
      %dma_wait3A_1352 = arith.constant 2 : i32
      %dma_wait3A_1353 = arith.constant 0 : i32
      %dma_wait3A_1354 = arith.constant 0 : i32
      %dma_wait3A_1355 = tpu.memref_slice %arg9[%dma_wait3A_1351, %dma_wait3A_1352, %dma_wait3A_1353, %dma_wait3A_1354] : memref<2x8x8x128xf32, #tpu.memory_space<vmem>> -> memref<1x1x8x128xf32, #tpu.memory_space<vmem>>
      %dma_wait3A_1356 = tpu.memref_squeeze %dma_wait3A_1355 : memref<1x1x8x128xf32, #tpu.memory_space<vmem>> -> memref<8x128xf32, #tpu.memory_space<vmem>>
      %dma_wait3A_1357 = arith.constant 0 : i32
      %dma_wait3A_1358 = arith.constant 0 : i32
      %dma_wait3A_1359 = tpu.memref_slice %arg4[%dma_wait3A_1357, %dma_wait3A_1358] : memref<8008x128xf32, #tpu.memory_space<hbm>> -> memref<8x128xf32, #tpu.memory_space<hbm>>
      %dma_wait3A_1360 = arith.constant 0 : i32
      %dma_wait3A_1361 = arith.constant 0 : i32
      %dma_wait3A_1362 = tpu.memref_slice %arg9[%dma_wait3A_1351, %dma_wait3A_1352, %dma_wait3A_1360, %dma_wait3A_1361] : memref<2x8x8x128xf32, #tpu.memory_space<vmem>> -> memref<1x1x8x128xf32, #tpu.memory_space<vmem>>
      %dma_wait3A_1363 = tpu.memref_squeeze %dma_wait3A_1362 : memref<1x1x8x128xf32, #tpu.memory_space<vmem>> -> memref<8x128xf32, #tpu.memory_space<vmem>>
      %dma_wait3A_1364 = arith.constant 0 : i32
      %dma_wait3A_1365 = arith.constant 0 : i32
      %dma_wait3A_1366 = tpu.memref_slice %arg4[%dma_wait3A_1364, %dma_wait3A_1365] : memref<8008x128xf32, #tpu.memory_space<hbm>> -> memref<8x128xf32, #tpu.memory_space<hbm>>
      tpu.wait_dma2 semaphore(%arg11 : memref<!tpu.dma_semaphore, #tpu.memory_space<semaphore_mem>>) src(%dma_wait3A_1366 : memref<8x128xf32, #tpu.memory_space<hbm>>) dst(%dma_wait3A_1363 : memref<8x128xf32, #tpu.memory_space<vmem>>)
      %dma_wait3A_1367 = arith.constant 1 : i32
      %dma_wait3A_1368 = arith.constant 3 : i32
      %dma_wait3A_1369 = arith.constant 0 : i32
      %dma_wait3A_1370 = arith.constant 0 : i32
      %dma_wait3A_1371 = tpu.memref_slice %arg9[%dma_wait3A_1367, %dma_wait3A_1368, %dma_wait3A_1369, %dma_wait3A_1370] : memref<2x8x8x128xf32, #tpu.memory_space<vmem>> -> memref<1x1x8x128xf32, #tpu.memory_space<vmem>>
      %dma_wait3A_1372 = tpu.memref_squeeze %dma_wait3A_1371 : memref<1x1x8x128xf32, #tpu.memory_space<vmem>> -> memref<8x128xf32, #tpu.memory_space<vmem>>
      %dma_wait3A_1373 = arith.constant 0 : i32
      %dma_wait3A_1374 = arith.constant 0 : i32
      %dma_wait3A_1375 = tpu.memref_slice %arg4[%dma_wait3A_1373, %dma_wait3A_1374] : memref<8008x128xf32, #tpu.memory_space<hbm>> -> memref<8x128xf32, #tpu.memory_space<hbm>>
      %dma_wait3A_1376 = arith.constant 0 : i32
      %dma_wait3A_1377 = arith.constant 0 : i32
      %dma_wait3A_1378 = tpu.memref_slice %arg9[%dma_wait3A_1367, %dma_wait3A_1368, %dma_wait3A_1376, %dma_wait3A_1377] : memref<2x8x8x128xf32, #tpu.memory_space<vmem>> -> memref<1x1x8x128xf32, #tpu.memory_space<vmem>>
      %dma_wait3A_1379 = tpu.memref_squeeze %dma_wait3A_1378 : memref<1x1x8x128xf32, #tpu.memory_space<vmem>> -> memref<8x128xf32, #tpu.memory_space<vmem>>
      %dma_wait3A_1380 = arith.constant 0 : i32
      %dma_wait3A_1381 = arith.constant 0 : i32
      %dma_wait3A_1382 = tpu.memref_slice %arg4[%dma_wait3A_1380, %dma_wait3A_1381] : memref<8008x128xf32, #tpu.memory_space<hbm>> -> memref<8x128xf32, #tpu.memory_space<hbm>>
      tpu.wait_dma2 semaphore(%arg11 : memref<!tpu.dma_semaphore, #tpu.memory_space<semaphore_mem>>) src(%dma_wait3A_1382 : memref<8x128xf32, #tpu.memory_space<hbm>>) dst(%dma_wait3A_1379 : memref<8x128xf32, #tpu.memory_space<vmem>>)
      %dma_wait3A_1383 = arith.constant 1 : i32
      %dma_wait3A_1384 = arith.constant 4 : i32
      %dma_wait3A_1385 = arith.constant 0 : i32
      %dma_wait3A_1386 = arith.constant 0 : i32
      %dma_wait3A_1387 = tpu.memref_slice %arg9[%dma_wait3A_1383, %dma_wait3A_1384, %dma_wait3A_1385, %dma_wait3A_1386] : memref<2x8x8x128xf32, #tpu.memory_space<vmem>> -> memref<1x1x8x128xf32, #tpu.memory_space<vmem>>
      %dma_wait3A_1388 = tpu.memref_squeeze %dma_wait3A_1387 : memref<1x1x8x128xf32, #tpu.memory_space<vmem>> -> memref<8x128xf32, #tpu.memory_space<vmem>>
      %dma_wait3A_1389 = arith.constant 0 : i32
      %dma_wait3A_1390 = arith.constant 0 : i32
      %dma_wait3A_1391 = tpu.memref_slice %arg4[%dma_wait3A_1389, %dma_wait3A_1390] : memref<8008x128xf32, #tpu.memory_space<hbm>> -> memref<8x128xf32, #tpu.memory_space<hbm>>
      %dma_wait3A_1392 = arith.constant 0 : i32
      %dma_wait3A_1393 = arith.constant 0 : i32
      %dma_wait3A_1394 = tpu.memref_slice %arg9[%dma_wait3A_1383, %dma_wait3A_1384, %dma_wait3A_1392, %dma_wait3A_1393] : memref<2x8x8x128xf32, #tpu.memory_space<vmem>> -> memref<1x1x8x128xf32, #tpu.memory_space<vmem>>
      %dma_wait3A_1395 = tpu.memref_squeeze %dma_wait3A_1394 : memref<1x1x8x128xf32, #tpu.memory_space<vmem>> -> memref<8x128xf32, #tpu.memory_space<vmem>>
      %dma_wait3A_1396 = arith.constant 0 : i32
      %dma_wait3A_1397 = arith.constant 0 : i32
      %dma_wait3A_1398 = tpu.memref_slice %arg4[%dma_wait3A_1396, %dma_wait3A_1397] : memref<8008x128xf32, #tpu.memory_space<hbm>> -> memref<8x128xf32, #tpu.memory_space<hbm>>
      tpu.wait_dma2 semaphore(%arg11 : memref<!tpu.dma_semaphore, #tpu.memory_space<semaphore_mem>>) src(%dma_wait3A_1398 : memref<8x128xf32, #tpu.memory_space<hbm>>) dst(%dma_wait3A_1395 : memref<8x128xf32, #tpu.memory_space<vmem>>)
      %dma_wait3A_1399 = arith.constant 1 : i32
      %dma_wait3A_1400 = arith.constant 5 : i32
      %dma_wait3A_1401 = arith.constant 0 : i32
      %dma_wait3A_1402 = arith.constant 0 : i32
      %dma_wait3A_1403 = tpu.memref_slice %arg9[%dma_wait3A_1399, %dma_wait3A_1400, %dma_wait3A_1401, %dma_wait3A_1402] : memref<2x8x8x128xf32, #tpu.memory_space<vmem>> -> memref<1x1x8x128xf32, #tpu.memory_space<vmem>>
      %dma_wait3A_1404 = tpu.memref_squeeze %dma_wait3A_1403 : memref<1x1x8x128xf32, #tpu.memory_space<vmem>> -> memref<8x128xf32, #tpu.memory_space<vmem>>
      %dma_wait3A_1405 = arith.constant 0 : i32
      %dma_wait3A_1406 = arith.constant 0 : i32
      %dma_wait3A_1407 = tpu.memref_slice %arg4[%dma_wait3A_1405, %dma_wait3A_1406] : memref<8008x128xf32, #tpu.memory_space<hbm>> -> memref<8x128xf32, #tpu.memory_space<hbm>>
      %dma_wait3A_1408 = arith.constant 0 : i32
      %dma_wait3A_1409 = arith.constant 0 : i32
      %dma_wait3A_1410 = tpu.memref_slice %arg9[%dma_wait3A_1399, %dma_wait3A_1400, %dma_wait3A_1408, %dma_wait3A_1409] : memref<2x8x8x128xf32, #tpu.memory_space<vmem>> -> memref<1x1x8x128xf32, #tpu.memory_space<vmem>>
      %dma_wait3A_1411 = tpu.memref_squeeze %dma_wait3A_1410 : memref<1x1x8x128xf32, #tpu.memory_space<vmem>> -> memref<8x128xf32, #tpu.memory_space<vmem>>
      %dma_wait3A_1412 = arith.constant 0 : i32
      %dma_wait3A_1413 = arith.constant 0 : i32
      %dma_wait3A_1414 = tpu.memref_slice %arg4[%dma_wait3A_1412, %dma_wait3A_1413] : memref<8008x128xf32, #tpu.memory_space<hbm>> -> memref<8x128xf32, #tpu.memory_space<hbm>>
      tpu.wait_dma2 semaphore(%arg11 : memref<!tpu.dma_semaphore, #tpu.memory_space<semaphore_mem>>) src(%dma_wait3A_1414 : memref<8x128xf32, #tpu.memory_space<hbm>>) dst(%dma_wait3A_1411 : memref<8x128xf32, #tpu.memory_space<vmem>>)
      %dma_wait3A_1415 = arith.constant 1 : i32
      %dma_wait3A_1416 = arith.constant 6 : i32
      %dma_wait3A_1417 = arith.constant 0 : i32
      %dma_wait3A_1418 = arith.constant 0 : i32
      %dma_wait3A_1419 = tpu.memref_slice %arg9[%dma_wait3A_1415, %dma_wait3A_1416, %dma_wait3A_1417, %dma_wait3A_1418] : memref<2x8x8x128xf32, #tpu.memory_space<vmem>> -> memref<1x1x8x128xf32, #tpu.memory_space<vmem>>
      %dma_wait3A_1420 = tpu.memref_squeeze %dma_wait3A_1419 : memref<1x1x8x128xf32, #tpu.memory_space<vmem>> -> memref<8x128xf32, #tpu.memory_space<vmem>>
      %dma_wait3A_1421 = arith.constant 0 : i32
      %dma_wait3A_1422 = arith.constant 0 : i32
      %dma_wait3A_1423 = tpu.memref_slice %arg4[%dma_wait3A_1421, %dma_wait3A_1422] : memref<8008x128xf32, #tpu.memory_space<hbm>> -> memref<8x128xf32, #tpu.memory_space<hbm>>
      %dma_wait3A_1424 = arith.constant 0 : i32
      %dma_wait3A_1425 = arith.constant 0 : i32
      %dma_wait3A_1426 = tpu.memref_slice %arg9[%dma_wait3A_1415, %dma_wait3A_1416, %dma_wait3A_1424, %dma_wait3A_1425] : memref<2x8x8x128xf32, #tpu.memory_space<vmem>> -> memref<1x1x8x128xf32, #tpu.memory_space<vmem>>
      %dma_wait3A_1427 = tpu.memref_squeeze %dma_wait3A_1426 : memref<1x1x8x128xf32, #tpu.memory_space<vmem>> -> memref<8x128xf32, #tpu.memory_space<vmem>>
      %dma_wait3A_1428 = arith.constant 0 : i32
      %dma_wait3A_1429 = arith.constant 0 : i32
      %dma_wait3A_1430 = tpu.memref_slice %arg4[%dma_wait3A_1428, %dma_wait3A_1429] : memref<8008x128xf32, #tpu.memory_space<hbm>> -> memref<8x128xf32, #tpu.memory_space<hbm>>
      tpu.wait_dma2 semaphore(%arg11 : memref<!tpu.dma_semaphore, #tpu.memory_space<semaphore_mem>>) src(%dma_wait3A_1430 : memref<8x128xf32, #tpu.memory_space<hbm>>) dst(%dma_wait3A_1427 : memref<8x128xf32, #tpu.memory_space<vmem>>)
      %dma_wait3A_1431 = arith.constant 1 : i32
      %dma_wait3A_1432 = arith.constant 7 : i32
      %dma_wait3A_1433 = arith.constant 0 : i32
      %dma_wait3A_1434 = arith.constant 0 : i32
      %dma_wait3A_1435 = tpu.memref_slice %arg9[%dma_wait3A_1431, %dma_wait3A_1432, %dma_wait3A_1433, %dma_wait3A_1434] : memref<2x8x8x128xf32, #tpu.memory_space<vmem>> -> memref<1x1x8x128xf32, #tpu.memory_space<vmem>>
      %dma_wait3A_1436 = tpu.memref_squeeze %dma_wait3A_1435 : memref<1x1x8x128xf32, #tpu.memory_space<vmem>> -> memref<8x128xf32, #tpu.memory_space<vmem>>
      %dma_wait3A_1437 = arith.constant 0 : i32
      %dma_wait3A_1438 = arith.constant 0 : i32
      %dma_wait3A_1439 = tpu.memref_slice %arg4[%dma_wait3A_1437, %dma_wait3A_1438] : memref<8008x128xf32, #tpu.memory_space<hbm>> -> memref<8x128xf32, #tpu.memory_space<hbm>>
      %dma_wait3A_1440 = arith.constant 0 : i32
      %dma_wait3A_1441 = arith.constant 0 : i32
      %dma_wait3A_1442 = tpu.memref_slice %arg9[%dma_wait3A_1431, %dma_wait3A_1432, %dma_wait3A_1440, %dma_wait3A_1441] : memref<2x8x8x128xf32, #tpu.memory_space<vmem>> -> memref<1x1x8x128xf32, #tpu.memory_space<vmem>>
      %dma_wait3A_1443 = tpu.memref_squeeze %dma_wait3A_1442 : memref<1x1x8x128xf32, #tpu.memory_space<vmem>> -> memref<8x128xf32, #tpu.memory_space<vmem>>
      %dma_wait3A_1444 = arith.constant 0 : i32
      %dma_wait3A_1445 = arith.constant 0 : i32
      %dma_wait3A_1446 = tpu.memref_slice %arg4[%dma_wait3A_1444, %dma_wait3A_1445] : memref<8008x128xf32, #tpu.memory_space<hbm>> -> memref<8x128xf32, #tpu.memory_space<hbm>>
      tpu.wait_dma2 semaphore(%arg11 : memref<!tpu.dma_semaphore, #tpu.memory_space<semaphore_mem>>) src(%dma_wait3A_1446 : memref<8x128xf32, #tpu.memory_space<hbm>>) dst(%dma_wait3A_1443 : memref<8x128xf32, #tpu.memory_space<vmem>>)
      %mul3A_1447 = arith.constant 16 : i32
      %mul3A_1448 = arith.muli %add3A_1190, %mul3A_1447 : i32
      %get3A_1449 = arith.index_cast %mul3A_1448 : i32 to index
      %get3A_1450 = tpu.vector_load %arg8[%get3A_1449] {strides = array<i32>} : memref<512xi32, #tpu.memory_space<vmem>>, vector<16xi32>,
      %get3A_1451 = vector.shape_cast %get3A_1450 : vector<16xi32> to vector<16xi32>
      %slice3A_1452 = vector.extract_strided_slice %get3A_1451 {offsets = [0], sizes = [1], strides = [1]} : vector<16xi32> to vector<1xi32>
      %squeeze3A_1453 = vector.extract %slice3A_1452[0] : i32 from vector<1xi32>
      %mul3A_1454 = arith.constant 8 : i32
      %mul3A_1455 = arith.muli %squeeze3A_1453, %mul3A_1454 : i32
      %multiple_of3A_1456 = tpu.assume_multiple %mul3A_1455, 8 : i32
      %dma_start3A_1457 = arith.constant 0 : i32
      %dma_start3A_1458 = arith.constant 0 : i32
      %dma_start3A_1459 = arith.constant 0 : i32
      %dma_start3A_1460 = arith.constant 0 : i32
      %dma_start3A_1461 = tpu.memref_slice %arg10[%dma_start3A_1457, %dma_start3A_1458, %dma_start3A_1459, %dma_start3A_1460] : memref<2x8x8x128xf32, #tpu.memory_space<vmem>> -> memref<1x1x8x128xf32, #tpu.memory_space<vmem>>
      %dma_start3A_1462 = tpu.memref_squeeze %dma_start3A_1461 : memref<1x1x8x128xf32, #tpu.memory_space<vmem>> -> memref<8x128xf32, #tpu.memory_space<vmem>>
      %dma_start3A_1463 = arith.constant 0 : i32
      %dma_start3A_1464 = tpu.memref_slice %arg6[%multiple_of3A_1456, %dma_start3A_1463] : memref<8008x128xf32, #tpu.memory_space<vmem_shared>> -> memref<8x128xf32, #tpu.memory_space<vmem_shared>>
      %dma_start3A_1465 = arith.constant 0 : i32
      %dma_start3A_1466 = arith.constant 0 : i32
      %dma_start3A_1467 = tpu.memref_slice %arg10[%dma_start3A_1457, %dma_start3A_1458, %dma_start3A_1465, %dma_start3A_1466] : memref<2x8x8x128xf32, #tpu.memory_space<vmem>> -> memref<1x1x8x128xf32, #tpu.memory_space<vmem>>
      %dma_start3A_1468 = tpu.memref_squeeze %dma_start3A_1467 : memref<1x1x8x128xf32, #tpu.memory_space<vmem>> -> memref<8x128xf32, #tpu.memory_space<vmem>>
      %dma_start3A_1469 = arith.constant 0 : i32
      %dma_start3A_1470 = tpu.memref_slice %arg6[%multiple_of3A_1456, %dma_start3A_1469] : memref<8008x128xf32, #tpu.memory_space<vmem_shared>> -> memref<8x128xf32, #tpu.memory_space<vmem_shared>>
      tpu.enqueue_dma source(%dma_start3A_1470 : memref<8x128xf32, #tpu.memory_space<vmem_shared>>) target(%dma_start3A_1468 : memref<8x128xf32, #tpu.memory_space<vmem>>) target_semaphore(%arg12 : memref<!tpu.dma_semaphore, #tpu.memory_space<semaphore_mem>>)
      %slice3A_1471 = vector.extract_strided_slice %get3A_1451 {offsets = [1], sizes = [1], strides = [1]} : vector<16xi32> to vector<1xi32>
      %squeeze3A_1472 = vector.extract %slice3A_1471[0] : i32 from vector<1xi32>
      %mul3A_1473 = arith.constant 8 : i32
      %mul3A_1474 = arith.muli %squeeze3A_1472, %mul3A_1473 : i32
      %multiple_of3A_1475 = tpu.assume_multiple %mul3A_1474, 8 : i32
      %dma_start3A_1476 = arith.constant 0 : i32
      %dma_start3A_1477 = arith.constant 1 : i32
      %dma_start3A_1478 = arith.constant 0 : i32
      %dma_start3A_1479 = arith.constant 0 : i32
      %dma_start3A_1480 = tpu.memref_slice %arg10[%dma_start3A_1476, %dma_start3A_1477, %dma_start3A_1478, %dma_start3A_1479] : memref<2x8x8x128xf32, #tpu.memory_space<vmem>> -> memref<1x1x8x128xf32, #tpu.memory_space<vmem>>
      %dma_start3A_1481 = tpu.memref_squeeze %dma_start3A_1480 : memref<1x1x8x128xf32, #tpu.memory_space<vmem>> -> memref<8x128xf32, #tpu.memory_space<vmem>>
      %dma_start3A_1482 = arith.constant 0 : i32
      %dma_start3A_1483 = tpu.memref_slice %arg6[%multiple_of3A_1475, %dma_start3A_1482] : memref<8008x128xf32, #tpu.memory_space<vmem_shared>> -> memref<8x128xf32, #tpu.memory_space<vmem_shared>>
      %dma_start3A_1484 = arith.constant 0 : i32
      %dma_start3A_1485 = arith.constant 0 : i32
      %dma_start3A_1486 = tpu.memref_slice %arg10[%dma_start3A_1476, %dma_start3A_1477, %dma_start3A_1484, %dma_start3A_1485] : memref<2x8x8x128xf32, #tpu.memory_space<vmem>> -> memref<1x1x8x128xf32, #tpu.memory_space<vmem>>
      %dma_start3A_1487 = tpu.memref_squeeze %dma_start3A_1486 : memref<1x1x8x128xf32, #tpu.memory_space<vmem>> -> memref<8x128xf32, #tpu.memory_space<vmem>>
      %dma_start3A_1488 = arith.constant 0 : i32
      %dma_start3A_1489 = tpu.memref_slice %arg6[%multiple_of3A_1475, %dma_start3A_1488] : memref<8008x128xf32, #tpu.memory_space<vmem_shared>> -> memref<8x128xf32, #tpu.memory_space<vmem_shared>>
      tpu.enqueue_dma source(%dma_start3A_1489 : memref<8x128xf32, #tpu.memory_space<vmem_shared>>) target(%dma_start3A_1487 : memref<8x128xf32, #tpu.memory_space<vmem>>) target_semaphore(%arg12 : memref<!tpu.dma_semaphore, #tpu.memory_space<semaphore_mem>>)
      %slice3A_1490 = vector.extract_strided_slice %get3A_1451 {offsets = [2], sizes = [1], strides = [1]} : vector<16xi32> to vector<1xi32>
      %squeeze3A_1491 = vector.extract %slice3A_1490[0] : i32 from vector<1xi32>
      %mul3A_1492 = arith.constant 8 : i32
      %mul3A_1493 = arith.muli %squeeze3A_1491, %mul3A_1492 : i32
      %multiple_of3A_1494 = tpu.assume_multiple %mul3A_1493, 8 : i32
      %dma_start3A_1495 = arith.constant 0 : i32
      %dma_start3A_1496 = arith.constant 2 : i32
      %dma_start3A_1497 = arith.constant 0 : i32
      %dma_start3A_1498 = arith.constant 0 : i32
      %dma_start3A_1499 = tpu.memref_slice %arg10[%dma_start3A_1495, %dma_start3A_1496, %dma_start3A_1497, %dma_start3A_1498] : memref<2x8x8x128xf32, #tpu.memory_space<vmem>> -> memref<1x1x8x128xf32, #tpu.memory_space<vmem>>
      %dma_start3A_1500 = tpu.memref_squeeze %dma_start3A_1499 : memref<1x1x8x128xf32, #tpu.memory_space<vmem>> -> memref<8x128xf32, #tpu.memory_space<vmem>>
      %dma_start3A_1501 = arith.constant 0 : i32
      %dma_start3A_1502 = tpu.memref_slice %arg6[%multiple_of3A_1494, %dma_start3A_1501] : memref<8008x128xf32, #tpu.memory_space<vmem_shared>> -> memref<8x128xf32, #tpu.memory_space<vmem_shared>>
      %dma_start3A_1503 = arith.constant 0 : i32
      %dma_start3A_1504 = arith.constant 0 : i32
      %dma_start3A_1505 = tpu.memref_slice %arg10[%dma_start3A_1495, %dma_start3A_1496, %dma_start3A_1503, %dma_start3A_1504] : memref<2x8x8x128xf32, #tpu.memory_space<vmem>> -> memref<1x1x8x128xf32, #tpu.memory_space<vmem>>
      %dma_start3A_1506 = tpu.memref_squeeze %dma_start3A_1505 : memref<1x1x8x128xf32, #tpu.memory_space<vmem>> -> memref<8x128xf32, #tpu.memory_space<vmem>>
      %dma_start3A_1507 = arith.constant 0 : i32
      %dma_start3A_1508 = tpu.memref_slice %arg6[%multiple_of3A_1494, %dma_start3A_1507] : memref<8008x128xf32, #tpu.memory_space<vmem_shared>> -> memref<8x128xf32, #tpu.memory_space<vmem_shared>>
      tpu.enqueue_dma source(%dma_start3A_1508 : memref<8x128xf32, #tpu.memory_space<vmem_shared>>) target(%dma_start3A_1506 : memref<8x128xf32, #tpu.memory_space<vmem>>) target_semaphore(%arg12 : memref<!tpu.dma_semaphore, #tpu.memory_space<semaphore_mem>>)
      %slice3A_1509 = vector.extract_strided_slice %get3A_1451 {offsets = [3], sizes = [1], strides = [1]} : vector<16xi32> to vector<1xi32>
      %squeeze3A_1510 = vector.extract %slice3A_1509[0] : i32 from vector<1xi32>
      %mul3A_1511 = arith.constant 8 : i32
      %mul3A_1512 = arith.muli %squeeze3A_1510, %mul3A_1511 : i32
      %multiple_of3A_1513 = tpu.assume_multiple %mul3A_1512, 8 : i32
      %dma_start3A_1514 = arith.constant 0 : i32
      %dma_start3A_1515 = arith.constant 3 : i32
      %dma_start3A_1516 = arith.constant 0 : i32
      %dma_start3A_1517 = arith.constant 0 : i32
      %dma_start3A_1518 = tpu.memref_slice %arg10[%dma_start3A_1514, %dma_start3A_1515, %dma_start3A_1516, %dma_start3A_1517] : memref<2x8x8x128xf32, #tpu.memory_space<vmem>> -> memref<1x1x8x128xf32, #tpu.memory_space<vmem>>
      %dma_start3A_1519 = tpu.memref_squeeze %dma_start3A_1518 : memref<1x1x8x128xf32, #tpu.memory_space<vmem>> -> memref<8x128xf32, #tpu.memory_space<vmem>>
      %dma_start3A_1520 = arith.constant 0 : i32
      %dma_start3A_1521 = tpu.memref_slice %arg6[%multiple_of3A_1513, %dma_start3A_1520] : memref<8008x128xf32, #tpu.memory_space<vmem_shared>> -> memref<8x128xf32, #tpu.memory_space<vmem_shared>>
      %dma_start3A_1522 = arith.constant 0 : i32
      %dma_start3A_1523 = arith.constant 0 : i32
      %dma_start3A_1524 = tpu.memref_slice %arg10[%dma_start3A_1514, %dma_start3A_1515, %dma_start3A_1522, %dma_start3A_1523] : memref<2x8x8x128xf32, #tpu.memory_space<vmem>> -> memref<1x1x8x128xf32, #tpu.memory_space<vmem>>
      %dma_start3A_1525 = tpu.memref_squeeze %dma_start3A_1524 : memref<1x1x8x128xf32, #tpu.memory_space<vmem>> -> memref<8x128xf32, #tpu.memory_space<vmem>>
      %dma_start3A_1526 = arith.constant 0 : i32
      %dma_start3A_1527 = tpu.memref_slice %arg6[%multiple_of3A_1513, %dma_start3A_1526] : memref<8008x128xf32, #tpu.memory_space<vmem_shared>> -> memref<8x128xf32, #tpu.memory_space<vmem_shared>>
      tpu.enqueue_dma source(%dma_start3A_1527 : memref<8x128xf32, #tpu.memory_space<vmem_shared>>) target(%dma_start3A_1525 : memref<8x128xf32, #tpu.memory_space<vmem>>) target_semaphore(%arg12 : memref<!tpu.dma_semaphore, #tpu.memory_space<semaphore_mem>>)
      %slice3A_1528 = vector.extract_strided_slice %get3A_1451 {offsets = [4], sizes = [1], strides = [1]} : vector<16xi32> to vector<1xi32>
      %squeeze3A_1529 = vector.extract %slice3A_1528[0] : i32 from vector<1xi32>
      %mul3A_1530 = arith.constant 8 : i32
      %mul3A_1531 = arith.muli %squeeze3A_1529, %mul3A_1530 : i32
      %multiple_of3A_1532 = tpu.assume_multiple %mul3A_1531, 8 : i32
      %dma_start3A_1533 = arith.constant 0 : i32
      %dma_start3A_1534 = arith.constant 4 : i32
      %dma_start3A_1535 = arith.constant 0 : i32
      %dma_start3A_1536 = arith.constant 0 : i32
      %dma_start3A_1537 = tpu.memref_slice %arg10[%dma_start3A_1533, %dma_start3A_1534, %dma_start3A_1535, %dma_start3A_1536] : memref<2x8x8x128xf32, #tpu.memory_space<vmem>> -> memref<1x1x8x128xf32, #tpu.memory_space<vmem>>
      %dma_start3A_1538 = tpu.memref_squeeze %dma_start3A_1537 : memref<1x1x8x128xf32, #tpu.memory_space<vmem>> -> memref<8x128xf32, #tpu.memory_space<vmem>>
      %dma_start3A_1539 = arith.constant 0 : i32
      %dma_start3A_1540 = tpu.memref_slice %arg6[%multiple_of3A_1532, %dma_start3A_1539] : memref<8008x128xf32, #tpu.memory_space<vmem_shared>> -> memref<8x128xf32, #tpu.memory_space<vmem_shared>>
      %dma_start3A_1541 = arith.constant 0 : i32
      %dma_start3A_1542 = arith.constant 0 : i32
      %dma_start3A_1543 = tpu.memref_slice %arg10[%dma_start3A_1533, %dma_start3A_1534, %dma_start3A_1541, %dma_start3A_1542] : memref<2x8x8x128xf32, #tpu.memory_space<vmem>> -> memref<1x1x8x128xf32, #tpu.memory_space<vmem>>
      %dma_start3A_1544 = tpu.memref_squeeze %dma_start3A_1543 : memref<1x1x8x128xf32, #tpu.memory_space<vmem>> -> memref<8x128xf32, #tpu.memory_space<vmem>>
      %dma_start3A_1545 = arith.constant 0 : i32
      %dma_start3A_1546 = tpu.memref_slice %arg6[%multiple_of3A_1532, %dma_start3A_1545] : memref<8008x128xf32, #tpu.memory_space<vmem_shared>> -> memref<8x128xf32, #tpu.memory_space<vmem_shared>>
      tpu.enqueue_dma source(%dma_start3A_1546 : memref<8x128xf32, #tpu.memory_space<vmem_shared>>) target(%dma_start3A_1544 : memref<8x128xf32, #tpu.memory_space<vmem>>) target_semaphore(%arg12 : memref<!tpu.dma_semaphore, #tpu.memory_space<semaphore_mem>>)
      %slice3A_1547 = vector.extract_strided_slice %get3A_1451 {offsets = [5], sizes = [1], strides = [1]} : vector<16xi32> to vector<1xi32>
      %squeeze3A_1548 = vector.extract %slice3A_1547[0] : i32 from vector<1xi32>
      %mul3A_1549 = arith.constant 8 : i32
      %mul3A_1550 = arith.muli %squeeze3A_1548, %mul3A_1549 : i32
      %multiple_of3A_1551 = tpu.assume_multiple %mul3A_1550, 8 : i32
      %dma_start3A_1552 = arith.constant 0 : i32
      %dma_start3A_1553 = arith.constant 5 : i32
      %dma_start3A_1554 = arith.constant 0 : i32
      %dma_start3A_1555 = arith.constant 0 : i32
      %dma_start3A_1556 = tpu.memref_slice %arg10[%dma_start3A_1552, %dma_start3A_1553, %dma_start3A_1554, %dma_start3A_1555] : memref<2x8x8x128xf32, #tpu.memory_space<vmem>> -> memref<1x1x8x128xf32, #tpu.memory_space<vmem>>
      %dma_start3A_1557 = tpu.memref_squeeze %dma_start3A_1556 : memref<1x1x8x128xf32, #tpu.memory_space<vmem>> -> memref<8x128xf32, #tpu.memory_space<vmem>>
      %dma_start3A_1558 = arith.constant 0 : i32
      %dma_start3A_1559 = tpu.memref_slice %arg6[%multiple_of3A_1551, %dma_start3A_1558] : memref<8008x128xf32, #tpu.memory_space<vmem_shared>> -> memref<8x128xf32, #tpu.memory_space<vmem_shared>>
      %dma_start3A_1560 = arith.constant 0 : i32
      %dma_start3A_1561 = arith.constant 0 : i32
      %dma_start3A_1562 = tpu.memref_slice %arg10[%dma_start3A_1552, %dma_start3A_1553, %dma_start3A_1560, %dma_start3A_1561] : memref<2x8x8x128xf32, #tpu.memory_space<vmem>> -> memref<1x1x8x128xf32, #tpu.memory_space<vmem>>
      %dma_start3A_1563 = tpu.memref_squeeze %dma_start3A_1562 : memref<1x1x8x128xf32, #tpu.memory_space<vmem>> -> memref<8x128xf32, #tpu.memory_space<vmem>>
      %dma_start3A_1564 = arith.constant 0 : i32
      %dma_start3A_1565 = tpu.memref_slice %arg6[%multiple_of3A_1551, %dma_start3A_1564] : memref<8008x128xf32, #tpu.memory_space<vmem_shared>> -> memref<8x128xf32, #tpu.memory_space<vmem_shared>>
      tpu.enqueue_dma source(%dma_start3A_1565 : memref<8x128xf32, #tpu.memory_space<vmem_shared>>) target(%dma_start3A_1563 : memref<8x128xf32, #tpu.memory_space<vmem>>) target_semaphore(%arg12 : memref<!tpu.dma_semaphore, #tpu.memory_space<semaphore_mem>>)
      %slice3A_1566 = vector.extract_strided_slice %get3A_1451 {offsets = [6], sizes = [1], strides = [1]} : vector<16xi32> to vector<1xi32>
      %squeeze3A_1567 = vector.extract %slice3A_1566[0] : i32 from vector<1xi32>
      %mul3A_1568 = arith.constant 8 : i32
      %mul3A_1569 = arith.muli %squeeze3A_1567, %mul3A_1568 : i32
      %multiple_of3A_1570 = tpu.assume_multiple %mul3A_1569, 8 : i32
      %dma_start3A_1571 = arith.constant 0 : i32
      %dma_start3A_1572 = arith.constant 6 : i32
      %dma_start3A_1573 = arith.constant 0 : i32
      %dma_start3A_1574 = arith.constant 0 : i32
      %dma_start3A_1575 = tpu.memref_slice %arg10[%dma_start3A_1571, %dma_start3A_1572, %dma_start3A_1573, %dma_start3A_1574] : memref<2x8x8x128xf32, #tpu.memory_space<vmem>> -> memref<1x1x8x128xf32, #tpu.memory_space<vmem>>
      %dma_start3A_1576 = tpu.memref_squeeze %dma_start3A_1575 : memref<1x1x8x128xf32, #tpu.memory_space<vmem>> -> memref<8x128xf32, #tpu.memory_space<vmem>>
      %dma_start3A_1577 = arith.constant 0 : i32
      %dma_start3A_1578 = tpu.memref_slice %arg6[%multiple_of3A_1570, %dma_start3A_1577] : memref<8008x128xf32, #tpu.memory_space<vmem_shared>> -> memref<8x128xf32, #tpu.memory_space<vmem_shared>>
      %dma_start3A_1579 = arith.constant 0 : i32
      %dma_start3A_1580 = arith.constant 0 : i32
      %dma_start3A_1581 = tpu.memref_slice %arg10[%dma_start3A_1571, %dma_start3A_1572, %dma_start3A_1579, %dma_start3A_1580] : memref<2x8x8x128xf32, #tpu.memory_space<vmem>> -> memref<1x1x8x128xf32, #tpu.memory_space<vmem>>
      %dma_start3A_1582 = tpu.memref_squeeze %dma_start3A_1581 : memref<1x1x8x128xf32, #tpu.memory_space<vmem>> -> memref<8x128xf32, #tpu.memory_space<vmem>>
      %dma_start3A_1583 = arith.constant 0 : i32
      %dma_start3A_1584 = tpu.memref_slice %arg6[%multiple_of3A_1570, %dma_start3A_1583] : memref<8008x128xf32, #tpu.memory_space<vmem_shared>> -> memref<8x128xf32, #tpu.memory_space<vmem_shared>>
      tpu.enqueue_dma source(%dma_start3A_1584 : memref<8x128xf32, #tpu.memory_space<vmem_shared>>) target(%dma_start3A_1582 : memref<8x128xf32, #tpu.memory_space<vmem>>) target_semaphore(%arg12 : memref<!tpu.dma_semaphore, #tpu.memory_space<semaphore_mem>>)
      %slice3A_1585 = vector.extract_strided_slice %get3A_1451 {offsets = [7], sizes = [1], strides = [1]} : vector<16xi32> to vector<1xi32>
      %squeeze3A_1586 = vector.extract %slice3A_1585[0] : i32 from vector<1xi32>
      %mul3A_1587 = arith.constant 8 : i32
      %mul3A_1588 = arith.muli %squeeze3A_1586, %mul3A_1587 : i32
      %multiple_of3A_1589 = tpu.assume_multiple %mul3A_1588, 8 : i32
      %dma_start3A_1590 = arith.constant 0 : i32
      %dma_start3A_1591 = arith.constant 7 : i32
      %dma_start3A_1592 = arith.constant 0 : i32
      %dma_start3A_1593 = arith.constant 0 : i32
      %dma_start3A_1594 = tpu.memref_slice %arg10[%dma_start3A_1590, %dma_start3A_1591, %dma_start3A_1592, %dma_start3A_1593] : memref<2x8x8x128xf32, #tpu.memory_space<vmem>> -> memref<1x1x8x128xf32, #tpu.memory_space<vmem>>
      %dma_start3A_1595 = tpu.memref_squeeze %dma_start3A_1594 : memref<1x1x8x128xf32, #tpu.memory_space<vmem>> -> memref<8x128xf32, #tpu.memory_space<vmem>>
      %dma_start3A_1596 = arith.constant 0 : i32
      %dma_start3A_1597 = tpu.memref_slice %arg6[%multiple_of3A_1589, %dma_start3A_1596] : memref<8008x128xf32, #tpu.memory_space<vmem_shared>> -> memref<8x128xf32, #tpu.memory_space<vmem_shared>>
      %dma_start3A_1598 = arith.constant 0 : i32
      %dma_start3A_1599 = arith.constant 0 : i32
      %dma_start3A_1600 = tpu.memref_slice %arg10[%dma_start3A_1590, %dma_start3A_1591, %dma_start3A_1598, %dma_start3A_1599] : memref<2x8x8x128xf32, #tpu.memory_space<vmem>> -> memref<1x1x8x128xf32, #tpu.memory_space<vmem>>
      %dma_start3A_1601 = tpu.memref_squeeze %dma_start3A_1600 : memref<1x1x8x128xf32, #tpu.memory_space<vmem>> -> memref<8x128xf32, #tpu.memory_space<vmem>>
      %dma_start3A_1602 = arith.constant 0 : i32
      %dma_start3A_1603 = tpu.memref_slice %arg6[%multiple_of3A_1589, %dma_start3A_1602] : memref<8008x128xf32, #tpu.memory_space<vmem_shared>> -> memref<8x128xf32, #tpu.memory_space<vmem_shared>>
      tpu.enqueue_dma source(%dma_start3A_1603 : memref<8x128xf32, #tpu.memory_space<vmem_shared>>) target(%dma_start3A_1601 : memref<8x128xf32, #tpu.memory_space<vmem>>) target_semaphore(%arg12 : memref<!tpu.dma_semaphore, #tpu.memory_space<semaphore_mem>>)
      %slice3A_1604 = vector.extract_strided_slice %get3A_1451 {offsets = [8], sizes = [1], strides = [1]} : vector<16xi32> to vector<1xi32>
      %squeeze3A_1605 = vector.extract %slice3A_1604[0] : i32 from vector<1xi32>
      %mul3A_1606 = arith.constant 8 : i32
      %mul3A_1607 = arith.muli %squeeze3A_1605, %mul3A_1606 : i32
      %multiple_of3A_1608 = tpu.assume_multiple %mul3A_1607, 8 : i32
      %dma_start3A_1609 = arith.constant 1 : i32
      %dma_start3A_1610 = arith.constant 0 : i32
      %dma_start3A_1611 = arith.constant 0 : i32
      %dma_start3A_1612 = arith.constant 0 : i32
      %dma_start3A_1613 = tpu.memref_slice %arg10[%dma_start3A_1609, %dma_start3A_1610, %dma_start3A_1611, %dma_start3A_1612] : memref<2x8x8x128xf32, #tpu.memory_space<vmem>> -> memref<1x1x8x128xf32, #tpu.memory_space<vmem>>
      %dma_start3A_1614 = tpu.memref_squeeze %dma_start3A_1613 : memref<1x1x8x128xf32, #tpu.memory_space<vmem>> -> memref<8x128xf32, #tpu.memory_space<vmem>>
      %dma_start3A_1615 = arith.constant 0 : i32
      %dma_start3A_1616 = tpu.memref_slice %arg6[%multiple_of3A_1608, %dma_start3A_1615] : memref<8008x128xf32, #tpu.memory_space<vmem_shared>> -> memref<8x128xf32, #tpu.memory_space<vmem_shared>>
      %dma_start3A_1617 = arith.constant 0 : i32
      %dma_start3A_1618 = arith.constant 0 : i32
      %dma_start3A_1619 = tpu.memref_slice %arg10[%dma_start3A_1609, %dma_start3A_1610, %dma_start3A_1617, %dma_start3A_1618] : memref<2x8x8x128xf32, #tpu.memory_space<vmem>> -> memref<1x1x8x128xf32, #tpu.memory_space<vmem>>
      %dma_start3A_1620 = tpu.memref_squeeze %dma_start3A_1619 : memref<1x1x8x128xf32, #tpu.memory_space<vmem>> -> memref<8x128xf32, #tpu.memory_space<vmem>>
      %dma_start3A_1621 = arith.constant 0 : i32
      %dma_start3A_1622 = tpu.memref_slice %arg6[%multiple_of3A_1608, %dma_start3A_1621] : memref<8008x128xf32, #tpu.memory_space<vmem_shared>> -> memref<8x128xf32, #tpu.memory_space<vmem_shared>>
      tpu.enqueue_dma source(%dma_start3A_1622 : memref<8x128xf32, #tpu.memory_space<vmem_shared>>) target(%dma_start3A_1620 : memref<8x128xf32, #tpu.memory_space<vmem>>) target_semaphore(%arg12 : memref<!tpu.dma_semaphore, #tpu.memory_space<semaphore_mem>>)
      %slice3A_1623 = vector.extract_strided_slice %get3A_1451 {offsets = [9], sizes = [1], strides = [1]} : vector<16xi32> to vector<1xi32>
      %squeeze3A_1624 = vector.extract %slice3A_1623[0] : i32 from vector<1xi32>
      %mul3A_1625 = arith.constant 8 : i32
      %mul3A_1626 = arith.muli %squeeze3A_1624, %mul3A_1625 : i32
      %multiple_of3A_1627 = tpu.assume_multiple %mul3A_1626, 8 : i32
      %dma_start3A_1628 = arith.constant 1 : i32
      %dma_start3A_1629 = arith.constant 1 : i32
      %dma_start3A_1630 = arith.constant 0 : i32
      %dma_start3A_1631 = arith.constant 0 : i32
      %dma_start3A_1632 = tpu.memref_slice %arg10[%dma_start3A_1628, %dma_start3A_1629, %dma_start3A_1630, %dma_start3A_1631] : memref<2x8x8x128xf32, #tpu.memory_space<vmem>> -> memref<1x1x8x128xf32, #tpu.memory_space<vmem>>
      %dma_start3A_1633 = tpu.memref_squeeze %dma_start3A_1632 : memref<1x1x8x128xf32, #tpu.memory_space<vmem>> -> memref<8x128xf32, #tpu.memory_space<vmem>>
      %dma_start3A_1634 = arith.constant 0 : i32
      %dma_start3A_1635 = tpu.memref_slice %arg6[%multiple_of3A_1627, %dma_start3A_1634] : memref<8008x128xf32, #tpu.memory_space<vmem_shared>> -> memref<8x128xf32, #tpu.memory_space<vmem_shared>>
      %dma_start3A_1636 = arith.constant 0 : i32
      %dma_start3A_1637 = arith.constant 0 : i32
      %dma_start3A_1638 = tpu.memref_slice %arg10[%dma_start3A_1628, %dma_start3A_1629, %dma_start3A_1636, %dma_start3A_1637] : memref<2x8x8x128xf32, #tpu.memory_space<vmem>> -> memref<1x1x8x128xf32, #tpu.memory_space<vmem>>
      %dma_start3A_1639 = tpu.memref_squeeze %dma_start3A_1638 : memref<1x1x8x128xf32, #tpu.memory_space<vmem>> -> memref<8x128xf32, #tpu.memory_space<vmem>>
      %dma_start3A_1640 = arith.constant 0 : i32
      %dma_start3A_1641 = tpu.memref_slice %arg6[%multiple_of3A_1627, %dma_start3A_1640] : memref<8008x128xf32, #tpu.memory_space<vmem_shared>> -> memref<8x128xf32, #tpu.memory_space<vmem_shared>>
      tpu.enqueue_dma source(%dma_start3A_1641 : memref<8x128xf32, #tpu.memory_space<vmem_shared>>) target(%dma_start3A_1639 : memref<8x128xf32, #tpu.memory_space<vmem>>) target_semaphore(%arg12 : memref<!tpu.dma_semaphore, #tpu.memory_space<semaphore_mem>>)
      %slice3A_1642 = vector.extract_strided_slice %get3A_1451 {offsets = [10], sizes = [1], strides = [1]} : vector<16xi32> to vector<1xi32>
      %squeeze3A_1643 = vector.extract %slice3A_1642[0] : i32 from vector<1xi32>
      %mul3A_1644 = arith.constant 8 : i32
      %mul3A_1645 = arith.muli %squeeze3A_1643, %mul3A_1644 : i32
      %multiple_of3A_1646 = tpu.assume_multiple %mul3A_1645, 8 : i32
      %dma_start3A_1647 = arith.constant 1 : i32
      %dma_start3A_1648 = arith.constant 2 : i32
      %dma_start3A_1649 = arith.constant 0 : i32
      %dma_start3A_1650 = arith.constant 0 : i32
      %dma_start3A_1651 = tpu.memref_slice %arg10[%dma_start3A_1647, %dma_start3A_1648, %dma_start3A_1649, %dma_start3A_1650] : memref<2x8x8x128xf32, #tpu.memory_space<vmem>> -> memref<1x1x8x128xf32, #tpu.memory_space<vmem>>
      %dma_start3A_1652 = tpu.memref_squeeze %dma_start3A_1651 : memref<1x1x8x128xf32, #tpu.memory_space<vmem>> -> memref<8x128xf32, #tpu.memory_space<vmem>>
      %dma_start3A_1653 = arith.constant 0 : i32
      %dma_start3A_1654 = tpu.memref_slice %arg6[%multiple_of3A_1646, %dma_start3A_1653] : memref<8008x128xf32, #tpu.memory_space<vmem_shared>> -> memref<8x128xf32, #tpu.memory_space<vmem_shared>>
      %dma_start3A_1655 = arith.constant 0 : i32
      %dma_start3A_1656 = arith.constant 0 : i32
      %dma_start3A_1657 = tpu.memref_slice %arg10[%dma_start3A_1647, %dma_start3A_1648, %dma_start3A_1655, %dma_start3A_1656] : memref<2x8x8x128xf32, #tpu.memory_space<vmem>> -> memref<1x1x8x128xf32, #tpu.memory_space<vmem>>
      %dma_start3A_1658 = tpu.memref_squeeze %dma_start3A_1657 : memref<1x1x8x128xf32, #tpu.memory_space<vmem>> -> memref<8x128xf32, #tpu.memory_space<vmem>>
      %dma_start3A_1659 = arith.constant 0 : i32
      %dma_start3A_1660 = tpu.memref_slice %arg6[%multiple_of3A_1646, %dma_start3A_1659] : memref<8008x128xf32, #tpu.memory_space<vmem_shared>> -> memref<8x128xf32, #tpu.memory_space<vmem_shared>>
      tpu.enqueue_dma source(%dma_start3A_1660 : memref<8x128xf32, #tpu.memory_space<vmem_shared>>) target(%dma_start3A_1658 : memref<8x128xf32, #tpu.memory_space<vmem>>) target_semaphore(%arg12 : memref<!tpu.dma_semaphore, #tpu.memory_space<semaphore_mem>>)
      %slice3A_1661 = vector.extract_strided_slice %get3A_1451 {offsets = [11], sizes = [1], strides = [1]} : vector<16xi32> to vector<1xi32>
      %squeeze3A_1662 = vector.extract %slice3A_1661[0] : i32 from vector<1xi32>
      %mul3A_1663 = arith.constant 8 : i32
      %mul3A_1664 = arith.muli %squeeze3A_1662, %mul3A_1663 : i32
      %multiple_of3A_1665 = tpu.assume_multiple %mul3A_1664, 8 : i32
      %dma_start3A_1666 = arith.constant 1 : i32
      %dma_start3A_1667 = arith.constant 3 : i32
      %dma_start3A_1668 = arith.constant 0 : i32
      %dma_start3A_1669 = arith.constant 0 : i32
      %dma_start3A_1670 = tpu.memref_slice %arg10[%dma_start3A_1666, %dma_start3A_1667, %dma_start3A_1668, %dma_start3A_1669] : memref<2x8x8x128xf32, #tpu.memory_space<vmem>> -> memref<1x1x8x128xf32, #tpu.memory_space<vmem>>
      %dma_start3A_1671 = tpu.memref_squeeze %dma_start3A_1670 : memref<1x1x8x128xf32, #tpu.memory_space<vmem>> -> memref<8x128xf32, #tpu.memory_space<vmem>>
      %dma_start3A_1672 = arith.constant 0 : i32
      %dma_start3A_1673 = tpu.memref_slice %arg6[%multiple_of3A_1665, %dma_start3A_1672] : memref<8008x128xf32, #tpu.memory_space<vmem_shared>> -> memref<8x128xf32, #tpu.memory_space<vmem_shared>>
      %dma_start3A_1674 = arith.constant 0 : i32
      %dma_start3A_1675 = arith.constant 0 : i32
      %dma_start3A_1676 = tpu.memref_slice %arg10[%dma_start3A_1666, %dma_start3A_1667, %dma_start3A_1674, %dma_start3A_1675] : memref<2x8x8x128xf32, #tpu.memory_space<vmem>> -> memref<1x1x8x128xf32, #tpu.memory_space<vmem>>
      %dma_start3A_1677 = tpu.memref_squeeze %dma_start3A_1676 : memref<1x1x8x128xf32, #tpu.memory_space<vmem>> -> memref<8x128xf32, #tpu.memory_space<vmem>>
      %dma_start3A_1678 = arith.constant 0 : i32
      %dma_start3A_1679 = tpu.memref_slice %arg6[%multiple_of3A_1665, %dma_start3A_1678] : memref<8008x128xf32, #tpu.memory_space<vmem_shared>> -> memref<8x128xf32, #tpu.memory_space<vmem_shared>>
      tpu.enqueue_dma source(%dma_start3A_1679 : memref<8x128xf32, #tpu.memory_space<vmem_shared>>) target(%dma_start3A_1677 : memref<8x128xf32, #tpu.memory_space<vmem>>) target_semaphore(%arg12 : memref<!tpu.dma_semaphore, #tpu.memory_space<semaphore_mem>>)
      %slice3A_1680 = vector.extract_strided_slice %get3A_1451 {offsets = [12], sizes = [1], strides = [1]} : vector<16xi32> to vector<1xi32>
      %squeeze3A_1681 = vector.extract %slice3A_1680[0] : i32 from vector<1xi32>
      %mul3A_1682 = arith.constant 8 : i32
      %mul3A_1683 = arith.muli %squeeze3A_1681, %mul3A_1682 : i32
      %multiple_of3A_1684 = tpu.assume_multiple %mul3A_1683, 8 : i32
      %dma_start3A_1685 = arith.constant 1 : i32
      %dma_start3A_1686 = arith.constant 4 : i32
      %dma_start3A_1687 = arith.constant 0 : i32
      %dma_start3A_1688 = arith.constant 0 : i32
      %dma_start3A_1689 = tpu.memref_slice %arg10[%dma_start3A_1685, %dma_start3A_1686, %dma_start3A_1687, %dma_start3A_1688] : memref<2x8x8x128xf32, #tpu.memory_space<vmem>> -> memref<1x1x8x128xf32, #tpu.memory_space<vmem>>
      %dma_start3A_1690 = tpu.memref_squeeze %dma_start3A_1689 : memref<1x1x8x128xf32, #tpu.memory_space<vmem>> -> memref<8x128xf32, #tpu.memory_space<vmem>>
      %dma_start3A_1691 = arith.constant 0 : i32
      %dma_start3A_1692 = tpu.memref_slice %arg6[%multiple_of3A_1684, %dma_start3A_1691] : memref<8008x128xf32, #tpu.memory_space<vmem_shared>> -> memref<8x128xf32, #tpu.memory_space<vmem_shared>>
      %dma_start3A_1693 = arith.constant 0 : i32
      %dma_start3A_1694 = arith.constant 0 : i32
      %dma_start3A_1695 = tpu.memref_slice %arg10[%dma_start3A_1685, %dma_start3A_1686, %dma_start3A_1693, %dma_start3A_1694] : memref<2x8x8x128xf32, #tpu.memory_space<vmem>> -> memref<1x1x8x128xf32, #tpu.memory_space<vmem>>
      %dma_start3A_1696 = tpu.memref_squeeze %dma_start3A_1695 : memref<1x1x8x128xf32, #tpu.memory_space<vmem>> -> memref<8x128xf32, #tpu.memory_space<vmem>>
      %dma_start3A_1697 = arith.constant 0 : i32
      %dma_start3A_1698 = tpu.memref_slice %arg6[%multiple_of3A_1684, %dma_start3A_1697] : memref<8008x128xf32, #tpu.memory_space<vmem_shared>> -> memref<8x128xf32, #tpu.memory_space<vmem_shared>>
      tpu.enqueue_dma source(%dma_start3A_1698 : memref<8x128xf32, #tpu.memory_space<vmem_shared>>) target(%dma_start3A_1696 : memref<8x128xf32, #tpu.memory_space<vmem>>) target_semaphore(%arg12 : memref<!tpu.dma_semaphore, #tpu.memory_space<semaphore_mem>>)
      %slice3A_1699 = vector.extract_strided_slice %get3A_1451 {offsets = [13], sizes = [1], strides = [1]} : vector<16xi32> to vector<1xi32>
      %squeeze3A_1700 = vector.extract %slice3A_1699[0] : i32 from vector<1xi32>
      %mul3A_1701 = arith.constant 8 : i32
      %mul3A_1702 = arith.muli %squeeze3A_1700, %mul3A_1701 : i32
      %multiple_of3A_1703 = tpu.assume_multiple %mul3A_1702, 8 : i32
      %dma_start3A_1704 = arith.constant 1 : i32
      %dma_start3A_1705 = arith.constant 5 : i32
      %dma_start3A_1706 = arith.constant 0 : i32
      %dma_start3A_1707 = arith.constant 0 : i32
      %dma_start3A_1708 = tpu.memref_slice %arg10[%dma_start3A_1704, %dma_start3A_1705, %dma_start3A_1706, %dma_start3A_1707] : memref<2x8x8x128xf32, #tpu.memory_space<vmem>> -> memref<1x1x8x128xf32, #tpu.memory_space<vmem>>
      %dma_start3A_1709 = tpu.memref_squeeze %dma_start3A_1708 : memref<1x1x8x128xf32, #tpu.memory_space<vmem>> -> memref<8x128xf32, #tpu.memory_space<vmem>>
      %dma_start3A_1710 = arith.constant 0 : i32
      %dma_start3A_1711 = tpu.memref_slice %arg6[%multiple_of3A_1703, %dma_start3A_1710] : memref<8008x128xf32, #tpu.memory_space<vmem_shared>> -> memref<8x128xf32, #tpu.memory_space<vmem_shared>>
      %dma_start3A_1712 = arith.constant 0 : i32
      %dma_start3A_1713 = arith.constant 0 : i32
      %dma_start3A_1714 = tpu.memref_slice %arg10[%dma_start3A_1704, %dma_start3A_1705, %dma_start3A_1712, %dma_start3A_1713] : memref<2x8x8x128xf32, #tpu.memory_space<vmem>> -> memref<1x1x8x128xf32, #tpu.memory_space<vmem>>
      %dma_start3A_1715 = tpu.memref_squeeze %dma_start3A_1714 : memref<1x1x8x128xf32, #tpu.memory_space<vmem>> -> memref<8x128xf32, #tpu.memory_space<vmem>>
      %dma_start3A_1716 = arith.constant 0 : i32
      %dma_start3A_1717 = tpu.memref_slice %arg6[%multiple_of3A_1703, %dma_start3A_1716] : memref<8008x128xf32, #tpu.memory_space<vmem_shared>> -> memref<8x128xf32, #tpu.memory_space<vmem_shared>>
      tpu.enqueue_dma source(%dma_start3A_1717 : memref<8x128xf32, #tpu.memory_space<vmem_shared>>) target(%dma_start3A_1715 : memref<8x128xf32, #tpu.memory_space<vmem>>) target_semaphore(%arg12 : memref<!tpu.dma_semaphore, #tpu.memory_space<semaphore_mem>>)
      %slice3A_1718 = vector.extract_strided_slice %get3A_1451 {offsets = [14], sizes = [1], strides = [1]} : vector<16xi32> to vector<1xi32>
      %squeeze3A_1719 = vector.extract %slice3A_1718[0] : i32 from vector<1xi32>
      %mul3A_1720 = arith.constant 8 : i32
      %mul3A_1721 = arith.muli %squeeze3A_1719, %mul3A_1720 : i32
      %multiple_of3A_1722 = tpu.assume_multiple %mul3A_1721, 8 : i32
      %dma_start3A_1723 = arith.constant 1 : i32
      %dma_start3A_1724 = arith.constant 6 : i32
      %dma_start3A_1725 = arith.constant 0 : i32
      %dma_start3A_1726 = arith.constant 0 : i32
      %dma_start3A_1727 = tpu.memref_slice %arg10[%dma_start3A_1723, %dma_start3A_1724, %dma_start3A_1725, %dma_start3A_1726] : memref<2x8x8x128xf32, #tpu.memory_space<vmem>> -> memref<1x1x8x128xf32, #tpu.memory_space<vmem>>
      %dma_start3A_1728 = tpu.memref_squeeze %dma_start3A_1727 : memref<1x1x8x128xf32, #tpu.memory_space<vmem>> -> memref<8x128xf32, #tpu.memory_space<vmem>>
      %dma_start3A_1729 = arith.constant 0 : i32
      %dma_start3A_1730 = tpu.memref_slice %arg6[%multiple_of3A_1722, %dma_start3A_1729] : memref<8008x128xf32, #tpu.memory_space<vmem_shared>> -> memref<8x128xf32, #tpu.memory_space<vmem_shared>>
      %dma_start3A_1731 = arith.constant 0 : i32
      %dma_start3A_1732 = arith.constant 0 : i32
      %dma_start3A_1733 = tpu.memref_slice %arg10[%dma_start3A_1723, %dma_start3A_1724, %dma_start3A_1731, %dma_start3A_1732] : memref<2x8x8x128xf32, #tpu.memory_space<vmem>> -> memref<1x1x8x128xf32, #tpu.memory_space<vmem>>
      %dma_start3A_1734 = tpu.memref_squeeze %dma_start3A_1733 : memref<1x1x8x128xf32, #tpu.memory_space<vmem>> -> memref<8x128xf32, #tpu.memory_space<vmem>>
      %dma_start3A_1735 = arith.constant 0 : i32
      %dma_start3A_1736 = tpu.memref_slice %arg6[%multiple_of3A_1722, %dma_start3A_1735] : memref<8008x128xf32, #tpu.memory_space<vmem_shared>> -> memref<8x128xf32, #tpu.memory_space<vmem_shared>>
      tpu.enqueue_dma source(%dma_start3A_1736 : memref<8x128xf32, #tpu.memory_space<vmem_shared>>) target(%dma_start3A_1734 : memref<8x128xf32, #tpu.memory_space<vmem>>) target_semaphore(%arg12 : memref<!tpu.dma_semaphore, #tpu.memory_space<semaphore_mem>>)
      %slice3A_1737 = vector.extract_strided_slice %get3A_1451 {offsets = [15], sizes = [1], strides = [1]} : vector<16xi32> to vector<1xi32>
      %squeeze3A_1738 = vector.extract %slice3A_1737[0] : i32 from vector<1xi32>
      %mul3A_1739 = arith.constant 8 : i32
      %mul3A_1740 = arith.muli %squeeze3A_1738, %mul3A_1739 : i32
      %multiple_of3A_1741 = tpu.assume_multiple %mul3A_1740, 8 : i32
      %dma_start3A_1742 = arith.constant 1 : i32
      %dma_start3A_1743 = arith.constant 7 : i32
      %dma_start3A_1744 = arith.constant 0 : i32
      %dma_start3A_1745 = arith.constant 0 : i32
      %dma_start3A_1746 = tpu.memref_slice %arg10[%dma_start3A_1742, %dma_start3A_1743, %dma_start3A_1744, %dma_start3A_1745] : memref<2x8x8x128xf32, #tpu.memory_space<vmem>> -> memref<1x1x8x128xf32, #tpu.memory_space<vmem>>
      %dma_start3A_1747 = tpu.memref_squeeze %dma_start3A_1746 : memref<1x1x8x128xf32, #tpu.memory_space<vmem>> -> memref<8x128xf32, #tpu.memory_space<vmem>>
      %dma_start3A_1748 = arith.constant 0 : i32
      %dma_start3A_1749 = tpu.memref_slice %arg6[%multiple_of3A_1741, %dma_start3A_1748] : memref<8008x128xf32, #tpu.memory_space<vmem_shared>> -> memref<8x128xf32, #tpu.memory_space<vmem_shared>>
      %dma_start3A_1750 = arith.constant 0 : i32
      %dma_start3A_1751 = arith.constant 0 : i32
      %dma_start3A_1752 = tpu.memref_slice %arg10[%dma_start3A_1742, %dma_start3A_1743, %dma_start3A_1750, %dma_start3A_1751] : memref<2x8x8x128xf32, #tpu.memory_space<vmem>> -> memref<1x1x8x128xf32, #tpu.memory_space<vmem>>
      %dma_start3A_1753 = tpu.memref_squeeze %dma_start3A_1752 : memref<1x1x8x128xf32, #tpu.memory_space<vmem>> -> memref<8x128xf32, #tpu.memory_space<vmem>>
      %dma_start3A_1754 = arith.constant 0 : i32
      %dma_start3A_1755 = tpu.memref_slice %arg6[%multiple_of3A_1741, %dma_start3A_1754] : memref<8008x128xf32, #tpu.memory_space<vmem_shared>> -> memref<8x128xf32, #tpu.memory_space<vmem_shared>>
      tpu.enqueue_dma source(%dma_start3A_1755 : memref<8x128xf32, #tpu.memory_space<vmem_shared>>) target(%dma_start3A_1753 : memref<8x128xf32, #tpu.memory_space<vmem>>) target_semaphore(%arg12 : memref<!tpu.dma_semaphore, #tpu.memory_space<semaphore_mem>>)
      %ge3A = arith.constant 1 : i32
      %ge3A_1756 = arith.cmpi sge, %scan3A_1184, %ge3A : i32
      %convert_element_type3A_1757 = arith.extui %ge3A_1756 : i1 to i32
      %cond3A_1758 = arith.constant 0 : i32
      %cond3A_1759 = arith.cmpi ne, %convert_element_type3A_1757, %cond3A_1758 : i32
      scf.if %cond3A_1759 {
        %dma_wait3A_2396 = arith.constant 0 : i32
        %dma_wait3A_2397 = arith.constant 0 : i32
        %dma_wait3A_2398 = arith.constant 0 : i32
        %dma_wait3A_2399 = arith.constant 0 : i32
        %dma_wait3A_2400 = arith.constant 0 : i32
        %dma_wait3A_2401 = tpu.memref_slice %arg9[%dma_wait3A_2398, %dma_wait3A_2399, %dma_wait3A_2396, %dma_wait3A_2400] : memref<2x8x8x128xf32, #tpu.memory_space<vmem>> -> memref<2x8x1x128xf32, #tpu.memory_space<vmem>>
        %dma_wait3A_2402 = tpu.memref_squeeze %dma_wait3A_2401 : memref<2x8x1x128xf32, #tpu.memory_space<vmem>> -> memref<2x8x128xf32, #tpu.memory_space<vmem>>
        %dma_wait3A_2403 = arith.constant 0 : i32
        %dma_wait3A_2404 = arith.constant 0 : i32
        %dma_wait3A_2405 = arith.constant 0 : i32
        %dma_wait3A_2406 = tpu.memref_slice %arg5[%dma_wait3A_2403, %dma_wait3A_2397, %dma_wait3A_2404, %dma_wait3A_2405] : memref<2048x8x8x128xf32, #tpu.memory_space<hbm>> -> memref<2x1x8x128xf32, #tpu.memory_space<hbm>>
        %dma_wait3A_2407 = tpu.memref_squeeze %dma_wait3A_2406 : memref<2x1x8x128xf32, #tpu.memory_space<hbm>> -> memref<2x8x128xf32, #tpu.memory_space<hbm>>
        %dma_wait3A_2408 = arith.constant 0 : i32
        %dma_wait3A_2409 = arith.constant 0 : i32
        %dma_wait3A_2410 = arith.constant 0 : i32
        %dma_wait3A_2411 = tpu.memref_slice %arg5[%dma_wait3A_2408, %dma_wait3A_2397, %dma_wait3A_2409, %dma_wait3A_2410] : memref<2048x8x8x128xf32, #tpu.memory_space<hbm>> -> memref<2x1x8x128xf32, #tpu.memory_space<hbm>>
        %dma_wait3A_2412 = tpu.memref_squeeze %dma_wait3A_2411 : memref<2x1x8x128xf32, #tpu.memory_space<hbm>> -> memref<2x8x128xf32, #tpu.memory_space<hbm>>
        %dma_wait3A_2413 = arith.constant 0 : i32
        %dma_wait3A_2414 = arith.constant 0 : i32
        %dma_wait3A_2415 = arith.constant 0 : i32
        %dma_wait3A_2416 = tpu.memref_slice %arg9[%dma_wait3A_2413, %dma_wait3A_2414, %dma_wait3A_2396, %dma_wait3A_2415] : memref<2x8x8x128xf32, #tpu.memory_space<vmem>> -> memref<2x8x1x128xf32, #tpu.memory_space<vmem>>
        %dma_wait3A_2417 = tpu.memref_squeeze %dma_wait3A_2416 : memref<2x8x1x128xf32, #tpu.memory_space<vmem>> -> memref<2x8x128xf32, #tpu.memory_space<vmem>>
        tpu.wait_dma2 semaphore(%arg13 : memref<!tpu.dma_semaphore, #tpu.memory_space<semaphore_mem>>) src(%dma_wait3A_2417 : memref<2x8x128xf32, #tpu.memory_space<vmem>>) dst(%dma_wait3A_2412 : memref<2x8x128xf32, #tpu.memory_space<hbm>>)
        %dma_wait3A_2418 = arith.constant 1 : i32
        %dma_wait3A_2419 = arith.constant 1 : i32
        %dma_wait3A_2420 = arith.constant 0 : i32
        %dma_wait3A_2421 = arith.constant 0 : i32
        %dma_wait3A_2422 = arith.constant 0 : i32
        %dma_wait3A_2423 = tpu.memref_slice %arg9[%dma_wait3A_2420, %dma_wait3A_2421, %dma_wait3A_2418, %dma_wait3A_2422] : memref<2x8x8x128xf32, #tpu.memory_space<vmem>> -> memref<2x8x1x128xf32, #tpu.memory_space<vmem>>
        %dma_wait3A_2424 = tpu.memref_squeeze %dma_wait3A_2423 : memref<2x8x1x128xf32, #tpu.memory_space<vmem>> -> memref<2x8x128xf32, #tpu.memory_space<vmem>>
        %dma_wait3A_2425 = arith.constant 0 : i32
        %dma_wait3A_2426 = arith.constant 0 : i32
        %dma_wait3A_2427 = arith.constant 0 : i32
        %dma_wait3A_2428 = tpu.memref_slice %arg5[%dma_wait3A_2425, %dma_wait3A_2419, %dma_wait3A_2426, %dma_wait3A_2427] : memref<2048x8x8x128xf32, #tpu.memory_space<hbm>> -> memref<2x1x8x128xf32, #tpu.memory_space<hbm>>
        %dma_wait3A_2429 = tpu.memref_squeeze %dma_wait3A_2428 : memref<2x1x8x128xf32, #tpu.memory_space<hbm>> -> memref<2x8x128xf32, #tpu.memory_space<hbm>>
        %dma_wait3A_2430 = arith.constant 0 : i32
        %dma_wait3A_2431 = arith.constant 0 : i32
        %dma_wait3A_2432 = arith.constant 0 : i32
        %dma_wait3A_2433 = tpu.memref_slice %arg5[%dma_wait3A_2430, %dma_wait3A_2419, %dma_wait3A_2431, %dma_wait3A_2432] : memref<2048x8x8x128xf32, #tpu.memory_space<hbm>> -> memref<2x1x8x128xf32, #tpu.memory_space<hbm>>
        %dma_wait3A_2434 = tpu.memref_squeeze %dma_wait3A_2433 : memref<2x1x8x128xf32, #tpu.memory_space<hbm>> -> memref<2x8x128xf32, #tpu.memory_space<hbm>>
        %dma_wait3A_2435 = arith.constant 0 : i32
        %dma_wait3A_2436 = arith.constant 0 : i32
        %dma_wait3A_2437 = arith.constant 0 : i32
        %dma_wait3A_2438 = tpu.memref_slice %arg9[%dma_wait3A_2435, %dma_wait3A_2436, %dma_wait3A_2418, %dma_wait3A_2437] : memref<2x8x8x128xf32, #tpu.memory_space<vmem>> -> memref<2x8x1x128xf32, #tpu.memory_space<vmem>>
        %dma_wait3A_2439 = tpu.memref_squeeze %dma_wait3A_2438 : memref<2x8x1x128xf32, #tpu.memory_space<vmem>> -> memref<2x8x128xf32, #tpu.memory_space<vmem>>
        tpu.wait_dma2 semaphore(%arg13 : memref<!tpu.dma_semaphore, #tpu.memory_space<semaphore_mem>>) src(%dma_wait3A_2439 : memref<2x8x128xf32, #tpu.memory_space<vmem>>) dst(%dma_wait3A_2434 : memref<2x8x128xf32, #tpu.memory_space<hbm>>)
        %dma_wait3A_2440 = arith.constant 2 : i32
        %dma_wait3A_2441 = arith.constant 2 : i32
        %dma_wait3A_2442 = arith.constant 0 : i32
        %dma_wait3A_2443 = arith.constant 0 : i32
        %dma_wait3A_2444 = arith.constant 0 : i32
        %dma_wait3A_2445 = tpu.memref_slice %arg9[%dma_wait3A_2442, %dma_wait3A_2443, %dma_wait3A_2440, %dma_wait3A_2444] : memref<2x8x8x128xf32, #tpu.memory_space<vmem>> -> memref<2x8x1x128xf32, #tpu.memory_space<vmem>>
        %dma_wait3A_2446 = tpu.memref_squeeze %dma_wait3A_2445 : memref<2x8x1x128xf32, #tpu.memory_space<vmem>> -> memref<2x8x128xf32, #tpu.memory_space<vmem>>
        %dma_wait3A_2447 = arith.constant 0 : i32
        %dma_wait3A_2448 = arith.constant 0 : i32
        %dma_wait3A_2449 = arith.constant 0 : i32
        %dma_wait3A_2450 = tpu.memref_slice %arg5[%dma_wait3A_2447, %dma_wait3A_2441, %dma_wait3A_2448, %dma_wait3A_2449] : memref<2048x8x8x128xf32, #tpu.memory_space<hbm>> -> memref<2x1x8x128xf32, #tpu.memory_space<hbm>>
        %dma_wait3A_2451 = tpu.memref_squeeze %dma_wait3A_2450 : memref<2x1x8x128xf32, #tpu.memory_space<hbm>> -> memref<2x8x128xf32, #tpu.memory_space<hbm>>
        %dma_wait3A_2452 = arith.constant 0 : i32
        %dma_wait3A_2453 = arith.constant 0 : i32
        %dma_wait3A_2454 = arith.constant 0 : i32
        %dma_wait3A_2455 = tpu.memref_slice %arg5[%dma_wait3A_2452, %dma_wait3A_2441, %dma_wait3A_2453, %dma_wait3A_2454] : memref<2048x8x8x128xf32, #tpu.memory_space<hbm>> -> memref<2x1x8x128xf32, #tpu.memory_space<hbm>>
        %dma_wait3A_2456 = tpu.memref_squeeze %dma_wait3A_2455 : memref<2x1x8x128xf32, #tpu.memory_space<hbm>> -> memref<2x8x128xf32, #tpu.memory_space<hbm>>
        %dma_wait3A_2457 = arith.constant 0 : i32
        %dma_wait3A_2458 = arith.constant 0 : i32
        %dma_wait3A_2459 = arith.constant 0 : i32
        %dma_wait3A_2460 = tpu.memref_slice %arg9[%dma_wait3A_2457, %dma_wait3A_2458, %dma_wait3A_2440, %dma_wait3A_2459] : memref<2x8x8x128xf32, #tpu.memory_space<vmem>> -> memref<2x8x1x128xf32, #tpu.memory_space<vmem>>
        %dma_wait3A_2461 = tpu.memref_squeeze %dma_wait3A_2460 : memref<2x8x1x128xf32, #tpu.memory_space<vmem>> -> memref<2x8x128xf32, #tpu.memory_space<vmem>>
        tpu.wait_dma2 semaphore(%arg13 : memref<!tpu.dma_semaphore, #tpu.memory_space<semaphore_mem>>) src(%dma_wait3A_2461 : memref<2x8x128xf32, #tpu.memory_space<vmem>>) dst(%dma_wait3A_2456 : memref<2x8x128xf32, #tpu.memory_space<hbm>>)
        %dma_wait3A_2462 = arith.constant 3 : i32
        %dma_wait3A_2463 = arith.constant 3 : i32
        %dma_wait3A_2464 = arith.constant 0 : i32
        %dma_wait3A_2465 = arith.constant 0 : i32
        %dma_wait3A_2466 = arith.constant 0 : i32
        %dma_wait3A_2467 = tpu.memref_slice %arg9[%dma_wait3A_2464, %dma_wait3A_2465, %dma_wait3A_2462, %dma_wait3A_2466] : memref<2x8x8x128xf32, #tpu.memory_space<vmem>> -> memref<2x8x1x128xf32, #tpu.memory_space<vmem>>
        %dma_wait3A_2468 = tpu.memref_squeeze %dma_wait3A_2467 : memref<2x8x1x128xf32, #tpu.memory_space<vmem>> -> memref<2x8x128xf32, #tpu.memory_space<vmem>>
        %dma_wait3A_2469 = arith.constant 0 : i32
        %dma_wait3A_2470 = arith.constant 0 : i32
        %dma_wait3A_2471 = arith.constant 0 : i32
        %dma_wait3A_2472 = tpu.memref_slice %arg5[%dma_wait3A_2469, %dma_wait3A_2463, %dma_wait3A_2470, %dma_wait3A_2471] : memref<2048x8x8x128xf32, #tpu.memory_space<hbm>> -> memref<2x1x8x128xf32, #tpu.memory_space<hbm>>
        %dma_wait3A_2473 = tpu.memref_squeeze %dma_wait3A_2472 : memref<2x1x8x128xf32, #tpu.memory_space<hbm>> -> memref<2x8x128xf32, #tpu.memory_space<hbm>>
        %dma_wait3A_2474 = arith.constant 0 : i32
        %dma_wait3A_2475 = arith.constant 0 : i32
        %dma_wait3A_2476 = arith.constant 0 : i32
        %dma_wait3A_2477 = tpu.memref_slice %arg5[%dma_wait3A_2474, %dma_wait3A_2463, %dma_wait3A_2475, %dma_wait3A_2476] : memref<2048x8x8x128xf32, #tpu.memory_space<hbm>> -> memref<2x1x8x128xf32, #tpu.memory_space<hbm>>
        %dma_wait3A_2478 = tpu.memref_squeeze %dma_wait3A_2477 : memref<2x1x8x128xf32, #tpu.memory_space<hbm>> -> memref<2x8x128xf32, #tpu.memory_space<hbm>>
        %dma_wait3A_2479 = arith.constant 0 : i32
        %dma_wait3A_2480 = arith.constant 0 : i32
        %dma_wait3A_2481 = arith.constant 0 : i32
        %dma_wait3A_2482 = tpu.memref_slice %arg9[%dma_wait3A_2479, %dma_wait3A_2480, %dma_wait3A_2462, %dma_wait3A_2481] : memref<2x8x8x128xf32, #tpu.memory_space<vmem>> -> memref<2x8x1x128xf32, #tpu.memory_space<vmem>>
        %dma_wait3A_2483 = tpu.memref_squeeze %dma_wait3A_2482 : memref<2x8x1x128xf32, #tpu.memory_space<vmem>> -> memref<2x8x128xf32, #tpu.memory_space<vmem>>
        tpu.wait_dma2 semaphore(%arg13 : memref<!tpu.dma_semaphore, #tpu.memory_space<semaphore_mem>>) src(%dma_wait3A_2483 : memref<2x8x128xf32, #tpu.memory_space<vmem>>) dst(%dma_wait3A_2478 : memref<2x8x128xf32, #tpu.memory_space<hbm>>)
        %dma_wait3A_2484 = arith.constant 4 : i32
        %dma_wait3A_2485 = arith.constant 4 : i32
        %dma_wait3A_2486 = arith.constant 0 : i32
        %dma_wait3A_2487 = arith.constant 0 : i32
        %dma_wait3A_2488 = arith.constant 0 : i32
        %dma_wait3A_2489 = tpu.memref_slice %arg9[%dma_wait3A_2486, %dma_wait3A_2487, %dma_wait3A_2484, %dma_wait3A_2488] : memref<2x8x8x128xf32, #tpu.memory_space<vmem>> -> memref<2x8x1x128xf32, #tpu.memory_space<vmem>>
        %dma_wait3A_2490 = tpu.memref_squeeze %dma_wait3A_2489 : memref<2x8x1x128xf32, #tpu.memory_space<vmem>> -> memref<2x8x128xf32, #tpu.memory_space<vmem>>
        %dma_wait3A_2491 = arith.constant 0 : i32
        %dma_wait3A_2492 = arith.constant 0 : i32
        %dma_wait3A_2493 = arith.constant 0 : i32
        %dma_wait3A_2494 = tpu.memref_slice %arg5[%dma_wait3A_2491, %dma_wait3A_2485, %dma_wait3A_2492, %dma_wait3A_2493] : memref<2048x8x8x128xf32, #tpu.memory_space<hbm>> -> memref<2x1x8x128xf32, #tpu.memory_space<hbm>>
        %dma_wait3A_2495 = tpu.memref_squeeze %dma_wait3A_2494 : memref<2x1x8x128xf32, #tpu.memory_space<hbm>> -> memref<2x8x128xf32, #tpu.memory_space<hbm>>
        %dma_wait3A_2496 = arith.constant 0 : i32
        %dma_wait3A_2497 = arith.constant 0 : i32
        %dma_wait3A_2498 = arith.constant 0 : i32
        %dma_wait3A_2499 = tpu.memref_slice %arg5[%dma_wait3A_2496, %dma_wait3A_2485, %dma_wait3A_2497, %dma_wait3A_2498] : memref<2048x8x8x128xf32, #tpu.memory_space<hbm>> -> memref<2x1x8x128xf32, #tpu.memory_space<hbm>>
        %dma_wait3A_2500 = tpu.memref_squeeze %dma_wait3A_2499 : memref<2x1x8x128xf32, #tpu.memory_space<hbm>> -> memref<2x8x128xf32, #tpu.memory_space<hbm>>
        %dma_wait3A_2501 = arith.constant 0 : i32
        %dma_wait3A_2502 = arith.constant 0 : i32
        %dma_wait3A_2503 = arith.constant 0 : i32
        %dma_wait3A_2504 = tpu.memref_slice %arg9[%dma_wait3A_2501, %dma_wait3A_2502, %dma_wait3A_2484, %dma_wait3A_2503] : memref<2x8x8x128xf32, #tpu.memory_space<vmem>> -> memref<2x8x1x128xf32, #tpu.memory_space<vmem>>
        %dma_wait3A_2505 = tpu.memref_squeeze %dma_wait3A_2504 : memref<2x8x1x128xf32, #tpu.memory_space<vmem>> -> memref<2x8x128xf32, #tpu.memory_space<vmem>>
        tpu.wait_dma2 semaphore(%arg13 : memref<!tpu.dma_semaphore, #tpu.memory_space<semaphore_mem>>) src(%dma_wait3A_2505 : memref<2x8x128xf32, #tpu.memory_space<vmem>>) dst(%dma_wait3A_2500 : memref<2x8x128xf32, #tpu.memory_space<hbm>>)
        %dma_wait3A_2506 = arith.constant 5 : i32
        %dma_wait3A_2507 = arith.constant 5 : i32
        %dma_wait3A_2508 = arith.constant 0 : i32
        %dma_wait3A_2509 = arith.constant 0 : i32
        %dma_wait3A_2510 = arith.constant 0 : i32
        %dma_wait3A_2511 = tpu.memref_slice %arg9[%dma_wait3A_2508, %dma_wait3A_2509, %dma_wait3A_2506, %dma_wait3A_2510] : memref<2x8x8x128xf32, #tpu.memory_space<vmem>> -> memref<2x8x1x128xf32, #tpu.memory_space<vmem>>
        %dma_wait3A_2512 = tpu.memref_squeeze %dma_wait3A_2511 : memref<2x8x1x128xf32, #tpu.memory_space<vmem>> -> memref<2x8x128xf32, #tpu.memory_space<vmem>>
        %dma_wait3A_2513 = arith.constant 0 : i32
        %dma_wait3A_2514 = arith.constant 0 : i32
        %dma_wait3A_2515 = arith.constant 0 : i32
        %dma_wait3A_2516 = tpu.memref_slice %arg5[%dma_wait3A_2513, %dma_wait3A_2507, %dma_wait3A_2514, %dma_wait3A_2515] : memref<2048x8x8x128xf32, #tpu.memory_space<hbm>> -> memref<2x1x8x128xf32, #tpu.memory_space<hbm>>
        %dma_wait3A_2517 = tpu.memref_squeeze %dma_wait3A_2516 : memref<2x1x8x128xf32, #tpu.memory_space<hbm>> -> memref<2x8x128xf32, #tpu.memory_space<hbm>>
        %dma_wait3A_2518 = arith.constant 0 : i32
        %dma_wait3A_2519 = arith.constant 0 : i32
        %dma_wait3A_2520 = arith.constant 0 : i32
        %dma_wait3A_2521 = tpu.memref_slice %arg5[%dma_wait3A_2518, %dma_wait3A_2507, %dma_wait3A_2519, %dma_wait3A_2520] : memref<2048x8x8x128xf32, #tpu.memory_space<hbm>> -> memref<2x1x8x128xf32, #tpu.memory_space<hbm>>
        %dma_wait3A_2522 = tpu.memref_squeeze %dma_wait3A_2521 : memref<2x1x8x128xf32, #tpu.memory_space<hbm>> -> memref<2x8x128xf32, #tpu.memory_space<hbm>>
        %dma_wait3A_2523 = arith.constant 0 : i32
        %dma_wait3A_2524 = arith.constant 0 : i32
        %dma_wait3A_2525 = arith.constant 0 : i32
        %dma_wait3A_2526 = tpu.memref_slice %arg9[%dma_wait3A_2523, %dma_wait3A_2524, %dma_wait3A_2506, %dma_wait3A_2525] : memref<2x8x8x128xf32, #tpu.memory_space<vmem>> -> memref<2x8x1x128xf32, #tpu.memory_space<vmem>>
        %dma_wait3A_2527 = tpu.memref_squeeze %dma_wait3A_2526 : memref<2x8x1x128xf32, #tpu.memory_space<vmem>> -> memref<2x8x128xf32, #tpu.memory_space<vmem>>
        tpu.wait_dma2 semaphore(%arg13 : memref<!tpu.dma_semaphore, #tpu.memory_space<semaphore_mem>>) src(%dma_wait3A_2527 : memref<2x8x128xf32, #tpu.memory_space<vmem>>) dst(%dma_wait3A_2522 : memref<2x8x128xf32, #tpu.memory_space<hbm>>)
        %dma_wait3A_2528 = arith.constant 6 : i32
        %dma_wait3A_2529 = arith.constant 6 : i32
        %dma_wait3A_2530 = arith.constant 0 : i32
        %dma_wait3A_2531 = arith.constant 0 : i32
        %dma_wait3A_2532 = arith.constant 0 : i32
        %dma_wait3A_2533 = tpu.memref_slice %arg9[%dma_wait3A_2530, %dma_wait3A_2531, %dma_wait3A_2528, %dma_wait3A_2532] : memref<2x8x8x128xf32, #tpu.memory_space<vmem>> -> memref<2x8x1x128xf32, #tpu.memory_space<vmem>>
        %dma_wait3A_2534 = tpu.memref_squeeze %dma_wait3A_2533 : memref<2x8x1x128xf32, #tpu.memory_space<vmem>> -> memref<2x8x128xf32, #tpu.memory_space<vmem>>
        %dma_wait3A_2535 = arith.constant 0 : i32
        %dma_wait3A_2536 = arith.constant 0 : i32
        %dma_wait3A_2537 = arith.constant 0 : i32
        %dma_wait3A_2538 = tpu.memref_slice %arg5[%dma_wait3A_2535, %dma_wait3A_2529, %dma_wait3A_2536, %dma_wait3A_2537] : memref<2048x8x8x128xf32, #tpu.memory_space<hbm>> -> memref<2x1x8x128xf32, #tpu.memory_space<hbm>>
        %dma_wait3A_2539 = tpu.memref_squeeze %dma_wait3A_2538 : memref<2x1x8x128xf32, #tpu.memory_space<hbm>> -> memref<2x8x128xf32, #tpu.memory_space<hbm>>
        %dma_wait3A_2540 = arith.constant 0 : i32
        %dma_wait3A_2541 = arith.constant 0 : i32
        %dma_wait3A_2542 = arith.constant 0 : i32
        %dma_wait3A_2543 = tpu.memref_slice %arg5[%dma_wait3A_2540, %dma_wait3A_2529, %dma_wait3A_2541, %dma_wait3A_2542] : memref<2048x8x8x128xf32, #tpu.memory_space<hbm>> -> memref<2x1x8x128xf32, #tpu.memory_space<hbm>>
        %dma_wait3A_2544 = tpu.memref_squeeze %dma_wait3A_2543 : memref<2x1x8x128xf32, #tpu.memory_space<hbm>> -> memref<2x8x128xf32, #tpu.memory_space<hbm>>
        %dma_wait3A_2545 = arith.constant 0 : i32
        %dma_wait3A_2546 = arith.constant 0 : i32
        %dma_wait3A_2547 = arith.constant 0 : i32
        %dma_wait3A_2548 = tpu.memref_slice %arg9[%dma_wait3A_2545, %dma_wait3A_2546, %dma_wait3A_2528, %dma_wait3A_2547] : memref<2x8x8x128xf32, #tpu.memory_space<vmem>> -> memref<2x8x1x128xf32, #tpu.memory_space<vmem>>
        %dma_wait3A_2549 = tpu.memref_squeeze %dma_wait3A_2548 : memref<2x8x1x128xf32, #tpu.memory_space<vmem>> -> memref<2x8x128xf32, #tpu.memory_space<vmem>>
        tpu.wait_dma2 semaphore(%arg13 : memref<!tpu.dma_semaphore, #tpu.memory_space<semaphore_mem>>) src(%dma_wait3A_2549 : memref<2x8x128xf32, #tpu.memory_space<vmem>>) dst(%dma_wait3A_2544 : memref<2x8x128xf32, #tpu.memory_space<hbm>>)
        %dma_wait3A_2550 = arith.constant 7 : i32
        %dma_wait3A_2551 = arith.constant 7 : i32
        %dma_wait3A_2552 = arith.constant 0 : i32
        %dma_wait3A_2553 = arith.constant 0 : i32
        %dma_wait3A_2554 = arith.constant 0 : i32
        %dma_wait3A_2555 = tpu.memref_slice %arg9[%dma_wait3A_2552, %dma_wait3A_2553, %dma_wait3A_2550, %dma_wait3A_2554] : memref<2x8x8x128xf32, #tpu.memory_space<vmem>> -> memref<2x8x1x128xf32, #tpu.memory_space<vmem>>
        %dma_wait3A_2556 = tpu.memref_squeeze %dma_wait3A_2555 : memref<2x8x1x128xf32, #tpu.memory_space<vmem>> -> memref<2x8x128xf32, #tpu.memory_space<vmem>>
        %dma_wait3A_2557 = arith.constant 0 : i32
        %dma_wait3A_2558 = arith.constant 0 : i32
        %dma_wait3A_2559 = arith.constant 0 : i32
        %dma_wait3A_2560 = tpu.memref_slice %arg5[%dma_wait3A_2557, %dma_wait3A_2551, %dma_wait3A_2558, %dma_wait3A_2559] : memref<2048x8x8x128xf32, #tpu.memory_space<hbm>> -> memref<2x1x8x128xf32, #tpu.memory_space<hbm>>
        %dma_wait3A_2561 = tpu.memref_squeeze %dma_wait3A_2560 : memref<2x1x8x128xf32, #tpu.memory_space<hbm>> -> memref<2x8x128xf32, #tpu.memory_space<hbm>>
        %dma_wait3A_2562 = arith.constant 0 : i32
        %dma_wait3A_2563 = arith.constant 0 : i32
        %dma_wait3A_2564 = arith.constant 0 : i32
        %dma_wait3A_2565 = tpu.memref_slice %arg5[%dma_wait3A_2562, %dma_wait3A_2551, %dma_wait3A_2563, %dma_wait3A_2564] : memref<2048x8x8x128xf32, #tpu.memory_space<hbm>> -> memref<2x1x8x128xf32, #tpu.memory_space<hbm>>
        %dma_wait3A_2566 = tpu.memref_squeeze %dma_wait3A_2565 : memref<2x1x8x128xf32, #tpu.memory_space<hbm>> -> memref<2x8x128xf32, #tpu.memory_space<hbm>>
        %dma_wait3A_2567 = arith.constant 0 : i32
        %dma_wait3A_2568 = arith.constant 0 : i32
        %dma_wait3A_2569 = arith.constant 0 : i32
        %dma_wait3A_2570 = tpu.memref_slice %arg9[%dma_wait3A_2567, %dma_wait3A_2568, %dma_wait3A_2550, %dma_wait3A_2569] : memref<2x8x8x128xf32, #tpu.memory_space<vmem>> -> memref<2x8x1x128xf32, #tpu.memory_space<vmem>>
        %dma_wait3A_2571 = tpu.memref_squeeze %dma_wait3A_2570 : memref<2x8x1x128xf32, #tpu.memory_space<vmem>> -> memref<2x8x128xf32, #tpu.memory_space<vmem>>
        tpu.wait_dma2 semaphore(%arg13 : memref<!tpu.dma_semaphore, #tpu.memory_space<semaphore_mem>>) src(%dma_wait3A_2571 : memref<2x8x128xf32, #tpu.memory_space<vmem>>) dst(%dma_wait3A_2566 : memref<2x8x128xf32, #tpu.memory_space<hbm>>)
      } else {
      }
      %mul3A_1760 = arith.constant 16 : i32
      %mul3A_1761 = arith.muli %mul3A_1186, %mul3A_1760 : i32
      %add3A_1762 = arith.addi %mul3A_2, %mul3A_1761 : i32
      %jit3A_1763 = arith.constant 8 : i32
      %div3A = arith.divsi %add3A_1762, %jit3A_1763 : i32
      %sign3A = arith.constant 0 : i32
      %sign3A_1764 = arith.cmpi sgt, %add3A_1762, %sign3A : i32
      %sign3A_1765 = arith.extui %sign3A_1764 : i1 to i32
      %sign3A_1766 = arith.constant 0 : i32
      %sign3A_1767 = arith.cmpi slt, %add3A_1762, %sign3A_1766 : i32
      %sign3A_1768 = arith.extui %sign3A_1767 : i1 to i32
      %sign3A_1769 = arith.subi %sign3A_1765, %sign3A_1768 : i32
      %sign3A_1770 = arith.constant 0 : i32
      %sign3A_1771 = arith.cmpi sgt, %jit3A_1763, %sign3A_1770 : i32
      %sign3A_1772 = arith.extui %sign3A_1771 : i1 to i32
      %sign3A_1773 = arith.constant 0 : i32
      %sign3A_1774 = arith.cmpi slt, %jit3A_1763, %sign3A_1773 : i32
      %sign3A_1775 = arith.extui %sign3A_1774 : i1 to i32
      %sign3A_1776 = arith.subi %sign3A_1772, %sign3A_1775 : i32
      %ne3A = arith.cmpi ne, %sign3A_1769, %sign3A_1776 : i32
      %rem3A = arith.remsi %add3A_1762, %jit3A_1763 : i32
      %ne3A_1777 = arith.constant 0 : i32
      %ne3A_1778 = arith.cmpi ne, %rem3A, %ne3A_1777 : i32
      %and3A = arith.andi %ne3A, %ne3A_1778 : i1
      %sub3A = arith.constant 1 : i32
      %sub3A_1779 = arith.subi %div3A, %sub3A : i32
      %select_n3A_1780 = arith.select %and3A, %sub3A_1779, %div3A : i32
      %multiple_of3A_1781 = tpu.assume_multiple %select_n3A_1780, 2 : i32
      %dma_start3A_1782 = arith.constant 0 : i32
      %dma_start3A_1783 = arith.constant 0 : i32
      %dma_start3A_1784 = arith.constant 0 : i32
      %dma_start3A_1785 = arith.constant 0 : i32
      %dma_start3A_1786 = arith.constant 0 : i32
      %dma_start3A_1787 = tpu.memref_slice %arg9[%dma_start3A_1784, %dma_start3A_1785, %dma_start3A_1782, %dma_start3A_1786] : memref<2x8x8x128xf32, #tpu.memory_space<vmem>> -> memref<2x8x1x128xf32, #tpu.memory_space<vmem>>
      %dma_start3A_1788 = tpu.memref_squeeze %dma_start3A_1787 : memref<2x8x1x128xf32, #tpu.memory_space<vmem>> -> memref<2x8x128xf32, #tpu.memory_space<vmem>>
      %dma_start3A_1789 = arith.constant 0 : i32
      %dma_start3A_1790 = arith.constant 0 : i32
      %dma_start3A_1791 = tpu.memref_slice %arg5[%multiple_of3A_1781, %dma_start3A_1783, %dma_start3A_1789, %dma_start3A_1790] : memref<2048x8x8x128xf32, #tpu.memory_space<hbm>> -> memref<2x1x8x128xf32, #tpu.memory_space<hbm>>
      %dma_start3A_1792 = tpu.memref_squeeze %dma_start3A_1791 : memref<2x1x8x128xf32, #tpu.memory_space<hbm>> -> memref<2x8x128xf32, #tpu.memory_space<hbm>>
      %dma_start3A_1793 = arith.constant 0 : i32
      %dma_start3A_1794 = arith.constant 0 : i32
      %dma_start3A_1795 = tpu.memref_slice %arg5[%multiple_of3A_1781, %dma_start3A_1783, %dma_start3A_1793, %dma_start3A_1794] : memref<2048x8x8x128xf32, #tpu.memory_space<hbm>> -> memref<2x1x8x128xf32, #tpu.memory_space<hbm>>
      %dma_start3A_1796 = tpu.memref_squeeze %dma_start3A_1795 : memref<2x1x8x128xf32, #tpu.memory_space<hbm>> -> memref<2x8x128xf32, #tpu.memory_space<hbm>>
      %dma_start3A_1797 = arith.constant 0 : i32
      %dma_start3A_1798 = arith.constant 0 : i32
      %dma_start3A_1799 = arith.constant 0 : i32
      %dma_start3A_1800 = tpu.memref_slice %arg9[%dma_start3A_1797, %dma_start3A_1798, %dma_start3A_1782, %dma_start3A_1799] : memref<2x8x8x128xf32, #tpu.memory_space<vmem>> -> memref<2x8x1x128xf32, #tpu.memory_space<vmem>>
      %dma_start3A_1801 = tpu.memref_squeeze %dma_start3A_1800 : memref<2x8x1x128xf32, #tpu.memory_space<vmem>> -> memref<2x8x128xf32, #tpu.memory_space<vmem>>
      tpu.enqueue_dma source(%dma_start3A_1801 : memref<2x8x128xf32, #tpu.memory_space<vmem>>) target(%dma_start3A_1796 : memref<2x8x128xf32, #tpu.memory_space<hbm>>) target_semaphore(%arg13 : memref<!tpu.dma_semaphore, #tpu.memory_space<semaphore_mem>>)
      %dma_start3A_1802 = arith.constant 1 : i32
      %dma_start3A_1803 = arith.constant 1 : i32
      %dma_start3A_1804 = arith.constant 0 : i32
      %dma_start3A_1805 = arith.constant 0 : i32
      %dma_start3A_1806 = arith.constant 0 : i32
      %dma_start3A_1807 = tpu.memref_slice %arg9[%dma_start3A_1804, %dma_start3A_1805, %dma_start3A_1802, %dma_start3A_1806] : memref<2x8x8x128xf32, #tpu.memory_space<vmem>> -> memref<2x8x1x128xf32, #tpu.memory_space<vmem>>
      %dma_start3A_1808 = tpu.memref_squeeze %dma_start3A_1807 : memref<2x8x1x128xf32, #tpu.memory_space<vmem>> -> memref<2x8x128xf32, #tpu.memory_space<vmem>>
      %dma_start3A_1809 = arith.constant 0 : i32
      %dma_start3A_1810 = arith.constant 0 : i32
      %dma_start3A_1811 = tpu.memref_slice %arg5[%multiple_of3A_1781, %dma_start3A_1803, %dma_start3A_1809, %dma_start3A_1810] : memref<2048x8x8x128xf32, #tpu.memory_space<hbm>> -> memref<2x1x8x128xf32, #tpu.memory_space<hbm>>
      %dma_start3A_1812 = tpu.memref_squeeze %dma_start3A_1811 : memref<2x1x8x128xf32, #tpu.memory_space<hbm>> -> memref<2x8x128xf32, #tpu.memory_space<hbm>>
      %dma_start3A_1813 = arith.constant 0 : i32
      %dma_start3A_1814 = arith.constant 0 : i32
      %dma_start3A_1815 = tpu.memref_slice %arg5[%multiple_of3A_1781, %dma_start3A_1803, %dma_start3A_1813, %dma_start3A_1814] : memref<2048x8x8x128xf32, #tpu.memory_space<hbm>> -> memref<2x1x8x128xf32, #tpu.memory_space<hbm>>
      %dma_start3A_1816 = tpu.memref_squeeze %dma_start3A_1815 : memref<2x1x8x128xf32, #tpu.memory_space<hbm>> -> memref<2x8x128xf32, #tpu.memory_space<hbm>>
      %dma_start3A_1817 = arith.constant 0 : i32
      %dma_start3A_1818 = arith.constant 0 : i32
      %dma_start3A_1819 = arith.constant 0 : i32
      %dma_start3A_1820 = tpu.memref_slice %arg9[%dma_start3A_1817, %dma_start3A_1818, %dma_start3A_1802, %dma_start3A_1819] : memref<2x8x8x128xf32, #tpu.memory_space<vmem>> -> memref<2x8x1x128xf32, #tpu.memory_space<vmem>>
      %dma_start3A_1821 = tpu.memref_squeeze %dma_start3A_1820 : memref<2x8x1x128xf32, #tpu.memory_space<vmem>> -> memref<2x8x128xf32, #tpu.memory_space<vmem>>
      tpu.enqueue_dma source(%dma_start3A_1821 : memref<2x8x128xf32, #tpu.memory_space<vmem>>) target(%dma_start3A_1816 : memref<2x8x128xf32, #tpu.memory_space<hbm>>) target_semaphore(%arg13 : memref<!tpu.dma_semaphore, #tpu.memory_space<semaphore_mem>>)
      %dma_start3A_1822 = arith.constant 2 : i32
      %dma_start3A_1823 = arith.constant 2 : i32
      %dma_start3A_1824 = arith.constant 0 : i32
      %dma_start3A_1825 = arith.constant 0 : i32
      %dma_start3A_1826 = arith.constant 0 : i32
      %dma_start3A_1827 = tpu.memref_slice %arg9[%dma_start3A_1824, %dma_start3A_1825, %dma_start3A_1822, %dma_start3A_1826] : memref<2x8x8x128xf32, #tpu.memory_space<vmem>> -> memref<2x8x1x128xf32, #tpu.memory_space<vmem>>
      %dma_start3A_1828 = tpu.memref_squeeze %dma_start3A_1827 : memref<2x8x1x128xf32, #tpu.memory_space<vmem>> -> memref<2x8x128xf32, #tpu.memory_space<vmem>>
      %dma_start3A_1829 = arith.constant 0 : i32
      %dma_start3A_1830 = arith.constant 0 : i32
      %dma_start3A_1831 = tpu.memref_slice %arg5[%multiple_of3A_1781, %dma_start3A_1823, %dma_start3A_1829, %dma_start3A_1830] : memref<2048x8x8x128xf32, #tpu.memory_space<hbm>> -> memref<2x1x8x128xf32, #tpu.memory_space<hbm>>
      %dma_start3A_1832 = tpu.memref_squeeze %dma_start3A_1831 : memref<2x1x8x128xf32, #tpu.memory_space<hbm>> -> memref<2x8x128xf32, #tpu.memory_space<hbm>>
      %dma_start3A_1833 = arith.constant 0 : i32
      %dma_start3A_1834 = arith.constant 0 : i32
      %dma_start3A_1835 = tpu.memref_slice %arg5[%multiple_of3A_1781, %dma_start3A_1823, %dma_start3A_1833, %dma_start3A_1834] : memref<2048x8x8x128xf32, #tpu.memory_space<hbm>> -> memref<2x1x8x128xf32, #tpu.memory_space<hbm>>
      %dma_start3A_1836 = tpu.memref_squeeze %dma_start3A_1835 : memref<2x1x8x128xf32, #tpu.memory_space<hbm>> -> memref<2x8x128xf32, #tpu.memory_space<hbm>>
      %dma_start3A_1837 = arith.constant 0 : i32
      %dma_start3A_1838 = arith.constant 0 : i32
      %dma_start3A_1839 = arith.constant 0 : i32
      %dma_start3A_1840 = tpu.memref_slice %arg9[%dma_start3A_1837, %dma_start3A_1838, %dma_start3A_1822, %dma_start3A_1839] : memref<2x8x8x128xf32, #tpu.memory_space<vmem>> -> memref<2x8x1x128xf32, #tpu.memory_space<vmem>>
      %dma_start3A_1841 = tpu.memref_squeeze %dma_start3A_1840 : memref<2x8x1x128xf32, #tpu.memory_space<vmem>> -> memref<2x8x128xf32, #tpu.memory_space<vmem>>
      tpu.enqueue_dma source(%dma_start3A_1841 : memref<2x8x128xf32, #tpu.memory_space<vmem>>) target(%dma_start3A_1836 : memref<2x8x128xf32, #tpu.memory_space<hbm>>) target_semaphore(%arg13 : memref<!tpu.dma_semaphore, #tpu.memory_space<semaphore_mem>>)
      %dma_start3A_1842 = arith.constant 3 : i32
      %dma_start3A_1843 = arith.constant 3 : i32
      %dma_start3A_1844 = arith.constant 0 : i32
      %dma_start3A_1845 = arith.constant 0 : i32
      %dma_start3A_1846 = arith.constant 0 : i32
      %dma_start3A_1847 = tpu.memref_slice %arg9[%dma_start3A_1844, %dma_start3A_1845, %dma_start3A_1842, %dma_start3A_1846] : memref<2x8x8x128xf32, #tpu.memory_space<vmem>> -> memref<2x8x1x128xf32, #tpu.memory_space<vmem>>
      %dma_start3A_1848 = tpu.memref_squeeze %dma_start3A_1847 : memref<2x8x1x128xf32, #tpu.memory_space<vmem>> -> memref<2x8x128xf32, #tpu.memory_space<vmem>>
      %dma_start3A_1849 = arith.constant 0 : i32
      %dma_start3A_1850 = arith.constant 0 : i32
      %dma_start3A_1851 = tpu.memref_slice %arg5[%multiple_of3A_1781, %dma_start3A_1843, %dma_start3A_1849, %dma_start3A_1850] : memref<2048x8x8x128xf32, #tpu.memory_space<hbm>> -> memref<2x1x8x128xf32, #tpu.memory_space<hbm>>
      %dma_start3A_1852 = tpu.memref_squeeze %dma_start3A_1851 : memref<2x1x8x128xf32, #tpu.memory_space<hbm>> -> memref<2x8x128xf32, #tpu.memory_space<hbm>>
      %dma_start3A_1853 = arith.constant 0 : i32
      %dma_start3A_1854 = arith.constant 0 : i32
      %dma_start3A_1855 = tpu.memref_slice %arg5[%multiple_of3A_1781, %dma_start3A_1843, %dma_start3A_1853, %dma_start3A_1854] : memref<2048x8x8x128xf32, #tpu.memory_space<hbm>> -> memref<2x1x8x128xf32, #tpu.memory_space<hbm>>
      %dma_start3A_1856 = tpu.memref_squeeze %dma_start3A_1855 : memref<2x1x8x128xf32, #tpu.memory_space<hbm>> -> memref<2x8x128xf32, #tpu.memory_space<hbm>>
      %dma_start3A_1857 = arith.constant 0 : i32
      %dma_start3A_1858 = arith.constant 0 : i32
      %dma_start3A_1859 = arith.constant 0 : i32
      %dma_start3A_1860 = tpu.memref_slice %arg9[%dma_start3A_1857, %dma_start3A_1858, %dma_start3A_1842, %dma_start3A_1859] : memref<2x8x8x128xf32, #tpu.memory_space<vmem>> -> memref<2x8x1x128xf32, #tpu.memory_space<vmem>>
      %dma_start3A_1861 = tpu.memref_squeeze %dma_start3A_1860 : memref<2x8x1x128xf32, #tpu.memory_space<vmem>> -> memref<2x8x128xf32, #tpu.memory_space<vmem>>
      tpu.enqueue_dma source(%dma_start3A_1861 : memref<2x8x128xf32, #tpu.memory_space<vmem>>) target(%dma_start3A_1856 : memref<2x8x128xf32, #tpu.memory_space<hbm>>) target_semaphore(%arg13 : memref<!tpu.dma_semaphore, #tpu.memory_space<semaphore_mem>>)
      %dma_start3A_1862 = arith.constant 4 : i32
      %dma_start3A_1863 = arith.constant 4 : i32
      %dma_start3A_1864 = arith.constant 0 : i32
      %dma_start3A_1865 = arith.constant 0 : i32
      %dma_start3A_1866 = arith.constant 0 : i32
      %dma_start3A_1867 = tpu.memref_slice %arg9[%dma_start3A_1864, %dma_start3A_1865, %dma_start3A_1862, %dma_start3A_1866] : memref<2x8x8x128xf32, #tpu.memory_space<vmem>> -> memref<2x8x1x128xf32, #tpu.memory_space<vmem>>
      %dma_start3A_1868 = tpu.memref_squeeze %dma_start3A_1867 : memref<2x8x1x128xf32, #tpu.memory_space<vmem>> -> memref<2x8x128xf32, #tpu.memory_space<vmem>>
      %dma_start3A_1869 = arith.constant 0 : i32
      %dma_start3A_1870 = arith.constant 0 : i32
      %dma_start3A_1871 = tpu.memref_slice %arg5[%multiple_of3A_1781, %dma_start3A_1863, %dma_start3A_1869, %dma_start3A_1870] : memref<2048x8x8x128xf32, #tpu.memory_space<hbm>> -> memref<2x1x8x128xf32, #tpu.memory_space<hbm>>
      %dma_start3A_1872 = tpu.memref_squeeze %dma_start3A_1871 : memref<2x1x8x128xf32, #tpu.memory_space<hbm>> -> memref<2x8x128xf32, #tpu.memory_space<hbm>>
      %dma_start3A_1873 = arith.constant 0 : i32
      %dma_start3A_1874 = arith.constant 0 : i32
      %dma_start3A_1875 = tpu.memref_slice %arg5[%multiple_of3A_1781, %dma_start3A_1863, %dma_start3A_1873, %dma_start3A_1874] : memref<2048x8x8x128xf32, #tpu.memory_space<hbm>> -> memref<2x1x8x128xf32, #tpu.memory_space<hbm>>
      %dma_start3A_1876 = tpu.memref_squeeze %dma_start3A_1875 : memref<2x1x8x128xf32, #tpu.memory_space<hbm>> -> memref<2x8x128xf32, #tpu.memory_space<hbm>>
      %dma_start3A_1877 = arith.constant 0 : i32
      %dma_start3A_1878 = arith.constant 0 : i32
      %dma_start3A_1879 = arith.constant 0 : i32
      %dma_start3A_1880 = tpu.memref_slice %arg9[%dma_start3A_1877, %dma_start3A_1878, %dma_start3A_1862, %dma_start3A_1879] : memref<2x8x8x128xf32, #tpu.memory_space<vmem>> -> memref<2x8x1x128xf32, #tpu.memory_space<vmem>>
      %dma_start3A_1881 = tpu.memref_squeeze %dma_start3A_1880 : memref<2x8x1x128xf32, #tpu.memory_space<vmem>> -> memref<2x8x128xf32, #tpu.memory_space<vmem>>
      tpu.enqueue_dma source(%dma_start3A_1881 : memref<2x8x128xf32, #tpu.memory_space<vmem>>) target(%dma_start3A_1876 : memref<2x8x128xf32, #tpu.memory_space<hbm>>) target_semaphore(%arg13 : memref<!tpu.dma_semaphore, #tpu.memory_space<semaphore_mem>>)
      %dma_start3A_1882 = arith.constant 5 : i32
      %dma_start3A_1883 = arith.constant 5 : i32
      %dma_start3A_1884 = arith.constant 0 : i32
      %dma_start3A_1885 = arith.constant 0 : i32
      %dma_start3A_1886 = arith.constant 0 : i32
      %dma_start3A_1887 = tpu.memref_slice %arg9[%dma_start3A_1884, %dma_start3A_1885, %dma_start3A_1882, %dma_start3A_1886] : memref<2x8x8x128xf32, #tpu.memory_space<vmem>> -> memref<2x8x1x128xf32, #tpu.memory_space<vmem>>
      %dma_start3A_1888 = tpu.memref_squeeze %dma_start3A_1887 : memref<2x8x1x128xf32, #tpu.memory_space<vmem>> -> memref<2x8x128xf32, #tpu.memory_space<vmem>>
      %dma_start3A_1889 = arith.constant 0 : i32
      %dma_start3A_1890 = arith.constant 0 : i32
      %dma_start3A_1891 = tpu.memref_slice %arg5[%multiple_of3A_1781, %dma_start3A_1883, %dma_start3A_1889, %dma_start3A_1890] : memref<2048x8x8x128xf32, #tpu.memory_space<hbm>> -> memref<2x1x8x128xf32, #tpu.memory_space<hbm>>
      %dma_start3A_1892 = tpu.memref_squeeze %dma_start3A_1891 : memref<2x1x8x128xf32, #tpu.memory_space<hbm>> -> memref<2x8x128xf32, #tpu.memory_space<hbm>>
      %dma_start3A_1893 = arith.constant 0 : i32
      %dma_start3A_1894 = arith.constant 0 : i32
      %dma_start3A_1895 = tpu.memref_slice %arg5[%multiple_of3A_1781, %dma_start3A_1883, %dma_start3A_1893, %dma_start3A_1894] : memref<2048x8x8x128xf32, #tpu.memory_space<hbm>> -> memref<2x1x8x128xf32, #tpu.memory_space<hbm>>
      %dma_start3A_1896 = tpu.memref_squeeze %dma_start3A_1895 : memref<2x1x8x128xf32, #tpu.memory_space<hbm>> -> memref<2x8x128xf32, #tpu.memory_space<hbm>>
      %dma_start3A_1897 = arith.constant 0 : i32
      %dma_start3A_1898 = arith.constant 0 : i32
      %dma_start3A_1899 = arith.constant 0 : i32
      %dma_start3A_1900 = tpu.memref_slice %arg9[%dma_start3A_1897, %dma_start3A_1898, %dma_start3A_1882, %dma_start3A_1899] : memref<2x8x8x128xf32, #tpu.memory_space<vmem>> -> memref<2x8x1x128xf32, #tpu.memory_space<vmem>>
      %dma_start3A_1901 = tpu.memref_squeeze %dma_start3A_1900 : memref<2x8x1x128xf32, #tpu.memory_space<vmem>> -> memref<2x8x128xf32, #tpu.memory_space<vmem>>
      tpu.enqueue_dma source(%dma_start3A_1901 : memref<2x8x128xf32, #tpu.memory_space<vmem>>) target(%dma_start3A_1896 : memref<2x8x128xf32, #tpu.memory_space<hbm>>) target_semaphore(%arg13 : memref<!tpu.dma_semaphore, #tpu.memory_space<semaphore_mem>>)
      %dma_start3A_1902 = arith.constant 6 : i32
      %dma_start3A_1903 = arith.constant 6 : i32
      %dma_start3A_1904 = arith.constant 0 : i32
      %dma_start3A_1905 = arith.constant 0 : i32
      %dma_start3A_1906 = arith.constant 0 : i32
      %dma_start3A_1907 = tpu.memref_slice %arg9[%dma_start3A_1904, %dma_start3A_1905, %dma_start3A_1902, %dma_start3A_1906] : memref<2x8x8x128xf32, #tpu.memory_space<vmem>> -> memref<2x8x1x128xf32, #tpu.memory_space<vmem>>
      %dma_start3A_1908 = tpu.memref_squeeze %dma_start3A_1907 : memref<2x8x1x128xf32, #tpu.memory_space<vmem>> -> memref<2x8x128xf32, #tpu.memory_space<vmem>>
      %dma_start3A_1909 = arith.constant 0 : i32
      %dma_start3A_1910 = arith.constant 0 : i32
      %dma_start3A_1911 = tpu.memref_slice %arg5[%multiple_of3A_1781, %dma_start3A_1903, %dma_start3A_1909, %dma_start3A_1910] : memref<2048x8x8x128xf32, #tpu.memory_space<hbm>> -> memref<2x1x8x128xf32, #tpu.memory_space<hbm>>
      %dma_start3A_1912 = tpu.memref_squeeze %dma_start3A_1911 : memref<2x1x8x128xf32, #tpu.memory_space<hbm>> -> memref<2x8x128xf32, #tpu.memory_space<hbm>>
      %dma_start3A_1913 = arith.constant 0 : i32
      %dma_start3A_1914 = arith.constant 0 : i32
      %dma_start3A_1915 = tpu.memref_slice %arg5[%multiple_of3A_1781, %dma_start3A_1903, %dma_start3A_1913, %dma_start3A_1914] : memref<2048x8x8x128xf32, #tpu.memory_space<hbm>> -> memref<2x1x8x128xf32, #tpu.memory_space<hbm>>
      %dma_start3A_1916 = tpu.memref_squeeze %dma_start3A_1915 : memref<2x1x8x128xf32, #tpu.memory_space<hbm>> -> memref<2x8x128xf32, #tpu.memory_space<hbm>>
      %dma_start3A_1917 = arith.constant 0 : i32
      %dma_start3A_1918 = arith.constant 0 : i32
      %dma_start3A_1919 = arith.constant 0 : i32
      %dma_start3A_1920 = tpu.memref_slice %arg9[%dma_start3A_1917, %dma_start3A_1918, %dma_start3A_1902, %dma_start3A_1919] : memref<2x8x8x128xf32, #tpu.memory_space<vmem>> -> memref<2x8x1x128xf32, #tpu.memory_space<vmem>>
      %dma_start3A_1921 = tpu.memref_squeeze %dma_start3A_1920 : memref<2x8x1x128xf32, #tpu.memory_space<vmem>> -> memref<2x8x128xf32, #tpu.memory_space<vmem>>
      tpu.enqueue_dma source(%dma_start3A_1921 : memref<2x8x128xf32, #tpu.memory_space<vmem>>) target(%dma_start3A_1916 : memref<2x8x128xf32, #tpu.memory_space<hbm>>) target_semaphore(%arg13 : memref<!tpu.dma_semaphore, #tpu.memory_space<semaphore_mem>>)
      %dma_start3A_1922 = arith.constant 7 : i32
      %dma_start3A_1923 = arith.constant 7 : i32
      %dma_start3A_1924 = arith.constant 0 : i32
      %dma_start3A_1925 = arith.constant 0 : i32
      %dma_start3A_1926 = arith.constant 0 : i32
      %dma_start3A_1927 = tpu.memref_slice %arg9[%dma_start3A_1924, %dma_start3A_1925, %dma_start3A_1922, %dma_start3A_1926] : memref<2x8x8x128xf32, #tpu.memory_space<vmem>> -> memref<2x8x1x128xf32, #tpu.memory_space<vmem>>
      %dma_start3A_1928 = tpu.memref_squeeze %dma_start3A_1927 : memref<2x8x1x128xf32, #tpu.memory_space<vmem>> -> memref<2x8x128xf32, #tpu.memory_space<vmem>>
      %dma_start3A_1929 = arith.constant 0 : i32
      %dma_start3A_1930 = arith.constant 0 : i32
      %dma_start3A_1931 = tpu.memref_slice %arg5[%multiple_of3A_1781, %dma_start3A_1923, %dma_start3A_1929, %dma_start3A_1930] : memref<2048x8x8x128xf32, #tpu.memory_space<hbm>> -> memref<2x1x8x128xf32, #tpu.memory_space<hbm>>
      %dma_start3A_1932 = tpu.memref_squeeze %dma_start3A_1931 : memref<2x1x8x128xf32, #tpu.memory_space<hbm>> -> memref<2x8x128xf32, #tpu.memory_space<hbm>>
      %dma_start3A_1933 = arith.constant 0 : i32
      %dma_start3A_1934 = arith.constant 0 : i32
      %dma_start3A_1935 = tpu.memref_slice %arg5[%multiple_of3A_1781, %dma_start3A_1923, %dma_start3A_1933, %dma_start3A_1934] : memref<2048x8x8x128xf32, #tpu.memory_space<hbm>> -> memref<2x1x8x128xf32, #tpu.memory_space<hbm>>
      %dma_start3A_1936 = tpu.memref_squeeze %dma_start3A_1935 : memref<2x1x8x128xf32, #tpu.memory_space<hbm>> -> memref<2x8x128xf32, #tpu.memory_space<hbm>>
      %dma_start3A_1937 = arith.constant 0 : i32
      %dma_start3A_1938 = arith.constant 0 : i32
      %dma_start3A_1939 = arith.constant 0 : i32
      %dma_start3A_1940 = tpu.memref_slice %arg9[%dma_start3A_1937, %dma_start3A_1938, %dma_start3A_1922, %dma_start3A_1939] : memref<2x8x8x128xf32, #tpu.memory_space<vmem>> -> memref<2x8x1x128xf32, #tpu.memory_space<vmem>>
      %dma_start3A_1941 = tpu.memref_squeeze %dma_start3A_1940 : memref<2x8x1x128xf32, #tpu.memory_space<vmem>> -> memref<2x8x128xf32, #tpu.memory_space<vmem>>
      tpu.enqueue_dma source(%dma_start3A_1941 : memref<2x8x128xf32, #tpu.memory_space<vmem>>) target(%dma_start3A_1936 : memref<2x8x128xf32, #tpu.memory_space<hbm>>) target_semaphore(%arg13 : memref<!tpu.dma_semaphore, #tpu.memory_space<semaphore_mem>>)
      %dma_wait3A_1942 = arith.constant 0 : i32
      %dma_wait3A_1943 = arith.constant 0 : i32
      %dma_wait3A_1944 = arith.constant 0 : i32
      %dma_wait3A_1945 = arith.constant 0 : i32
      %dma_wait3A_1946 = tpu.memref_slice %arg10[%dma_wait3A_1942, %dma_wait3A_1943, %dma_wait3A_1944, %dma_wait3A_1945] : memref<2x8x8x128xf32, #tpu.memory_space<vmem>> -> memref<1x1x8x128xf32, #tpu.memory_space<vmem>>
      %dma_wait3A_1947 = tpu.memref_squeeze %dma_wait3A_1946 : memref<1x1x8x128xf32, #tpu.memory_space<vmem>> -> memref<8x128xf32, #tpu.memory_space<vmem>>
      %dma_wait3A_1948 = arith.constant 0 : i32
      %dma_wait3A_1949 = arith.constant 0 : i32
      %dma_wait3A_1950 = tpu.memref_slice %arg4[%dma_wait3A_1948, %dma_wait3A_1949] : memref<8008x128xf32, #tpu.memory_space<hbm>> -> memref<8x128xf32, #tpu.memory_space<hbm>>
      %dma_wait3A_1951 = arith.constant 0 : i32
      %dma_wait3A_1952 = arith.constant 0 : i32
      %dma_wait3A_1953 = tpu.memref_slice %arg10[%dma_wait3A_1942, %dma_wait3A_1943, %dma_wait3A_1951, %dma_wait3A_1952] : memref<2x8x8x128xf32, #tpu.memory_space<vmem>> -> memref<1x1x8x128xf32, #tpu.memory_space<vmem>>
      %dma_wait3A_1954 = tpu.memref_squeeze %dma_wait3A_1953 : memref<1x1x8x128xf32, #tpu.memory_space<vmem>> -> memref<8x128xf32, #tpu.memory_space<vmem>>
      %dma_wait3A_1955 = arith.constant 0 : i32
      %dma_wait3A_1956 = arith.constant 0 : i32
      %dma_wait3A_1957 = tpu.memref_slice %arg4[%dma_wait3A_1955, %dma_wait3A_1956] : memref<8008x128xf32, #tpu.memory_space<hbm>> -> memref<8x128xf32, #tpu.memory_space<hbm>>
      tpu.wait_dma2 semaphore(%arg12 : memref<!tpu.dma_semaphore, #tpu.memory_space<semaphore_mem>>) src(%dma_wait3A_1957 : memref<8x128xf32, #tpu.memory_space<hbm>>) dst(%dma_wait3A_1954 : memref<8x128xf32, #tpu.memory_space<vmem>>)
      %dma_wait3A_1958 = arith.constant 0 : i32
      %dma_wait3A_1959 = arith.constant 1 : i32
      %dma_wait3A_1960 = arith.constant 0 : i32
      %dma_wait3A_1961 = arith.constant 0 : i32
      %dma_wait3A_1962 = tpu.memref_slice %arg10[%dma_wait3A_1958, %dma_wait3A_1959, %dma_wait3A_1960, %dma_wait3A_1961] : memref<2x8x8x128xf32, #tpu.memory_space<vmem>> -> memref<1x1x8x128xf32, #tpu.memory_space<vmem>>
      %dma_wait3A_1963 = tpu.memref_squeeze %dma_wait3A_1962 : memref<1x1x8x128xf32, #tpu.memory_space<vmem>> -> memref<8x128xf32, #tpu.memory_space<vmem>>
      %dma_wait3A_1964 = arith.constant 0 : i32
      %dma_wait3A_1965 = arith.constant 0 : i32
      %dma_wait3A_1966 = tpu.memref_slice %arg4[%dma_wait3A_1964, %dma_wait3A_1965] : memref<8008x128xf32, #tpu.memory_space<hbm>> -> memref<8x128xf32, #tpu.memory_space<hbm>>
      %dma_wait3A_1967 = arith.constant 0 : i32
      %dma_wait3A_1968 = arith.constant 0 : i32
      %dma_wait3A_1969 = tpu.memref_slice %arg10[%dma_wait3A_1958, %dma_wait3A_1959, %dma_wait3A_1967, %dma_wait3A_1968] : memref<2x8x8x128xf32, #tpu.memory_space<vmem>> -> memref<1x1x8x128xf32, #tpu.memory_space<vmem>>
      %dma_wait3A_1970 = tpu.memref_squeeze %dma_wait3A_1969 : memref<1x1x8x128xf32, #tpu.memory_space<vmem>> -> memref<8x128xf32, #tpu.memory_space<vmem>>
      %dma_wait3A_1971 = arith.constant 0 : i32
      %dma_wait3A_1972 = arith.constant 0 : i32
      %dma_wait3A_1973 = tpu.memref_slice %arg4[%dma_wait3A_1971, %dma_wait3A_1972] : memref<8008x128xf32, #tpu.memory_space<hbm>> -> memref<8x128xf32, #tpu.memory_space<hbm>>
      tpu.wait_dma2 semaphore(%arg12 : memref<!tpu.dma_semaphore, #tpu.memory_space<semaphore_mem>>) src(%dma_wait3A_1973 : memref<8x128xf32, #tpu.memory_space<hbm>>) dst(%dma_wait3A_1970 : memref<8x128xf32, #tpu.memory_space<vmem>>)
      %dma_wait3A_1974 = arith.constant 0 : i32
      %dma_wait3A_1975 = arith.constant 2 : i32
      %dma_wait3A_1976 = arith.constant 0 : i32
      %dma_wait3A_1977 = arith.constant 0 : i32
      %dma_wait3A_1978 = tpu.memref_slice %arg10[%dma_wait3A_1974, %dma_wait3A_1975, %dma_wait3A_1976, %dma_wait3A_1977] : memref<2x8x8x128xf32, #tpu.memory_space<vmem>> -> memref<1x1x8x128xf32, #tpu.memory_space<vmem>>
      %dma_wait3A_1979 = tpu.memref_squeeze %dma_wait3A_1978 : memref<1x1x8x128xf32, #tpu.memory_space<vmem>> -> memref<8x128xf32, #tpu.memory_space<vmem>>
      %dma_wait3A_1980 = arith.constant 0 : i32
      %dma_wait3A_1981 = arith.constant 0 : i32
      %dma_wait3A_1982 = tpu.memref_slice %arg4[%dma_wait3A_1980, %dma_wait3A_1981] : memref<8008x128xf32, #tpu.memory_space<hbm>> -> memref<8x128xf32, #tpu.memory_space<hbm>>
      %dma_wait3A_1983 = arith.constant 0 : i32
      %dma_wait3A_1984 = arith.constant 0 : i32
      %dma_wait3A_1985 = tpu.memref_slice %arg10[%dma_wait3A_1974, %dma_wait3A_1975, %dma_wait3A_1983, %dma_wait3A_1984] : memref<2x8x8x128xf32, #tpu.memory_space<vmem>> -> memref<1x1x8x128xf32, #tpu.memory_space<vmem>>
      %dma_wait3A_1986 = tpu.memref_squeeze %dma_wait3A_1985 : memref<1x1x8x128xf32, #tpu.memory_space<vmem>> -> memref<8x128xf32, #tpu.memory_space<vmem>>
      %dma_wait3A_1987 = arith.constant 0 : i32
      %dma_wait3A_1988 = arith.constant 0 : i32
      %dma_wait3A_1989 = tpu.memref_slice %arg4[%dma_wait3A_1987, %dma_wait3A_1988] : memref<8008x128xf32, #tpu.memory_space<hbm>> -> memref<8x128xf32, #tpu.memory_space<hbm>>
      tpu.wait_dma2 semaphore(%arg12 : memref<!tpu.dma_semaphore, #tpu.memory_space<semaphore_mem>>) src(%dma_wait3A_1989 : memref<8x128xf32, #tpu.memory_space<hbm>>) dst(%dma_wait3A_1986 : memref<8x128xf32, #tpu.memory_space<vmem>>)
      %dma_wait3A_1990 = arith.constant 0 : i32
      %dma_wait3A_1991 = arith.constant 3 : i32
      %dma_wait3A_1992 = arith.constant 0 : i32
      %dma_wait3A_1993 = arith.constant 0 : i32
      %dma_wait3A_1994 = tpu.memref_slice %arg10[%dma_wait3A_1990, %dma_wait3A_1991, %dma_wait3A_1992, %dma_wait3A_1993] : memref<2x8x8x128xf32, #tpu.memory_space<vmem>> -> memref<1x1x8x128xf32, #tpu.memory_space<vmem>>
      %dma_wait3A_1995 = tpu.memref_squeeze %dma_wait3A_1994 : memref<1x1x8x128xf32, #tpu.memory_space<vmem>> -> memref<8x128xf32, #tpu.memory_space<vmem>>
      %dma_wait3A_1996 = arith.constant 0 : i32
      %dma_wait3A_1997 = arith.constant 0 : i32
      %dma_wait3A_1998 = tpu.memref_slice %arg4[%dma_wait3A_1996, %dma_wait3A_1997] : memref<8008x128xf32, #tpu.memory_space<hbm>> -> memref<8x128xf32, #tpu.memory_space<hbm>>
      %dma_wait3A_1999 = arith.constant 0 : i32
      %dma_wait3A_2000 = arith.constant 0 : i32
      %dma_wait3A_2001 = tpu.memref_slice %arg10[%dma_wait3A_1990, %dma_wait3A_1991, %dma_wait3A_1999, %dma_wait3A_2000] : memref<2x8x8x128xf32, #tpu.memory_space<vmem>> -> memref<1x1x8x128xf32, #tpu.memory_space<vmem>>
      %dma_wait3A_2002 = tpu.memref_squeeze %dma_wait3A_2001 : memref<1x1x8x128xf32, #tpu.memory_space<vmem>> -> memref<8x128xf32, #tpu.memory_space<vmem>>
      %dma_wait3A_2003 = arith.constant 0 : i32
      %dma_wait3A_2004 = arith.constant 0 : i32
      %dma_wait3A_2005 = tpu.memref_slice %arg4[%dma_wait3A_2003, %dma_wait3A_2004] : memref<8008x128xf32, #tpu.memory_space<hbm>> -> memref<8x128xf32, #tpu.memory_space<hbm>>
      tpu.wait_dma2 semaphore(%arg12 : memref<!tpu.dma_semaphore, #tpu.memory_space<semaphore_mem>>) src(%dma_wait3A_2005 : memref<8x128xf32, #tpu.memory_space<hbm>>) dst(%dma_wait3A_2002 : memref<8x128xf32, #tpu.memory_space<vmem>>)
      %dma_wait3A_2006 = arith.constant 0 : i32
      %dma_wait3A_2007 = arith.constant 4 : i32
      %dma_wait3A_2008 = arith.constant 0 : i32
      %dma_wait3A_2009 = arith.constant 0 : i32
      %dma_wait3A_2010 = tpu.memref_slice %arg10[%dma_wait3A_2006, %dma_wait3A_2007, %dma_wait3A_2008, %dma_wait3A_2009] : memref<2x8x8x128xf32, #tpu.memory_space<vmem>> -> memref<1x1x8x128xf32, #tpu.memory_space<vmem>>
      %dma_wait3A_2011 = tpu.memref_squeeze %dma_wait3A_2010 : memref<1x1x8x128xf32, #tpu.memory_space<vmem>> -> memref<8x128xf32, #tpu.memory_space<vmem>>
      %dma_wait3A_2012 = arith.constant 0 : i32
      %dma_wait3A_2013 = arith.constant 0 : i32
      %dma_wait3A_2014 = tpu.memref_slice %arg4[%dma_wait3A_2012, %dma_wait3A_2013] : memref<8008x128xf32, #tpu.memory_space<hbm>> -> memref<8x128xf32, #tpu.memory_space<hbm>>
      %dma_wait3A_2015 = arith.constant 0 : i32
      %dma_wait3A_2016 = arith.constant 0 : i32
      %dma_wait3A_2017 = tpu.memref_slice %arg10[%dma_wait3A_2006, %dma_wait3A_2007, %dma_wait3A_2015, %dma_wait3A_2016] : memref<2x8x8x128xf32, #tpu.memory_space<vmem>> -> memref<1x1x8x128xf32, #tpu.memory_space<vmem>>
      %dma_wait3A_2018 = tpu.memref_squeeze %dma_wait3A_2017 : memref<1x1x8x128xf32, #tpu.memory_space<vmem>> -> memref<8x128xf32, #tpu.memory_space<vmem>>
      %dma_wait3A_2019 = arith.constant 0 : i32
      %dma_wait3A_2020 = arith.constant 0 : i32
      %dma_wait3A_2021 = tpu.memref_slice %arg4[%dma_wait3A_2019, %dma_wait3A_2020] : memref<8008x128xf32, #tpu.memory_space<hbm>> -> memref<8x128xf32, #tpu.memory_space<hbm>>
      tpu.wait_dma2 semaphore(%arg12 : memref<!tpu.dma_semaphore, #tpu.memory_space<semaphore_mem>>) src(%dma_wait3A_2021 : memref<8x128xf32, #tpu.memory_space<hbm>>) dst(%dma_wait3A_2018 : memref<8x128xf32, #tpu.memory_space<vmem>>)
      %dma_wait3A_2022 = arith.constant 0 : i32
      %dma_wait3A_2023 = arith.constant 5 : i32
      %dma_wait3A_2024 = arith.constant 0 : i32
      %dma_wait3A_2025 = arith.constant 0 : i32
      %dma_wait3A_2026 = tpu.memref_slice %arg10[%dma_wait3A_2022, %dma_wait3A_2023, %dma_wait3A_2024, %dma_wait3A_2025] : memref<2x8x8x128xf32, #tpu.memory_space<vmem>> -> memref<1x1x8x128xf32, #tpu.memory_space<vmem>>
      %dma_wait3A_2027 = tpu.memref_squeeze %dma_wait3A_2026 : memref<1x1x8x128xf32, #tpu.memory_space<vmem>> -> memref<8x128xf32, #tpu.memory_space<vmem>>
      %dma_wait3A_2028 = arith.constant 0 : i32
      %dma_wait3A_2029 = arith.constant 0 : i32
      %dma_wait3A_2030 = tpu.memref_slice %arg4[%dma_wait3A_2028, %dma_wait3A_2029] : memref<8008x128xf32, #tpu.memory_space<hbm>> -> memref<8x128xf32, #tpu.memory_space<hbm>>
      %dma_wait3A_2031 = arith.constant 0 : i32
      %dma_wait3A_2032 = arith.constant 0 : i32
      %dma_wait3A_2033 = tpu.memref_slice %arg10[%dma_wait3A_2022, %dma_wait3A_2023, %dma_wait3A_2031, %dma_wait3A_2032] : memref<2x8x8x128xf32, #tpu.memory_space<vmem>> -> memref<1x1x8x128xf32, #tpu.memory_space<vmem>>
      %dma_wait3A_2034 = tpu.memref_squeeze %dma_wait3A_2033 : memref<1x1x8x128xf32, #tpu.memory_space<vmem>> -> memref<8x128xf32, #tpu.memory_space<vmem>>
      %dma_wait3A_2035 = arith.constant 0 : i32
      %dma_wait3A_2036 = arith.constant 0 : i32
      %dma_wait3A_2037 = tpu.memref_slice %arg4[%dma_wait3A_2035, %dma_wait3A_2036] : memref<8008x128xf32, #tpu.memory_space<hbm>> -> memref<8x128xf32, #tpu.memory_space<hbm>>
      tpu.wait_dma2 semaphore(%arg12 : memref<!tpu.dma_semaphore, #tpu.memory_space<semaphore_mem>>) src(%dma_wait3A_2037 : memref<8x128xf32, #tpu.memory_space<hbm>>) dst(%dma_wait3A_2034 : memref<8x128xf32, #tpu.memory_space<vmem>>)
      %dma_wait3A_2038 = arith.constant 0 : i32
      %dma_wait3A_2039 = arith.constant 6 : i32
      %dma_wait3A_2040 = arith.constant 0 : i32
      %dma_wait3A_2041 = arith.constant 0 : i32
      %dma_wait3A_2042 = tpu.memref_slice %arg10[%dma_wait3A_2038, %dma_wait3A_2039, %dma_wait3A_2040, %dma_wait3A_2041] : memref<2x8x8x128xf32, #tpu.memory_space<vmem>> -> memref<1x1x8x128xf32, #tpu.memory_space<vmem>>
      %dma_wait3A_2043 = tpu.memref_squeeze %dma_wait3A_2042 : memref<1x1x8x128xf32, #tpu.memory_space<vmem>> -> memref<8x128xf32, #tpu.memory_space<vmem>>
      %dma_wait3A_2044 = arith.constant 0 : i32
      %dma_wait3A_2045 = arith.constant 0 : i32
      %dma_wait3A_2046 = tpu.memref_slice %arg4[%dma_wait3A_2044, %dma_wait3A_2045] : memref<8008x128xf32, #tpu.memory_space<hbm>> -> memref<8x128xf32, #tpu.memory_space<hbm>>
      %dma_wait3A_2047 = arith.constant 0 : i32
      %dma_wait3A_2048 = arith.constant 0 : i32
      %dma_wait3A_2049 = tpu.memref_slice %arg10[%dma_wait3A_2038, %dma_wait3A_2039, %dma_wait3A_2047, %dma_wait3A_2048] : memref<2x8x8x128xf32, #tpu.memory_space<vmem>> -> memref<1x1x8x128xf32, #tpu.memory_space<vmem>>
      %dma_wait3A_2050 = tpu.memref_squeeze %dma_wait3A_2049 : memref<1x1x8x128xf32, #tpu.memory_space<vmem>> -> memref<8x128xf32, #tpu.memory_space<vmem>>
      %dma_wait3A_2051 = arith.constant 0 : i32
      %dma_wait3A_2052 = arith.constant 0 : i32
      %dma_wait3A_2053 = tpu.memref_slice %arg4[%dma_wait3A_2051, %dma_wait3A_2052] : memref<8008x128xf32, #tpu.memory_space<hbm>> -> memref<8x128xf32, #tpu.memory_space<hbm>>
      tpu.wait_dma2 semaphore(%arg12 : memref<!tpu.dma_semaphore, #tpu.memory_space<semaphore_mem>>) src(%dma_wait3A_2053 : memref<8x128xf32, #tpu.memory_space<hbm>>) dst(%dma_wait3A_2050 : memref<8x128xf32, #tpu.memory_space<vmem>>)
      %dma_wait3A_2054 = arith.constant 0 : i32
      %dma_wait3A_2055 = arith.constant 7 : i32
      %dma_wait3A_2056 = arith.constant 0 : i32
      %dma_wait3A_2057 = arith.constant 0 : i32
      %dma_wait3A_2058 = tpu.memref_slice %arg10[%dma_wait3A_2054, %dma_wait3A_2055, %dma_wait3A_2056, %dma_wait3A_2057] : memref<2x8x8x128xf32, #tpu.memory_space<vmem>> -> memref<1x1x8x128xf32, #tpu.memory_space<vmem>>
      %dma_wait3A_2059 = tpu.memref_squeeze %dma_wait3A_2058 : memref<1x1x8x128xf32, #tpu.memory_space<vmem>> -> memref<8x128xf32, #tpu.memory_space<vmem>>
      %dma_wait3A_2060 = arith.constant 0 : i32
      %dma_wait3A_2061 = arith.constant 0 : i32
      %dma_wait3A_2062 = tpu.memref_slice %arg4[%dma_wait3A_2060, %dma_wait3A_2061] : memref<8008x128xf32, #tpu.memory_space<hbm>> -> memref<8x128xf32, #tpu.memory_space<hbm>>
      %dma_wait3A_2063 = arith.constant 0 : i32
      %dma_wait3A_2064 = arith.constant 0 : i32
      %dma_wait3A_2065 = tpu.memref_slice %arg10[%dma_wait3A_2054, %dma_wait3A_2055, %dma_wait3A_2063, %dma_wait3A_2064] : memref<2x8x8x128xf32, #tpu.memory_space<vmem>> -> memref<1x1x8x128xf32, #tpu.memory_space<vmem>>
      %dma_wait3A_2066 = tpu.memref_squeeze %dma_wait3A_2065 : memref<1x1x8x128xf32, #tpu.memory_space<vmem>> -> memref<8x128xf32, #tpu.memory_space<vmem>>
      %dma_wait3A_2067 = arith.constant 0 : i32
      %dma_wait3A_2068 = arith.constant 0 : i32
      %dma_wait3A_2069 = tpu.memref_slice %arg4[%dma_wait3A_2067, %dma_wait3A_2068] : memref<8008x128xf32, #tpu.memory_space<hbm>> -> memref<8x128xf32, #tpu.memory_space<hbm>>
      tpu.wait_dma2 semaphore(%arg12 : memref<!tpu.dma_semaphore, #tpu.memory_space<semaphore_mem>>) src(%dma_wait3A_2069 : memref<8x128xf32, #tpu.memory_space<hbm>>) dst(%dma_wait3A_2066 : memref<8x128xf32, #tpu.memory_space<vmem>>)
      %dma_wait3A_2070 = arith.constant 1 : i32
      %dma_wait3A_2071 = arith.constant 0 : i32
      %dma_wait3A_2072 = arith.constant 0 : i32
      %dma_wait3A_2073 = arith.constant 0 : i32
      %dma_wait3A_2074 = tpu.memref_slice %arg10[%dma_wait3A_2070, %dma_wait3A_2071, %dma_wait3A_2072, %dma_wait3A_2073] : memref<2x8x8x128xf32, #tpu.memory_space<vmem>> -> memref<1x1x8x128xf32, #tpu.memory_space<vmem>>
      %dma_wait3A_2075 = tpu.memref_squeeze %dma_wait3A_2074 : memref<1x1x8x128xf32, #tpu.memory_space<vmem>> -> memref<8x128xf32, #tpu.memory_space<vmem>>
      %dma_wait3A_2076 = arith.constant 0 : i32
      %dma_wait3A_2077 = arith.constant 0 : i32
      %dma_wait3A_2078 = tpu.memref_slice %arg4[%dma_wait3A_2076, %dma_wait3A_2077] : memref<8008x128xf32, #tpu.memory_space<hbm>> -> memref<8x128xf32, #tpu.memory_space<hbm>>
      %dma_wait3A_2079 = arith.constant 0 : i32
      %dma_wait3A_2080 = arith.constant 0 : i32
      %dma_wait3A_2081 = tpu.memref_slice %arg10[%dma_wait3A_2070, %dma_wait3A_2071, %dma_wait3A_2079, %dma_wait3A_2080] : memref<2x8x8x128xf32, #tpu.memory_space<vmem>> -> memref<1x1x8x128xf32, #tpu.memory_space<vmem>>
      %dma_wait3A_2082 = tpu.memref_squeeze %dma_wait3A_2081 : memref<1x1x8x128xf32, #tpu.memory_space<vmem>> -> memref<8x128xf32, #tpu.memory_space<vmem>>
      %dma_wait3A_2083 = arith.constant 0 : i32
      %dma_wait3A_2084 = arith.constant 0 : i32
      %dma_wait3A_2085 = tpu.memref_slice %arg4[%dma_wait3A_2083, %dma_wait3A_2084] : memref<8008x128xf32, #tpu.memory_space<hbm>> -> memref<8x128xf32, #tpu.memory_space<hbm>>
      tpu.wait_dma2 semaphore(%arg12 : memref<!tpu.dma_semaphore, #tpu.memory_space<semaphore_mem>>) src(%dma_wait3A_2085 : memref<8x128xf32, #tpu.memory_space<hbm>>) dst(%dma_wait3A_2082 : memref<8x128xf32, #tpu.memory_space<vmem>>)
      %dma_wait3A_2086 = arith.constant 1 : i32
      %dma_wait3A_2087 = arith.constant 1 : i32
      %dma_wait3A_2088 = arith.constant 0 : i32
      %dma_wait3A_2089 = arith.constant 0 : i32
      %dma_wait3A_2090 = tpu.memref_slice %arg10[%dma_wait3A_2086, %dma_wait3A_2087, %dma_wait3A_2088, %dma_wait3A_2089] : memref<2x8x8x128xf32, #tpu.memory_space<vmem>> -> memref<1x1x8x128xf32, #tpu.memory_space<vmem>>
      %dma_wait3A_2091 = tpu.memref_squeeze %dma_wait3A_2090 : memref<1x1x8x128xf32, #tpu.memory_space<vmem>> -> memref<8x128xf32, #tpu.memory_space<vmem>>
      %dma_wait3A_2092 = arith.constant 0 : i32
      %dma_wait3A_2093 = arith.constant 0 : i32
      %dma_wait3A_2094 = tpu.memref_slice %arg4[%dma_wait3A_2092, %dma_wait3A_2093] : memref<8008x128xf32, #tpu.memory_space<hbm>> -> memref<8x128xf32, #tpu.memory_space<hbm>>
      %dma_wait3A_2095 = arith.constant 0 : i32
      %dma_wait3A_2096 = arith.constant 0 : i32
      %dma_wait3A_2097 = tpu.memref_slice %arg10[%dma_wait3A_2086, %dma_wait3A_2087, %dma_wait3A_2095, %dma_wait3A_2096] : memref<2x8x8x128xf32, #tpu.memory_space<vmem>> -> memref<1x1x8x128xf32, #tpu.memory_space<vmem>>
      %dma_wait3A_2098 = tpu.memref_squeeze %dma_wait3A_2097 : memref<1x1x8x128xf32, #tpu.memory_space<vmem>> -> memref<8x128xf32, #tpu.memory_space<vmem>>
      %dma_wait3A_2099 = arith.constant 0 : i32
      %dma_wait3A_2100 = arith.constant 0 : i32
      %dma_wait3A_2101 = tpu.memref_slice %arg4[%dma_wait3A_2099, %dma_wait3A_2100] : memref<8008x128xf32, #tpu.memory_space<hbm>> -> memref<8x128xf32, #tpu.memory_space<hbm>>
      tpu.wait_dma2 semaphore(%arg12 : memref<!tpu.dma_semaphore, #tpu.memory_space<semaphore_mem>>) src(%dma_wait3A_2101 : memref<8x128xf32, #tpu.memory_space<hbm>>) dst(%dma_wait3A_2098 : memref<8x128xf32, #tpu.memory_space<vmem>>)
      %dma_wait3A_2102 = arith.constant 1 : i32
      %dma_wait3A_2103 = arith.constant 2 : i32
      %dma_wait3A_2104 = arith.constant 0 : i32
      %dma_wait3A_2105 = arith.constant 0 : i32
      %dma_wait3A_2106 = tpu.memref_slice %arg10[%dma_wait3A_2102, %dma_wait3A_2103, %dma_wait3A_2104, %dma_wait3A_2105] : memref<2x8x8x128xf32, #tpu.memory_space<vmem>> -> memref<1x1x8x128xf32, #tpu.memory_space<vmem>>
      %dma_wait3A_2107 = tpu.memref_squeeze %dma_wait3A_2106 : memref<1x1x8x128xf32, #tpu.memory_space<vmem>> -> memref<8x128xf32, #tpu.memory_space<vmem>>
      %dma_wait3A_2108 = arith.constant 0 : i32
      %dma_wait3A_2109 = arith.constant 0 : i32
      %dma_wait3A_2110 = tpu.memref_slice %arg4[%dma_wait3A_2108, %dma_wait3A_2109] : memref<8008x128xf32, #tpu.memory_space<hbm>> -> memref<8x128xf32, #tpu.memory_space<hbm>>
      %dma_wait3A_2111 = arith.constant 0 : i32
      %dma_wait3A_2112 = arith.constant 0 : i32
      %dma_wait3A_2113 = tpu.memref_slice %arg10[%dma_wait3A_2102, %dma_wait3A_2103, %dma_wait3A_2111, %dma_wait3A_2112] : memref<2x8x8x128xf32, #tpu.memory_space<vmem>> -> memref<1x1x8x128xf32, #tpu.memory_space<vmem>>
      %dma_wait3A_2114 = tpu.memref_squeeze %dma_wait3A_2113 : memref<1x1x8x128xf32, #tpu.memory_space<vmem>> -> memref<8x128xf32, #tpu.memory_space<vmem>>
      %dma_wait3A_2115 = arith.constant 0 : i32
      %dma_wait3A_2116 = arith.constant 0 : i32
      %dma_wait3A_2117 = tpu.memref_slice %arg4[%dma_wait3A_2115, %dma_wait3A_2116] : memref<8008x128xf32, #tpu.memory_space<hbm>> -> memref<8x128xf32, #tpu.memory_space<hbm>>
      tpu.wait_dma2 semaphore(%arg12 : memref<!tpu.dma_semaphore, #tpu.memory_space<semaphore_mem>>) src(%dma_wait3A_2117 : memref<8x128xf32, #tpu.memory_space<hbm>>) dst(%dma_wait3A_2114 : memref<8x128xf32, #tpu.memory_space<vmem>>)
      %dma_wait3A_2118 = arith.constant 1 : i32
      %dma_wait3A_2119 = arith.constant 3 : i32
      %dma_wait3A_2120 = arith.constant 0 : i32
      %dma_wait3A_2121 = arith.constant 0 : i32
      %dma_wait3A_2122 = tpu.memref_slice %arg10[%dma_wait3A_2118, %dma_wait3A_2119, %dma_wait3A_2120, %dma_wait3A_2121] : memref<2x8x8x128xf32, #tpu.memory_space<vmem>> -> memref<1x1x8x128xf32, #tpu.memory_space<vmem>>
      %dma_wait3A_2123 = tpu.memref_squeeze %dma_wait3A_2122 : memref<1x1x8x128xf32, #tpu.memory_space<vmem>> -> memref<8x128xf32, #tpu.memory_space<vmem>>
      %dma_wait3A_2124 = arith.constant 0 : i32
      %dma_wait3A_2125 = arith.constant 0 : i32
      %dma_wait3A_2126 = tpu.memref_slice %arg4[%dma_wait3A_2124, %dma_wait3A_2125] : memref<8008x128xf32, #tpu.memory_space<hbm>> -> memref<8x128xf32, #tpu.memory_space<hbm>>
      %dma_wait3A_2127 = arith.constant 0 : i32
      %dma_wait3A_2128 = arith.constant 0 : i32
      %dma_wait3A_2129 = tpu.memref_slice %arg10[%dma_wait3A_2118, %dma_wait3A_2119, %dma_wait3A_2127, %dma_wait3A_2128] : memref<2x8x8x128xf32, #tpu.memory_space<vmem>> -> memref<1x1x8x128xf32, #tpu.memory_space<vmem>>
      %dma_wait3A_2130 = tpu.memref_squeeze %dma_wait3A_2129 : memref<1x1x8x128xf32, #tpu.memory_space<vmem>> -> memref<8x128xf32, #tpu.memory_space<vmem>>
      %dma_wait3A_2131 = arith.constant 0 : i32
      %dma_wait3A_2132 = arith.constant 0 : i32
      %dma_wait3A_2133 = tpu.memref_slice %arg4[%dma_wait3A_2131, %dma_wait3A_2132] : memref<8008x128xf32, #tpu.memory_space<hbm>> -> memref<8x128xf32, #tpu.memory_space<hbm>>
      tpu.wait_dma2 semaphore(%arg12 : memref<!tpu.dma_semaphore, #tpu.memory_space<semaphore_mem>>) src(%dma_wait3A_2133 : memref<8x128xf32, #tpu.memory_space<hbm>>) dst(%dma_wait3A_2130 : memref<8x128xf32, #tpu.memory_space<vmem>>)
      %dma_wait3A_2134 = arith.constant 1 : i32
      %dma_wait3A_2135 = arith.constant 4 : i32
      %dma_wait3A_2136 = arith.constant 0 : i32
      %dma_wait3A_2137 = arith.constant 0 : i32
      %dma_wait3A_2138 = tpu.memref_slice %arg10[%dma_wait3A_2134, %dma_wait3A_2135, %dma_wait3A_2136, %dma_wait3A_2137] : memref<2x8x8x128xf32, #tpu.memory_space<vmem>> -> memref<1x1x8x128xf32, #tpu.memory_space<vmem>>
      %dma_wait3A_2139 = tpu.memref_squeeze %dma_wait3A_2138 : memref<1x1x8x128xf32, #tpu.memory_space<vmem>> -> memref<8x128xf32, #tpu.memory_space<vmem>>
      %dma_wait3A_2140 = arith.constant 0 : i32
      %dma_wait3A_2141 = arith.constant 0 : i32
      %dma_wait3A_2142 = tpu.memref_slice %arg4[%dma_wait3A_2140, %dma_wait3A_2141] : memref<8008x128xf32, #tpu.memory_space<hbm>> -> memref<8x128xf32, #tpu.memory_space<hbm>>
      %dma_wait3A_2143 = arith.constant 0 : i32
      %dma_wait3A_2144 = arith.constant 0 : i32
      %dma_wait3A_2145 = tpu.memref_slice %arg10[%dma_wait3A_2134, %dma_wait3A_2135, %dma_wait3A_2143, %dma_wait3A_2144] : memref<2x8x8x128xf32, #tpu.memory_space<vmem>> -> memref<1x1x8x128xf32, #tpu.memory_space<vmem>>
      %dma_wait3A_2146 = tpu.memref_squeeze %dma_wait3A_2145 : memref<1x1x8x128xf32, #tpu.memory_space<vmem>> -> memref<8x128xf32, #tpu.memory_space<vmem>>
      %dma_wait3A_2147 = arith.constant 0 : i32
      %dma_wait3A_2148 = arith.constant 0 : i32
      %dma_wait3A_2149 = tpu.memref_slice %arg4[%dma_wait3A_2147, %dma_wait3A_2148] : memref<8008x128xf32, #tpu.memory_space<hbm>> -> memref<8x128xf32, #tpu.memory_space<hbm>>
      tpu.wait_dma2 semaphore(%arg12 : memref<!tpu.dma_semaphore, #tpu.memory_space<semaphore_mem>>) src(%dma_wait3A_2149 : memref<8x128xf32, #tpu.memory_space<hbm>>) dst(%dma_wait3A_2146 : memref<8x128xf32, #tpu.memory_space<vmem>>)
      %dma_wait3A_2150 = arith.constant 1 : i32
      %dma_wait3A_2151 = arith.constant 5 : i32
      %dma_wait3A_2152 = arith.constant 0 : i32
      %dma_wait3A_2153 = arith.constant 0 : i32
      %dma_wait3A_2154 = tpu.memref_slice %arg10[%dma_wait3A_2150, %dma_wait3A_2151, %dma_wait3A_2152, %dma_wait3A_2153] : memref<2x8x8x128xf32, #tpu.memory_space<vmem>> -> memref<1x1x8x128xf32, #tpu.memory_space<vmem>>
      %dma_wait3A_2155 = tpu.memref_squeeze %dma_wait3A_2154 : memref<1x1x8x128xf32, #tpu.memory_space<vmem>> -> memref<8x128xf32, #tpu.memory_space<vmem>>
      %dma_wait3A_2156 = arith.constant 0 : i32
      %dma_wait3A_2157 = arith.constant 0 : i32
      %dma_wait3A_2158 = tpu.memref_slice %arg4[%dma_wait3A_2156, %dma_wait3A_2157] : memref<8008x128xf32, #tpu.memory_space<hbm>> -> memref<8x128xf32, #tpu.memory_space<hbm>>
      %dma_wait3A_2159 = arith.constant 0 : i32
      %dma_wait3A_2160 = arith.constant 0 : i32
      %dma_wait3A_2161 = tpu.memref_slice %arg10[%dma_wait3A_2150, %dma_wait3A_2151, %dma_wait3A_2159, %dma_wait3A_2160] : memref<2x8x8x128xf32, #tpu.memory_space<vmem>> -> memref<1x1x8x128xf32, #tpu.memory_space<vmem>>
      %dma_wait3A_2162 = tpu.memref_squeeze %dma_wait3A_2161 : memref<1x1x8x128xf32, #tpu.memory_space<vmem>> -> memref<8x128xf32, #tpu.memory_space<vmem>>
      %dma_wait3A_2163 = arith.constant 0 : i32
      %dma_wait3A_2164 = arith.constant 0 : i32
      %dma_wait3A_2165 = tpu.memref_slice %arg4[%dma_wait3A_2163, %dma_wait3A_2164] : memref<8008x128xf32, #tpu.memory_space<hbm>> -> memref<8x128xf32, #tpu.memory_space<hbm>>
      tpu.wait_dma2 semaphore(%arg12 : memref<!tpu.dma_semaphore, #tpu.memory_space<semaphore_mem>>) src(%dma_wait3A_2165 : memref<8x128xf32, #tpu.memory_space<hbm>>) dst(%dma_wait3A_2162 : memref<8x128xf32, #tpu.memory_space<vmem>>)
      %dma_wait3A_2166 = arith.constant 1 : i32
      %dma_wait3A_2167 = arith.constant 6 : i32
      %dma_wait3A_2168 = arith.constant 0 : i32
      %dma_wait3A_2169 = arith.constant 0 : i32
      %dma_wait3A_2170 = tpu.memref_slice %arg10[%dma_wait3A_2166, %dma_wait3A_2167, %dma_wait3A_2168, %dma_wait3A_2169] : memref<2x8x8x128xf32, #tpu.memory_space<vmem>> -> memref<1x1x8x128xf32, #tpu.memory_space<vmem>>
      %dma_wait3A_2171 = tpu.memref_squeeze %dma_wait3A_2170 : memref<1x1x8x128xf32, #tpu.memory_space<vmem>> -> memref<8x128xf32, #tpu.memory_space<vmem>>
      %dma_wait3A_2172 = arith.constant 0 : i32
      %dma_wait3A_2173 = arith.constant 0 : i32
      %dma_wait3A_2174 = tpu.memref_slice %arg4[%dma_wait3A_2172, %dma_wait3A_2173] : memref<8008x128xf32, #tpu.memory_space<hbm>> -> memref<8x128xf32, #tpu.memory_space<hbm>>
      %dma_wait3A_2175 = arith.constant 0 : i32
      %dma_wait3A_2176 = arith.constant 0 : i32
      %dma_wait3A_2177 = tpu.memref_slice %arg10[%dma_wait3A_2166, %dma_wait3A_2167, %dma_wait3A_2175, %dma_wait3A_2176] : memref<2x8x8x128xf32, #tpu.memory_space<vmem>> -> memref<1x1x8x128xf32, #tpu.memory_space<vmem>>
      %dma_wait3A_2178 = tpu.memref_squeeze %dma_wait3A_2177 : memref<1x1x8x128xf32, #tpu.memory_space<vmem>> -> memref<8x128xf32, #tpu.memory_space<vmem>>
      %dma_wait3A_2179 = arith.constant 0 : i32
      %dma_wait3A_2180 = arith.constant 0 : i32
      %dma_wait3A_2181 = tpu.memref_slice %arg4[%dma_wait3A_2179, %dma_wait3A_2180] : memref<8008x128xf32, #tpu.memory_space<hbm>> -> memref<8x128xf32, #tpu.memory_space<hbm>>
      tpu.wait_dma2 semaphore(%arg12 : memref<!tpu.dma_semaphore, #tpu.memory_space<semaphore_mem>>) src(%dma_wait3A_2181 : memref<8x128xf32, #tpu.memory_space<hbm>>) dst(%dma_wait3A_2178 : memref<8x128xf32, #tpu.memory_space<vmem>>)
      %dma_wait3A_2182 = arith.constant 1 : i32
      %dma_wait3A_2183 = arith.constant 7 : i32
      %dma_wait3A_2184 = arith.constant 0 : i32
      %dma_wait3A_2185 = arith.constant 0 : i32
      %dma_wait3A_2186 = tpu.memref_slice %arg10[%dma_wait3A_2182, %dma_wait3A_2183, %dma_wait3A_2184, %dma_wait3A_2185] : memref<2x8x8x128xf32, #tpu.memory_space<vmem>> -> memref<1x1x8x128xf32, #tpu.memory_space<vmem>>
      %dma_wait3A_2187 = tpu.memref_squeeze %dma_wait3A_2186 : memref<1x1x8x128xf32, #tpu.memory_space<vmem>> -> memref<8x128xf32, #tpu.memory_space<vmem>>
      %dma_wait3A_2188 = arith.constant 0 : i32
      %dma_wait3A_2189 = arith.constant 0 : i32
      %dma_wait3A_2190 = tpu.memref_slice %arg4[%dma_wait3A_2188, %dma_wait3A_2189] : memref<8008x128xf32, #tpu.memory_space<hbm>> -> memref<8x128xf32, #tpu.memory_space<hbm>>
      %dma_wait3A_2191 = arith.constant 0 : i32
      %dma_wait3A_2192 = arith.constant 0 : i32
      %dma_wait3A_2193 = tpu.memref_slice %arg10[%dma_wait3A_2182, %dma_wait3A_2183, %dma_wait3A_2191, %dma_wait3A_2192] : memref<2x8x8x128xf32, #tpu.memory_space<vmem>> -> memref<1x1x8x128xf32, #tpu.memory_space<vmem>>
      %dma_wait3A_2194 = tpu.memref_squeeze %dma_wait3A_2193 : memref<1x1x8x128xf32, #tpu.memory_space<vmem>> -> memref<8x128xf32, #tpu.memory_space<vmem>>
      %dma_wait3A_2195 = arith.constant 0 : i32
      %dma_wait3A_2196 = arith.constant 0 : i32
      %dma_wait3A_2197 = tpu.memref_slice %arg4[%dma_wait3A_2195, %dma_wait3A_2196] : memref<8008x128xf32, #tpu.memory_space<hbm>> -> memref<8x128xf32, #tpu.memory_space<hbm>>
      tpu.wait_dma2 semaphore(%arg12 : memref<!tpu.dma_semaphore, #tpu.memory_space<semaphore_mem>>) src(%dma_wait3A_2197 : memref<8x128xf32, #tpu.memory_space<hbm>>) dst(%dma_wait3A_2194 : memref<8x128xf32, #tpu.memory_space<vmem>>)
      %lt3A_2198 = arith.constant 15 : i32
      %lt3A_2199 = arith.cmpi slt, %scan3A_1184, %lt3A_2198 : i32
      %convert_element_type3A_2200 = arith.extui %lt3A_2199 : i1 to i32
      %cond3A_2201 = arith.constant 0 : i32
      %cond3A_2202 = arith.cmpi ne, %convert_element_type3A_2200, %cond3A_2201 : i32
      scf.if %cond3A_2202 {
        %add3A_2396 = arith.constant 2 : i32
        %add3A_2397 = arith.addi %mul3A_1186, %add3A_2396 : i32
        %mul3A_2398 = arith.constant 16 : i32
        %mul3A_2399 = arith.muli %add3A_2397, %mul3A_2398 : i32
        %get3A_2400 = arith.index_cast %mul3A_2399 : i32 to index
        %get3A_2401 = tpu.vector_load %arg8[%get3A_2400] {strides = array<i32>} : memref<512xi32, #tpu.memory_space<vmem>>, vector<16xi32>,
        %get3A_2402 = vector.shape_cast %get3A_2401 : vector<16xi32> to vector<16xi32>
        %slice3A_2403 = vector.extract_strided_slice %get3A_2402 {offsets = [0], sizes = [1], strides = [1]} : vector<16xi32> to vector<1xi32>
        %squeeze3A_2404 = vector.extract %slice3A_2403[0] : i32 from vector<1xi32>
        %mul3A_2405 = arith.constant 8 : i32
        %mul3A_2406 = arith.muli %squeeze3A_2404, %mul3A_2405 : i32
        %multiple_of3A_2407 = tpu.assume_multiple %mul3A_2406, 8 : i32
        %dma_start3A_2408 = arith.constant 0 : i32
        %dma_start3A_2409 = arith.constant 0 : i32
        %dma_start3A_2410 = arith.constant 0 : i32
        %dma_start3A_2411 = arith.constant 0 : i32
        %dma_start3A_2412 = tpu.memref_slice %arg9[%dma_start3A_2408, %dma_start3A_2409, %dma_start3A_2410, %dma_start3A_2411] : memref<2x8x8x128xf32, #tpu.memory_space<vmem>> -> memref<1x1x8x128xf32, #tpu.memory_space<vmem>>
        %dma_start3A_2413 = tpu.memref_squeeze %dma_start3A_2412 : memref<1x1x8x128xf32, #tpu.memory_space<vmem>> -> memref<8x128xf32, #tpu.memory_space<vmem>>
        %dma_start3A_2414 = arith.constant 0 : i32
        %dma_start3A_2415 = tpu.memref_slice %arg6[%multiple_of3A_2407, %dma_start3A_2414] : memref<8008x128xf32, #tpu.memory_space<vmem_shared>> -> memref<8x128xf32, #tpu.memory_space<vmem_shared>>
        %dma_start3A_2416 = arith.constant 0 : i32
        %dma_start3A_2417 = arith.constant 0 : i32
        %dma_start3A_2418 = tpu.memref_slice %arg9[%dma_start3A_2408, %dma_start3A_2409, %dma_start3A_2416, %dma_start3A_2417] : memref<2x8x8x128xf32, #tpu.memory_space<vmem>> -> memref<1x1x8x128xf32, #tpu.memory_space<vmem>>
        %dma_start3A_2419 = tpu.memref_squeeze %dma_start3A_2418 : memref<1x1x8x128xf32, #tpu.memory_space<vmem>> -> memref<8x128xf32, #tpu.memory_space<vmem>>
        %dma_start3A_2420 = arith.constant 0 : i32
        %dma_start3A_2421 = tpu.memref_slice %arg6[%multiple_of3A_2407, %dma_start3A_2420] : memref<8008x128xf32, #tpu.memory_space<vmem_shared>> -> memref<8x128xf32, #tpu.memory_space<vmem_shared>>
        tpu.enqueue_dma source(%dma_start3A_2421 : memref<8x128xf32, #tpu.memory_space<vmem_shared>>) target(%dma_start3A_2419 : memref<8x128xf32, #tpu.memory_space<vmem>>) target_semaphore(%arg11 : memref<!tpu.dma_semaphore, #tpu.memory_space<semaphore_mem>>)
        %slice3A_2422 = vector.extract_strided_slice %get3A_2402 {offsets = [1], sizes = [1], strides = [1]} : vector<16xi32> to vector<1xi32>
        %squeeze3A_2423 = vector.extract %slice3A_2422[0] : i32 from vector<1xi32>
        %mul3A_2424 = arith.constant 8 : i32
        %mul3A_2425 = arith.muli %squeeze3A_2423, %mul3A_2424 : i32
        %multiple_of3A_2426 = tpu.assume_multiple %mul3A_2425, 8 : i32
        %dma_start3A_2427 = arith.constant 0 : i32
        %dma_start3A_2428 = arith.constant 1 : i32
        %dma_start3A_2429 = arith.constant 0 : i32
        %dma_start3A_2430 = arith.constant 0 : i32
        %dma_start3A_2431 = tpu.memref_slice %arg9[%dma_start3A_2427, %dma_start3A_2428, %dma_start3A_2429, %dma_start3A_2430] : memref<2x8x8x128xf32, #tpu.memory_space<vmem>> -> memref<1x1x8x128xf32, #tpu.memory_space<vmem>>
        %dma_start3A_2432 = tpu.memref_squeeze %dma_start3A_2431 : memref<1x1x8x128xf32, #tpu.memory_space<vmem>> -> memref<8x128xf32, #tpu.memory_space<vmem>>
        %dma_start3A_2433 = arith.constant 0 : i32
        %dma_start3A_2434 = tpu.memref_slice %arg6[%multiple_of3A_2426, %dma_start3A_2433] : memref<8008x128xf32, #tpu.memory_space<vmem_shared>> -> memref<8x128xf32, #tpu.memory_space<vmem_shared>>
        %dma_start3A_2435 = arith.constant 0 : i32
        %dma_start3A_2436 = arith.constant 0 : i32
        %dma_start3A_2437 = tpu.memref_slice %arg9[%dma_start3A_2427, %dma_start3A_2428, %dma_start3A_2435, %dma_start3A_2436] : memref<2x8x8x128xf32, #tpu.memory_space<vmem>> -> memref<1x1x8x128xf32, #tpu.memory_space<vmem>>
        %dma_start3A_2438 = tpu.memref_squeeze %dma_start3A_2437 : memref<1x1x8x128xf32, #tpu.memory_space<vmem>> -> memref<8x128xf32, #tpu.memory_space<vmem>>
        %dma_start3A_2439 = arith.constant 0 : i32
        %dma_start3A_2440 = tpu.memref_slice %arg6[%multiple_of3A_2426, %dma_start3A_2439] : memref<8008x128xf32, #tpu.memory_space<vmem_shared>> -> memref<8x128xf32, #tpu.memory_space<vmem_shared>>
        tpu.enqueue_dma source(%dma_start3A_2440 : memref<8x128xf32, #tpu.memory_space<vmem_shared>>) target(%dma_start3A_2438 : memref<8x128xf32, #tpu.memory_space<vmem>>) target_semaphore(%arg11 : memref<!tpu.dma_semaphore, #tpu.memory_space<semaphore_mem>>)
        %slice3A_2441 = vector.extract_strided_slice %get3A_2402 {offsets = [2], sizes = [1], strides = [1]} : vector<16xi32> to vector<1xi32>
        %squeeze3A_2442 = vector.extract %slice3A_2441[0] : i32 from vector<1xi32>
        %mul3A_2443 = arith.constant 8 : i32
        %mul3A_2444 = arith.muli %squeeze3A_2442, %mul3A_2443 : i32
        %multiple_of3A_2445 = tpu.assume_multiple %mul3A_2444, 8 : i32
        %dma_start3A_2446 = arith.constant 0 : i32
        %dma_start3A_2447 = arith.constant 2 : i32
        %dma_start3A_2448 = arith.constant 0 : i32
        %dma_start3A_2449 = arith.constant 0 : i32
        %dma_start3A_2450 = tpu.memref_slice %arg9[%dma_start3A_2446, %dma_start3A_2447, %dma_start3A_2448, %dma_start3A_2449] : memref<2x8x8x128xf32, #tpu.memory_space<vmem>> -> memref<1x1x8x128xf32, #tpu.memory_space<vmem>>
        %dma_start3A_2451 = tpu.memref_squeeze %dma_start3A_2450 : memref<1x1x8x128xf32, #tpu.memory_space<vmem>> -> memref<8x128xf32, #tpu.memory_space<vmem>>
        %dma_start3A_2452 = arith.constant 0 : i32
        %dma_start3A_2453 = tpu.memref_slice %arg6[%multiple_of3A_2445, %dma_start3A_2452] : memref<8008x128xf32, #tpu.memory_space<vmem_shared>> -> memref<8x128xf32, #tpu.memory_space<vmem_shared>>
        %dma_start3A_2454 = arith.constant 0 : i32
        %dma_start3A_2455 = arith.constant 0 : i32
        %dma_start3A_2456 = tpu.memref_slice %arg9[%dma_start3A_2446, %dma_start3A_2447, %dma_start3A_2454, %dma_start3A_2455] : memref<2x8x8x128xf32, #tpu.memory_space<vmem>> -> memref<1x1x8x128xf32, #tpu.memory_space<vmem>>
        %dma_start3A_2457 = tpu.memref_squeeze %dma_start3A_2456 : memref<1x1x8x128xf32, #tpu.memory_space<vmem>> -> memref<8x128xf32, #tpu.memory_space<vmem>>
        %dma_start3A_2458 = arith.constant 0 : i32
        %dma_start3A_2459 = tpu.memref_slice %arg6[%multiple_of3A_2445, %dma_start3A_2458] : memref<8008x128xf32, #tpu.memory_space<vmem_shared>> -> memref<8x128xf32, #tpu.memory_space<vmem_shared>>
        tpu.enqueue_dma source(%dma_start3A_2459 : memref<8x128xf32, #tpu.memory_space<vmem_shared>>) target(%dma_start3A_2457 : memref<8x128xf32, #tpu.memory_space<vmem>>) target_semaphore(%arg11 : memref<!tpu.dma_semaphore, #tpu.memory_space<semaphore_mem>>)
        %slice3A_2460 = vector.extract_strided_slice %get3A_2402 {offsets = [3], sizes = [1], strides = [1]} : vector<16xi32> to vector<1xi32>
        %squeeze3A_2461 = vector.extract %slice3A_2460[0] : i32 from vector<1xi32>
        %mul3A_2462 = arith.constant 8 : i32
        %mul3A_2463 = arith.muli %squeeze3A_2461, %mul3A_2462 : i32
        %multiple_of3A_2464 = tpu.assume_multiple %mul3A_2463, 8 : i32
        %dma_start3A_2465 = arith.constant 0 : i32
        %dma_start3A_2466 = arith.constant 3 : i32
        %dma_start3A_2467 = arith.constant 0 : i32
        %dma_start3A_2468 = arith.constant 0 : i32
        %dma_start3A_2469 = tpu.memref_slice %arg9[%dma_start3A_2465, %dma_start3A_2466, %dma_start3A_2467, %dma_start3A_2468] : memref<2x8x8x128xf32, #tpu.memory_space<vmem>> -> memref<1x1x8x128xf32, #tpu.memory_space<vmem>>
        %dma_start3A_2470 = tpu.memref_squeeze %dma_start3A_2469 : memref<1x1x8x128xf32, #tpu.memory_space<vmem>> -> memref<8x128xf32, #tpu.memory_space<vmem>>
        %dma_start3A_2471 = arith.constant 0 : i32
        %dma_start3A_2472 = tpu.memref_slice %arg6[%multiple_of3A_2464, %dma_start3A_2471] : memref<8008x128xf32, #tpu.memory_space<vmem_shared>> -> memref<8x128xf32, #tpu.memory_space<vmem_shared>>
        %dma_start3A_2473 = arith.constant 0 : i32
        %dma_start3A_2474 = arith.constant 0 : i32
        %dma_start3A_2475 = tpu.memref_slice %arg9[%dma_start3A_2465, %dma_start3A_2466, %dma_start3A_2473, %dma_start3A_2474] : memref<2x8x8x128xf32, #tpu.memory_space<vmem>> -> memref<1x1x8x128xf32, #tpu.memory_space<vmem>>
        %dma_start3A_2476 = tpu.memref_squeeze %dma_start3A_2475 : memref<1x1x8x128xf32, #tpu.memory_space<vmem>> -> memref<8x128xf32, #tpu.memory_space<vmem>>
        %dma_start3A_2477 = arith.constant 0 : i32
        %dma_start3A_2478 = tpu.memref_slice %arg6[%multiple_of3A_2464, %dma_start3A_2477] : memref<8008x128xf32, #tpu.memory_space<vmem_shared>> -> memref<8x128xf32, #tpu.memory_space<vmem_shared>>
        tpu.enqueue_dma source(%dma_start3A_2478 : memref<8x128xf32, #tpu.memory_space<vmem_shared>>) target(%dma_start3A_2476 : memref<8x128xf32, #tpu.memory_space<vmem>>) target_semaphore(%arg11 : memref<!tpu.dma_semaphore, #tpu.memory_space<semaphore_mem>>)
        %slice3A_2479 = vector.extract_strided_slice %get3A_2402 {offsets = [4], sizes = [1], strides = [1]} : vector<16xi32> to vector<1xi32>
        %squeeze3A_2480 = vector.extract %slice3A_2479[0] : i32 from vector<1xi32>
        %mul3A_2481 = arith.constant 8 : i32
        %mul3A_2482 = arith.muli %squeeze3A_2480, %mul3A_2481 : i32
        %multiple_of3A_2483 = tpu.assume_multiple %mul3A_2482, 8 : i32
        %dma_start3A_2484 = arith.constant 0 : i32
        %dma_start3A_2485 = arith.constant 4 : i32
        %dma_start3A_2486 = arith.constant 0 : i32
        %dma_start3A_2487 = arith.constant 0 : i32
        %dma_start3A_2488 = tpu.memref_slice %arg9[%dma_start3A_2484, %dma_start3A_2485, %dma_start3A_2486, %dma_start3A_2487] : memref<2x8x8x128xf32, #tpu.memory_space<vmem>> -> memref<1x1x8x128xf32, #tpu.memory_space<vmem>>
        %dma_start3A_2489 = tpu.memref_squeeze %dma_start3A_2488 : memref<1x1x8x128xf32, #tpu.memory_space<vmem>> -> memref<8x128xf32, #tpu.memory_space<vmem>>
        %dma_start3A_2490 = arith.constant 0 : i32
        %dma_start3A_2491 = tpu.memref_slice %arg6[%multiple_of3A_2483, %dma_start3A_2490] : memref<8008x128xf32, #tpu.memory_space<vmem_shared>> -> memref<8x128xf32, #tpu.memory_space<vmem_shared>>
        %dma_start3A_2492 = arith.constant 0 : i32
        %dma_start3A_2493 = arith.constant 0 : i32
        %dma_start3A_2494 = tpu.memref_slice %arg9[%dma_start3A_2484, %dma_start3A_2485, %dma_start3A_2492, %dma_start3A_2493] : memref<2x8x8x128xf32, #tpu.memory_space<vmem>> -> memref<1x1x8x128xf32, #tpu.memory_space<vmem>>
        %dma_start3A_2495 = tpu.memref_squeeze %dma_start3A_2494 : memref<1x1x8x128xf32, #tpu.memory_space<vmem>> -> memref<8x128xf32, #tpu.memory_space<vmem>>
        %dma_start3A_2496 = arith.constant 0 : i32
        %dma_start3A_2497 = tpu.memref_slice %arg6[%multiple_of3A_2483, %dma_start3A_2496] : memref<8008x128xf32, #tpu.memory_space<vmem_shared>> -> memref<8x128xf32, #tpu.memory_space<vmem_shared>>
        tpu.enqueue_dma source(%dma_start3A_2497 : memref<8x128xf32, #tpu.memory_space<vmem_shared>>) target(%dma_start3A_2495 : memref<8x128xf32, #tpu.memory_space<vmem>>) target_semaphore(%arg11 : memref<!tpu.dma_semaphore, #tpu.memory_space<semaphore_mem>>)
        %slice3A_2498 = vector.extract_strided_slice %get3A_2402 {offsets = [5], sizes = [1], strides = [1]} : vector<16xi32> to vector<1xi32>
        %squeeze3A_2499 = vector.extract %slice3A_2498[0] : i32 from vector<1xi32>
        %mul3A_2500 = arith.constant 8 : i32
        %mul3A_2501 = arith.muli %squeeze3A_2499, %mul3A_2500 : i32
        %multiple_of3A_2502 = tpu.assume_multiple %mul3A_2501, 8 : i32
        %dma_start3A_2503 = arith.constant 0 : i32
        %dma_start3A_2504 = arith.constant 5 : i32
        %dma_start3A_2505 = arith.constant 0 : i32
        %dma_start3A_2506 = arith.constant 0 : i32
        %dma_start3A_2507 = tpu.memref_slice %arg9[%dma_start3A_2503, %dma_start3A_2504, %dma_start3A_2505, %dma_start3A_2506] : memref<2x8x8x128xf32, #tpu.memory_space<vmem>> -> memref<1x1x8x128xf32, #tpu.memory_space<vmem>>
        %dma_start3A_2508 = tpu.memref_squeeze %dma_start3A_2507 : memref<1x1x8x128xf32, #tpu.memory_space<vmem>> -> memref<8x128xf32, #tpu.memory_space<vmem>>
        %dma_start3A_2509 = arith.constant 0 : i32
        %dma_start3A_2510 = tpu.memref_slice %arg6[%multiple_of3A_2502, %dma_start3A_2509] : memref<8008x128xf32, #tpu.memory_space<vmem_shared>> -> memref<8x128xf32, #tpu.memory_space<vmem_shared>>
        %dma_start3A_2511 = arith.constant 0 : i32
        %dma_start3A_2512 = arith.constant 0 : i32
        %dma_start3A_2513 = tpu.memref_slice %arg9[%dma_start3A_2503, %dma_start3A_2504, %dma_start3A_2511, %dma_start3A_2512] : memref<2x8x8x128xf32, #tpu.memory_space<vmem>> -> memref<1x1x8x128xf32, #tpu.memory_space<vmem>>
        %dma_start3A_2514 = tpu.memref_squeeze %dma_start3A_2513 : memref<1x1x8x128xf32, #tpu.memory_space<vmem>> -> memref<8x128xf32, #tpu.memory_space<vmem>>
        %dma_start3A_2515 = arith.constant 0 : i32
        %dma_start3A_2516 = tpu.memref_slice %arg6[%multiple_of3A_2502, %dma_start3A_2515] : memref<8008x128xf32, #tpu.memory_space<vmem_shared>> -> memref<8x128xf32, #tpu.memory_space<vmem_shared>>
        tpu.enqueue_dma source(%dma_start3A_2516 : memref<8x128xf32, #tpu.memory_space<vmem_shared>>) target(%dma_start3A_2514 : memref<8x128xf32, #tpu.memory_space<vmem>>) target_semaphore(%arg11 : memref<!tpu.dma_semaphore, #tpu.memory_space<semaphore_mem>>)
        %slice3A_2517 = vector.extract_strided_slice %get3A_2402 {offsets = [6], sizes = [1], strides = [1]} : vector<16xi32> to vector<1xi32>
        %squeeze3A_2518 = vector.extract %slice3A_2517[0] : i32 from vector<1xi32>
        %mul3A_2519 = arith.constant 8 : i32
        %mul3A_2520 = arith.muli %squeeze3A_2518, %mul3A_2519 : i32
        %multiple_of3A_2521 = tpu.assume_multiple %mul3A_2520, 8 : i32
        %dma_start3A_2522 = arith.constant 0 : i32
        %dma_start3A_2523 = arith.constant 6 : i32
        %dma_start3A_2524 = arith.constant 0 : i32
        %dma_start3A_2525 = arith.constant 0 : i32
        %dma_start3A_2526 = tpu.memref_slice %arg9[%dma_start3A_2522, %dma_start3A_2523, %dma_start3A_2524, %dma_start3A_2525] : memref<2x8x8x128xf32, #tpu.memory_space<vmem>> -> memref<1x1x8x128xf32, #tpu.memory_space<vmem>>
        %dma_start3A_2527 = tpu.memref_squeeze %dma_start3A_2526 : memref<1x1x8x128xf32, #tpu.memory_space<vmem>> -> memref<8x128xf32, #tpu.memory_space<vmem>>
        %dma_start3A_2528 = arith.constant 0 : i32
        %dma_start3A_2529 = tpu.memref_slice %arg6[%multiple_of3A_2521, %dma_start3A_2528] : memref<8008x128xf32, #tpu.memory_space<vmem_shared>> -> memref<8x128xf32, #tpu.memory_space<vmem_shared>>
        %dma_start3A_2530 = arith.constant 0 : i32
        %dma_start3A_2531 = arith.constant 0 : i32
        %dma_start3A_2532 = tpu.memref_slice %arg9[%dma_start3A_2522, %dma_start3A_2523, %dma_start3A_2530, %dma_start3A_2531] : memref<2x8x8x128xf32, #tpu.memory_space<vmem>> -> memref<1x1x8x128xf32, #tpu.memory_space<vmem>>
        %dma_start3A_2533 = tpu.memref_squeeze %dma_start3A_2532 : memref<1x1x8x128xf32, #tpu.memory_space<vmem>> -> memref<8x128xf32, #tpu.memory_space<vmem>>
        %dma_start3A_2534 = arith.constant 0 : i32
        %dma_start3A_2535 = tpu.memref_slice %arg6[%multiple_of3A_2521, %dma_start3A_2534] : memref<8008x128xf32, #tpu.memory_space<vmem_shared>> -> memref<8x128xf32, #tpu.memory_space<vmem_shared>>
        tpu.enqueue_dma source(%dma_start3A_2535 : memref<8x128xf32, #tpu.memory_space<vmem_shared>>) target(%dma_start3A_2533 : memref<8x128xf32, #tpu.memory_space<vmem>>) target_semaphore(%arg11 : memref<!tpu.dma_semaphore, #tpu.memory_space<semaphore_mem>>)
        %slice3A_2536 = vector.extract_strided_slice %get3A_2402 {offsets = [7], sizes = [1], strides = [1]} : vector<16xi32> to vector<1xi32>
        %squeeze3A_2537 = vector.extract %slice3A_2536[0] : i32 from vector<1xi32>
        %mul3A_2538 = arith.constant 8 : i32
        %mul3A_2539 = arith.muli %squeeze3A_2537, %mul3A_2538 : i32
        %multiple_of3A_2540 = tpu.assume_multiple %mul3A_2539, 8 : i32
        %dma_start3A_2541 = arith.constant 0 : i32
        %dma_start3A_2542 = arith.constant 7 : i32
        %dma_start3A_2543 = arith.constant 0 : i32
        %dma_start3A_2544 = arith.constant 0 : i32
        %dma_start3A_2545 = tpu.memref_slice %arg9[%dma_start3A_2541, %dma_start3A_2542, %dma_start3A_2543, %dma_start3A_2544] : memref<2x8x8x128xf32, #tpu.memory_space<vmem>> -> memref<1x1x8x128xf32, #tpu.memory_space<vmem>>
        %dma_start3A_2546 = tpu.memref_squeeze %dma_start3A_2545 : memref<1x1x8x128xf32, #tpu.memory_space<vmem>> -> memref<8x128xf32, #tpu.memory_space<vmem>>
        %dma_start3A_2547 = arith.constant 0 : i32
        %dma_start3A_2548 = tpu.memref_slice %arg6[%multiple_of3A_2540, %dma_start3A_2547] : memref<8008x128xf32, #tpu.memory_space<vmem_shared>> -> memref<8x128xf32, #tpu.memory_space<vmem_shared>>
        %dma_start3A_2549 = arith.constant 0 : i32
        %dma_start3A_2550 = arith.constant 0 : i32
        %dma_start3A_2551 = tpu.memref_slice %arg9[%dma_start3A_2541, %dma_start3A_2542, %dma_start3A_2549, %dma_start3A_2550] : memref<2x8x8x128xf32, #tpu.memory_space<vmem>> -> memref<1x1x8x128xf32, #tpu.memory_space<vmem>>
        %dma_start3A_2552 = tpu.memref_squeeze %dma_start3A_2551 : memref<1x1x8x128xf32, #tpu.memory_space<vmem>> -> memref<8x128xf32, #tpu.memory_space<vmem>>
        %dma_start3A_2553 = arith.constant 0 : i32
        %dma_start3A_2554 = tpu.memref_slice %arg6[%multiple_of3A_2540, %dma_start3A_2553] : memref<8008x128xf32, #tpu.memory_space<vmem_shared>> -> memref<8x128xf32, #tpu.memory_space<vmem_shared>>
        tpu.enqueue_dma source(%dma_start3A_2554 : memref<8x128xf32, #tpu.memory_space<vmem_shared>>) target(%dma_start3A_2552 : memref<8x128xf32, #tpu.memory_space<vmem>>) target_semaphore(%arg11 : memref<!tpu.dma_semaphore, #tpu.memory_space<semaphore_mem>>)
        %slice3A_2555 = vector.extract_strided_slice %get3A_2402 {offsets = [8], sizes = [1], strides = [1]} : vector<16xi32> to vector<1xi32>
        %squeeze3A_2556 = vector.extract %slice3A_2555[0] : i32 from vector<1xi32>
        %mul3A_2557 = arith.constant 8 : i32
        %mul3A_2558 = arith.muli %squeeze3A_2556, %mul3A_2557 : i32
        %multiple_of3A_2559 = tpu.assume_multiple %mul3A_2558, 8 : i32
        %dma_start3A_2560 = arith.constant 1 : i32
        %dma_start3A_2561 = arith.constant 0 : i32
        %dma_start3A_2562 = arith.constant 0 : i32
        %dma_start3A_2563 = arith.constant 0 : i32
        %dma_start3A_2564 = tpu.memref_slice %arg9[%dma_start3A_2560, %dma_start3A_2561, %dma_start3A_2562, %dma_start3A_2563] : memref<2x8x8x128xf32, #tpu.memory_space<vmem>> -> memref<1x1x8x128xf32, #tpu.memory_space<vmem>>
        %dma_start3A_2565 = tpu.memref_squeeze %dma_start3A_2564 : memref<1x1x8x128xf32, #tpu.memory_space<vmem>> -> memref<8x128xf32, #tpu.memory_space<vmem>>
        %dma_start3A_2566 = arith.constant 0 : i32
        %dma_start3A_2567 = tpu.memref_slice %arg6[%multiple_of3A_2559, %dma_start3A_2566] : memref<8008x128xf32, #tpu.memory_space<vmem_shared>> -> memref<8x128xf32, #tpu.memory_space<vmem_shared>>
        %dma_start3A_2568 = arith.constant 0 : i32
        %dma_start3A_2569 = arith.constant 0 : i32
        %dma_start3A_2570 = tpu.memref_slice %arg9[%dma_start3A_2560, %dma_start3A_2561, %dma_start3A_2568, %dma_start3A_2569] : memref<2x8x8x128xf32, #tpu.memory_space<vmem>> -> memref<1x1x8x128xf32, #tpu.memory_space<vmem>>
        %dma_start3A_2571 = tpu.memref_squeeze %dma_start3A_2570 : memref<1x1x8x128xf32, #tpu.memory_space<vmem>> -> memref<8x128xf32, #tpu.memory_space<vmem>>
        %dma_start3A_2572 = arith.constant 0 : i32
        %dma_start3A_2573 = tpu.memref_slice %arg6[%multiple_of3A_2559, %dma_start3A_2572] : memref<8008x128xf32, #tpu.memory_space<vmem_shared>> -> memref<8x128xf32, #tpu.memory_space<vmem_shared>>
        tpu.enqueue_dma source(%dma_start3A_2573 : memref<8x128xf32, #tpu.memory_space<vmem_shared>>) target(%dma_start3A_2571 : memref<8x128xf32, #tpu.memory_space<vmem>>) target_semaphore(%arg11 : memref<!tpu.dma_semaphore, #tpu.memory_space<semaphore_mem>>)
        %slice3A_2574 = vector.extract_strided_slice %get3A_2402 {offsets = [9], sizes = [1], strides = [1]} : vector<16xi32> to vector<1xi32>
        %squeeze3A_2575 = vector.extract %slice3A_2574[0] : i32 from vector<1xi32>
        %mul3A_2576 = arith.constant 8 : i32
        %mul3A_2577 = arith.muli %squeeze3A_2575, %mul3A_2576 : i32
        %multiple_of3A_2578 = tpu.assume_multiple %mul3A_2577, 8 : i32
        %dma_start3A_2579 = arith.constant 1 : i32
        %dma_start3A_2580 = arith.constant 1 : i32
        %dma_start3A_2581 = arith.constant 0 : i32
        %dma_start3A_2582 = arith.constant 0 : i32
        %dma_start3A_2583 = tpu.memref_slice %arg9[%dma_start3A_2579, %dma_start3A_2580, %dma_start3A_2581, %dma_start3A_2582] : memref<2x8x8x128xf32, #tpu.memory_space<vmem>> -> memref<1x1x8x128xf32, #tpu.memory_space<vmem>>
        %dma_start3A_2584 = tpu.memref_squeeze %dma_start3A_2583 : memref<1x1x8x128xf32, #tpu.memory_space<vmem>> -> memref<8x128xf32, #tpu.memory_space<vmem>>
        %dma_start3A_2585 = arith.constant 0 : i32
        %dma_start3A_2586 = tpu.memref_slice %arg6[%multiple_of3A_2578, %dma_start3A_2585] : memref<8008x128xf32, #tpu.memory_space<vmem_shared>> -> memref<8x128xf32, #tpu.memory_space<vmem_shared>>
        %dma_start3A_2587 = arith.constant 0 : i32
        %dma_start3A_2588 = arith.constant 0 : i32
        %dma_start3A_2589 = tpu.memref_slice %arg9[%dma_start3A_2579, %dma_start3A_2580, %dma_start3A_2587, %dma_start3A_2588] : memref<2x8x8x128xf32, #tpu.memory_space<vmem>> -> memref<1x1x8x128xf32, #tpu.memory_space<vmem>>
        %dma_start3A_2590 = tpu.memref_squeeze %dma_start3A_2589 : memref<1x1x8x128xf32, #tpu.memory_space<vmem>> -> memref<8x128xf32, #tpu.memory_space<vmem>>
        %dma_start3A_2591 = arith.constant 0 : i32
        %dma_start3A_2592 = tpu.memref_slice %arg6[%multiple_of3A_2578, %dma_start3A_2591] : memref<8008x128xf32, #tpu.memory_space<vmem_shared>> -> memref<8x128xf32, #tpu.memory_space<vmem_shared>>
        tpu.enqueue_dma source(%dma_start3A_2592 : memref<8x128xf32, #tpu.memory_space<vmem_shared>>) target(%dma_start3A_2590 : memref<8x128xf32, #tpu.memory_space<vmem>>) target_semaphore(%arg11 : memref<!tpu.dma_semaphore, #tpu.memory_space<semaphore_mem>>)
        %slice3A_2593 = vector.extract_strided_slice %get3A_2402 {offsets = [10], sizes = [1], strides = [1]} : vector<16xi32> to vector<1xi32>
        %squeeze3A_2594 = vector.extract %slice3A_2593[0] : i32 from vector<1xi32>
        %mul3A_2595 = arith.constant 8 : i32
        %mul3A_2596 = arith.muli %squeeze3A_2594, %mul3A_2595 : i32
        %multiple_of3A_2597 = tpu.assume_multiple %mul3A_2596, 8 : i32
        %dma_start3A_2598 = arith.constant 1 : i32
        %dma_start3A_2599 = arith.constant 2 : i32
        %dma_start3A_2600 = arith.constant 0 : i32
        %dma_start3A_2601 = arith.constant 0 : i32
        %dma_start3A_2602 = tpu.memref_slice %arg9[%dma_start3A_2598, %dma_start3A_2599, %dma_start3A_2600, %dma_start3A_2601] : memref<2x8x8x128xf32, #tpu.memory_space<vmem>> -> memref<1x1x8x128xf32, #tpu.memory_space<vmem>>
        %dma_start3A_2603 = tpu.memref_squeeze %dma_start3A_2602 : memref<1x1x8x128xf32, #tpu.memory_space<vmem>> -> memref<8x128xf32, #tpu.memory_space<vmem>>
        %dma_start3A_2604 = arith.constant 0 : i32
        %dma_start3A_2605 = tpu.memref_slice %arg6[%multiple_of3A_2597, %dma_start3A_2604] : memref<8008x128xf32, #tpu.memory_space<vmem_shared>> -> memref<8x128xf32, #tpu.memory_space<vmem_shared>>
        %dma_start3A_2606 = arith.constant 0 : i32
        %dma_start3A_2607 = arith.constant 0 : i32
        %dma_start3A_2608 = tpu.memref_slice %arg9[%dma_start3A_2598, %dma_start3A_2599, %dma_start3A_2606, %dma_start3A_2607] : memref<2x8x8x128xf32, #tpu.memory_space<vmem>> -> memref<1x1x8x128xf32, #tpu.memory_space<vmem>>
        %dma_start3A_2609 = tpu.memref_squeeze %dma_start3A_2608 : memref<1x1x8x128xf32, #tpu.memory_space<vmem>> -> memref<8x128xf32, #tpu.memory_space<vmem>>
        %dma_start3A_2610 = arith.constant 0 : i32
        %dma_start3A_2611 = tpu.memref_slice %arg6[%multiple_of3A_2597, %dma_start3A_2610] : memref<8008x128xf32, #tpu.memory_space<vmem_shared>> -> memref<8x128xf32, #tpu.memory_space<vmem_shared>>
        tpu.enqueue_dma source(%dma_start3A_2611 : memref<8x128xf32, #tpu.memory_space<vmem_shared>>) target(%dma_start3A_2609 : memref<8x128xf32, #tpu.memory_space<vmem>>) target_semaphore(%arg11 : memref<!tpu.dma_semaphore, #tpu.memory_space<semaphore_mem>>)
        %slice3A_2612 = vector.extract_strided_slice %get3A_2402 {offsets = [11], sizes = [1], strides = [1]} : vector<16xi32> to vector<1xi32>
        %squeeze3A_2613 = vector.extract %slice3A_2612[0] : i32 from vector<1xi32>
        %mul3A_2614 = arith.constant 8 : i32
        %mul3A_2615 = arith.muli %squeeze3A_2613, %mul3A_2614 : i32
        %multiple_of3A_2616 = tpu.assume_multiple %mul3A_2615, 8 : i32
        %dma_start3A_2617 = arith.constant 1 : i32
        %dma_start3A_2618 = arith.constant 3 : i32
        %dma_start3A_2619 = arith.constant 0 : i32
        %dma_start3A_2620 = arith.constant 0 : i32
        %dma_start3A_2621 = tpu.memref_slice %arg9[%dma_start3A_2617, %dma_start3A_2618, %dma_start3A_2619, %dma_start3A_2620] : memref<2x8x8x128xf32, #tpu.memory_space<vmem>> -> memref<1x1x8x128xf32, #tpu.memory_space<vmem>>
        %dma_start3A_2622 = tpu.memref_squeeze %dma_start3A_2621 : memref<1x1x8x128xf32, #tpu.memory_space<vmem>> -> memref<8x128xf32, #tpu.memory_space<vmem>>
        %dma_start3A_2623 = arith.constant 0 : i32
        %dma_start3A_2624 = tpu.memref_slice %arg6[%multiple_of3A_2616, %dma_start3A_2623] : memref<8008x128xf32, #tpu.memory_space<vmem_shared>> -> memref<8x128xf32, #tpu.memory_space<vmem_shared>>
        %dma_start3A_2625 = arith.constant 0 : i32
        %dma_start3A_2626 = arith.constant 0 : i32
        %dma_start3A_2627 = tpu.memref_slice %arg9[%dma_start3A_2617, %dma_start3A_2618, %dma_start3A_2625, %dma_start3A_2626] : memref<2x8x8x128xf32, #tpu.memory_space<vmem>> -> memref<1x1x8x128xf32, #tpu.memory_space<vmem>>
        %dma_start3A_2628 = tpu.memref_squeeze %dma_start3A_2627 : memref<1x1x8x128xf32, #tpu.memory_space<vmem>> -> memref<8x128xf32, #tpu.memory_space<vmem>>
        %dma_start3A_2629 = arith.constant 0 : i32
        %dma_start3A_2630 = tpu.memref_slice %arg6[%multiple_of3A_2616, %dma_start3A_2629] : memref<8008x128xf32, #tpu.memory_space<vmem_shared>> -> memref<8x128xf32, #tpu.memory_space<vmem_shared>>
        tpu.enqueue_dma source(%dma_start3A_2630 : memref<8x128xf32, #tpu.memory_space<vmem_shared>>) target(%dma_start3A_2628 : memref<8x128xf32, #tpu.memory_space<vmem>>) target_semaphore(%arg11 : memref<!tpu.dma_semaphore, #tpu.memory_space<semaphore_mem>>)
        %slice3A_2631 = vector.extract_strided_slice %get3A_2402 {offsets = [12], sizes = [1], strides = [1]} : vector<16xi32> to vector<1xi32>
        %squeeze3A_2632 = vector.extract %slice3A_2631[0] : i32 from vector<1xi32>
        %mul3A_2633 = arith.constant 8 : i32
        %mul3A_2634 = arith.muli %squeeze3A_2632, %mul3A_2633 : i32
        %multiple_of3A_2635 = tpu.assume_multiple %mul3A_2634, 8 : i32
        %dma_start3A_2636 = arith.constant 1 : i32
        %dma_start3A_2637 = arith.constant 4 : i32
        %dma_start3A_2638 = arith.constant 0 : i32
        %dma_start3A_2639 = arith.constant 0 : i32
        %dma_start3A_2640 = tpu.memref_slice %arg9[%dma_start3A_2636, %dma_start3A_2637, %dma_start3A_2638, %dma_start3A_2639] : memref<2x8x8x128xf32, #tpu.memory_space<vmem>> -> memref<1x1x8x128xf32, #tpu.memory_space<vmem>>
        %dma_start3A_2641 = tpu.memref_squeeze %dma_start3A_2640 : memref<1x1x8x128xf32, #tpu.memory_space<vmem>> -> memref<8x128xf32, #tpu.memory_space<vmem>>
        %dma_start3A_2642 = arith.constant 0 : i32
        %dma_start3A_2643 = tpu.memref_slice %arg6[%multiple_of3A_2635, %dma_start3A_2642] : memref<8008x128xf32, #tpu.memory_space<vmem_shared>> -> memref<8x128xf32, #tpu.memory_space<vmem_shared>>
        %dma_start3A_2644 = arith.constant 0 : i32
        %dma_start3A_2645 = arith.constant 0 : i32
        %dma_start3A_2646 = tpu.memref_slice %arg9[%dma_start3A_2636, %dma_start3A_2637, %dma_start3A_2644, %dma_start3A_2645] : memref<2x8x8x128xf32, #tpu.memory_space<vmem>> -> memref<1x1x8x128xf32, #tpu.memory_space<vmem>>
        %dma_start3A_2647 = tpu.memref_squeeze %dma_start3A_2646 : memref<1x1x8x128xf32, #tpu.memory_space<vmem>> -> memref<8x128xf32, #tpu.memory_space<vmem>>
        %dma_start3A_2648 = arith.constant 0 : i32
        %dma_start3A_2649 = tpu.memref_slice %arg6[%multiple_of3A_2635, %dma_start3A_2648] : memref<8008x128xf32, #tpu.memory_space<vmem_shared>> -> memref<8x128xf32, #tpu.memory_space<vmem_shared>>
        tpu.enqueue_dma source(%dma_start3A_2649 : memref<8x128xf32, #tpu.memory_space<vmem_shared>>) target(%dma_start3A_2647 : memref<8x128xf32, #tpu.memory_space<vmem>>) target_semaphore(%arg11 : memref<!tpu.dma_semaphore, #tpu.memory_space<semaphore_mem>>)
        %slice3A_2650 = vector.extract_strided_slice %get3A_2402 {offsets = [13], sizes = [1], strides = [1]} : vector<16xi32> to vector<1xi32>
        %squeeze3A_2651 = vector.extract %slice3A_2650[0] : i32 from vector<1xi32>
        %mul3A_2652 = arith.constant 8 : i32
        %mul3A_2653 = arith.muli %squeeze3A_2651, %mul3A_2652 : i32
        %multiple_of3A_2654 = tpu.assume_multiple %mul3A_2653, 8 : i32
        %dma_start3A_2655 = arith.constant 1 : i32
        %dma_start3A_2656 = arith.constant 5 : i32
        %dma_start3A_2657 = arith.constant 0 : i32
        %dma_start3A_2658 = arith.constant 0 : i32
        %dma_start3A_2659 = tpu.memref_slice %arg9[%dma_start3A_2655, %dma_start3A_2656, %dma_start3A_2657, %dma_start3A_2658] : memref<2x8x8x128xf32, #tpu.memory_space<vmem>> -> memref<1x1x8x128xf32, #tpu.memory_space<vmem>>
        %dma_start3A_2660 = tpu.memref_squeeze %dma_start3A_2659 : memref<1x1x8x128xf32, #tpu.memory_space<vmem>> -> memref<8x128xf32, #tpu.memory_space<vmem>>
        %dma_start3A_2661 = arith.constant 0 : i32
        %dma_start3A_2662 = tpu.memref_slice %arg6[%multiple_of3A_2654, %dma_start3A_2661] : memref<8008x128xf32, #tpu.memory_space<vmem_shared>> -> memref<8x128xf32, #tpu.memory_space<vmem_shared>>
        %dma_start3A_2663 = arith.constant 0 : i32
        %dma_start3A_2664 = arith.constant 0 : i32
        %dma_start3A_2665 = tpu.memref_slice %arg9[%dma_start3A_2655, %dma_start3A_2656, %dma_start3A_2663, %dma_start3A_2664] : memref<2x8x8x128xf32, #tpu.memory_space<vmem>> -> memref<1x1x8x128xf32, #tpu.memory_space<vmem>>
        %dma_start3A_2666 = tpu.memref_squeeze %dma_start3A_2665 : memref<1x1x8x128xf32, #tpu.memory_space<vmem>> -> memref<8x128xf32, #tpu.memory_space<vmem>>
        %dma_start3A_2667 = arith.constant 0 : i32
        %dma_start3A_2668 = tpu.memref_slice %arg6[%multiple_of3A_2654, %dma_start3A_2667] : memref<8008x128xf32, #tpu.memory_space<vmem_shared>> -> memref<8x128xf32, #tpu.memory_space<vmem_shared>>
        tpu.enqueue_dma source(%dma_start3A_2668 : memref<8x128xf32, #tpu.memory_space<vmem_shared>>) target(%dma_start3A_2666 : memref<8x128xf32, #tpu.memory_space<vmem>>) target_semaphore(%arg11 : memref<!tpu.dma_semaphore, #tpu.memory_space<semaphore_mem>>)
        %slice3A_2669 = vector.extract_strided_slice %get3A_2402 {offsets = [14], sizes = [1], strides = [1]} : vector<16xi32> to vector<1xi32>
        %squeeze3A_2670 = vector.extract %slice3A_2669[0] : i32 from vector<1xi32>
        %mul3A_2671 = arith.constant 8 : i32
        %mul3A_2672 = arith.muli %squeeze3A_2670, %mul3A_2671 : i32
        %multiple_of3A_2673 = tpu.assume_multiple %mul3A_2672, 8 : i32
        %dma_start3A_2674 = arith.constant 1 : i32
        %dma_start3A_2675 = arith.constant 6 : i32
        %dma_start3A_2676 = arith.constant 0 : i32
        %dma_start3A_2677 = arith.constant 0 : i32
        %dma_start3A_2678 = tpu.memref_slice %arg9[%dma_start3A_2674, %dma_start3A_2675, %dma_start3A_2676, %dma_start3A_2677] : memref<2x8x8x128xf32, #tpu.memory_space<vmem>> -> memref<1x1x8x128xf32, #tpu.memory_space<vmem>>
        %dma_start3A_2679 = tpu.memref_squeeze %dma_start3A_2678 : memref<1x1x8x128xf32, #tpu.memory_space<vmem>> -> memref<8x128xf32, #tpu.memory_space<vmem>>
        %dma_start3A_2680 = arith.constant 0 : i32
        %dma_start3A_2681 = tpu.memref_slice %arg6[%multiple_of3A_2673, %dma_start3A_2680] : memref<8008x128xf32, #tpu.memory_space<vmem_shared>> -> memref<8x128xf32, #tpu.memory_space<vmem_shared>>
        %dma_start3A_2682 = arith.constant 0 : i32
        %dma_start3A_2683 = arith.constant 0 : i32
        %dma_start3A_2684 = tpu.memref_slice %arg9[%dma_start3A_2674, %dma_start3A_2675, %dma_start3A_2682, %dma_start3A_2683] : memref<2x8x8x128xf32, #tpu.memory_space<vmem>> -> memref<1x1x8x128xf32, #tpu.memory_space<vmem>>
        %dma_start3A_2685 = tpu.memref_squeeze %dma_start3A_2684 : memref<1x1x8x128xf32, #tpu.memory_space<vmem>> -> memref<8x128xf32, #tpu.memory_space<vmem>>
        %dma_start3A_2686 = arith.constant 0 : i32
        %dma_start3A_2687 = tpu.memref_slice %arg6[%multiple_of3A_2673, %dma_start3A_2686] : memref<8008x128xf32, #tpu.memory_space<vmem_shared>> -> memref<8x128xf32, #tpu.memory_space<vmem_shared>>
        tpu.enqueue_dma source(%dma_start3A_2687 : memref<8x128xf32, #tpu.memory_space<vmem_shared>>) target(%dma_start3A_2685 : memref<8x128xf32, #tpu.memory_space<vmem>>) target_semaphore(%arg11 : memref<!tpu.dma_semaphore, #tpu.memory_space<semaphore_mem>>)
        %slice3A_2688 = vector.extract_strided_slice %get3A_2402 {offsets = [15], sizes = [1], strides = [1]} : vector<16xi32> to vector<1xi32>
        %squeeze3A_2689 = vector.extract %slice3A_2688[0] : i32 from vector<1xi32>
        %mul3A_2690 = arith.constant 8 : i32
        %mul3A_2691 = arith.muli %squeeze3A_2689, %mul3A_2690 : i32
        %multiple_of3A_2692 = tpu.assume_multiple %mul3A_2691, 8 : i32
        %dma_start3A_2693 = arith.constant 1 : i32
        %dma_start3A_2694 = arith.constant 7 : i32
        %dma_start3A_2695 = arith.constant 0 : i32
        %dma_start3A_2696 = arith.constant 0 : i32
        %dma_start3A_2697 = tpu.memref_slice %arg9[%dma_start3A_2693, %dma_start3A_2694, %dma_start3A_2695, %dma_start3A_2696] : memref<2x8x8x128xf32, #tpu.memory_space<vmem>> -> memref<1x1x8x128xf32, #tpu.memory_space<vmem>>
        %dma_start3A_2698 = tpu.memref_squeeze %dma_start3A_2697 : memref<1x1x8x128xf32, #tpu.memory_space<vmem>> -> memref<8x128xf32, #tpu.memory_space<vmem>>
        %dma_start3A_2699 = arith.constant 0 : i32
        %dma_start3A_2700 = tpu.memref_slice %arg6[%multiple_of3A_2692, %dma_start3A_2699] : memref<8008x128xf32, #tpu.memory_space<vmem_shared>> -> memref<8x128xf32, #tpu.memory_space<vmem_shared>>
        %dma_start3A_2701 = arith.constant 0 : i32
        %dma_start3A_2702 = arith.constant 0 : i32
        %dma_start3A_2703 = tpu.memref_slice %arg9[%dma_start3A_2693, %dma_start3A_2694, %dma_start3A_2701, %dma_start3A_2702] : memref<2x8x8x128xf32, #tpu.memory_space<vmem>> -> memref<1x1x8x128xf32, #tpu.memory_space<vmem>>
        %dma_start3A_2704 = tpu.memref_squeeze %dma_start3A_2703 : memref<1x1x8x128xf32, #tpu.memory_space<vmem>> -> memref<8x128xf32, #tpu.memory_space<vmem>>
        %dma_start3A_2705 = arith.constant 0 : i32
        %dma_start3A_2706 = tpu.memref_slice %arg6[%multiple_of3A_2692, %dma_start3A_2705] : memref<8008x128xf32, #tpu.memory_space<vmem_shared>> -> memref<8x128xf32, #tpu.memory_space<vmem_shared>>
        tpu.enqueue_dma source(%dma_start3A_2706 : memref<8x128xf32, #tpu.memory_space<vmem_shared>>) target(%dma_start3A_2704 : memref<8x128xf32, #tpu.memory_space<vmem>>) target_semaphore(%arg11 : memref<!tpu.dma_semaphore, #tpu.memory_space<semaphore_mem>>)
      } else {
      }
      %ge3A_2203 = arith.constant 1 : i32
      %ge3A_2204 = arith.cmpi sge, %scan3A_1184, %ge3A_2203 : i32
      %convert_element_type3A_2205 = arith.extui %ge3A_2204 : i1 to i32
      %cond3A_2206 = arith.constant 0 : i32
      %cond3A_2207 = arith.cmpi ne, %convert_element_type3A_2205, %cond3A_2206 : i32
      scf.if %cond3A_2207 {
        %dma_wait3A_2396 = arith.constant 0 : i32
        %dma_wait3A_2397 = arith.constant 0 : i32
        %dma_wait3A_2398 = arith.constant 0 : i32
        %dma_wait3A_2399 = arith.constant 0 : i32
        %dma_wait3A_2400 = arith.constant 0 : i32
        %dma_wait3A_2401 = tpu.memref_slice %arg10[%dma_wait3A_2398, %dma_wait3A_2399, %dma_wait3A_2396, %dma_wait3A_2400] : memref<2x8x8x128xf32, #tpu.memory_space<vmem>> -> memref<2x8x1x128xf32, #tpu.memory_space<vmem>>
        %dma_wait3A_2402 = tpu.memref_squeeze %dma_wait3A_2401 : memref<2x8x1x128xf32, #tpu.memory_space<vmem>> -> memref<2x8x128xf32, #tpu.memory_space<vmem>>
        %dma_wait3A_2403 = arith.constant 0 : i32
        %dma_wait3A_2404 = arith.constant 0 : i32
        %dma_wait3A_2405 = arith.constant 0 : i32
        %dma_wait3A_2406 = tpu.memref_slice %arg5[%dma_wait3A_2403, %dma_wait3A_2397, %dma_wait3A_2404, %dma_wait3A_2405] : memref<2048x8x8x128xf32, #tpu.memory_space<hbm>> -> memref<2x1x8x128xf32, #tpu.memory_space<hbm>>
        %dma_wait3A_2407 = tpu.memref_squeeze %dma_wait3A_2406 : memref<2x1x8x128xf32, #tpu.memory_space<hbm>> -> memref<2x8x128xf32, #tpu.memory_space<hbm>>
        %dma_wait3A_2408 = arith.constant 0 : i32
        %dma_wait3A_2409 = arith.constant 0 : i32
        %dma_wait3A_2410 = arith.constant 0 : i32
        %dma_wait3A_2411 = tpu.memref_slice %arg5[%dma_wait3A_2408, %dma_wait3A_2397, %dma_wait3A_2409, %dma_wait3A_2410] : memref<2048x8x8x128xf32, #tpu.memory_space<hbm>> -> memref<2x1x8x128xf32, #tpu.memory_space<hbm>>
        %dma_wait3A_2412 = tpu.memref_squeeze %dma_wait3A_2411 : memref<2x1x8x128xf32, #tpu.memory_space<hbm>> -> memref<2x8x128xf32, #tpu.memory_space<hbm>>
        %dma_wait3A_2413 = arith.constant 0 : i32
        %dma_wait3A_2414 = arith.constant 0 : i32
        %dma_wait3A_2415 = arith.constant 0 : i32
        %dma_wait3A_2416 = tpu.memref_slice %arg10[%dma_wait3A_2413, %dma_wait3A_2414, %dma_wait3A_2396, %dma_wait3A_2415] : memref<2x8x8x128xf32, #tpu.memory_space<vmem>> -> memref<2x8x1x128xf32, #tpu.memory_space<vmem>>
        %dma_wait3A_2417 = tpu.memref_squeeze %dma_wait3A_2416 : memref<2x8x1x128xf32, #tpu.memory_space<vmem>> -> memref<2x8x128xf32, #tpu.memory_space<vmem>>
        tpu.wait_dma2 semaphore(%arg14 : memref<!tpu.dma_semaphore, #tpu.memory_space<semaphore_mem>>) src(%dma_wait3A_2417 : memref<2x8x128xf32, #tpu.memory_space<vmem>>) dst(%dma_wait3A_2412 : memref<2x8x128xf32, #tpu.memory_space<hbm>>)
        %dma_wait3A_2418 = arith.constant 1 : i32
        %dma_wait3A_2419 = arith.constant 1 : i32
        %dma_wait3A_2420 = arith.constant 0 : i32
        %dma_wait3A_2421 = arith.constant 0 : i32
        %dma_wait3A_2422 = arith.constant 0 : i32
        %dma_wait3A_2423 = tpu.memref_slice %arg10[%dma_wait3A_2420, %dma_wait3A_2421, %dma_wait3A_2418, %dma_wait3A_2422] : memref<2x8x8x128xf32, #tpu.memory_space<vmem>> -> memref<2x8x1x128xf32, #tpu.memory_space<vmem>>
        %dma_wait3A_2424 = tpu.memref_squeeze %dma_wait3A_2423 : memref<2x8x1x128xf32, #tpu.memory_space<vmem>> -> memref<2x8x128xf32, #tpu.memory_space<vmem>>
        %dma_wait3A_2425 = arith.constant 0 : i32
        %dma_wait3A_2426 = arith.constant 0 : i32
        %dma_wait3A_2427 = arith.constant 0 : i32
        %dma_wait3A_2428 = tpu.memref_slice %arg5[%dma_wait3A_2425, %dma_wait3A_2419, %dma_wait3A_2426, %dma_wait3A_2427] : memref<2048x8x8x128xf32, #tpu.memory_space<hbm>> -> memref<2x1x8x128xf32, #tpu.memory_space<hbm>>
        %dma_wait3A_2429 = tpu.memref_squeeze %dma_wait3A_2428 : memref<2x1x8x128xf32, #tpu.memory_space<hbm>> -> memref<2x8x128xf32, #tpu.memory_space<hbm>>
        %dma_wait3A_2430 = arith.constant 0 : i32
        %dma_wait3A_2431 = arith.constant 0 : i32
        %dma_wait3A_2432 = arith.constant 0 : i32
        %dma_wait3A_2433 = tpu.memref_slice %arg5[%dma_wait3A_2430, %dma_wait3A_2419, %dma_wait3A_2431, %dma_wait3A_2432] : memref<2048x8x8x128xf32, #tpu.memory_space<hbm>> -> memref<2x1x8x128xf32, #tpu.memory_space<hbm>>
        %dma_wait3A_2434 = tpu.memref_squeeze %dma_wait3A_2433 : memref<2x1x8x128xf32, #tpu.memory_space<hbm>> -> memref<2x8x128xf32, #tpu.memory_space<hbm>>
        %dma_wait3A_2435 = arith.constant 0 : i32
        %dma_wait3A_2436 = arith.constant 0 : i32
        %dma_wait3A_2437 = arith.constant 0 : i32
        %dma_wait3A_2438 = tpu.memref_slice %arg10[%dma_wait3A_2435, %dma_wait3A_2436, %dma_wait3A_2418, %dma_wait3A_2437] : memref<2x8x8x128xf32, #tpu.memory_space<vmem>> -> memref<2x8x1x128xf32, #tpu.memory_space<vmem>>
        %dma_wait3A_2439 = tpu.memref_squeeze %dma_wait3A_2438 : memref<2x8x1x128xf32, #tpu.memory_space<vmem>> -> memref<2x8x128xf32, #tpu.memory_space<vmem>>
        tpu.wait_dma2 semaphore(%arg14 : memref<!tpu.dma_semaphore, #tpu.memory_space<semaphore_mem>>) src(%dma_wait3A_2439 : memref<2x8x128xf32, #tpu.memory_space<vmem>>) dst(%dma_wait3A_2434 : memref<2x8x128xf32, #tpu.memory_space<hbm>>)
        %dma_wait3A_2440 = arith.constant 2 : i32
        %dma_wait3A_2441 = arith.constant 2 : i32
        %dma_wait3A_2442 = arith.constant 0 : i32
        %dma_wait3A_2443 = arith.constant 0 : i32
        %dma_wait3A_2444 = arith.constant 0 : i32
        %dma_wait3A_2445 = tpu.memref_slice %arg10[%dma_wait3A_2442, %dma_wait3A_2443, %dma_wait3A_2440, %dma_wait3A_2444] : memref<2x8x8x128xf32, #tpu.memory_space<vmem>> -> memref<2x8x1x128xf32, #tpu.memory_space<vmem>>
        %dma_wait3A_2446 = tpu.memref_squeeze %dma_wait3A_2445 : memref<2x8x1x128xf32, #tpu.memory_space<vmem>> -> memref<2x8x128xf32, #tpu.memory_space<vmem>>
        %dma_wait3A_2447 = arith.constant 0 : i32
        %dma_wait3A_2448 = arith.constant 0 : i32
        %dma_wait3A_2449 = arith.constant 0 : i32
        %dma_wait3A_2450 = tpu.memref_slice %arg5[%dma_wait3A_2447, %dma_wait3A_2441, %dma_wait3A_2448, %dma_wait3A_2449] : memref<2048x8x8x128xf32, #tpu.memory_space<hbm>> -> memref<2x1x8x128xf32, #tpu.memory_space<hbm>>
        %dma_wait3A_2451 = tpu.memref_squeeze %dma_wait3A_2450 : memref<2x1x8x128xf32, #tpu.memory_space<hbm>> -> memref<2x8x128xf32, #tpu.memory_space<hbm>>
        %dma_wait3A_2452 = arith.constant 0 : i32
        %dma_wait3A_2453 = arith.constant 0 : i32
        %dma_wait3A_2454 = arith.constant 0 : i32
        %dma_wait3A_2455 = tpu.memref_slice %arg5[%dma_wait3A_2452, %dma_wait3A_2441, %dma_wait3A_2453, %dma_wait3A_2454] : memref<2048x8x8x128xf32, #tpu.memory_space<hbm>> -> memref<2x1x8x128xf32, #tpu.memory_space<hbm>>
        %dma_wait3A_2456 = tpu.memref_squeeze %dma_wait3A_2455 : memref<2x1x8x128xf32, #tpu.memory_space<hbm>> -> memref<2x8x128xf32, #tpu.memory_space<hbm>>
        %dma_wait3A_2457 = arith.constant 0 : i32
        %dma_wait3A_2458 = arith.constant 0 : i32
        %dma_wait3A_2459 = arith.constant 0 : i32
        %dma_wait3A_2460 = tpu.memref_slice %arg10[%dma_wait3A_2457, %dma_wait3A_2458, %dma_wait3A_2440, %dma_wait3A_2459] : memref<2x8x8x128xf32, #tpu.memory_space<vmem>> -> memref<2x8x1x128xf32, #tpu.memory_space<vmem>>
        %dma_wait3A_2461 = tpu.memref_squeeze %dma_wait3A_2460 : memref<2x8x1x128xf32, #tpu.memory_space<vmem>> -> memref<2x8x128xf32, #tpu.memory_space<vmem>>
        tpu.wait_dma2 semaphore(%arg14 : memref<!tpu.dma_semaphore, #tpu.memory_space<semaphore_mem>>) src(%dma_wait3A_2461 : memref<2x8x128xf32, #tpu.memory_space<vmem>>) dst(%dma_wait3A_2456 : memref<2x8x128xf32, #tpu.memory_space<hbm>>)
        %dma_wait3A_2462 = arith.constant 3 : i32
        %dma_wait3A_2463 = arith.constant 3 : i32
        %dma_wait3A_2464 = arith.constant 0 : i32
        %dma_wait3A_2465 = arith.constant 0 : i32
        %dma_wait3A_2466 = arith.constant 0 : i32
        %dma_wait3A_2467 = tpu.memref_slice %arg10[%dma_wait3A_2464, %dma_wait3A_2465, %dma_wait3A_2462, %dma_wait3A_2466] : memref<2x8x8x128xf32, #tpu.memory_space<vmem>> -> memref<2x8x1x128xf32, #tpu.memory_space<vmem>>
        %dma_wait3A_2468 = tpu.memref_squeeze %dma_wait3A_2467 : memref<2x8x1x128xf32, #tpu.memory_space<vmem>> -> memref<2x8x128xf32, #tpu.memory_space<vmem>>
        %dma_wait3A_2469 = arith.constant 0 : i32
        %dma_wait3A_2470 = arith.constant 0 : i32
        %dma_wait3A_2471 = arith.constant 0 : i32
        %dma_wait3A_2472 = tpu.memref_slice %arg5[%dma_wait3A_2469, %dma_wait3A_2463, %dma_wait3A_2470, %dma_wait3A_2471] : memref<2048x8x8x128xf32, #tpu.memory_space<hbm>> -> memref<2x1x8x128xf32, #tpu.memory_space<hbm>>
        %dma_wait3A_2473 = tpu.memref_squeeze %dma_wait3A_2472 : memref<2x1x8x128xf32, #tpu.memory_space<hbm>> -> memref<2x8x128xf32, #tpu.memory_space<hbm>>
        %dma_wait3A_2474 = arith.constant 0 : i32
        %dma_wait3A_2475 = arith.constant 0 : i32
        %dma_wait3A_2476 = arith.constant 0 : i32
        %dma_wait3A_2477 = tpu.memref_slice %arg5[%dma_wait3A_2474, %dma_wait3A_2463, %dma_wait3A_2475, %dma_wait3A_2476] : memref<2048x8x8x128xf32, #tpu.memory_space<hbm>> -> memref<2x1x8x128xf32, #tpu.memory_space<hbm>>
        %dma_wait3A_2478 = tpu.memref_squeeze %dma_wait3A_2477 : memref<2x1x8x128xf32, #tpu.memory_space<hbm>> -> memref<2x8x128xf32, #tpu.memory_space<hbm>>
        %dma_wait3A_2479 = arith.constant 0 : i32
        %dma_wait3A_2480 = arith.constant 0 : i32
        %dma_wait3A_2481 = arith.constant 0 : i32
        %dma_wait3A_2482 = tpu.memref_slice %arg10[%dma_wait3A_2479, %dma_wait3A_2480, %dma_wait3A_2462, %dma_wait3A_2481] : memref<2x8x8x128xf32, #tpu.memory_space<vmem>> -> memref<2x8x1x128xf32, #tpu.memory_space<vmem>>
        %dma_wait3A_2483 = tpu.memref_squeeze %dma_wait3A_2482 : memref<2x8x1x128xf32, #tpu.memory_space<vmem>> -> memref<2x8x128xf32, #tpu.memory_space<vmem>>
        tpu.wait_dma2 semaphore(%arg14 : memref<!tpu.dma_semaphore, #tpu.memory_space<semaphore_mem>>) src(%dma_wait3A_2483 : memref<2x8x128xf32, #tpu.memory_space<vmem>>) dst(%dma_wait3A_2478 : memref<2x8x128xf32, #tpu.memory_space<hbm>>)
        %dma_wait3A_2484 = arith.constant 4 : i32
        %dma_wait3A_2485 = arith.constant 4 : i32
        %dma_wait3A_2486 = arith.constant 0 : i32
        %dma_wait3A_2487 = arith.constant 0 : i32
        %dma_wait3A_2488 = arith.constant 0 : i32
        %dma_wait3A_2489 = tpu.memref_slice %arg10[%dma_wait3A_2486, %dma_wait3A_2487, %dma_wait3A_2484, %dma_wait3A_2488] : memref<2x8x8x128xf32, #tpu.memory_space<vmem>> -> memref<2x8x1x128xf32, #tpu.memory_space<vmem>>
        %dma_wait3A_2490 = tpu.memref_squeeze %dma_wait3A_2489 : memref<2x8x1x128xf32, #tpu.memory_space<vmem>> -> memref<2x8x128xf32, #tpu.memory_space<vmem>>
        %dma_wait3A_2491 = arith.constant 0 : i32
        %dma_wait3A_2492 = arith.constant 0 : i32
        %dma_wait3A_2493 = arith.constant 0 : i32
        %dma_wait3A_2494 = tpu.memref_slice %arg5[%dma_wait3A_2491, %dma_wait3A_2485, %dma_wait3A_2492, %dma_wait3A_2493] : memref<2048x8x8x128xf32, #tpu.memory_space<hbm>> -> memref<2x1x8x128xf32, #tpu.memory_space<hbm>>
        %dma_wait3A_2495 = tpu.memref_squeeze %dma_wait3A_2494 : memref<2x1x8x128xf32, #tpu.memory_space<hbm>> -> memref<2x8x128xf32, #tpu.memory_space<hbm>>
        %dma_wait3A_2496 = arith.constant 0 : i32
        %dma_wait3A_2497 = arith.constant 0 : i32
        %dma_wait3A_2498 = arith.constant 0 : i32
        %dma_wait3A_2499 = tpu.memref_slice %arg5[%dma_wait3A_2496, %dma_wait3A_2485, %dma_wait3A_2497, %dma_wait3A_2498] : memref<2048x8x8x128xf32, #tpu.memory_space<hbm>> -> memref<2x1x8x128xf32, #tpu.memory_space<hbm>>
        %dma_wait3A_2500 = tpu.memref_squeeze %dma_wait3A_2499 : memref<2x1x8x128xf32, #tpu.memory_space<hbm>> -> memref<2x8x128xf32, #tpu.memory_space<hbm>>
        %dma_wait3A_2501 = arith.constant 0 : i32
        %dma_wait3A_2502 = arith.constant 0 : i32
        %dma_wait3A_2503 = arith.constant 0 : i32
        %dma_wait3A_2504 = tpu.memref_slice %arg10[%dma_wait3A_2501, %dma_wait3A_2502, %dma_wait3A_2484, %dma_wait3A_2503] : memref<2x8x8x128xf32, #tpu.memory_space<vmem>> -> memref<2x8x1x128xf32, #tpu.memory_space<vmem>>
        %dma_wait3A_2505 = tpu.memref_squeeze %dma_wait3A_2504 : memref<2x8x1x128xf32, #tpu.memory_space<vmem>> -> memref<2x8x128xf32, #tpu.memory_space<vmem>>
        tpu.wait_dma2 semaphore(%arg14 : memref<!tpu.dma_semaphore, #tpu.memory_space<semaphore_mem>>) src(%dma_wait3A_2505 : memref<2x8x128xf32, #tpu.memory_space<vmem>>) dst(%dma_wait3A_2500 : memref<2x8x128xf32, #tpu.memory_space<hbm>>)
        %dma_wait3A_2506 = arith.constant 5 : i32
        %dma_wait3A_2507 = arith.constant 5 : i32
        %dma_wait3A_2508 = arith.constant 0 : i32
        %dma_wait3A_2509 = arith.constant 0 : i32
        %dma_wait3A_2510 = arith.constant 0 : i32
        %dma_wait3A_2511 = tpu.memref_slice %arg10[%dma_wait3A_2508, %dma_wait3A_2509, %dma_wait3A_2506, %dma_wait3A_2510] : memref<2x8x8x128xf32, #tpu.memory_space<vmem>> -> memref<2x8x1x128xf32, #tpu.memory_space<vmem>>
        %dma_wait3A_2512 = tpu.memref_squeeze %dma_wait3A_2511 : memref<2x8x1x128xf32, #tpu.memory_space<vmem>> -> memref<2x8x128xf32, #tpu.memory_space<vmem>>
        %dma_wait3A_2513 = arith.constant 0 : i32
        %dma_wait3A_2514 = arith.constant 0 : i32
        %dma_wait3A_2515 = arith.constant 0 : i32
        %dma_wait3A_2516 = tpu.memref_slice %arg5[%dma_wait3A_2513, %dma_wait3A_2507, %dma_wait3A_2514, %dma_wait3A_2515] : memref<2048x8x8x128xf32, #tpu.memory_space<hbm>> -> memref<2x1x8x128xf32, #tpu.memory_space<hbm>>
        %dma_wait3A_2517 = tpu.memref_squeeze %dma_wait3A_2516 : memref<2x1x8x128xf32, #tpu.memory_space<hbm>> -> memref<2x8x128xf32, #tpu.memory_space<hbm>>
        %dma_wait3A_2518 = arith.constant 0 : i32
        %dma_wait3A_2519 = arith.constant 0 : i32
        %dma_wait3A_2520 = arith.constant 0 : i32
        %dma_wait3A_2521 = tpu.memref_slice %arg5[%dma_wait3A_2518, %dma_wait3A_2507, %dma_wait3A_2519, %dma_wait3A_2520] : memref<2048x8x8x128xf32, #tpu.memory_space<hbm>> -> memref<2x1x8x128xf32, #tpu.memory_space<hbm>>
        %dma_wait3A_2522 = tpu.memref_squeeze %dma_wait3A_2521 : memref<2x1x8x128xf32, #tpu.memory_space<hbm>> -> memref<2x8x128xf32, #tpu.memory_space<hbm>>
        %dma_wait3A_2523 = arith.constant 0 : i32
        %dma_wait3A_2524 = arith.constant 0 : i32
        %dma_wait3A_2525 = arith.constant 0 : i32
        %dma_wait3A_2526 = tpu.memref_slice %arg10[%dma_wait3A_2523, %dma_wait3A_2524, %dma_wait3A_2506, %dma_wait3A_2525] : memref<2x8x8x128xf32, #tpu.memory_space<vmem>> -> memref<2x8x1x128xf32, #tpu.memory_space<vmem>>
        %dma_wait3A_2527 = tpu.memref_squeeze %dma_wait3A_2526 : memref<2x8x1x128xf32, #tpu.memory_space<vmem>> -> memref<2x8x128xf32, #tpu.memory_space<vmem>>
        tpu.wait_dma2 semaphore(%arg14 : memref<!tpu.dma_semaphore, #tpu.memory_space<semaphore_mem>>) src(%dma_wait3A_2527 : memref<2x8x128xf32, #tpu.memory_space<vmem>>) dst(%dma_wait3A_2522 : memref<2x8x128xf32, #tpu.memory_space<hbm>>)
        %dma_wait3A_2528 = arith.constant 6 : i32
        %dma_wait3A_2529 = arith.constant 6 : i32
        %dma_wait3A_2530 = arith.constant 0 : i32
        %dma_wait3A_2531 = arith.constant 0 : i32
        %dma_wait3A_2532 = arith.constant 0 : i32
        %dma_wait3A_2533 = tpu.memref_slice %arg10[%dma_wait3A_2530, %dma_wait3A_2531, %dma_wait3A_2528, %dma_wait3A_2532] : memref<2x8x8x128xf32, #tpu.memory_space<vmem>> -> memref<2x8x1x128xf32, #tpu.memory_space<vmem>>
        %dma_wait3A_2534 = tpu.memref_squeeze %dma_wait3A_2533 : memref<2x8x1x128xf32, #tpu.memory_space<vmem>> -> memref<2x8x128xf32, #tpu.memory_space<vmem>>
        %dma_wait3A_2535 = arith.constant 0 : i32
        %dma_wait3A_2536 = arith.constant 0 : i32
        %dma_wait3A_2537 = arith.constant 0 : i32
        %dma_wait3A_2538 = tpu.memref_slice %arg5[%dma_wait3A_2535, %dma_wait3A_2529, %dma_wait3A_2536, %dma_wait3A_2537] : memref<2048x8x8x128xf32, #tpu.memory_space<hbm>> -> memref<2x1x8x128xf32, #tpu.memory_space<hbm>>
        %dma_wait3A_2539 = tpu.memref_squeeze %dma_wait3A_2538 : memref<2x1x8x128xf32, #tpu.memory_space<hbm>> -> memref<2x8x128xf32, #tpu.memory_space<hbm>>
        %dma_wait3A_2540 = arith.constant 0 : i32
        %dma_wait3A_2541 = arith.constant 0 : i32
        %dma_wait3A_2542 = arith.constant 0 : i32
        %dma_wait3A_2543 = tpu.memref_slice %arg5[%dma_wait3A_2540, %dma_wait3A_2529, %dma_wait3A_2541, %dma_wait3A_2542] : memref<2048x8x8x128xf32, #tpu.memory_space<hbm>> -> memref<2x1x8x128xf32, #tpu.memory_space<hbm>>
        %dma_wait3A_2544 = tpu.memref_squeeze %dma_wait3A_2543 : memref<2x1x8x128xf32, #tpu.memory_space<hbm>> -> memref<2x8x128xf32, #tpu.memory_space<hbm>>
        %dma_wait3A_2545 = arith.constant 0 : i32
        %dma_wait3A_2546 = arith.constant 0 : i32
        %dma_wait3A_2547 = arith.constant 0 : i32
        %dma_wait3A_2548 = tpu.memref_slice %arg10[%dma_wait3A_2545, %dma_wait3A_2546, %dma_wait3A_2528, %dma_wait3A_2547] : memref<2x8x8x128xf32, #tpu.memory_space<vmem>> -> memref<2x8x1x128xf32, #tpu.memory_space<vmem>>
        %dma_wait3A_2549 = tpu.memref_squeeze %dma_wait3A_2548 : memref<2x8x1x128xf32, #tpu.memory_space<vmem>> -> memref<2x8x128xf32, #tpu.memory_space<vmem>>
        tpu.wait_dma2 semaphore(%arg14 : memref<!tpu.dma_semaphore, #tpu.memory_space<semaphore_mem>>) src(%dma_wait3A_2549 : memref<2x8x128xf32, #tpu.memory_space<vmem>>) dst(%dma_wait3A_2544 : memref<2x8x128xf32, #tpu.memory_space<hbm>>)
        %dma_wait3A_2550 = arith.constant 7 : i32
        %dma_wait3A_2551 = arith.constant 7 : i32
        %dma_wait3A_2552 = arith.constant 0 : i32
        %dma_wait3A_2553 = arith.constant 0 : i32
        %dma_wait3A_2554 = arith.constant 0 : i32
        %dma_wait3A_2555 = tpu.memref_slice %arg10[%dma_wait3A_2552, %dma_wait3A_2553, %dma_wait3A_2550, %dma_wait3A_2554] : memref<2x8x8x128xf32, #tpu.memory_space<vmem>> -> memref<2x8x1x128xf32, #tpu.memory_space<vmem>>
        %dma_wait3A_2556 = tpu.memref_squeeze %dma_wait3A_2555 : memref<2x8x1x128xf32, #tpu.memory_space<vmem>> -> memref<2x8x128xf32, #tpu.memory_space<vmem>>
        %dma_wait3A_2557 = arith.constant 0 : i32
        %dma_wait3A_2558 = arith.constant 0 : i32
        %dma_wait3A_2559 = arith.constant 0 : i32
        %dma_wait3A_2560 = tpu.memref_slice %arg5[%dma_wait3A_2557, %dma_wait3A_2551, %dma_wait3A_2558, %dma_wait3A_2559] : memref<2048x8x8x128xf32, #tpu.memory_space<hbm>> -> memref<2x1x8x128xf32, #tpu.memory_space<hbm>>
        %dma_wait3A_2561 = tpu.memref_squeeze %dma_wait3A_2560 : memref<2x1x8x128xf32, #tpu.memory_space<hbm>> -> memref<2x8x128xf32, #tpu.memory_space<hbm>>
        %dma_wait3A_2562 = arith.constant 0 : i32
        %dma_wait3A_2563 = arith.constant 0 : i32
        %dma_wait3A_2564 = arith.constant 0 : i32
        %dma_wait3A_2565 = tpu.memref_slice %arg5[%dma_wait3A_2562, %dma_wait3A_2551, %dma_wait3A_2563, %dma_wait3A_2564] : memref<2048x8x8x128xf32, #tpu.memory_space<hbm>> -> memref<2x1x8x128xf32, #tpu.memory_space<hbm>>
        %dma_wait3A_2566 = tpu.memref_squeeze %dma_wait3A_2565 : memref<2x1x8x128xf32, #tpu.memory_space<hbm>> -> memref<2x8x128xf32, #tpu.memory_space<hbm>>
        %dma_wait3A_2567 = arith.constant 0 : i32
        %dma_wait3A_2568 = arith.constant 0 : i32
        %dma_wait3A_2569 = arith.constant 0 : i32
        %dma_wait3A_2570 = tpu.memref_slice %arg10[%dma_wait3A_2567, %dma_wait3A_2568, %dma_wait3A_2550, %dma_wait3A_2569] : memref<2x8x8x128xf32, #tpu.memory_space<vmem>> -> memref<2x8x1x128xf32, #tpu.memory_space<vmem>>
        %dma_wait3A_2571 = tpu.memref_squeeze %dma_wait3A_2570 : memref<2x8x1x128xf32, #tpu.memory_space<vmem>> -> memref<2x8x128xf32, #tpu.memory_space<vmem>>
        tpu.wait_dma2 semaphore(%arg14 : memref<!tpu.dma_semaphore, #tpu.memory_space<semaphore_mem>>) src(%dma_wait3A_2571 : memref<2x8x128xf32, #tpu.memory_space<vmem>>) dst(%dma_wait3A_2566 : memref<2x8x128xf32, #tpu.memory_space<hbm>>)
      } else {
      }
      %mul3A_2208 = arith.constant 16 : i32
      %mul3A_2209 = arith.muli %add3A_1190, %mul3A_2208 : i32
      %add3A_2210 = arith.addi %mul3A_2, %mul3A_2209 : i32
      %jit3A_2211 = arith.constant 8 : i32
      %div3A_2212 = arith.divsi %add3A_2210, %jit3A_2211 : i32
      %sign3A_2213 = arith.constant 0 : i32
      %sign3A_2214 = arith.cmpi sgt, %add3A_2210, %sign3A_2213 : i32
      %sign3A_2215 = arith.extui %sign3A_2214 : i1 to i32
      %sign3A_2216 = arith.constant 0 : i32
      %sign3A_2217 = arith.cmpi slt, %add3A_2210, %sign3A_2216 : i32
      %sign3A_2218 = arith.extui %sign3A_2217 : i1 to i32
      %sign3A_2219 = arith.subi %sign3A_2215, %sign3A_2218 : i32
      %sign3A_2220 = arith.constant 0 : i32
      %sign3A_2221 = arith.cmpi sgt, %jit3A_2211, %sign3A_2220 : i32
      %sign3A_2222 = arith.extui %sign3A_2221 : i1 to i32
      %sign3A_2223 = arith.constant 0 : i32
      %sign3A_2224 = arith.cmpi slt, %jit3A_2211, %sign3A_2223 : i32
      %sign3A_2225 = arith.extui %sign3A_2224 : i1 to i32
      %sign3A_2226 = arith.subi %sign3A_2222, %sign3A_2225 : i32
      %ne3A_2227 = arith.cmpi ne, %sign3A_2219, %sign3A_2226 : i32
      %rem3A_2228 = arith.remsi %add3A_2210, %jit3A_2211 : i32
      %ne3A_2229 = arith.constant 0 : i32
      %ne3A_2230 = arith.cmpi ne, %rem3A_2228, %ne3A_2229 : i32
      %and3A_2231 = arith.andi %ne3A_2227, %ne3A_2230 : i1
      %sub3A_2232 = arith.constant 1 : i32
      %sub3A_2233 = arith.subi %div3A_2212, %sub3A_2232 : i32
      %select_n3A_2234 = arith.select %and3A_2231, %sub3A_2233, %div3A_2212 : i32
      %multiple_of3A_2235 = tpu.assume_multiple %select_n3A_2234, 2 : i32
      %dma_start3A_2236 = arith.constant 0 : i32
      %dma_start3A_2237 = arith.constant 0 : i32
      %dma_start3A_2238 = arith.constant 0 : i32
      %dma_start3A_2239 = arith.constant 0 : i32
      %dma_start3A_2240 = arith.constant 0 : i32
      %dma_start3A_2241 = tpu.memref_slice %arg10[%dma_start3A_2238, %dma_start3A_2239, %dma_start3A_2236, %dma_start3A_2240] : memref<2x8x8x128xf32, #tpu.memory_space<vmem>> -> memref<2x8x1x128xf32, #tpu.memory_space<vmem>>
      %dma_start3A_2242 = tpu.memref_squeeze %dma_start3A_2241 : memref<2x8x1x128xf32, #tpu.memory_space<vmem>> -> memref<2x8x128xf32, #tpu.memory_space<vmem>>
      %dma_start3A_2243 = arith.constant 0 : i32
      %dma_start3A_2244 = arith.constant 0 : i32
      %dma_start3A_2245 = tpu.memref_slice %arg5[%multiple_of3A_2235, %dma_start3A_2237, %dma_start3A_2243, %dma_start3A_2244] : memref<2048x8x8x128xf32, #tpu.memory_space<hbm>> -> memref<2x1x8x128xf32, #tpu.memory_space<hbm>>
      %dma_start3A_2246 = tpu.memref_squeeze %dma_start3A_2245 : memref<2x1x8x128xf32, #tpu.memory_space<hbm>> -> memref<2x8x128xf32, #tpu.memory_space<hbm>>
      %dma_start3A_2247 = arith.constant 0 : i32
      %dma_start3A_2248 = arith.constant 0 : i32
      %dma_start3A_2249 = tpu.memref_slice %arg5[%multiple_of3A_2235, %dma_start3A_2237, %dma_start3A_2247, %dma_start3A_2248] : memref<2048x8x8x128xf32, #tpu.memory_space<hbm>> -> memref<2x1x8x128xf32, #tpu.memory_space<hbm>>
      %dma_start3A_2250 = tpu.memref_squeeze %dma_start3A_2249 : memref<2x1x8x128xf32, #tpu.memory_space<hbm>> -> memref<2x8x128xf32, #tpu.memory_space<hbm>>
      %dma_start3A_2251 = arith.constant 0 : i32
      %dma_start3A_2252 = arith.constant 0 : i32
      %dma_start3A_2253 = arith.constant 0 : i32
      %dma_start3A_2254 = tpu.memref_slice %arg10[%dma_start3A_2251, %dma_start3A_2252, %dma_start3A_2236, %dma_start3A_2253] : memref<2x8x8x128xf32, #tpu.memory_space<vmem>> -> memref<2x8x1x128xf32, #tpu.memory_space<vmem>>
      %dma_start3A_2255 = tpu.memref_squeeze %dma_start3A_2254 : memref<2x8x1x128xf32, #tpu.memory_space<vmem>> -> memref<2x8x128xf32, #tpu.memory_space<vmem>>
      tpu.enqueue_dma source(%dma_start3A_2255 : memref<2x8x128xf32, #tpu.memory_space<vmem>>) target(%dma_start3A_2250 : memref<2x8x128xf32, #tpu.memory_space<hbm>>) target_semaphore(%arg14 : memref<!tpu.dma_semaphore, #tpu.memory_space<semaphore_mem>>)
      %dma_start3A_2256 = arith.constant 1 : i32
      %dma_start3A_2257 = arith.constant 1 : i32
      %dma_start3A_2258 = arith.constant 0 : i32
      %dma_start3A_2259 = arith.constant 0 : i32
      %dma_start3A_2260 = arith.constant 0 : i32
      %dma_start3A_2261 = tpu.memref_slice %arg10[%dma_start3A_2258, %dma_start3A_2259, %dma_start3A_2256, %dma_start3A_2260] : memref<2x8x8x128xf32, #tpu.memory_space<vmem>> -> memref<2x8x1x128xf32, #tpu.memory_space<vmem>>
      %dma_start3A_2262 = tpu.memref_squeeze %dma_start3A_2261 : memref<2x8x1x128xf32, #tpu.memory_space<vmem>> -> memref<2x8x128xf32, #tpu.memory_space<vmem>>
      %dma_start3A_2263 = arith.constant 0 : i32
      %dma_start3A_2264 = arith.constant 0 : i32
      %dma_start3A_2265 = tpu.memref_slice %arg5[%multiple_of3A_2235, %dma_start3A_2257, %dma_start3A_2263, %dma_start3A_2264] : memref<2048x8x8x128xf32, #tpu.memory_space<hbm>> -> memref<2x1x8x128xf32, #tpu.memory_space<hbm>>
      %dma_start3A_2266 = tpu.memref_squeeze %dma_start3A_2265 : memref<2x1x8x128xf32, #tpu.memory_space<hbm>> -> memref<2x8x128xf32, #tpu.memory_space<hbm>>
      %dma_start3A_2267 = arith.constant 0 : i32
      %dma_start3A_2268 = arith.constant 0 : i32
      %dma_start3A_2269 = tpu.memref_slice %arg5[%multiple_of3A_2235, %dma_start3A_2257, %dma_start3A_2267, %dma_start3A_2268] : memref<2048x8x8x128xf32, #tpu.memory_space<hbm>> -> memref<2x1x8x128xf32, #tpu.memory_space<hbm>>
      %dma_start3A_2270 = tpu.memref_squeeze %dma_start3A_2269 : memref<2x1x8x128xf32, #tpu.memory_space<hbm>> -> memref<2x8x128xf32, #tpu.memory_space<hbm>>
      %dma_start3A_2271 = arith.constant 0 : i32
      %dma_start3A_2272 = arith.constant 0 : i32
      %dma_start3A_2273 = arith.constant 0 : i32
      %dma_start3A_2274 = tpu.memref_slice %arg10[%dma_start3A_2271, %dma_start3A_2272, %dma_start3A_2256, %dma_start3A_2273] : memref<2x8x8x128xf32, #tpu.memory_space<vmem>> -> memref<2x8x1x128xf32, #tpu.memory_space<vmem>>
      %dma_start3A_2275 = tpu.memref_squeeze %dma_start3A_2274 : memref<2x8x1x128xf32, #tpu.memory_space<vmem>> -> memref<2x8x128xf32, #tpu.memory_space<vmem>>
      tpu.enqueue_dma source(%dma_start3A_2275 : memref<2x8x128xf32, #tpu.memory_space<vmem>>) target(%dma_start3A_2270 : memref<2x8x128xf32, #tpu.memory_space<hbm>>) target_semaphore(%arg14 : memref<!tpu.dma_semaphore, #tpu.memory_space<semaphore_mem>>)
      %dma_start3A_2276 = arith.constant 2 : i32
      %dma_start3A_2277 = arith.constant 2 : i32
      %dma_start3A_2278 = arith.constant 0 : i32
      %dma_start3A_2279 = arith.constant 0 : i32
      %dma_start3A_2280 = arith.constant 0 : i32
      %dma_start3A_2281 = tpu.memref_slice %arg10[%dma_start3A_2278, %dma_start3A_2279, %dma_start3A_2276, %dma_start3A_2280] : memref<2x8x8x128xf32, #tpu.memory_space<vmem>> -> memref<2x8x1x128xf32, #tpu.memory_space<vmem>>
      %dma_start3A_2282 = tpu.memref_squeeze %dma_start3A_2281 : memref<2x8x1x128xf32, #tpu.memory_space<vmem>> -> memref<2x8x128xf32, #tpu.memory_space<vmem>>
      %dma_start3A_2283 = arith.constant 0 : i32
      %dma_start3A_2284 = arith.constant 0 : i32
      %dma_start3A_2285 = tpu.memref_slice %arg5[%multiple_of3A_2235, %dma_start3A_2277, %dma_start3A_2283, %dma_start3A_2284] : memref<2048x8x8x128xf32, #tpu.memory_space<hbm>> -> memref<2x1x8x128xf32, #tpu.memory_space<hbm>>
      %dma_start3A_2286 = tpu.memref_squeeze %dma_start3A_2285 : memref<2x1x8x128xf32, #tpu.memory_space<hbm>> -> memref<2x8x128xf32, #tpu.memory_space<hbm>>
      %dma_start3A_2287 = arith.constant 0 : i32
      %dma_start3A_2288 = arith.constant 0 : i32
      %dma_start3A_2289 = tpu.memref_slice %arg5[%multiple_of3A_2235, %dma_start3A_2277, %dma_start3A_2287, %dma_start3A_2288] : memref<2048x8x8x128xf32, #tpu.memory_space<hbm>> -> memref<2x1x8x128xf32, #tpu.memory_space<hbm>>
      %dma_start3A_2290 = tpu.memref_squeeze %dma_start3A_2289 : memref<2x1x8x128xf32, #tpu.memory_space<hbm>> -> memref<2x8x128xf32, #tpu.memory_space<hbm>>
      %dma_start3A_2291 = arith.constant 0 : i32
      %dma_start3A_2292 = arith.constant 0 : i32
      %dma_start3A_2293 = arith.constant 0 : i32
      %dma_start3A_2294 = tpu.memref_slice %arg10[%dma_start3A_2291, %dma_start3A_2292, %dma_start3A_2276, %dma_start3A_2293] : memref<2x8x8x128xf32, #tpu.memory_space<vmem>> -> memref<2x8x1x128xf32, #tpu.memory_space<vmem>>
      %dma_start3A_2295 = tpu.memref_squeeze %dma_start3A_2294 : memref<2x8x1x128xf32, #tpu.memory_space<vmem>> -> memref<2x8x128xf32, #tpu.memory_space<vmem>>
      tpu.enqueue_dma source(%dma_start3A_2295 : memref<2x8x128xf32, #tpu.memory_space<vmem>>) target(%dma_start3A_2290 : memref<2x8x128xf32, #tpu.memory_space<hbm>>) target_semaphore(%arg14 : memref<!tpu.dma_semaphore, #tpu.memory_space<semaphore_mem>>)
      %dma_start3A_2296 = arith.constant 3 : i32
      %dma_start3A_2297 = arith.constant 3 : i32
      %dma_start3A_2298 = arith.constant 0 : i32
      %dma_start3A_2299 = arith.constant 0 : i32
      %dma_start3A_2300 = arith.constant 0 : i32
      %dma_start3A_2301 = tpu.memref_slice %arg10[%dma_start3A_2298, %dma_start3A_2299, %dma_start3A_2296, %dma_start3A_2300] : memref<2x8x8x128xf32, #tpu.memory_space<vmem>> -> memref<2x8x1x128xf32, #tpu.memory_space<vmem>>
      %dma_start3A_2302 = tpu.memref_squeeze %dma_start3A_2301 : memref<2x8x1x128xf32, #tpu.memory_space<vmem>> -> memref<2x8x128xf32, #tpu.memory_space<vmem>>
      %dma_start3A_2303 = arith.constant 0 : i32
      %dma_start3A_2304 = arith.constant 0 : i32
      %dma_start3A_2305 = tpu.memref_slice %arg5[%multiple_of3A_2235, %dma_start3A_2297, %dma_start3A_2303, %dma_start3A_2304] : memref<2048x8x8x128xf32, #tpu.memory_space<hbm>> -> memref<2x1x8x128xf32, #tpu.memory_space<hbm>>
      %dma_start3A_2306 = tpu.memref_squeeze %dma_start3A_2305 : memref<2x1x8x128xf32, #tpu.memory_space<hbm>> -> memref<2x8x128xf32, #tpu.memory_space<hbm>>
      %dma_start3A_2307 = arith.constant 0 : i32
      %dma_start3A_2308 = arith.constant 0 : i32
      %dma_start3A_2309 = tpu.memref_slice %arg5[%multiple_of3A_2235, %dma_start3A_2297, %dma_start3A_2307, %dma_start3A_2308] : memref<2048x8x8x128xf32, #tpu.memory_space<hbm>> -> memref<2x1x8x128xf32, #tpu.memory_space<hbm>>
      %dma_start3A_2310 = tpu.memref_squeeze %dma_start3A_2309 : memref<2x1x8x128xf32, #tpu.memory_space<hbm>> -> memref<2x8x128xf32, #tpu.memory_space<hbm>>
      %dma_start3A_2311 = arith.constant 0 : i32
      %dma_start3A_2312 = arith.constant 0 : i32
      %dma_start3A_2313 = arith.constant 0 : i32
      %dma_start3A_2314 = tpu.memref_slice %arg10[%dma_start3A_2311, %dma_start3A_2312, %dma_start3A_2296, %dma_start3A_2313] : memref<2x8x8x128xf32, #tpu.memory_space<vmem>> -> memref<2x8x1x128xf32, #tpu.memory_space<vmem>>
      %dma_start3A_2315 = tpu.memref_squeeze %dma_start3A_2314 : memref<2x8x1x128xf32, #tpu.memory_space<vmem>> -> memref<2x8x128xf32, #tpu.memory_space<vmem>>
      tpu.enqueue_dma source(%dma_start3A_2315 : memref<2x8x128xf32, #tpu.memory_space<vmem>>) target(%dma_start3A_2310 : memref<2x8x128xf32, #tpu.memory_space<hbm>>) target_semaphore(%arg14 : memref<!tpu.dma_semaphore, #tpu.memory_space<semaphore_mem>>)
      %dma_start3A_2316 = arith.constant 4 : i32
      %dma_start3A_2317 = arith.constant 4 : i32
      %dma_start3A_2318 = arith.constant 0 : i32
      %dma_start3A_2319 = arith.constant 0 : i32
      %dma_start3A_2320 = arith.constant 0 : i32
      %dma_start3A_2321 = tpu.memref_slice %arg10[%dma_start3A_2318, %dma_start3A_2319, %dma_start3A_2316, %dma_start3A_2320] : memref<2x8x8x128xf32, #tpu.memory_space<vmem>> -> memref<2x8x1x128xf32, #tpu.memory_space<vmem>>
      %dma_start3A_2322 = tpu.memref_squeeze %dma_start3A_2321 : memref<2x8x1x128xf32, #tpu.memory_space<vmem>> -> memref<2x8x128xf32, #tpu.memory_space<vmem>>
      %dma_start3A_2323 = arith.constant 0 : i32
      %dma_start3A_2324 = arith.constant 0 : i32
      %dma_start3A_2325 = tpu.memref_slice %arg5[%multiple_of3A_2235, %dma_start3A_2317, %dma_start3A_2323, %dma_start3A_2324] : memref<2048x8x8x128xf32, #tpu.memory_space<hbm>> -> memref<2x1x8x128xf32, #tpu.memory_space<hbm>>
      %dma_start3A_2326 = tpu.memref_squeeze %dma_start3A_2325 : memref<2x1x8x128xf32, #tpu.memory_space<hbm>> -> memref<2x8x128xf32, #tpu.memory_space<hbm>>
      %dma_start3A_2327 = arith.constant 0 : i32
      %dma_start3A_2328 = arith.constant 0 : i32
      %dma_start3A_2329 = tpu.memref_slice %arg5[%multiple_of3A_2235, %dma_start3A_2317, %dma_start3A_2327, %dma_start3A_2328] : memref<2048x8x8x128xf32, #tpu.memory_space<hbm>> -> memref<2x1x8x128xf32, #tpu.memory_space<hbm>>
      %dma_start3A_2330 = tpu.memref_squeeze %dma_start3A_2329 : memref<2x1x8x128xf32, #tpu.memory_space<hbm>> -> memref<2x8x128xf32, #tpu.memory_space<hbm>>
      %dma_start3A_2331 = arith.constant 0 : i32
      %dma_start3A_2332 = arith.constant 0 : i32
      %dma_start3A_2333 = arith.constant 0 : i32
      %dma_start3A_2334 = tpu.memref_slice %arg10[%dma_start3A_2331, %dma_start3A_2332, %dma_start3A_2316, %dma_start3A_2333] : memref<2x8x8x128xf32, #tpu.memory_space<vmem>> -> memref<2x8x1x128xf32, #tpu.memory_space<vmem>>
      %dma_start3A_2335 = tpu.memref_squeeze %dma_start3A_2334 : memref<2x8x1x128xf32, #tpu.memory_space<vmem>> -> memref<2x8x128xf32, #tpu.memory_space<vmem>>
      tpu.enqueue_dma source(%dma_start3A_2335 : memref<2x8x128xf32, #tpu.memory_space<vmem>>) target(%dma_start3A_2330 : memref<2x8x128xf32, #tpu.memory_space<hbm>>) target_semaphore(%arg14 : memref<!tpu.dma_semaphore, #tpu.memory_space<semaphore_mem>>)
      %dma_start3A_2336 = arith.constant 5 : i32
      %dma_start3A_2337 = arith.constant 5 : i32
      %dma_start3A_2338 = arith.constant 0 : i32
      %dma_start3A_2339 = arith.constant 0 : i32
      %dma_start3A_2340 = arith.constant 0 : i32
      %dma_start3A_2341 = tpu.memref_slice %arg10[%dma_start3A_2338, %dma_start3A_2339, %dma_start3A_2336, %dma_start3A_2340] : memref<2x8x8x128xf32, #tpu.memory_space<vmem>> -> memref<2x8x1x128xf32, #tpu.memory_space<vmem>>
      %dma_start3A_2342 = tpu.memref_squeeze %dma_start3A_2341 : memref<2x8x1x128xf32, #tpu.memory_space<vmem>> -> memref<2x8x128xf32, #tpu.memory_space<vmem>>
      %dma_start3A_2343 = arith.constant 0 : i32
      %dma_start3A_2344 = arith.constant 0 : i32
      %dma_start3A_2345 = tpu.memref_slice %arg5[%multiple_of3A_2235, %dma_start3A_2337, %dma_start3A_2343, %dma_start3A_2344] : memref<2048x8x8x128xf32, #tpu.memory_space<hbm>> -> memref<2x1x8x128xf32, #tpu.memory_space<hbm>>
      %dma_start3A_2346 = tpu.memref_squeeze %dma_start3A_2345 : memref<2x1x8x128xf32, #tpu.memory_space<hbm>> -> memref<2x8x128xf32, #tpu.memory_space<hbm>>
      %dma_start3A_2347 = arith.constant 0 : i32
      %dma_start3A_2348 = arith.constant 0 : i32
      %dma_start3A_2349 = tpu.memref_slice %arg5[%multiple_of3A_2235, %dma_start3A_2337, %dma_start3A_2347, %dma_start3A_2348] : memref<2048x8x8x128xf32, #tpu.memory_space<hbm>> -> memref<2x1x8x128xf32, #tpu.memory_space<hbm>>
      %dma_start3A_2350 = tpu.memref_squeeze %dma_start3A_2349 : memref<2x1x8x128xf32, #tpu.memory_space<hbm>> -> memref<2x8x128xf32, #tpu.memory_space<hbm>>
      %dma_start3A_2351 = arith.constant 0 : i32
      %dma_start3A_2352 = arith.constant 0 : i32
      %dma_start3A_2353 = arith.constant 0 : i32
      %dma_start3A_2354 = tpu.memref_slice %arg10[%dma_start3A_2351, %dma_start3A_2352, %dma_start3A_2336, %dma_start3A_2353] : memref<2x8x8x128xf32, #tpu.memory_space<vmem>> -> memref<2x8x1x128xf32, #tpu.memory_space<vmem>>
      %dma_start3A_2355 = tpu.memref_squeeze %dma_start3A_2354 : memref<2x8x1x128xf32, #tpu.memory_space<vmem>> -> memref<2x8x128xf32, #tpu.memory_space<vmem>>
      tpu.enqueue_dma source(%dma_start3A_2355 : memref<2x8x128xf32, #tpu.memory_space<vmem>>) target(%dma_start3A_2350 : memref<2x8x128xf32, #tpu.memory_space<hbm>>) target_semaphore(%arg14 : memref<!tpu.dma_semaphore, #tpu.memory_space<semaphore_mem>>)
      %dma_start3A_2356 = arith.constant 6 : i32
      %dma_start3A_2357 = arith.constant 6 : i32
      %dma_start3A_2358 = arith.constant 0 : i32
      %dma_start3A_2359 = arith.constant 0 : i32
      %dma_start3A_2360 = arith.constant 0 : i32
      %dma_start3A_2361 = tpu.memref_slice %arg10[%dma_start3A_2358, %dma_start3A_2359, %dma_start3A_2356, %dma_start3A_2360] : memref<2x8x8x128xf32, #tpu.memory_space<vmem>> -> memref<2x8x1x128xf32, #tpu.memory_space<vmem>>
      %dma_start3A_2362 = tpu.memref_squeeze %dma_start3A_2361 : memref<2x8x1x128xf32, #tpu.memory_space<vmem>> -> memref<2x8x128xf32, #tpu.memory_space<vmem>>
      %dma_start3A_2363 = arith.constant 0 : i32
      %dma_start3A_2364 = arith.constant 0 : i32
      %dma_start3A_2365 = tpu.memref_slice %arg5[%multiple_of3A_2235, %dma_start3A_2357, %dma_start3A_2363, %dma_start3A_2364] : memref<2048x8x8x128xf32, #tpu.memory_space<hbm>> -> memref<2x1x8x128xf32, #tpu.memory_space<hbm>>
      %dma_start3A_2366 = tpu.memref_squeeze %dma_start3A_2365 : memref<2x1x8x128xf32, #tpu.memory_space<hbm>> -> memref<2x8x128xf32, #tpu.memory_space<hbm>>
      %dma_start3A_2367 = arith.constant 0 : i32
      %dma_start3A_2368 = arith.constant 0 : i32
      %dma_start3A_2369 = tpu.memref_slice %arg5[%multiple_of3A_2235, %dma_start3A_2357, %dma_start3A_2367, %dma_start3A_2368] : memref<2048x8x8x128xf32, #tpu.memory_space<hbm>> -> memref<2x1x8x128xf32, #tpu.memory_space<hbm>>
      %dma_start3A_2370 = tpu.memref_squeeze %dma_start3A_2369 : memref<2x1x8x128xf32, #tpu.memory_space<hbm>> -> memref<2x8x128xf32, #tpu.memory_space<hbm>>
      %dma_start3A_2371 = arith.constant 0 : i32
      %dma_start3A_2372 = arith.constant 0 : i32
      %dma_start3A_2373 = arith.constant 0 : i32
      %dma_start3A_2374 = tpu.memref_slice %arg10[%dma_start3A_2371, %dma_start3A_2372, %dma_start3A_2356, %dma_start3A_2373] : memref<2x8x8x128xf32, #tpu.memory_space<vmem>> -> memref<2x8x1x128xf32, #tpu.memory_space<vmem>>
      %dma_start3A_2375 = tpu.memref_squeeze %dma_start3A_2374 : memref<2x8x1x128xf32, #tpu.memory_space<vmem>> -> memref<2x8x128xf32, #tpu.memory_space<vmem>>
      tpu.enqueue_dma source(%dma_start3A_2375 : memref<2x8x128xf32, #tpu.memory_space<vmem>>) target(%dma_start3A_2370 : memref<2x8x128xf32, #tpu.memory_space<hbm>>) target_semaphore(%arg14 : memref<!tpu.dma_semaphore, #tpu.memory_space<semaphore_mem>>)
      %dma_start3A_2376 = arith.constant 7 : i32
      %dma_start3A_2377 = arith.constant 7 : i32
      %dma_start3A_2378 = arith.constant 0 : i32
      %dma_start3A_2379 = arith.constant 0 : i32
      %dma_start3A_2380 = arith.constant 0 : i32
      %dma_start3A_2381 = tpu.memref_slice %arg10[%dma_start3A_2378, %dma_start3A_2379, %dma_start3A_2376, %dma_start3A_2380] : memref<2x8x8x128xf32, #tpu.memory_space<vmem>> -> memref<2x8x1x128xf32, #tpu.memory_space<vmem>>
      %dma_start3A_2382 = tpu.memref_squeeze %dma_start3A_2381 : memref<2x8x1x128xf32, #tpu.memory_space<vmem>> -> memref<2x8x128xf32, #tpu.memory_space<vmem>>
      %dma_start3A_2383 = arith.constant 0 : i32
      %dma_start3A_2384 = arith.constant 0 : i32
      %dma_start3A_2385 = tpu.memref_slice %arg5[%multiple_of3A_2235, %dma_start3A_2377, %dma_start3A_2383, %dma_start3A_2384] : memref<2048x8x8x128xf32, #tpu.memory_space<hbm>> -> memref<2x1x8x128xf32, #tpu.memory_space<hbm>>
      %dma_start3A_2386 = tpu.memref_squeeze %dma_start3A_2385 : memref<2x1x8x128xf32, #tpu.memory_space<hbm>> -> memref<2x8x128xf32, #tpu.memory_space<hbm>>
      %dma_start3A_2387 = arith.constant 0 : i32
      %dma_start3A_2388 = arith.constant 0 : i32
      %dma_start3A_2389 = tpu.memref_slice %arg5[%multiple_of3A_2235, %dma_start3A_2377, %dma_start3A_2387, %dma_start3A_2388] : memref<2048x8x8x128xf32, #tpu.memory_space<hbm>> -> memref<2x1x8x128xf32, #tpu.memory_space<hbm>>
      %dma_start3A_2390 = tpu.memref_squeeze %dma_start3A_2389 : memref<2x1x8x128xf32, #tpu.memory_space<hbm>> -> memref<2x8x128xf32, #tpu.memory_space<hbm>>
      %dma_start3A_2391 = arith.constant 0 : i32
      %dma_start3A_2392 = arith.constant 0 : i32
      %dma_start3A_2393 = arith.constant 0 : i32
      %dma_start3A_2394 = tpu.memref_slice %arg10[%dma_start3A_2391, %dma_start3A_2392, %dma_start3A_2376, %dma_start3A_2393] : memref<2x8x8x128xf32, #tpu.memory_space<vmem>> -> memref<2x8x1x128xf32, #tpu.memory_space<vmem>>
      %dma_start3A_2395 = tpu.memref_squeeze %dma_start3A_2394 : memref<2x8x1x128xf32, #tpu.memory_space<vmem>> -> memref<2x8x128xf32, #tpu.memory_space<vmem>>
      tpu.enqueue_dma source(%dma_start3A_2395 : memref<2x8x128xf32, #tpu.memory_space<vmem>>) target(%dma_start3A_2390 : memref<2x8x128xf32, #tpu.memory_space<hbm>>) target_semaphore(%arg14 : memref<!tpu.dma_semaphore, #tpu.memory_space<semaphore_mem>>)
    }
    %scan3A_832 = arith.constant 16 : i32
    %dma_wait3A = arith.constant 0 : i32
    %dma_wait3A_833 = arith.constant 0 : i32
    %dma_wait3A_834 = arith.constant 0 : i32
    %dma_wait3A_835 = arith.constant 0 : i32
    %dma_wait3A_836 = arith.constant 0 : i32
    %dma_wait3A_837 = tpu.memref_slice %arg9[%dma_wait3A_834, %dma_wait3A_835, %dma_wait3A, %dma_wait3A_836] : memref<2x8x8x128xf32, #tpu.memory_space<vmem>> -> memref<2x8x1x128xf32, #tpu.memory_space<vmem>>
    %dma_wait3A_838 = tpu.memref_squeeze %dma_wait3A_837 : memref<2x8x1x128xf32, #tpu.memory_space<vmem>> -> memref<2x8x128xf32, #tpu.memory_space<vmem>>
    %dma_wait3A_839 = arith.constant 0 : i32
    %dma_wait3A_840 = arith.constant 0 : i32
    %dma_wait3A_841 = arith.constant 0 : i32
    %dma_wait3A_842 = tpu.memref_slice %arg5[%dma_wait3A_839, %dma_wait3A_833, %dma_wait3A_840, %dma_wait3A_841] : memref<2048x8x8x128xf32, #tpu.memory_space<hbm>> -> memref<2x1x8x128xf32, #tpu.memory_space<hbm>>
    %dma_wait3A_843 = tpu.memref_squeeze %dma_wait3A_842 : memref<2x1x8x128xf32, #tpu.memory_space<hbm>> -> memref<2x8x128xf32, #tpu.memory_space<hbm>>
    %dma_wait3A_844 = arith.constant 0 : i32
    %dma_wait3A_845 = arith.constant 0 : i32
    %dma_wait3A_846 = arith.constant 0 : i32
    %dma_wait3A_847 = tpu.memref_slice %arg5[%dma_wait3A_844, %dma_wait3A_833, %dma_wait3A_845, %dma_wait3A_846] : memref<2048x8x8x128xf32, #tpu.memory_space<hbm>> -> memref<2x1x8x128xf32, #tpu.memory_space<hbm>>
    %dma_wait3A_848 = tpu.memref_squeeze %dma_wait3A_847 : memref<2x1x8x128xf32, #tpu.memory_space<hbm>> -> memref<2x8x128xf32, #tpu.memory_space<hbm>>
    %dma_wait3A_849 = arith.constant 0 : i32
    %dma_wait3A_850 = arith.constant 0 : i32
    %dma_wait3A_851 = arith.constant 0 : i32
    %dma_wait3A_852 = tpu.memref_slice %arg9[%dma_wait3A_849, %dma_wait3A_850, %dma_wait3A, %dma_wait3A_851] : memref<2x8x8x128xf32, #tpu.memory_space<vmem>> -> memref<2x8x1x128xf32, #tpu.memory_space<vmem>>
    %dma_wait3A_853 = tpu.memref_squeeze %dma_wait3A_852 : memref<2x8x1x128xf32, #tpu.memory_space<vmem>> -> memref<2x8x128xf32, #tpu.memory_space<vmem>>
    tpu.wait_dma2 semaphore(%arg13 : memref<!tpu.dma_semaphore, #tpu.memory_space<semaphore_mem>>) src(%dma_wait3A_853 : memref<2x8x128xf32, #tpu.memory_space<vmem>>) dst(%dma_wait3A_848 : memref<2x8x128xf32, #tpu.memory_space<hbm>>)
    %dma_wait3A_854 = arith.constant 1 : i32
    %dma_wait3A_855 = arith.constant 1 : i32
    %dma_wait3A_856 = arith.constant 0 : i32
    %dma_wait3A_857 = arith.constant 0 : i32
    %dma_wait3A_858 = arith.constant 0 : i32
    %dma_wait3A_859 = tpu.memref_slice %arg9[%dma_wait3A_856, %dma_wait3A_857, %dma_wait3A_854, %dma_wait3A_858] : memref<2x8x8x128xf32, #tpu.memory_space<vmem>> -> memref<2x8x1x128xf32, #tpu.memory_space<vmem>>
    %dma_wait3A_860 = tpu.memref_squeeze %dma_wait3A_859 : memref<2x8x1x128xf32, #tpu.memory_space<vmem>> -> memref<2x8x128xf32, #tpu.memory_space<vmem>>
    %dma_wait3A_861 = arith.constant 0 : i32
    %dma_wait3A_862 = arith.constant 0 : i32
    %dma_wait3A_863 = arith.constant 0 : i32
    %dma_wait3A_864 = tpu.memref_slice %arg5[%dma_wait3A_861, %dma_wait3A_855, %dma_wait3A_862, %dma_wait3A_863] : memref<2048x8x8x128xf32, #tpu.memory_space<hbm>> -> memref<2x1x8x128xf32, #tpu.memory_space<hbm>>
    %dma_wait3A_865 = tpu.memref_squeeze %dma_wait3A_864 : memref<2x1x8x128xf32, #tpu.memory_space<hbm>> -> memref<2x8x128xf32, #tpu.memory_space<hbm>>
    %dma_wait3A_866 = arith.constant 0 : i32
    %dma_wait3A_867 = arith.constant 0 : i32
    %dma_wait3A_868 = arith.constant 0 : i32
    %dma_wait3A_869 = tpu.memref_slice %arg5[%dma_wait3A_866, %dma_wait3A_855, %dma_wait3A_867, %dma_wait3A_868] : memref<2048x8x8x128xf32, #tpu.memory_space<hbm>> -> memref<2x1x8x128xf32, #tpu.memory_space<hbm>>
    %dma_wait3A_870 = tpu.memref_squeeze %dma_wait3A_869 : memref<2x1x8x128xf32, #tpu.memory_space<hbm>> -> memref<2x8x128xf32, #tpu.memory_space<hbm>>
    %dma_wait3A_871 = arith.constant 0 : i32
    %dma_wait3A_872 = arith.constant 0 : i32
    %dma_wait3A_873 = arith.constant 0 : i32
    %dma_wait3A_874 = tpu.memref_slice %arg9[%dma_wait3A_871, %dma_wait3A_872, %dma_wait3A_854, %dma_wait3A_873] : memref<2x8x8x128xf32, #tpu.memory_space<vmem>> -> memref<2x8x1x128xf32, #tpu.memory_space<vmem>>
    %dma_wait3A_875 = tpu.memref_squeeze %dma_wait3A_874 : memref<2x8x1x128xf32, #tpu.memory_space<vmem>> -> memref<2x8x128xf32, #tpu.memory_space<vmem>>
    tpu.wait_dma2 semaphore(%arg13 : memref<!tpu.dma_semaphore, #tpu.memory_space<semaphore_mem>>) src(%dma_wait3A_875 : memref<2x8x128xf32, #tpu.memory_space<vmem>>) dst(%dma_wait3A_870 : memref<2x8x128xf32, #tpu.memory_space<hbm>>)
    %dma_wait3A_876 = arith.constant 2 : i32
    %dma_wait3A_877 = arith.constant 2 : i32
    %dma_wait3A_878 = arith.constant 0 : i32
    %dma_wait3A_879 = arith.constant 0 : i32
    %dma_wait3A_880 = arith.constant 0 : i32
    %dma_wait3A_881 = tpu.memref_slice %arg9[%dma_wait3A_878, %dma_wait3A_879, %dma_wait3A_876, %dma_wait3A_880] : memref<2x8x8x128xf32, #tpu.memory_space<vmem>> -> memref<2x8x1x128xf32, #tpu.memory_space<vmem>>
    %dma_wait3A_882 = tpu.memref_squeeze %dma_wait3A_881 : memref<2x8x1x128xf32, #tpu.memory_space<vmem>> -> memref<2x8x128xf32, #tpu.memory_space<vmem>>
    %dma_wait3A_883 = arith.constant 0 : i32
    %dma_wait3A_884 = arith.constant 0 : i32
    %dma_wait3A_885 = arith.constant 0 : i32
    %dma_wait3A_886 = tpu.memref_slice %arg5[%dma_wait3A_883, %dma_wait3A_877, %dma_wait3A_884, %dma_wait3A_885] : memref<2048x8x8x128xf32, #tpu.memory_space<hbm>> -> memref<2x1x8x128xf32, #tpu.memory_space<hbm>>
    %dma_wait3A_887 = tpu.memref_squeeze %dma_wait3A_886 : memref<2x1x8x128xf32, #tpu.memory_space<hbm>> -> memref<2x8x128xf32, #tpu.memory_space<hbm>>
    %dma_wait3A_888 = arith.constant 0 : i32
    %dma_wait3A_889 = arith.constant 0 : i32
    %dma_wait3A_890 = arith.constant 0 : i32
    %dma_wait3A_891 = tpu.memref_slice %arg5[%dma_wait3A_888, %dma_wait3A_877, %dma_wait3A_889, %dma_wait3A_890] : memref<2048x8x8x128xf32, #tpu.memory_space<hbm>> -> memref<2x1x8x128xf32, #tpu.memory_space<hbm>>
    %dma_wait3A_892 = tpu.memref_squeeze %dma_wait3A_891 : memref<2x1x8x128xf32, #tpu.memory_space<hbm>> -> memref<2x8x128xf32, #tpu.memory_space<hbm>>
    %dma_wait3A_893 = arith.constant 0 : i32
    %dma_wait3A_894 = arith.constant 0 : i32
    %dma_wait3A_895 = arith.constant 0 : i32
    %dma_wait3A_896 = tpu.memref_slice %arg9[%dma_wait3A_893, %dma_wait3A_894, %dma_wait3A_876, %dma_wait3A_895] : memref<2x8x8x128xf32, #tpu.memory_space<vmem>> -> memref<2x8x1x128xf32, #tpu.memory_space<vmem>>
    %dma_wait3A_897 = tpu.memref_squeeze %dma_wait3A_896 : memref<2x8x1x128xf32, #tpu.memory_space<vmem>> -> memref<2x8x128xf32, #tpu.memory_space<vmem>>
    tpu.wait_dma2 semaphore(%arg13 : memref<!tpu.dma_semaphore, #tpu.memory_space<semaphore_mem>>) src(%dma_wait3A_897 : memref<2x8x128xf32, #tpu.memory_space<vmem>>) dst(%dma_wait3A_892 : memref<2x8x128xf32, #tpu.memory_space<hbm>>)
    %dma_wait3A_898 = arith.constant 3 : i32
    %dma_wait3A_899 = arith.constant 3 : i32
    %dma_wait3A_900 = arith.constant 0 : i32
    %dma_wait3A_901 = arith.constant 0 : i32
    %dma_wait3A_902 = arith.constant 0 : i32
    %dma_wait3A_903 = tpu.memref_slice %arg9[%dma_wait3A_900, %dma_wait3A_901, %dma_wait3A_898, %dma_wait3A_902] : memref<2x8x8x128xf32, #tpu.memory_space<vmem>> -> memref<2x8x1x128xf32, #tpu.memory_space<vmem>>
    %dma_wait3A_904 = tpu.memref_squeeze %dma_wait3A_903 : memref<2x8x1x128xf32, #tpu.memory_space<vmem>> -> memref<2x8x128xf32, #tpu.memory_space<vmem>>
    %dma_wait3A_905 = arith.constant 0 : i32
    %dma_wait3A_906 = arith.constant 0 : i32
    %dma_wait3A_907 = arith.constant 0 : i32
    %dma_wait3A_908 = tpu.memref_slice %arg5[%dma_wait3A_905, %dma_wait3A_899, %dma_wait3A_906, %dma_wait3A_907] : memref<2048x8x8x128xf32, #tpu.memory_space<hbm>> -> memref<2x1x8x128xf32, #tpu.memory_space<hbm>>
    %dma_wait3A_909 = tpu.memref_squeeze %dma_wait3A_908 : memref<2x1x8x128xf32, #tpu.memory_space<hbm>> -> memref<2x8x128xf32, #tpu.memory_space<hbm>>
    %dma_wait3A_910 = arith.constant 0 : i32
    %dma_wait3A_911 = arith.constant 0 : i32
    %dma_wait3A_912 = arith.constant 0 : i32
    %dma_wait3A_913 = tpu.memref_slice %arg5[%dma_wait3A_910, %dma_wait3A_899, %dma_wait3A_911, %dma_wait3A_912] : memref<2048x8x8x128xf32, #tpu.memory_space<hbm>> -> memref<2x1x8x128xf32, #tpu.memory_space<hbm>>
    %dma_wait3A_914 = tpu.memref_squeeze %dma_wait3A_913 : memref<2x1x8x128xf32, #tpu.memory_space<hbm>> -> memref<2x8x128xf32, #tpu.memory_space<hbm>>
    %dma_wait3A_915 = arith.constant 0 : i32
    %dma_wait3A_916 = arith.constant 0 : i32
    %dma_wait3A_917 = arith.constant 0 : i32
    %dma_wait3A_918 = tpu.memref_slice %arg9[%dma_wait3A_915, %dma_wait3A_916, %dma_wait3A_898, %dma_wait3A_917] : memref<2x8x8x128xf32, #tpu.memory_space<vmem>> -> memref<2x8x1x128xf32, #tpu.memory_space<vmem>>
    %dma_wait3A_919 = tpu.memref_squeeze %dma_wait3A_918 : memref<2x8x1x128xf32, #tpu.memory_space<vmem>> -> memref<2x8x128xf32, #tpu.memory_space<vmem>>
    tpu.wait_dma2 semaphore(%arg13 : memref<!tpu.dma_semaphore, #tpu.memory_space<semaphore_mem>>) src(%dma_wait3A_919 : memref<2x8x128xf32, #tpu.memory_space<vmem>>) dst(%dma_wait3A_914 : memref<2x8x128xf32, #tpu.memory_space<hbm>>)
    %dma_wait3A_920 = arith.constant 4 : i32
    %dma_wait3A_921 = arith.constant 4 : i32
    %dma_wait3A_922 = arith.constant 0 : i32
    %dma_wait3A_923 = arith.constant 0 : i32
    %dma_wait3A_924 = arith.constant 0 : i32
    %dma_wait3A_925 = tpu.memref_slice %arg9[%dma_wait3A_922, %dma_wait3A_923, %dma_wait3A_920, %dma_wait3A_924] : memref<2x8x8x128xf32, #tpu.memory_space<vmem>> -> memref<2x8x1x128xf32, #tpu.memory_space<vmem>>
    %dma_wait3A_926 = tpu.memref_squeeze %dma_wait3A_925 : memref<2x8x1x128xf32, #tpu.memory_space<vmem>> -> memref<2x8x128xf32, #tpu.memory_space<vmem>>
    %dma_wait3A_927 = arith.constant 0 : i32
    %dma_wait3A_928 = arith.constant 0 : i32
    %dma_wait3A_929 = arith.constant 0 : i32
    %dma_wait3A_930 = tpu.memref_slice %arg5[%dma_wait3A_927, %dma_wait3A_921, %dma_wait3A_928, %dma_wait3A_929] : memref<2048x8x8x128xf32, #tpu.memory_space<hbm>> -> memref<2x1x8x128xf32, #tpu.memory_space<hbm>>
    %dma_wait3A_931 = tpu.memref_squeeze %dma_wait3A_930 : memref<2x1x8x128xf32, #tpu.memory_space<hbm>> -> memref<2x8x128xf32, #tpu.memory_space<hbm>>
    %dma_wait3A_932 = arith.constant 0 : i32
    %dma_wait3A_933 = arith.constant 0 : i32
    %dma_wait3A_934 = arith.constant 0 : i32
    %dma_wait3A_935 = tpu.memref_slice %arg5[%dma_wait3A_932, %dma_wait3A_921, %dma_wait3A_933, %dma_wait3A_934] : memref<2048x8x8x128xf32, #tpu.memory_space<hbm>> -> memref<2x1x8x128xf32, #tpu.memory_space<hbm>>
    %dma_wait3A_936 = tpu.memref_squeeze %dma_wait3A_935 : memref<2x1x8x128xf32, #tpu.memory_space<hbm>> -> memref<2x8x128xf32, #tpu.memory_space<hbm>>
    %dma_wait3A_937 = arith.constant 0 : i32
    %dma_wait3A_938 = arith.constant 0 : i32
    %dma_wait3A_939 = arith.constant 0 : i32
    %dma_wait3A_940 = tpu.memref_slice %arg9[%dma_wait3A_937, %dma_wait3A_938, %dma_wait3A_920, %dma_wait3A_939] : memref<2x8x8x128xf32, #tpu.memory_space<vmem>> -> memref<2x8x1x128xf32, #tpu.memory_space<vmem>>
    %dma_wait3A_941 = tpu.memref_squeeze %dma_wait3A_940 : memref<2x8x1x128xf32, #tpu.memory_space<vmem>> -> memref<2x8x128xf32, #tpu.memory_space<vmem>>
    tpu.wait_dma2 semaphore(%arg13 : memref<!tpu.dma_semaphore, #tpu.memory_space<semaphore_mem>>) src(%dma_wait3A_941 : memref<2x8x128xf32, #tpu.memory_space<vmem>>) dst(%dma_wait3A_936 : memref<2x8x128xf32, #tpu.memory_space<hbm>>)
    %dma_wait3A_942 = arith.constant 5 : i32
    %dma_wait3A_943 = arith.constant 5 : i32
    %dma_wait3A_944 = arith.constant 0 : i32
    %dma_wait3A_945 = arith.constant 0 : i32
    %dma_wait3A_946 = arith.constant 0 : i32
    %dma_wait3A_947 = tpu.memref_slice %arg9[%dma_wait3A_944, %dma_wait3A_945, %dma_wait3A_942, %dma_wait3A_946] : memref<2x8x8x128xf32, #tpu.memory_space<vmem>> -> memref<2x8x1x128xf32, #tpu.memory_space<vmem>>
    %dma_wait3A_948 = tpu.memref_squeeze %dma_wait3A_947 : memref<2x8x1x128xf32, #tpu.memory_space<vmem>> -> memref<2x8x128xf32, #tpu.memory_space<vmem>>
    %dma_wait3A_949 = arith.constant 0 : i32
    %dma_wait3A_950 = arith.constant 0 : i32
    %dma_wait3A_951 = arith.constant 0 : i32
    %dma_wait3A_952 = tpu.memref_slice %arg5[%dma_wait3A_949, %dma_wait3A_943, %dma_wait3A_950, %dma_wait3A_951] : memref<2048x8x8x128xf32, #tpu.memory_space<hbm>> -> memref<2x1x8x128xf32, #tpu.memory_space<hbm>>
    %dma_wait3A_953 = tpu.memref_squeeze %dma_wait3A_952 : memref<2x1x8x128xf32, #tpu.memory_space<hbm>> -> memref<2x8x128xf32, #tpu.memory_space<hbm>>
    %dma_wait3A_954 = arith.constant 0 : i32
    %dma_wait3A_955 = arith.constant 0 : i32
    %dma_wait3A_956 = arith.constant 0 : i32
    %dma_wait3A_957 = tpu.memref_slice %arg5[%dma_wait3A_954, %dma_wait3A_943, %dma_wait3A_955, %dma_wait3A_956] : memref<2048x8x8x128xf32, #tpu.memory_space<hbm>> -> memref<2x1x8x128xf32, #tpu.memory_space<hbm>>
    %dma_wait3A_958 = tpu.memref_squeeze %dma_wait3A_957 : memref<2x1x8x128xf32, #tpu.memory_space<hbm>> -> memref<2x8x128xf32, #tpu.memory_space<hbm>>
    %dma_wait3A_959 = arith.constant 0 : i32
    %dma_wait3A_960 = arith.constant 0 : i32
    %dma_wait3A_961 = arith.constant 0 : i32
    %dma_wait3A_962 = tpu.memref_slice %arg9[%dma_wait3A_959, %dma_wait3A_960, %dma_wait3A_942, %dma_wait3A_961] : memref<2x8x8x128xf32, #tpu.memory_space<vmem>> -> memref<2x8x1x128xf32, #tpu.memory_space<vmem>>
    %dma_wait3A_963 = tpu.memref_squeeze %dma_wait3A_962 : memref<2x8x1x128xf32, #tpu.memory_space<vmem>> -> memref<2x8x128xf32, #tpu.memory_space<vmem>>
    tpu.wait_dma2 semaphore(%arg13 : memref<!tpu.dma_semaphore, #tpu.memory_space<semaphore_mem>>) src(%dma_wait3A_963 : memref<2x8x128xf32, #tpu.memory_space<vmem>>) dst(%dma_wait3A_958 : memref<2x8x128xf32, #tpu.memory_space<hbm>>)
    %dma_wait3A_964 = arith.constant 6 : i32
    %dma_wait3A_965 = arith.constant 6 : i32
    %dma_wait3A_966 = arith.constant 0 : i32
    %dma_wait3A_967 = arith.constant 0 : i32
    %dma_wait3A_968 = arith.constant 0 : i32
    %dma_wait3A_969 = tpu.memref_slice %arg9[%dma_wait3A_966, %dma_wait3A_967, %dma_wait3A_964, %dma_wait3A_968] : memref<2x8x8x128xf32, #tpu.memory_space<vmem>> -> memref<2x8x1x128xf32, #tpu.memory_space<vmem>>
    %dma_wait3A_970 = tpu.memref_squeeze %dma_wait3A_969 : memref<2x8x1x128xf32, #tpu.memory_space<vmem>> -> memref<2x8x128xf32, #tpu.memory_space<vmem>>
    %dma_wait3A_971 = arith.constant 0 : i32
    %dma_wait3A_972 = arith.constant 0 : i32
    %dma_wait3A_973 = arith.constant 0 : i32
    %dma_wait3A_974 = tpu.memref_slice %arg5[%dma_wait3A_971, %dma_wait3A_965, %dma_wait3A_972, %dma_wait3A_973] : memref<2048x8x8x128xf32, #tpu.memory_space<hbm>> -> memref<2x1x8x128xf32, #tpu.memory_space<hbm>>
    %dma_wait3A_975 = tpu.memref_squeeze %dma_wait3A_974 : memref<2x1x8x128xf32, #tpu.memory_space<hbm>> -> memref<2x8x128xf32, #tpu.memory_space<hbm>>
    %dma_wait3A_976 = arith.constant 0 : i32
    %dma_wait3A_977 = arith.constant 0 : i32
    %dma_wait3A_978 = arith.constant 0 : i32
    %dma_wait3A_979 = tpu.memref_slice %arg5[%dma_wait3A_976, %dma_wait3A_965, %dma_wait3A_977, %dma_wait3A_978] : memref<2048x8x8x128xf32, #tpu.memory_space<hbm>> -> memref<2x1x8x128xf32, #tpu.memory_space<hbm>>
    %dma_wait3A_980 = tpu.memref_squeeze %dma_wait3A_979 : memref<2x1x8x128xf32, #tpu.memory_space<hbm>> -> memref<2x8x128xf32, #tpu.memory_space<hbm>>
    %dma_wait3A_981 = arith.constant 0 : i32
    %dma_wait3A_982 = arith.constant 0 : i32
    %dma_wait3A_983 = arith.constant 0 : i32
    %dma_wait3A_984 = tpu.memref_slice %arg9[%dma_wait3A_981, %dma_wait3A_982, %dma_wait3A_964, %dma_wait3A_983] : memref<2x8x8x128xf32, #tpu.memory_space<vmem>> -> memref<2x8x1x128xf32, #tpu.memory_space<vmem>>
    %dma_wait3A_985 = tpu.memref_squeeze %dma_wait3A_984 : memref<2x8x1x128xf32, #tpu.memory_space<vmem>> -> memref<2x8x128xf32, #tpu.memory_space<vmem>>
    tpu.wait_dma2 semaphore(%arg13 : memref<!tpu.dma_semaphore, #tpu.memory_space<semaphore_mem>>) src(%dma_wait3A_985 : memref<2x8x128xf32, #tpu.memory_space<vmem>>) dst(%dma_wait3A_980 : memref<2x8x128xf32, #tpu.memory_space<hbm>>)
    %dma_wait3A_986 = arith.constant 7 : i32
    %dma_wait3A_987 = arith.constant 7 : i32
    %dma_wait3A_988 = arith.constant 0 : i32
    %dma_wait3A_989 = arith.constant 0 : i32
    %dma_wait3A_990 = arith.constant 0 : i32
    %dma_wait3A_991 = tpu.memref_slice %arg9[%dma_wait3A_988, %dma_wait3A_989, %dma_wait3A_986, %dma_wait3A_990] : memref<2x8x8x128xf32, #tpu.memory_space<vmem>> -> memref<2x8x1x128xf32, #tpu.memory_space<vmem>>
    %dma_wait3A_992 = tpu.memref_squeeze %dma_wait3A_991 : memref<2x8x1x128xf32, #tpu.memory_space<vmem>> -> memref<2x8x128xf32, #tpu.memory_space<vmem>>
    %dma_wait3A_993 = arith.constant 0 : i32
    %dma_wait3A_994 = arith.constant 0 : i32
    %dma_wait3A_995 = arith.constant 0 : i32
    %dma_wait3A_996 = tpu.memref_slice %arg5[%dma_wait3A_993, %dma_wait3A_987, %dma_wait3A_994, %dma_wait3A_995] : memref<2048x8x8x128xf32, #tpu.memory_space<hbm>> -> memref<2x1x8x128xf32, #tpu.memory_space<hbm>>
    %dma_wait3A_997 = tpu.memref_squeeze %dma_wait3A_996 : memref<2x1x8x128xf32, #tpu.memory_space<hbm>> -> memref<2x8x128xf32, #tpu.memory_space<hbm>>
    %dma_wait3A_998 = arith.constant 0 : i32
    %dma_wait3A_999 = arith.constant 0 : i32
    %dma_wait3A_1000 = arith.constant 0 : i32
    %dma_wait3A_1001 = tpu.memref_slice %arg5[%dma_wait3A_998, %dma_wait3A_987, %dma_wait3A_999, %dma_wait3A_1000] : memref<2048x8x8x128xf32, #tpu.memory_space<hbm>> -> memref<2x1x8x128xf32, #tpu.memory_space<hbm>>
    %dma_wait3A_1002 = tpu.memref_squeeze %dma_wait3A_1001 : memref<2x1x8x128xf32, #tpu.memory_space<hbm>> -> memref<2x8x128xf32, #tpu.memory_space<hbm>>
    %dma_wait3A_1003 = arith.constant 0 : i32
    %dma_wait3A_1004 = arith.constant 0 : i32
    %dma_wait3A_1005 = arith.constant 0 : i32
    %dma_wait3A_1006 = tpu.memref_slice %arg9[%dma_wait3A_1003, %dma_wait3A_1004, %dma_wait3A_986, %dma_wait3A_1005] : memref<2x8x8x128xf32, #tpu.memory_space<vmem>> -> memref<2x8x1x128xf32, #tpu.memory_space<vmem>>
    %dma_wait3A_1007 = tpu.memref_squeeze %dma_wait3A_1006 : memref<2x8x1x128xf32, #tpu.memory_space<vmem>> -> memref<2x8x128xf32, #tpu.memory_space<vmem>>
    tpu.wait_dma2 semaphore(%arg13 : memref<!tpu.dma_semaphore, #tpu.memory_space<semaphore_mem>>) src(%dma_wait3A_1007 : memref<2x8x128xf32, #tpu.memory_space<vmem>>) dst(%dma_wait3A_1002 : memref<2x8x128xf32, #tpu.memory_space<hbm>>)
    %dma_wait3A_1008 = arith.constant 0 : i32
    %dma_wait3A_1009 = arith.constant 0 : i32
    %dma_wait3A_1010 = arith.constant 0 : i32
    %dma_wait3A_1011 = arith.constant 0 : i32
    %dma_wait3A_1012 = arith.constant 0 : i32
    %dma_wait3A_1013 = tpu.memref_slice %arg10[%dma_wait3A_1010, %dma_wait3A_1011, %dma_wait3A_1008, %dma_wait3A_1012] : memref<2x8x8x128xf32, #tpu.memory_space<vmem>> -> memref<2x8x1x128xf32, #tpu.memory_space<vmem>>
    %dma_wait3A_1014 = tpu.memref_squeeze %dma_wait3A_1013 : memref<2x8x1x128xf32, #tpu.memory_space<vmem>> -> memref<2x8x128xf32, #tpu.memory_space<vmem>>
    %dma_wait3A_1015 = arith.constant 0 : i32
    %dma_wait3A_1016 = arith.constant 0 : i32
    %dma_wait3A_1017 = arith.constant 0 : i32
    %dma_wait3A_1018 = tpu.memref_slice %arg5[%dma_wait3A_1015, %dma_wait3A_1009, %dma_wait3A_1016, %dma_wait3A_1017] : memref<2048x8x8x128xf32, #tpu.memory_space<hbm>> -> memref<2x1x8x128xf32, #tpu.memory_space<hbm>>
    %dma_wait3A_1019 = tpu.memref_squeeze %dma_wait3A_1018 : memref<2x1x8x128xf32, #tpu.memory_space<hbm>> -> memref<2x8x128xf32, #tpu.memory_space<hbm>>
    %dma_wait3A_1020 = arith.constant 0 : i32
    %dma_wait3A_1021 = arith.constant 0 : i32
    %dma_wait3A_1022 = arith.constant 0 : i32
    %dma_wait3A_1023 = tpu.memref_slice %arg5[%dma_wait3A_1020, %dma_wait3A_1009, %dma_wait3A_1021, %dma_wait3A_1022] : memref<2048x8x8x128xf32, #tpu.memory_space<hbm>> -> memref<2x1x8x128xf32, #tpu.memory_space<hbm>>
    %dma_wait3A_1024 = tpu.memref_squeeze %dma_wait3A_1023 : memref<2x1x8x128xf32, #tpu.memory_space<hbm>> -> memref<2x8x128xf32, #tpu.memory_space<hbm>>
    %dma_wait3A_1025 = arith.constant 0 : i32
    %dma_wait3A_1026 = arith.constant 0 : i32
    %dma_wait3A_1027 = arith.constant 0 : i32
    %dma_wait3A_1028 = tpu.memref_slice %arg10[%dma_wait3A_1025, %dma_wait3A_1026, %dma_wait3A_1008, %dma_wait3A_1027] : memref<2x8x8x128xf32, #tpu.memory_space<vmem>> -> memref<2x8x1x128xf32, #tpu.memory_space<vmem>>
    %dma_wait3A_1029 = tpu.memref_squeeze %dma_wait3A_1028 : memref<2x8x1x128xf32, #tpu.memory_space<vmem>> -> memref<2x8x128xf32, #tpu.memory_space<vmem>>
    tpu.wait_dma2 semaphore(%arg14 : memref<!tpu.dma_semaphore, #tpu.memory_space<semaphore_mem>>) src(%dma_wait3A_1029 : memref<2x8x128xf32, #tpu.memory_space<vmem>>) dst(%dma_wait3A_1024 : memref<2x8x128xf32, #tpu.memory_space<hbm>>)
    %dma_wait3A_1030 = arith.constant 1 : i32
    %dma_wait3A_1031 = arith.constant 1 : i32
    %dma_wait3A_1032 = arith.constant 0 : i32
    %dma_wait3A_1033 = arith.constant 0 : i32
    %dma_wait3A_1034 = arith.constant 0 : i32
    %dma_wait3A_1035 = tpu.memref_slice %arg10[%dma_wait3A_1032, %dma_wait3A_1033, %dma_wait3A_1030, %dma_wait3A_1034] : memref<2x8x8x128xf32, #tpu.memory_space<vmem>> -> memref<2x8x1x128xf32, #tpu.memory_space<vmem>>
    %dma_wait3A_1036 = tpu.memref_squeeze %dma_wait3A_1035 : memref<2x8x1x128xf32, #tpu.memory_space<vmem>> -> memref<2x8x128xf32, #tpu.memory_space<vmem>>
    %dma_wait3A_1037 = arith.constant 0 : i32
    %dma_wait3A_1038 = arith.constant 0 : i32
    %dma_wait3A_1039 = arith.constant 0 : i32
    %dma_wait3A_1040 = tpu.memref_slice %arg5[%dma_wait3A_1037, %dma_wait3A_1031, %dma_wait3A_1038, %dma_wait3A_1039] : memref<2048x8x8x128xf32, #tpu.memory_space<hbm>> -> memref<2x1x8x128xf32, #tpu.memory_space<hbm>>
    %dma_wait3A_1041 = tpu.memref_squeeze %dma_wait3A_1040 : memref<2x1x8x128xf32, #tpu.memory_space<hbm>> -> memref<2x8x128xf32, #tpu.memory_space<hbm>>
    %dma_wait3A_1042 = arith.constant 0 : i32
    %dma_wait3A_1043 = arith.constant 0 : i32
    %dma_wait3A_1044 = arith.constant 0 : i32
    %dma_wait3A_1045 = tpu.memref_slice %arg5[%dma_wait3A_1042, %dma_wait3A_1031, %dma_wait3A_1043, %dma_wait3A_1044] : memref<2048x8x8x128xf32, #tpu.memory_space<hbm>> -> memref<2x1x8x128xf32, #tpu.memory_space<hbm>>
    %dma_wait3A_1046 = tpu.memref_squeeze %dma_wait3A_1045 : memref<2x1x8x128xf32, #tpu.memory_space<hbm>> -> memref<2x8x128xf32, #tpu.memory_space<hbm>>
    %dma_wait3A_1047 = arith.constant 0 : i32
    %dma_wait3A_1048 = arith.constant 0 : i32
    %dma_wait3A_1049 = arith.constant 0 : i32
    %dma_wait3A_1050 = tpu.memref_slice %arg10[%dma_wait3A_1047, %dma_wait3A_1048, %dma_wait3A_1030, %dma_wait3A_1049] : memref<2x8x8x128xf32, #tpu.memory_space<vmem>> -> memref<2x8x1x128xf32, #tpu.memory_space<vmem>>
    %dma_wait3A_1051 = tpu.memref_squeeze %dma_wait3A_1050 : memref<2x8x1x128xf32, #tpu.memory_space<vmem>> -> memref<2x8x128xf32, #tpu.memory_space<vmem>>
    tpu.wait_dma2 semaphore(%arg14 : memref<!tpu.dma_semaphore, #tpu.memory_space<semaphore_mem>>) src(%dma_wait3A_1051 : memref<2x8x128xf32, #tpu.memory_space<vmem>>) dst(%dma_wait3A_1046 : memref<2x8x128xf32, #tpu.memory_space<hbm>>)
    %dma_wait3A_1052 = arith.constant 2 : i32
    %dma_wait3A_1053 = arith.constant 2 : i32
    %dma_wait3A_1054 = arith.constant 0 : i32
    %dma_wait3A_1055 = arith.constant 0 : i32
    %dma_wait3A_1056 = arith.constant 0 : i32
    %dma_wait3A_1057 = tpu.memref_slice %arg10[%dma_wait3A_1054, %dma_wait3A_1055, %dma_wait3A_1052, %dma_wait3A_1056] : memref<2x8x8x128xf32, #tpu.memory_space<vmem>> -> memref<2x8x1x128xf32, #tpu.memory_space<vmem>>
    %dma_wait3A_1058 = tpu.memref_squeeze %dma_wait3A_1057 : memref<2x8x1x128xf32, #tpu.memory_space<vmem>> -> memref<2x8x128xf32, #tpu.memory_space<vmem>>
    %dma_wait3A_1059 = arith.constant 0 : i32
    %dma_wait3A_1060 = arith.constant 0 : i32
    %dma_wait3A_1061 = arith.constant 0 : i32
    %dma_wait3A_1062 = tpu.memref_slice %arg5[%dma_wait3A_1059, %dma_wait3A_1053, %dma_wait3A_1060, %dma_wait3A_1061] : memref<2048x8x8x128xf32, #tpu.memory_space<hbm>> -> memref<2x1x8x128xf32, #tpu.memory_space<hbm>>
    %dma_wait3A_1063 = tpu.memref_squeeze %dma_wait3A_1062 : memref<2x1x8x128xf32, #tpu.memory_space<hbm>> -> memref<2x8x128xf32, #tpu.memory_space<hbm>>
    %dma_wait3A_1064 = arith.constant 0 : i32
    %dma_wait3A_1065 = arith.constant 0 : i32
    %dma_wait3A_1066 = arith.constant 0 : i32
    %dma_wait3A_1067 = tpu.memref_slice %arg5[%dma_wait3A_1064, %dma_wait3A_1053, %dma_wait3A_1065, %dma_wait3A_1066] : memref<2048x8x8x128xf32, #tpu.memory_space<hbm>> -> memref<2x1x8x128xf32, #tpu.memory_space<hbm>>
    %dma_wait3A_1068 = tpu.memref_squeeze %dma_wait3A_1067 : memref<2x1x8x128xf32, #tpu.memory_space<hbm>> -> memref<2x8x128xf32, #tpu.memory_space<hbm>>
    %dma_wait3A_1069 = arith.constant 0 : i32
    %dma_wait3A_1070 = arith.constant 0 : i32
    %dma_wait3A_1071 = arith.constant 0 : i32
    %dma_wait3A_1072 = tpu.memref_slice %arg10[%dma_wait3A_1069, %dma_wait3A_1070, %dma_wait3A_1052, %dma_wait3A_1071] : memref<2x8x8x128xf32, #tpu.memory_space<vmem>> -> memref<2x8x1x128xf32, #tpu.memory_space<vmem>>
    %dma_wait3A_1073 = tpu.memref_squeeze %dma_wait3A_1072 : memref<2x8x1x128xf32, #tpu.memory_space<vmem>> -> memref<2x8x128xf32, #tpu.memory_space<vmem>>
    tpu.wait_dma2 semaphore(%arg14 : memref<!tpu.dma_semaphore, #tpu.memory_space<semaphore_mem>>) src(%dma_wait3A_1073 : memref<2x8x128xf32, #tpu.memory_space<vmem>>) dst(%dma_wait3A_1068 : memref<2x8x128xf32, #tpu.memory_space<hbm>>)
    %dma_wait3A_1074 = arith.constant 3 : i32
    %dma_wait3A_1075 = arith.constant 3 : i32
    %dma_wait3A_1076 = arith.constant 0 : i32
    %dma_wait3A_1077 = arith.constant 0 : i32
    %dma_wait3A_1078 = arith.constant 0 : i32
    %dma_wait3A_1079 = tpu.memref_slice %arg10[%dma_wait3A_1076, %dma_wait3A_1077, %dma_wait3A_1074, %dma_wait3A_1078] : memref<2x8x8x128xf32, #tpu.memory_space<vmem>> -> memref<2x8x1x128xf32, #tpu.memory_space<vmem>>
    %dma_wait3A_1080 = tpu.memref_squeeze %dma_wait3A_1079 : memref<2x8x1x128xf32, #tpu.memory_space<vmem>> -> memref<2x8x128xf32, #tpu.memory_space<vmem>>
    %dma_wait3A_1081 = arith.constant 0 : i32
    %dma_wait3A_1082 = arith.constant 0 : i32
    %dma_wait3A_1083 = arith.constant 0 : i32
    %dma_wait3A_1084 = tpu.memref_slice %arg5[%dma_wait3A_1081, %dma_wait3A_1075, %dma_wait3A_1082, %dma_wait3A_1083] : memref<2048x8x8x128xf32, #tpu.memory_space<hbm>> -> memref<2x1x8x128xf32, #tpu.memory_space<hbm>>
    %dma_wait3A_1085 = tpu.memref_squeeze %dma_wait3A_1084 : memref<2x1x8x128xf32, #tpu.memory_space<hbm>> -> memref<2x8x128xf32, #tpu.memory_space<hbm>>
    %dma_wait3A_1086 = arith.constant 0 : i32
    %dma_wait3A_1087 = arith.constant 0 : i32
    %dma_wait3A_1088 = arith.constant 0 : i32
    %dma_wait3A_1089 = tpu.memref_slice %arg5[%dma_wait3A_1086, %dma_wait3A_1075, %dma_wait3A_1087, %dma_wait3A_1088] : memref<2048x8x8x128xf32, #tpu.memory_space<hbm>> -> memref<2x1x8x128xf32, #tpu.memory_space<hbm>>
    %dma_wait3A_1090 = tpu.memref_squeeze %dma_wait3A_1089 : memref<2x1x8x128xf32, #tpu.memory_space<hbm>> -> memref<2x8x128xf32, #tpu.memory_space<hbm>>
    %dma_wait3A_1091 = arith.constant 0 : i32
    %dma_wait3A_1092 = arith.constant 0 : i32
    %dma_wait3A_1093 = arith.constant 0 : i32
    %dma_wait3A_1094 = tpu.memref_slice %arg10[%dma_wait3A_1091, %dma_wait3A_1092, %dma_wait3A_1074, %dma_wait3A_1093] : memref<2x8x8x128xf32, #tpu.memory_space<vmem>> -> memref<2x8x1x128xf32, #tpu.memory_space<vmem>>
    %dma_wait3A_1095 = tpu.memref_squeeze %dma_wait3A_1094 : memref<2x8x1x128xf32, #tpu.memory_space<vmem>> -> memref<2x8x128xf32, #tpu.memory_space<vmem>>
    tpu.wait_dma2 semaphore(%arg14 : memref<!tpu.dma_semaphore, #tpu.memory_space<semaphore_mem>>) src(%dma_wait3A_1095 : memref<2x8x128xf32, #tpu.memory_space<vmem>>) dst(%dma_wait3A_1090 : memref<2x8x128xf32, #tpu.memory_space<hbm>>)
    %dma_wait3A_1096 = arith.constant 4 : i32
    %dma_wait3A_1097 = arith.constant 4 : i32
    %dma_wait3A_1098 = arith.constant 0 : i32
    %dma_wait3A_1099 = arith.constant 0 : i32
    %dma_wait3A_1100 = arith.constant 0 : i32
    %dma_wait3A_1101 = tpu.memref_slice %arg10[%dma_wait3A_1098, %dma_wait3A_1099, %dma_wait3A_1096, %dma_wait3A_1100] : memref<2x8x8x128xf32, #tpu.memory_space<vmem>> -> memref<2x8x1x128xf32, #tpu.memory_space<vmem>>
    %dma_wait3A_1102 = tpu.memref_squeeze %dma_wait3A_1101 : memref<2x8x1x128xf32, #tpu.memory_space<vmem>> -> memref<2x8x128xf32, #tpu.memory_space<vmem>>
    %dma_wait3A_1103 = arith.constant 0 : i32
    %dma_wait3A_1104 = arith.constant 0 : i32
    %dma_wait3A_1105 = arith.constant 0 : i32
    %dma_wait3A_1106 = tpu.memref_slice %arg5[%dma_wait3A_1103, %dma_wait3A_1097, %dma_wait3A_1104, %dma_wait3A_1105] : memref<2048x8x8x128xf32, #tpu.memory_space<hbm>> -> memref<2x1x8x128xf32, #tpu.memory_space<hbm>>
    %dma_wait3A_1107 = tpu.memref_squeeze %dma_wait3A_1106 : memref<2x1x8x128xf32, #tpu.memory_space<hbm>> -> memref<2x8x128xf32, #tpu.memory_space<hbm>>
    %dma_wait3A_1108 = arith.constant 0 : i32
    %dma_wait3A_1109 = arith.constant 0 : i32
    %dma_wait3A_1110 = arith.constant 0 : i32
    %dma_wait3A_1111 = tpu.memref_slice %arg5[%dma_wait3A_1108, %dma_wait3A_1097, %dma_wait3A_1109, %dma_wait3A_1110] : memref<2048x8x8x128xf32, #tpu.memory_space<hbm>> -> memref<2x1x8x128xf32, #tpu.memory_space<hbm>>
    %dma_wait3A_1112 = tpu.memref_squeeze %dma_wait3A_1111 : memref<2x1x8x128xf32, #tpu.memory_space<hbm>> -> memref<2x8x128xf32, #tpu.memory_space<hbm>>
    %dma_wait3A_1113 = arith.constant 0 : i32
    %dma_wait3A_1114 = arith.constant 0 : i32
    %dma_wait3A_1115 = arith.constant 0 : i32
    %dma_wait3A_1116 = tpu.memref_slice %arg10[%dma_wait3A_1113, %dma_wait3A_1114, %dma_wait3A_1096, %dma_wait3A_1115] : memref<2x8x8x128xf32, #tpu.memory_space<vmem>> -> memref<2x8x1x128xf32, #tpu.memory_space<vmem>>
    %dma_wait3A_1117 = tpu.memref_squeeze %dma_wait3A_1116 : memref<2x8x1x128xf32, #tpu.memory_space<vmem>> -> memref<2x8x128xf32, #tpu.memory_space<vmem>>
    tpu.wait_dma2 semaphore(%arg14 : memref<!tpu.dma_semaphore, #tpu.memory_space<semaphore_mem>>) src(%dma_wait3A_1117 : memref<2x8x128xf32, #tpu.memory_space<vmem>>) dst(%dma_wait3A_1112 : memref<2x8x128xf32, #tpu.memory_space<hbm>>)
    %dma_wait3A_1118 = arith.constant 5 : i32
    %dma_wait3A_1119 = arith.constant 5 : i32
    %dma_wait3A_1120 = arith.constant 0 : i32
    %dma_wait3A_1121 = arith.constant 0 : i32
    %dma_wait3A_1122 = arith.constant 0 : i32
    %dma_wait3A_1123 = tpu.memref_slice %arg10[%dma_wait3A_1120, %dma_wait3A_1121, %dma_wait3A_1118, %dma_wait3A_1122] : memref<2x8x8x128xf32, #tpu.memory_space<vmem>> -> memref<2x8x1x128xf32, #tpu.memory_space<vmem>>
    %dma_wait3A_1124 = tpu.memref_squeeze %dma_wait3A_1123 : memref<2x8x1x128xf32, #tpu.memory_space<vmem>> -> memref<2x8x128xf32, #tpu.memory_space<vmem>>
    %dma_wait3A_1125 = arith.constant 0 : i32
    %dma_wait3A_1126 = arith.constant 0 : i32
    %dma_wait3A_1127 = arith.constant 0 : i32
    %dma_wait3A_1128 = tpu.memref_slice %arg5[%dma_wait3A_1125, %dma_wait3A_1119, %dma_wait3A_1126, %dma_wait3A_1127] : memref<2048x8x8x128xf32, #tpu.memory_space<hbm>> -> memref<2x1x8x128xf32, #tpu.memory_space<hbm>>
    %dma_wait3A_1129 = tpu.memref_squeeze %dma_wait3A_1128 : memref<2x1x8x128xf32, #tpu.memory_space<hbm>> -> memref<2x8x128xf32, #tpu.memory_space<hbm>>
    %dma_wait3A_1130 = arith.constant 0 : i32
    %dma_wait3A_1131 = arith.constant 0 : i32
    %dma_wait3A_1132 = arith.constant 0 : i32
    %dma_wait3A_1133 = tpu.memref_slice %arg5[%dma_wait3A_1130, %dma_wait3A_1119, %dma_wait3A_1131, %dma_wait3A_1132] : memref<2048x8x8x128xf32, #tpu.memory_space<hbm>> -> memref<2x1x8x128xf32, #tpu.memory_space<hbm>>
    %dma_wait3A_1134 = tpu.memref_squeeze %dma_wait3A_1133 : memref<2x1x8x128xf32, #tpu.memory_space<hbm>> -> memref<2x8x128xf32, #tpu.memory_space<hbm>>
    %dma_wait3A_1135 = arith.constant 0 : i32
    %dma_wait3A_1136 = arith.constant 0 : i32
    %dma_wait3A_1137 = arith.constant 0 : i32
    %dma_wait3A_1138 = tpu.memref_slice %arg10[%dma_wait3A_1135, %dma_wait3A_1136, %dma_wait3A_1118, %dma_wait3A_1137] : memref<2x8x8x128xf32, #tpu.memory_space<vmem>> -> memref<2x8x1x128xf32, #tpu.memory_space<vmem>>
    %dma_wait3A_1139 = tpu.memref_squeeze %dma_wait3A_1138 : memref<2x8x1x128xf32, #tpu.memory_space<vmem>> -> memref<2x8x128xf32, #tpu.memory_space<vmem>>
    tpu.wait_dma2 semaphore(%arg14 : memref<!tpu.dma_semaphore, #tpu.memory_space<semaphore_mem>>) src(%dma_wait3A_1139 : memref<2x8x128xf32, #tpu.memory_space<vmem>>) dst(%dma_wait3A_1134 : memref<2x8x128xf32, #tpu.memory_space<hbm>>)
    %dma_wait3A_1140 = arith.constant 6 : i32
    %dma_wait3A_1141 = arith.constant 6 : i32
    %dma_wait3A_1142 = arith.constant 0 : i32
    %dma_wait3A_1143 = arith.constant 0 : i32
    %dma_wait3A_1144 = arith.constant 0 : i32
    %dma_wait3A_1145 = tpu.memref_slice %arg10[%dma_wait3A_1142, %dma_wait3A_1143, %dma_wait3A_1140, %dma_wait3A_1144] : memref<2x8x8x128xf32, #tpu.memory_space<vmem>> -> memref<2x8x1x128xf32, #tpu.memory_space<vmem>>
    %dma_wait3A_1146 = tpu.memref_squeeze %dma_wait3A_1145 : memref<2x8x1x128xf32, #tpu.memory_space<vmem>> -> memref<2x8x128xf32, #tpu.memory_space<vmem>>
    %dma_wait3A_1147 = arith.constant 0 : i32
    %dma_wait3A_1148 = arith.constant 0 : i32
    %dma_wait3A_1149 = arith.constant 0 : i32
    %dma_wait3A_1150 = tpu.memref_slice %arg5[%dma_wait3A_1147, %dma_wait3A_1141, %dma_wait3A_1148, %dma_wait3A_1149] : memref<2048x8x8x128xf32, #tpu.memory_space<hbm>> -> memref<2x1x8x128xf32, #tpu.memory_space<hbm>>
    %dma_wait3A_1151 = tpu.memref_squeeze %dma_wait3A_1150 : memref<2x1x8x128xf32, #tpu.memory_space<hbm>> -> memref<2x8x128xf32, #tpu.memory_space<hbm>>
    %dma_wait3A_1152 = arith.constant 0 : i32
    %dma_wait3A_1153 = arith.constant 0 : i32
    %dma_wait3A_1154 = arith.constant 0 : i32
    %dma_wait3A_1155 = tpu.memref_slice %arg5[%dma_wait3A_1152, %dma_wait3A_1141, %dma_wait3A_1153, %dma_wait3A_1154] : memref<2048x8x8x128xf32, #tpu.memory_space<hbm>> -> memref<2x1x8x128xf32, #tpu.memory_space<hbm>>
    %dma_wait3A_1156 = tpu.memref_squeeze %dma_wait3A_1155 : memref<2x1x8x128xf32, #tpu.memory_space<hbm>> -> memref<2x8x128xf32, #tpu.memory_space<hbm>>
    %dma_wait3A_1157 = arith.constant 0 : i32
    %dma_wait3A_1158 = arith.constant 0 : i32
    %dma_wait3A_1159 = arith.constant 0 : i32
    %dma_wait3A_1160 = tpu.memref_slice %arg10[%dma_wait3A_1157, %dma_wait3A_1158, %dma_wait3A_1140, %dma_wait3A_1159] : memref<2x8x8x128xf32, #tpu.memory_space<vmem>> -> memref<2x8x1x128xf32, #tpu.memory_space<vmem>>
    %dma_wait3A_1161 = tpu.memref_squeeze %dma_wait3A_1160 : memref<2x8x1x128xf32, #tpu.memory_space<vmem>> -> memref<2x8x128xf32, #tpu.memory_space<vmem>>
    tpu.wait_dma2 semaphore(%arg14 : memref<!tpu.dma_semaphore, #tpu.memory_space<semaphore_mem>>) src(%dma_wait3A_1161 : memref<2x8x128xf32, #tpu.memory_space<vmem>>) dst(%dma_wait3A_1156 : memref<2x8x128xf32, #tpu.memory_space<hbm>>)
    %dma_wait3A_1162 = arith.constant 7 : i32
    %dma_wait3A_1163 = arith.constant 7 : i32
    %dma_wait3A_1164 = arith.constant 0 : i32
    %dma_wait3A_1165 = arith.constant 0 : i32
    %dma_wait3A_1166 = arith.constant 0 : i32
    %dma_wait3A_1167 = tpu.memref_slice %arg10[%dma_wait3A_1164, %dma_wait3A_1165, %dma_wait3A_1162, %dma_wait3A_1166] : memref<2x8x8x128xf32, #tpu.memory_space<vmem>> -> memref<2x8x1x128xf32, #tpu.memory_space<vmem>>
    %dma_wait3A_1168 = tpu.memref_squeeze %dma_wait3A_1167 : memref<2x8x1x128xf32, #tpu.memory_space<vmem>> -> memref<2x8x128xf32, #tpu.memory_space<vmem>>
    %dma_wait3A_1169 = arith.constant 0 : i32
    %dma_wait3A_1170 = arith.constant 0 : i32
    %dma_wait3A_1171 = arith.constant 0 : i32
    %dma_wait3A_1172 = tpu.memref_slice %arg5[%dma_wait3A_1169, %dma_wait3A_1163, %dma_wait3A_1170, %dma_wait3A_1171] : memref<2048x8x8x128xf32, #tpu.memory_space<hbm>> -> memref<2x1x8x128xf32, #tpu.memory_space<hbm>>
    %dma_wait3A_1173 = tpu.memref_squeeze %dma_wait3A_1172 : memref<2x1x8x128xf32, #tpu.memory_space<hbm>> -> memref<2x8x128xf32, #tpu.memory_space<hbm>>
    %dma_wait3A_1174 = arith.constant 0 : i32
    %dma_wait3A_1175 = arith.constant 0 : i32
    %dma_wait3A_1176 = arith.constant 0 : i32
    %dma_wait3A_1177 = tpu.memref_slice %arg5[%dma_wait3A_1174, %dma_wait3A_1163, %dma_wait3A_1175, %dma_wait3A_1176] : memref<2048x8x8x128xf32, #tpu.memory_space<hbm>> -> memref<2x1x8x128xf32, #tpu.memory_space<hbm>>
    %dma_wait3A_1178 = tpu.memref_squeeze %dma_wait3A_1177 : memref<2x1x8x128xf32, #tpu.memory_space<hbm>> -> memref<2x8x128xf32, #tpu.memory_space<hbm>>
    %dma_wait3A_1179 = arith.constant 0 : i32
    %dma_wait3A_1180 = arith.constant 0 : i32
    %dma_wait3A_1181 = arith.constant 0 : i32
    %dma_wait3A_1182 = tpu.memref_slice %arg10[%dma_wait3A_1179, %dma_wait3A_1180, %dma_wait3A_1162, %dma_wait3A_1181] : memref<2x8x8x128xf32, #tpu.memory_space<vmem>> -> memref<2x8x1x128xf32, #tpu.memory_space<vmem>>
    %dma_wait3A_1183 = tpu.memref_squeeze %dma_wait3A_1182 : memref<2x8x1x128xf32, #tpu.memory_space<vmem>> -> memref<2x8x128xf32, #tpu.memory_space<vmem>>
    tpu.wait_dma2 semaphore(%arg14 : memref<!tpu.dma_semaphore, #tpu.memory_space<semaphore_mem>>) src(%dma_wait3A_1183 : memref<2x8x128xf32, #tpu.memory_space<vmem>>) dst(%dma_wait3A_1178 : memref<2x8x128xf32, #tpu.memory_space<hbm>>)
    return
  }
}

</mosaic_0001>

<sc_bundles>
// kernel: kernel.3.cloned.1.call-start
scs
__scs_entry_jumppad:
0x0: {  	(pc) =	sbr.rel $0x88, $3  }
0x1: {  	(tag) =	ssettag $0x0;
	lr =	simm.s32 $0x1  }
0x2: {  	[smem:$0x3F9E] =	sst lr;
	_ =	strace $0xD0000000  }
0x3: {  	_ = 	snop  }
0x4: {  	_ = 	snop  }
0x5: {  	_ = 	snop  }
0x6: {  	_ = 	snop  }
0x7: {  	_ = 	snop  }
__scs_overlays_trampoline_lowered:
0x8: {  	[smem:$0x3FAD] =	sst s0  }
0x9: {  	[smem:$0x3FAE] =	sst s1  }
0xa: {  	[smem:$0x3FAF] =	sst s2  }
0xb: {  	[smem:$0x3FB0] =	sst s3  }
0xc: {  	[smem:$0x3FB1] =	sst s4  }
0xd: {  	[smem:$0x3FB2] =	sst s5  }
0xe: {  	[smem:$0x3FB3] =	sst s6  }
0xf: {  	[smem:$0x3FB4] =	sst s7  }
0x10: {  	[smem:$0x3FB5] =	sst s8  }
0x11: {  	[smem:$0x3FB6] =	sst s9;
	s0 =	simm.s32 @!p0 $0x0  }
0x12: {  	s1 =	sld [smem:$0x3F9C];
	s0 =	simm.s32 @p0 $0x1  }
0x13: {  	[smem:$0x3FB7] =	sst s0;
	s0 =	simm.s32 @!p1 $0x0  }
0x14: {  	s2 =	sld [smem:$0x3F9B];
	s0 =	simm.s32 @p1 $0x1  }
0x15: {  	[smem:$0x3FB8] =	sst s0;
	s0 =	simm.s32 @!p2 $0x0  }
0x16: {  	s3 =	sld [smem:$0x3FDB];
	s0 =	simm.s32 @p2 $0x1  }
0x17: {  	s4 =	simm.s32 $0x1BF5;
	[smem:$0x3FBA] =	sst s0  }
0x18: {  	s0 =	sld [smem:$0x3F9D];
	_ =	swait.ge [sflag:s4], $0x0  }
0x19: {  	s7 =	sld [smem:$0x3F9E]  }
0x1a: {  	s8 =	sadd.s32 $0xFFFFE003, lr  }
0x1b: {  	s9 =	sadd.s32 $0xFFFFFEF7, lr;
	s5 =	simm.s32 $0xFFFFFFFF;
	p2 =	slt.u32 s8, $0xFFFFF086  }
0x1c: {  	p1 =	slt.u32 s9, $0xF7A;
	s5 =	simm.s32 @!p2 $0x0  }
0x1d: {  	s5 =	simm.s32 @p1 $0x1;
	p0 =	seq.s32 s7, s2  }
0x1e: {  	s7 =	smul.u32 @!p0 $0xF7A, s2;
	p2 =	seq.s32 @!p0 s5, $0x0  }
0x1f: {  	s9 =	smul.u32 $0xF7A, s1;
	s8 =	simm.s32 @!p0 $0x1BF5;
	p2 =	por !p2, p0  }
0x20: {  	[sflag:s8] =	ssyncset.s32 @!p0 $0xFFFFF086;
	s6 =	sadd.s32 @!p0 s3, s7;
	s7 =	simm.s32 @!p0 $0x108  }
0x21: {  	s3 =	sadd.s32 s3, s9;
	s6 =	sadd.s32 @!p0 $0x88, s6;
	s7 =	simm.s32 @p2 $0x1082  }
0x22: {  	[simem:s7], [sflag:s8] =	dma.local @!p0 [hbm:s6], $0xF7A  }
0x23: {  	s9 =	sor.u32 $0xD0000000, s2;
	s6 =	simm.s32 $0x108;
	_ =	swait.ge @!p0 [sflag:s8], $0x0  }
0x24: {  	s3 =	sadd.s32 $0x88, s3;
	s6 =	simm.s32 @!p1 $0x1082;
	[sflag:s4] =	ssyncset.s32 $0xFFFFF086  }
0x25: {  	[simem:s6], [sflag:s4] =	dma.local [hbm:s3], $0xF7A  }
0x26: {  	[smem:$0x3F9E] =	sst s1;
	(tag) =	ssettag s2;
	_ =	strace s9  }
0x27: {  	s1 =	sld [smem:$0x3FAE]  }
0x28: {  	s2 =	sld [smem:$0x3FAF]  }
0x29: {  	s4 =	sld [smem:$0x3FB1]  }
0x2a: {  	p0 =	seq.s32 s5, $0x0;
	s5 =	sld [smem:$0x3FB2]  }
0x2b: {  	s6 =	sld [smem:$0x3FB3]  }
0x2c: {  	s7 =	sld [smem:$0x3FB4]  }
0x2d: {  	s3 =	simm.s32 $0x108;
	s8 =	sld [smem:$0x3FB5]  }
0x2e: {  	s3 =	simm.s32 @!p0 $0x1082;
	s9 =	sld [smem:$0x3FB6]  }
0x2f: {  	lr =	sadd.s32 s0, s3;
	s0 =	sld [smem:$0x3FAD]  }
0x30: {  	s3 =	sld [smem:$0x3FB0]  }
0x31: {  	[smem:$0x3FB9] =	sst s10  }
0x32: {  	s10 =	sld [smem:$0x3FB7];
	_ =	sdelay $0x3  }
0x33: {  	p0 =	seq.s32 s10, $0x1;
	s10 =	sld [smem:$0x3FB9];
	_ =	sdelay $0x3  }
0x34: {  	[smem:$0x3FB9] =	sst s10  }
0x35: {  	s10 =	sld [smem:$0x3FB8];
	_ =	sdelay $0x3  }
0x36: {  	p1 =	seq.s32 s10, $0x1;
	s10 =	sld [smem:$0x3FB9];
	_ =	sdelay $0x3  }
0x37: {  	[smem:$0x3FB9] =	sst s10  }
0x38: {  	s10 =	sld [smem:$0x3FBA]  }
0x39: {  	_ = 	snop;
	(pc) =	sbr.ind lr, $3  }
0x3a: {  	_ = 	snop  }
0x3b: {  	_ = 	snop  }
0x3c: {  	p2 =	seq.s32 s10, $0x1;
	s10 =	sld [smem:$0x3FB9]  }
0x3d: {  	_ =	shalt  }
0x3e: {  	_ =	shalt  }
0x3f: {  	_ =	shalt  }
0x40: {  	_ =	shalt  }
0x41: {  	_ =	shalt  }
0x42: {  	_ =	shalt  }
0x43: {  	_ =	shalt  }
0x44: {  	_ =	shalt  }
0x45: {  	_ =	shalt  }
0x46: {  	_ =	shalt  }
0x47: {  	_ =	shalt  }
0x48: {  	_ =	shalt  }
0x49: {  	_ =	shalt  }
0x4a: {  	_ =	shalt  }
0x4b: {  	_ =	shalt  }
0x4c: {  	_ =	shalt  }
0x4d: {  	_ =	shalt  }
0x4e: {  	_ =	shalt  }
0x4f: {  	_ =	shalt  }
0x50: {  	_ =	shalt  }
0x51: {  	_ =	shalt  }
0x52: {  	_ =	shalt  }
0x53: {  	_ =	shalt  }
0x54: {  	_ =	shalt  }
0x55: {  	_ =	shalt  }
0x56: {  	_ =	shalt  }
0x57: {  	_ =	shalt  }
0x58: {  	_ =	shalt  }
0x59: {  	_ =	shalt  }
0x5a: {  	_ =	shalt  }
0x5b: {  	_ =	shalt  }
0x5c: {  	_ =	shalt  }
0x5d: {  	_ =	shalt  }
0x5e: {  	_ =	shalt  }
0x5f: {  	_ =	shalt  }
0x60: {  	_ =	shalt  }
0x61: {  	_ =	shalt  }
0x62: {  	_ =	shalt  }
0x63: {  	_ =	shalt  }
0x64: {  	_ =	shalt  }
0x65: {  	_ =	shalt  }
0x66: {  	_ =	shalt  }
0x67: {  	_ =	shalt  }
0x68: {  	_ =	shalt  }
0x69: {  	_ =	shalt  }
0x6a: {  	_ =	shalt  }
0x6b: {  	_ =	shalt  }
0x6c: {  	_ =	shalt  }
0x6d: {  	_ =	shalt  }
0x6e: {  	_ =	shalt  }
0x6f: {  	_ =	shalt  }
0x70: {  	_ =	shalt  }
0x71: {  	_ =	shalt  }
0x72: {  	_ =	shalt  }
0x73: {  	_ =	shalt  }
0x74: {  	_ =	shalt  }
0x75: {  	_ =	shalt  }
0x76: {  	_ =	shalt  }
0x77: {  	_ =	shalt  }
0x78: {  	_ =	shalt  }
0x79: {  	_ =	shalt  }
0x7a: {  	_ =	shalt  }
0x7b: {  	_ =	shalt  }
0x7c: {  	_ =	shalt  }
0x7d: {  	_ =	shalt  }
0x7e: {  	_ =	shalt  }
0x7f: {  	_ =	shalt  }
0x80: {  	_ =	shalt  }
0x81: {  	_ =	shalt  }
0x82: {  	_ =	shalt  }
0x83: {  	_ =	shalt  }
0x84: {  	_ =	shalt  }
0x85: {  	_ =	shalt  }
0x86: {  	_ =	shalt  }
0x87: {  	_ =	shalt  }
.Lfunc_end0:
.L_simem_size_0:
called_computation_lowered:
.L_overlay_start_0:
0x88: {  	s2 =	sld [smem:$0x3FD9]  }
0x89: {  	s3 =	sld [smem:$0x3FFE];
	_ =	sdelay $0x1  }
0x8a: {  	s1 =	srdreg.scid  }
0x8b: {  	s0 =	sand.u32 $0x1, s1  }
0x8c: {  	s17 =	sshll.u32 s0, $0xA;
	s2 =	sadd.s32 s3, s2  }
0x8d: {  	s2 =	sadd.s32 s2, s17  }
0x8e: {  	[smem:$0x3FC5] =	sst s2  }
0x8f: {  	_ = 	snop  }
0x90: {  	s2 =	sld [smem:$0x3FC9]  }
0x91: {  	s18 =	sld [smem:$0x3FC8]  }
0x92: {  	s4 =	sld [smem:$0x3FD0];
	(tm) =	ssettm $0x1  }
0x93: {  	s5 =	sld [smem:$0x3FFB];
	_ =	sdelay $0x3  }
0x94: {  	_ =	strace s5  }
0x95: {  	s5 =	sld [smem:$0x3FFC];
	_ =	sdelay $0x3  }
0x96: {  	_ =	strace s5  }
0x97: {  	s5 =	sld [smem:$0x3FFD];
	_ =	sdelay $0x3  }
0x98: {  	_ =	strace s5  }
0x99: {  	_ =	strace $0x8FFFFFFF  }
0x9a: {  	s19 =	sld [smem:$0x3FDB];
	_ =	sdelay $0x1  }
0x9b: {  	s6 =	simm.s32 $_scs_section_size  }
0x9c: {  	s7 =	simm.s32 $_size__tile_overlayer_lowered;
	s8 =	simm.s32 $_tile_overlayer_lowered  }
0x9d: {  	s22 =	simm.s32 $0x1BFF;
	s21 =	sshll.u32 s8, $0x1;
	s5 =	sadd.s32 s6, s19  }
0x9e: {  	s9 =	simm.s32 $0x0;
	s20 =	sshll.u32 s7, $0x1;
	s7 =	sadd.s32 s21, s5  }
0x9f: {  	[timem:s9], [sflag:s22] =	dma.local [hbm:s7], s20  }
0xa0: {  	_ =	swait.ge [sflag:s22], s20  }
0xa1: {  	s6 =	ssub.s32 $0x0, s20;
	[sflag:s22] =	ssyncset.done $0x0  }
0xa2: {  	[sflag:s22] =	ssyncadd.s32 s6;
	_ =	sdelay $0x1  }
0xa3: {  	s23 =	simm.s32 $0x1B8B  }
0xa4: {  	_ =	swait.ge [sflag:s23], $0x1  }
0xa5: {  	[sflag:s23] =	ssyncset.done $0x0  }
0xa6: {  	s25 =	simm.s32 $0x1B8E;
	s24 =	sld [smem:$0x3FFE];
	[sflag:s23] =	ssyncadd.s32 $0xFFFFFFFF  }
0xa7: {  	s26 =	simm.s32 $execute0_lowered;
	[smem:$0x3FD2] =	sst s25  }
0xa8: {  	s7 =	sshll.u32 s26, $0x1;
	_ =	strace $0x80000046;
	[dreg:$0x1] =	wrdreg $0xFFFFFFFF  }
0xa9: {  	s28 =	simm.s32 $_size_execute0_lowered;
	s5 =	sadd.s32 s5, s7;
	[dreg:$0x0] =	wrdreg $0x0  }
0xaa: {  	s7 =	sshll.u32 s28, $0x1;
	[dreg:$0x2] =	wrdreg s5  }
0xab: {  	[dreg:$0x3] =	wrdreg s7  }
0xac: {  	[dreg:$0x4] =	wrdreg $0xC0  }
0xad: {  	_ =	task [dreg:s9], $0x5FFFF  }
0xae: {  	[dreg:$0x1] =	wrdreg $0xFFFFFFFF  }
0xaf: {  	[dreg:$0x0] =	wrdreg $0x60  }
0xb0: {  	[dreg:$0x2] =	wrdreg s2  }
0xb1: {  	[dreg:$0x3] =	wrdreg s18  }
0xb2: {  	[dreg:$0x4] =	wrdreg s24  }
0xb3: {  	[dreg:$0x5] =	wrdreg s4  }
0xb4: {  	[dreg:$0x6] =	wrdreg $0x0  }
0xb5: {  	[dreg:$0x7] =	wrdreg $0x9  }
0xb6: {  	_ =	task.clear_ibuf [dreg:s9], $0x8FFFF;
	_ =	strace $0x90000046  }
0xb7: {  	s29 =	simm.s32 $0x9;
	_ =	strace $0x80000048  }
0xb8: {  	_ =	swait.ge [sflag:s29], $0x1  }
0xb9: {  	[sflag:s29] =	ssyncadd.s32 $0xFFFFFFFF  }
0xba: {  	_ =	strace $0x90000048  }
0xbb: {  	_ =	sfence  }
0xbc: {  	s30 =	sld [smem:$0x0];
	_ =	sdelay $0x2  }
0xbd: {  	s31 =	sshll.u32 s1, $0xD;
	s1 =	sshrl.u32 s1, $0x2  }
0xbe: {  	s3 =	sand.u32 $0x4000, s31;
	s1 =	sadd.s32 s1, s30  }
0xbf: {  	s0 =	sor.u32 s3, s0;
	s1 =	sshll.u32 s1, $0x11  }
0xc0: {  	s0 =	sor.u32 s1, s0  }
0xc1: {  	s0 =	sadd.s32 $0x8F2B, s0  }
0xc2: {  	[sflag:s0] =	ssyncadd.remote.s32 $0x1  }
0xc3: {  	_ =	sfence.sel $0xFFFF  }
0xc4: {  	[dreg:$0x0] =	wrdreg $0xFFFFFFFF;
	(pc) =	sbr.abs _section_cstart, $3  }
0xc5: {  	[dreg:$0x1] =	wrdreg $0xFFFFFFFF  }
0xc6: {  	_ =	task.clear_ibuf [dreg:s9], $0x2FFFF;
	_ =	strace $0x9FFFFFFF  }
0xc7: {  	(tm) =	ssettm $0x7FFFFFFF  }
tec
execute0_lowered:
.L_overlay_start_1:
0x0: {  	(tag) =	ssettag $0x1  }
0x1: {  	s0 =	rddreg [dreg:$0x0]  }
0x2: {  	s2 =	rddreg [dreg:$0x1]  }
0x3: {  	s4 =	rddreg [dreg:$0x2]  }
0x4: {  	s5 =	rddreg [dreg:$0x3]  }
0x5: {  	s1 =	rddreg [dreg:$0x4];
	s3 =	srdreg.scid  }
0x6: {  	s12 =	stileid.u32;
	s13 =	simm.s32 $0x13E40;
	s15 =	simm.s32 $0x14240  }
0x7: {  	s14 =	simm.s32 $0x16640;
	s16 =	simm.s32 $0x16A40;
	s17 =	simm.s32 $0x16E40  }
0x8: {  	s18 =	simm.s32 $0x17240;
	s19 =	simm.s32 $0x17640;
	s20 =	simm.s32 $0x17A40  }
0x9: {  	s28 =	simm.s32 $0x179C0;
	s22 =	simm.s32 $0x17DC0;
	s29 =	simm.s32 $0x4  }
0xa: {  	s6 =	sand.u32 $0x1, s3;
	s3 =	simm.s32 $0x0;
	s8 =	sshll.u32 s12, $0xD  }
0xb: {  	s23 =	sshll.u32 s12, $0xA;
	s11 =	sshll.u32 s12, $0x10;
	s26 =	sshll.u32 s12, $0x11  }
0xc: {  	p0 =	seq.s32 s12, $0xF;
	s7 =	ssub.s32 $0x2, s6;
	[smem:$0x7FF] =	sst s3  }
0xd: {  	s8 =	sadd.s32 s8, s4;
	s10 =	sshll.u32 s6, $0x9;
	s4 =	sadd.s32 $0x1E400, s4  }
0xe: {  	s30 =	sshll.u32 s6, $0x10;
	s6 =	simm.s32 $0x14E40;
	s9 =	sshrl.u32 s7, $0x1  }
0xf: {  	_ =	strace $0x80000047;
	s8 =	sadd.s32 $0x400, s8;
	[dreg:$0x7] =	wrdreg s4  }
0x10: {  	s4 =	simm.s32 $0x14640;
	s7 =	ssub.s32 s7, s9;
	s9 =	sor.u32 s10, s23  }
0x11: {  	s10 =	sadd.s32 s11, s1;
	[dreg:$0x6] =	wrdreg s8;
	s8 =	sadd.s32 $0xF0000, s1  }
0x12: {  	s11 =	simm.s32 $0x15E40;
	s24 =	sshrl.u32 s9, $0x3;
	s31 =	smax.u32 s7, $0x1  }
0x13: {  	s23 =	simm.s32 $0x175C0;
	s0 =	sadd.s32 s0, s24;
	[dreg:$0xa] =	wrdreg s31  }
0x14: {  	s7 =	simm.s32 $0x15240;
	s25 =	sadd.s32 s2, s24;
	[dreg:$0x8] =	wrdreg s0  }
0x15: {  	s2 =	sshrl.u32 @p0 s8, $0x3;
	s8 =	simm.s32 $0x15640;
	[dreg:$0x9] =	wrdreg s25  }
0x16: {  	s24 =	simm.s32 $0x0;
	s0 =	sadd.s32 s26, s5;
	[dreg:$0xb] =	wrdreg s2  }
0x17: {  	s2 =	simm.s32 $0x1;
	s9 =	sadd.s32 s30, s0;
	s0 =	sshll.u32 @!p0 s12, $0x6  }
0x18: {  	s5 =	simm.s32 $0x14A40;
	s26 =	simm.s32 $0x2;
	s0 =	sor.u32 @!p0 $0x1C05, s0  }
0x19: {  	s12 =	simm.s32 $0x16240;
	[dreg:$0xc] =	wrdreg s0;
	s0 =	sshrl.u32 @!p0 s10, $0x3  }
0x1a: {  	s10 =	simm.s32 $0x15A40;
	[dreg:$0xd] =	wrdreg s0;
	s0 =	simm.s32 $0x171C0  }
.LBB2_1:
0x1b: {  	[dreg:$0xe] =	wrdreg s24  }
0x1c: {  	s24 =	rddreg [dreg:$0x7]  }
0x1d: {  	s21 =	simm.s32 @p0 $0x1FC5;
	s25 =	rddreg [dreg:$0xb]  }
0x1e: {  	[spmem:s25], [sflag:s21] =	dma.local @p0 [hbm:s24], $0x1480  }
0x1f: {  	s21 =	rddreg [dreg:$0x6]  }
0x20: {  	s24 =	rddreg [dreg:$0xc]  }
0x21: {  	s25 =	rddreg [dreg:$0xd]  }
0x22: {  	[spmem:s25], [sflag:s24] =	dma.local @!p0 [hbm:s21], $0x2000  }
0x23: {  	s31 =	simm.s32 $0xFC40;
	s24 =	simm.s32 $0x6;
	s21 =	rddreg [dreg:$0x8]  }
0x24: {  	[tilespmem:s31], [sflag:$0x6] =	stream.linear.gather [hbm4b:s21+s3], $0x200, $0x38;
	[tilespmem:$0x17E40] =	vst v63  }
0x25: {  	_ =	swait.ge [sflag:s24], $0x200  }
0x26: {  	[sflag:s24] =	ssyncset.done $0x0  }
0x27: {  	s31 =	simm.s32 $0xFA40;
	s25 =	rddreg [dreg:$0x9];
	[sflag:s24] =	ssyncadd.s32 $0xFFFFFE00  }
0x28: {  	[tilespmem:s31], [sflag:$0x6] =	stream.linear.gather [hbm4b:s25+s3], $0x200, $0x38;
	[tilespmem:$0x17E40] =	vst v63  }
0x29: {  	_ =	swait.ge [sflag:s24], $0x200  }
0x2a: {  	[sflag:s24] =	ssyncset.done $0x0  }
0x2b: {  	[sflag:s24] =	ssyncadd.s32 $0xFFFFFE00  }
0x2c: {  	v0 =	vld [tilespmem:$0xFA40]  }
0x2d: {  	v1 =	vld [tilespmem:$0xFC40]  }
0x2e: {  	v2 =	vld [tilespmem:$0xFA50]  }
0x2f: {  	v3 =	vld [tilespmem:$0xFC50]  }
0x30: {  	v4 =	vld [tilespmem:$0xFA60]  }
0x31: {  	v5 =	vld [tilespmem:$0xFC60]  }
0x32: {  	v6 =	vld [tilespmem:$0xFA70]  }
0x33: {  	v7 =	vld [tilespmem:$0xFC70]  }
0x34: {  	v8 =	vld [tilespmem:$0xFA80]  }
0x35: {  	v9 =	vld [tilespmem:$0xFC80]  }
0x36: {  	v10 =	vld [tilespmem:$0xFA90]  }
0x37: {  	v11 =	vld [tilespmem:$0xFC90]  }
0x38: {  	v12 =	vld [tilespmem:$0xFAA0]  }
0x39: {  	v13 =	vld [tilespmem:$0xFCA0]  }
0x3a: {  	v14 =	vld [tilespmem:$0xFAB0]  }
0x3b: {  	v15 =	vld [tilespmem:$0xFCB0]  }
0x3c: {  	v16 =	vld [tilespmem:$0xFAC0]  }
0x3d: {  	v17 =	vld [tilespmem:$0xFCC0]  }
0x3e: {  	v18 =	vld [tilespmem:$0xFAD0]  }
0x3f: {  	v19 =	vld [tilespmem:$0xFCD0]  }
0x40: {  	v20 =	vld [tilespmem:$0xFAE0]  }
0x41: {  	v21 =	vld [tilespmem:$0xFCE0]  }
0x42: {  	v22 =	vld [tilespmem:$0xFAF0]  }
0x43: {  	v23 =	vld [tilespmem:$0xFCF0]  }
0x44: {  	v24 =	vld [tilespmem:$0xFB00]  }
0x45: {  	v25 =	vld [tilespmem:$0xFD00]  }
0x46: {  	v26 =	vld [tilespmem:$0xFB10]  }
0x47: {  	v27 =	vld [tilespmem:$0xFD10]  }
0x48: {  	v28 =	vld [tilespmem:$0xFB20]  }
0x49: {  	v29 =	vld [tilespmem:$0xFD20]  }
0x4a: {  	v30 =	vld [tilespmem:$0xFB30]  }
0x4b: {  	v31 =	vld [tilespmem:$0xFD30]  }
0x4c: {  	v32 =	vld [tilespmem:$0xFB40]  }
0x4d: {  	v33 =	vld [tilespmem:$0xFD40]  }
0x4e: {  	v34 =	vld [tilespmem:$0xFB50]  }
0x4f: {  	v35 =	vld [tilespmem:$0xFD50]  }
0x50: {  	v44 =	vld [tilespmem:$0xFB60];
	vm0 =	veq.s32 v0, $0x1  }
0x51: {  	v45 =	vld [tilespmem:$0xFD60];
	vm9 =	veq.s32 v2, $0x1;
	v1 =	vsel vm0, $0x3E8, v1  }
0x52: {  	v47 =	vld [tilespmem:$0xFB70];
	vm10 =	veq.s32 v4, $0x1;
	v46 =	vsel vm9, $0x3E8, v3;
	[tilespmem:$0xFC40] =	vst v1  }
0x53: {  	v49 =	vld [tilespmem:$0xFD70];
	vm11 =	veq.s32 v6, $0x1;
	v48 =	vsel vm10, $0x3E8, v5;
	[tilespmem:$0xFC50] =	vst v46  }
0x54: {  	v51 =	vld [tilespmem:$0xFB80];
	vm12 =	veq.s32 v8, $0x1;
	v50 =	vsel vm11, $0x3E8, v7;
	[tilespmem:$0xFC60] =	vst v48  }
0x55: {  	v53 =	vld [tilespmem:$0xFD80];
	vm13 =	veq.s32 v10, $0x1;
	v52 =	vsel vm12, $0x3E8, v9;
	[tilespmem:$0xFC70] =	vst v50  }
0x56: {  	v55 =	vld [tilespmem:$0xFB90];
	vm14 =	veq.s32 v12, $0x1;
	v54 =	vsel vm13, $0x3E8, v11;
	[tilespmem:$0xFC80] =	vst v52  }
0x57: {  	v57 =	vld [tilespmem:$0xFD90];
	vm15 =	veq.s32 v14, $0x1;
	v56 =	vsel vm14, $0x3E8, v13;
	[tilespmem:$0xFC90] =	vst v54  }
0x58: {  	v59 =	vld [tilespmem:$0xFBA0];
	vm4 =	veq.s32 v16, $0x1;
	v58 =	vsel vm15, $0x3E8, v15;
	[tilespmem:$0xFCA0] =	vst v56  }
0x59: {  	v61 =	vld [tilespmem:$0xFDA0];
	vm5 =	veq.s32 v18, $0x1;
	v60 =	vsel vm4, $0x3E8, v17;
	[tilespmem:$0xFCB0] =	vst v58  }
0x5a: {  	v63 =	vld [tilespmem:$0xFBB0];
	vm6 =	veq.s32 v20, $0x1;
	v62 =	vsel vm5, $0x3E8, v19;
	[tilespmem:$0xFCC0] =	vst v60  }
0x5b: {  	v36 =	vld [tilespmem:$0xFBE0];
	vm7 =	veq.s32 v22, $0x1;
	v21 =	vsel vm6, $0x3E8, v21;
	[tilespmem:$0xFCD0] =	vst v62  }
0x5c: {  	v38 =	vld [tilespmem:$0xFDE0];
	vm8 =	veq.s32 v24, $0x1;
	v23 =	vsel vm7, $0x3E8, v23;
	[tilespmem:$0xFCE0] =	vst v21  }
0x5d: {  	v40 =	vld [tilespmem:$0xFBF0];
	v25 =	vsel vm8, $0x3E8, v25;
	vm9 =	veq.s32 v26, $0x1;
	[tilespmem:$0xFCF0] =	vst v23  }
0x5e: {  	v42 =	vld [tilespmem:$0xFDF0];
	vm10 =	veq.s32 v28, $0x1;
	[tilespmem:$0xFD00] =	vst v25;
	v27 =	vsel vm9, $0x3E8, v27  }
0x5f: {  	v22 =	vld [tilespmem:$0xFDB0];
	vm11 =	veq.s32 v30, $0x1;
	v29 =	vsel vm10, $0x3E8, v29;
	[tilespmem:$0xFD10] =	vst v27  }
0x60: {  	v24 =	vld [tilespmem:$0xFBC0];
	vm12 =	veq.s32 v32, $0x1;
	v31 =	vsel vm11, $0x3E8, v31;
	[tilespmem:$0xFD20] =	vst v29  }
0x61: {  	v26 =	vld [tilespmem:$0xFDC0];
	vm13 =	veq.s32 v34, $0x1;
	v37 =	vsel vm12, $0x3E8, v33;
	[tilespmem:$0xFD30] =	vst v31  }
0x62: {  	v28 =	vld [tilespmem:$0xFBD0];
	vm14 =	veq.s32 v44, $0x1;
	v39 =	vsel vm13, $0x3E8, v35;
	[tilespmem:$0xFD40] =	vst v37  }
0x63: {  	v30 =	vld [tilespmem:$0xFDD0];
	vm15 =	veq.s32 v47, $0x1;
	v41 =	vsel vm14, $0x3E8, v45;
	[tilespmem:$0xFD50] =	vst v39  }
0x64: {  	vm4 =	veq.s32 v51, $0x1;
	v44 =	vld [tilespmem:$0xFC00];
	v43 =	vsel vm15, $0x3E8, v49;
	[tilespmem:$0xFD60] =	vst v41  }
0x65: {  	vm5 =	veq.s32 v55, $0x1;
	v45 =	vsel vm4, $0x3E8, v53;
	v46 =	vld [tilespmem:$0xFE00];
	[tilespmem:$0xFD70] =	vst v43  }
0x66: {  	vm6 =	veq.s32 v59, $0x1;
	v47 =	vsel vm5, $0x3E8, v57;
	v48 =	vld [tilespmem:$0xFC10];
	[tilespmem:$0xFD80] =	vst v45  }
0x67: {  	v49 =	vsel vm6, $0x3E8, v61;
	v50 =	vld [tilespmem:$0xFE10];
	vm10 =	veq.s32 v36, $0x1;
	[tilespmem:$0xFD90] =	vst v47  }
0x68: {  	v52 =	vld [tilespmem:$0xFC20];
	vm11 =	veq.s32 v40, $0x1;
	[tilespmem:$0xFDA0] =	vst v49;
	v57 =	vsel vm10, $0x3E8, v38  }
0x69: {  	vm7 =	veq.s32 v63, $0x1;
	v54 =	vld [tilespmem:$0xFE20];
	v59 =	vsel vm11, $0x3E8, v42;
	[tilespmem:$0xFDE0] =	vst v57  }
0x6a: {  	v56 =	vld [tilespmem:$0xFC30];
	[tilespmem:$0xFDF0] =	vst v59;
	v51 =	vsel vm7, $0x3E8, v22;
	vm8 =	veq.s32 v24, $0x1  }
0x6b: {  	v58 =	vld [tilespmem:$0xFE30];
	[tilespmem:$0xFDB0] =	vst v51;
	v53 =	vsel vm8, $0x3E8, v26;
	vm9 =	veq.s32 v28, $0x1  }
0x6c: {  	vm12 =	veq.s32 v44, $0x1;
	[tilespmem:$0xFDC0] =	vst v53;
	v55 =	vsel vm9, $0x3E8, v30  }
0x6d: {  	v60 =	vsel vm12, $0x3E8, v46;
	vm13 =	veq.s32 v48, $0x1;
	[tilespmem:$0xFDD0] =	vst v55  }
0x6e: {  	vm14 =	veq.s32 v52, $0x1;
	[tilespmem:$0xFE00] =	vst v60;
	v61 =	vsel vm13, $0x3E8, v50  }
0x6f: {  	vm15 =	veq.s32 v56, $0x1;
	v62 =	vsel vm14, $0x3E8, v54;
	[tilespmem:$0xFE10] =	vst v61  }
0x70: {  	v0 =	vsel vm15, $0x3E8, v58;
	[tilespmem:$0xFE20] =	vst v62  }
0x71: {  	s21 =	simm.s32 @p0 $0x5;
	[tilespmem:$0xFE30] =	vst v0  }
0x72: {  	_ =	swait.ge @p0 [sflag:s21], $0x1480  }
0x73: {  	[sflag:s21] =	ssyncset.done @p0 $0x0  }
0x74: {  	[sflag:s21] =	ssyncadd.s32 @p0 $0xFFFFEB80;
	s21 =	simm.s32 @!p0 $0x5  }
0x75: {  	_ =	swait.ge @!p0 [sflag:s21], $0x2000  }
0x76: {  	[sflag:s21] =	ssyncset.done @!p0 $0x0  }
0x77: {  	[sflag:s21] =	ssyncadd.s32 @!p0 $0xFFFFE000  }
0x78: {  	[bflag:$0x0] =	sbarrier.arrive $0xFFFF  }
0x79: {  	v63 =	vld [tilespmem:$0xFC40];
	_ =	sdelay $0x4  }
0x7a: {  	v0 =	vshll.u32 v63, $0xC  }
0x7b: {  	v0 =	vshra.s32 v0, $0x2  }
0x7c: {  	v0 =	vadd.s32 s1, v0  }
0x7d: {  	(v2sf) =	vpush v0, $0x0;
	_ =	sdelay $0x1  }
0x7e: {  	(v2sf) =	vpush v0, $0x1;
	_ =	sdelay $0x1  }
0x7f: {  	(v2sf) =	vpush v0, $0x2;
	_ =	sdelay $0x1  }
0x80: {  	(v2sf) =	vpush v0, $0x3;
	_ =	sdelay $0x1  }
0x81: {  	(v2sf) =	vpush v0, $0x4;
	_ =	sdelay $0x1  }
0x82: {  	(v2sf) =	vpush v0, $0x5;
	_ =	sdelay $0x1  }
0x83: {  	(v2sf) =	vpush v0, $0x6;
	_ =	sdelay $0x1  }
0x84: {  	(v2sf) =	vpush v0, $0x7  }
0x85: {  	s31 =	simm.s32 $0xFE40;
	s25 =	spop (v2sf)  }
0x86: {  	(v2sf) =	vpush v0, $0x8;
	[tilespmem:s31], [sflag:$0x1] =	stream.linear.gather [spmem:s25], $0x400, $0x38;
	[tilespmem:$0x17E40] =	vst v63  }
0x87: {  	s25 =	spop (v2sf);
	s31 =	simm.s32 $0x10240  }
0x88: {  	(v2sf) =	vpush v0, $0x9;
	[tilespmem:s31], [sflag:$0x1] =	stream.linear.gather [spmem:s25], $0x400, $0x38;
	[tilespmem:$0x17E40] =	vst v63  }
0x89: {  	s25 =	spop (v2sf);
	s31 =	simm.s32 $0x10640  }
0x8a: {  	(v2sf) =	vpush v0, $0xA;
	[tilespmem:s31], [sflag:$0x1] =	stream.linear.gather [spmem:s25], $0x400, $0x38;
	[tilespmem:$0x17E40] =	vst v63  }
0x8b: {  	s25 =	spop (v2sf);
	s31 =	simm.s32 $0x10A40  }
0x8c: {  	(v2sf) =	vpush v0, $0xB;
	[tilespmem:s31], [sflag:$0x1] =	stream.linear.gather [spmem:s25], $0x400, $0x38;
	[tilespmem:$0x17E40] =	vst v63  }
0x8d: {  	s25 =	spop (v2sf);
	s31 =	simm.s32 $0x10E40  }
0x8e: {  	(v2sf) =	vpush v0, $0xC;
	[tilespmem:s31], [sflag:$0x1] =	stream.linear.gather [spmem:s25], $0x400, $0x38;
	[tilespmem:$0x17E40] =	vst v63  }
0x8f: {  	s25 =	spop (v2sf);
	s31 =	simm.s32 $0x11240  }
0x90: {  	(v2sf) =	vpush v0, $0xD;
	[tilespmem:s31], [sflag:$0x1] =	stream.linear.gather [spmem:s25], $0x400, $0x38;
	[tilespmem:$0x17E40] =	vst v63  }
0x91: {  	s25 =	spop (v2sf);
	s31 =	simm.s32 $0x11640  }
0x92: {  	(v2sf) =	vpush v0, $0xE;
	[tilespmem:s31], [sflag:$0x1] =	stream.linear.gather [spmem:s25], $0x400, $0x38;
	[tilespmem:$0x17E40] =	vst v63  }
0x93: {  	s25 =	spop (v2sf);
	s31 =	simm.s32 $0x11A40  }
0x94: {  	(v2sf) =	vpush v0, $0xF;
	[tilespmem:s31], [sflag:$0x1] =	stream.linear.gather [spmem:s25], $0x400, $0x38;
	[tilespmem:$0x17E40] =	vst v63  }
0x95: {  	s25 =	spop (v2sf);
	s31 =	simm.s32 $0x11E40  }
0x96: {  	[tilespmem:s31], [sflag:$0x1] =	stream.linear.gather [spmem:s25], $0x400, $0x38;
	[tilespmem:$0x17E40] =	vst v63  }
0x97: {  	s25 =	spop (v2sf);
	s31 =	simm.s32 $0x12240  }
0x98: {  	[tilespmem:s31], [sflag:$0x1] =	stream.linear.gather [spmem:s25], $0x400, $0x38;
	[tilespmem:$0x17E40] =	vst v63  }
0x99: {  	s25 =	spop (v2sf);
	s31 =	simm.s32 $0x12640  }
0x9a: {  	[tilespmem:s31], [sflag:$0x1] =	stream.linear.gather [spmem:s25], $0x400, $0x38;
	[tilespmem:$0x17E40] =	vst v63  }
0x9b: {  	s25 =	spop (v2sf);
	s31 =	simm.s32 $0x12A40  }
0x9c: {  	[tilespmem:s31], [sflag:$0x1] =	stream.linear.gather [spmem:s25], $0x400, $0x38;
	[tilespmem:$0x17E40] =	vst v63  }
0x9d: {  	s25 =	spop (v2sf);
	s31 =	simm.s32 $0x12E40  }
0x9e: {  	[tilespmem:s31], [sflag:$0x1] =	stream.linear.gather [spmem:s25], $0x400, $0x38;
	[tilespmem:$0x17E40] =	vst v63  }
0x9f: {  	s25 =	spop (v2sf);
	s31 =	simm.s32 $0x13240  }
0xa0: {  	[tilespmem:s31], [sflag:$0x1] =	stream.linear.gather [spmem:s25], $0x400, $0x38;
	[tilespmem:$0x17E40] =	vst v63  }
0xa1: {  	s30 =	simm.s32 $0x0;
	s25 =	spop (v2sf);
	s31 =	simm.s32 $0x13640  }
0xa2: {  	[tilespmem:s31], [sflag:$0x1] =	stream.linear.gather [spmem:s25], $0x400, $0x38;
	[tilespmem:$0x17E40] =	vst v63  }
0xa3: {  	s24 =	simm.s32 $0xFC60;
	s25 =	spop (v2sf);
	s31 =	simm.s32 $0x13A40  }
0xa4: {  	[tilespmem:s31], [sflag:$0x1] =	stream.linear.gather [spmem:s25], $0x400, $0x38;
	[tilespmem:$0x17E40] =	vst v63  }
.LBB2_2:
0xa5: {  	_ =	swait.ge [sflag:s2], $0x400  }
0xa6: {  	[sflag:s2] =	ssyncset.done $0x0  }
0xa7: {  	[sflag:s2] =	ssyncadd.s32 $0xFFFFFC00  }
0xa8: {  	_ =	swait.ge [sflag:s2], $0x400  }
0xa9: {  	[sflag:s2] =	ssyncset.done $0x0  }
0xaa: {  	[sflag:s2] =	ssyncadd.s32 $0xFFFFFC00  }
0xab: {  	_ =	swait.ge [sflag:s2], $0x400  }
0xac: {  	[sflag:s2] =	ssyncset.done $0x0  }
0xad: {  	[sflag:s2] =	ssyncadd.s32 $0xFFFFFC00  }
0xae: {  	_ =	swait.ge [sflag:s2], $0x400  }
0xaf: {  	[sflag:s2] =	ssyncset.done $0x0  }
0xb0: {  	[sflag:s2] =	ssyncadd.s32 $0xFFFFFC00  }
0xb1: {  	_ =	swait.ge [sflag:s2], $0x400  }
0xb2: {  	[sflag:s2] =	ssyncset.done $0x0  }
0xb3: {  	[sflag:s2] =	ssyncadd.s32 $0xFFFFFC00  }
0xb4: {  	_ =	swait.ge [sflag:s2], $0x400  }
0xb5: {  	[sflag:s2] =	ssyncset.done $0x0  }
0xb6: {  	[sflag:s2] =	ssyncadd.s32 $0xFFFFFC00  }
0xb7: {  	_ =	swait.ge [sflag:s2], $0x400  }
0xb8: {  	[sflag:s2] =	ssyncset.done $0x0  }
0xb9: {  	[sflag:s2] =	ssyncadd.s32 $0xFFFFFC00  }
0xba: {  	_ =	swait.ge [sflag:s2], $0x400  }
0xbb: {  	[sflag:s2] =	ssyncset.done $0x0  }
0xbc: {  	[sflag:s2] =	ssyncadd.s32 $0xFFFFFC00  }
0xbd: {  	_ =	swait.ge [sflag:s2], $0x400  }
0xbe: {  	[sflag:s2] =	ssyncset.done $0x0  }
0xbf: {  	[sflag:s2] =	ssyncadd.s32 $0xFFFFFC00  }
0xc0: {  	_ =	swait.ge [sflag:s2], $0x400  }
0xc1: {  	[sflag:s2] =	ssyncset.done $0x0  }
0xc2: {  	[sflag:s2] =	ssyncadd.s32 $0xFFFFFC00  }
0xc3: {  	_ =	swait.ge [sflag:s2], $0x400  }
0xc4: {  	[sflag:s2] =	ssyncset.done $0x0  }
0xc5: {  	[sflag:s2] =	ssyncadd.s32 $0xFFFFFC00  }
0xc6: {  	_ =	swait.ge [sflag:s2], $0x400  }
0xc7: {  	[sflag:s2] =	ssyncset.done $0x0  }
0xc8: {  	[sflag:s2] =	ssyncadd.s32 $0xFFFFFC00  }
0xc9: {  	_ =	swait.ge [sflag:s2], $0x400  }
0xca: {  	[sflag:s2] =	ssyncset.done $0x0  }
0xcb: {  	[sflag:s2] =	ssyncadd.s32 $0xFFFFFC00  }
0xcc: {  	_ =	swait.ge [sflag:s2], $0x400  }
0xcd: {  	[sflag:s2] =	ssyncset.done $0x0  }
0xce: {  	[sflag:s2] =	ssyncadd.s32 $0xFFFFFC00  }
0xcf: {  	_ =	swait.ge [sflag:s2], $0x400  }
0xd0: {  	[sflag:s2] =	ssyncset.done $0x0  }
0xd1: {  	[sflag:s2] =	ssyncadd.s32 $0xFFFFFC00  }
0xd2: {  	_ =	swait.ge [sflag:s2], $0x400  }
0xd3: {  	[sflag:s2] =	ssyncset.done $0x0  }
0xd4: {  	[sflag:s2] =	ssyncadd.s32 $0xFFFFFC00  }
0xd5: {  	v0 =	vld [tilespmem:s24+$0xFFFFFFF0];
	_ =	sdelay $0x4  }
0xd6: {  	v0 =	vshll.u32 v0, $0xC  }
0xd7: {  	v0 =	vshra.s32 v0, $0x2  }
0xd8: {  	v0 =	vadd.s32 s1, v0  }
0xd9: {  	(v2sf) =	vpush v0, $0x0;
	_ =	sdelay $0x1  }
0xda: {  	(v2sf) =	vpush v0, $0x1;
	_ =	sdelay $0x1  }
0xdb: {  	(v2sf) =	vpush v0, $0x2;
	_ =	sdelay $0x1  }
0xdc: {  	(v2sf) =	vpush v0, $0x3;
	_ =	sdelay $0x1  }
0xdd: {  	(v2sf) =	vpush v0, $0x4;
	_ =	sdelay $0x1  }
0xde: {  	(v2sf) =	vpush v0, $0x5;
	_ =	sdelay $0x1  }
0xdf: {  	(v2sf) =	vpush v0, $0x6;
	_ =	sdelay $0x1  }
0xe0: {  	(v2sf) =	vpush v0, $0x7  }
0xe1: {  	s21 =	spop (v2sf)  }
0xe2: {  	(v2sf) =	vpush v0, $0x8;
	[tilespmem:s13], [sflag:$0x2] =	stream.linear.gather [spmem:s21], $0x400, $0x38;
	[tilespmem:$0x17E40] =	vst v63  }
0xe3: {  	s25 =	spop (v2sf)  }
0xe4: {  	(v2sf) =	vpush v0, $0x9;
	[tilespmem:s15], [sflag:$0x2] =	stream.linear.gather [spmem:s25], $0x400, $0x38;
	[tilespmem:$0x17E40] =	vst v63  }
0xe5: {  	s31 =	spop (v2sf)  }
0xe6: {  	(v2sf) =	vpush v0, $0xA;
	[tilespmem:s4], [sflag:$0x2] =	stream.linear.gather [spmem:s31], $0x400, $0x38;
	[tilespmem:$0x17E40] =	vst v63  }
0xe7: {  	s25 =	spop (v2sf)  }
0xe8: {  	(v2sf) =	vpush v0, $0xB;
	[tilespmem:s5], [sflag:$0x2] =	stream.linear.gather [spmem:s25], $0x400, $0x38;
	[tilespmem:$0x17E40] =	vst v63  }
0xe9: {  	s31 =	spop (v2sf)  }
0xea: {  	(v2sf) =	vpush v0, $0xC;
	[tilespmem:s6], [sflag:$0x2] =	stream.linear.gather [spmem:s31], $0x400, $0x38;
	[tilespmem:$0x17E40] =	vst v63  }
0xeb: {  	s25 =	spop (v2sf)  }
0xec: {  	(v2sf) =	vpush v0, $0xD;
	[tilespmem:s7], [sflag:$0x2] =	stream.linear.gather [spmem:s25], $0x400, $0x38;
	[tilespmem:$0x17E40] =	vst v63  }
0xed: {  	s31 =	spop (v2sf)  }
0xee: {  	(v2sf) =	vpush v0, $0xE;
	[tilespmem:s8], [sflag:$0x2] =	stream.linear.gather [spmem:s31], $0x400, $0x38;
	[tilespmem:$0x17E40] =	vst v63  }
0xef: {  	s25 =	spop (v2sf)  }
0xf0: {  	(v2sf) =	vpush v0, $0xF;
	[tilespmem:s10], [sflag:$0x2] =	stream.linear.gather [spmem:s25], $0x400, $0x38;
	[tilespmem:$0x17E40] =	vst v63  }
0xf1: {  	s31 =	spop (v2sf)  }
0xf2: {  	[tilespmem:s11], [sflag:$0x2] =	stream.linear.gather [spmem:s31], $0x400, $0x38;
	[tilespmem:$0x17E40] =	vst v63  }
0xf3: {  	s25 =	spop (v2sf)  }
0xf4: {  	[tilespmem:s12], [sflag:$0x2] =	stream.linear.gather [spmem:s25], $0x400, $0x38;
	[tilespmem:$0x17E40] =	vst v63  }
0xf5: {  	s31 =	spop (v2sf)  }
0xf6: {  	[tilespmem:s14], [sflag:$0x2] =	stream.linear.gather [spmem:s31], $0x400, $0x38;
	[tilespmem:$0x17E40] =	vst v63  }
0xf7: {  	s25 =	spop (v2sf)  }
0xf8: {  	[tilespmem:s16], [sflag:$0x2] =	stream.linear.gather [spmem:s25], $0x400, $0x38;
	[tilespmem:$0x17E40] =	vst v63  }
0xf9: {  	s31 =	spop (v2sf)  }
0xfa: {  	[tilespmem:s17], [sflag:$0x2] =	stream.linear.gather [spmem:s31], $0x400, $0x38;
	[tilespmem:$0x17E40] =	vst v63  }
0xfb: {  	s25 =	spop (v2sf)  }
0xfc: {  	[tilespmem:s18], [sflag:$0x2] =	stream.linear.gather [spmem:s25], $0x400, $0x38;
	[tilespmem:$0x17E40] =	vst v63  }
0xfd: {  	p1 =	seq.s32 s30, $0x0;
	s31 =	spop (v2sf)  }
0xfe: {  	[tilespmem:s19], [sflag:$0x2] =	stream.linear.gather [spmem:s31], $0x400, $0x38;
	[tilespmem:$0x17E40] =	vst v63  }
0xff: {  	s21 =	simm.s32 @!p1 $0x3;
	s25 =	spop (v2sf)  }
0x100: {  	[tilespmem:s20], [sflag:$0x2] =	stream.linear.gather [spmem:s25], $0x400, $0x38;
	[tilespmem:$0x17E40] =	vst v63  }
0x101: {  	_ =	swait.ge @!p1 [sflag:s21], $0x800  }
0x102: {  	[sflag:s21] =	ssyncset.done @!p1 $0x0  }
0x103: {  	[sflag:s21] =	ssyncadd.s32 @!p1 $0xFFFFF800  }
0x104: {  	_ =	swait.ge @!p1 [sflag:s21], $0x800  }
0x105: {  	[sflag:s21] =	ssyncset.done @!p1 $0x0  }
0x106: {  	[sflag:s21] =	ssyncadd.s32 @!p1 $0xFFFFF800  }
0x107: {  	_ =	swait.ge @!p1 [sflag:s21], $0x800  }
0x108: {  	[sflag:s21] =	ssyncset.done @!p1 $0x0  }
0x109: {  	[sflag:s21] =	ssyncadd.s32 @!p1 $0xFFFFF800  }
0x10a: {  	_ =	swait.ge @!p1 [sflag:s21], $0x800  }
0x10b: {  	[sflag:s21] =	ssyncset.done @!p1 $0x0  }
0x10c: {  	[sflag:s21] =	ssyncadd.s32 @!p1 $0xFFFFF800  }
0x10d: {  	_ =	swait.ge @!p1 [sflag:s21], $0x800  }
0x10e: {  	[sflag:s21] =	ssyncset.done @!p1 $0x0  }
0x10f: {  	[sflag:s21] =	ssyncadd.s32 @!p1 $0xFFFFF800  }
0x110: {  	_ =	swait.ge @!p1 [sflag:s21], $0x800  }
0x111: {  	[sflag:s21] =	ssyncset.done @!p1 $0x0  }
0x112: {  	[sflag:s21] =	ssyncadd.s32 @!p1 $0xFFFFF800  }
0x113: {  	_ =	swait.ge @!p1 [sflag:s21], $0x800  }
0x114: {  	[sflag:s21] =	ssyncset.done @!p1 $0x0  }
0x115: {  	[sflag:s21] =	ssyncadd.s32 @!p1 $0xFFFFF800  }
0x116: {  	_ =	swait.ge @!p1 [sflag:s21], $0x800  }
0x117: {  	[sflag:s21] =	ssyncset.done @!p1 $0x0  }
0x118: {  	s25 =	simm.s32 $0xFE40;
	[sflag:s21] =	ssyncadd.s32 @!p1 $0xFFFFF800;
	s21 =	sadd.s32 s30, s9  }
0x119: {  	[hbm4b:s21+s3] =	stream.linear.scatter [tilespmem:s25], [sflag:$0x3], $0x80, $0x38;
	[tilespmem:$0x17E40] =	vst v63  }
0x11a: {  	s31 =	sadd.s32 $0x10, s21;
	s25 =	simm.s32 $0x10240  }
0x11b: {  	[hbm4b:s31+s3] =	stream.linear.scatter [tilespmem:s25], [sflag:$0x3], $0x80, $0x38;
	[tilespmem:$0x17E40] =	vst v63  }
0x11c: {  	s31 =	sadd.s32 $0x20, s21;
	s25 =	simm.s32 $0x10640  }
0x11d: {  	[hbm4b:s31+s3] =	stream.linear.scatter [tilespmem:s25], [sflag:$0x3], $0x80, $0x38;
	[tilespmem:$0x17E40] =	vst v63  }
0x11e: {  	s31 =	sadd.s32 $0x30, s21;
	s25 =	simm.s32 $0x10A40  }
0x11f: {  	[hbm4b:s31+s3] =	stream.linear.scatter [tilespmem:s25], [sflag:$0x3], $0x80, $0x38;
	[tilespmem:$0x17E40] =	vst v63  }
0x120: {  	s31 =	sadd.s32 $0x40, s21;
	s25 =	simm.s32 $0x10E40  }
0x121: {  	[hbm4b:s31+s3] =	stream.linear.scatter [tilespmem:s25], [sflag:$0x3], $0x80, $0x38;
	[tilespmem:$0x17E40] =	vst v63  }
0x122: {  	s31 =	sadd.s32 $0x50, s21;
	s25 =	simm.s32 $0x11240  }
0x123: {  	[hbm4b:s31+s3] =	stream.linear.scatter [tilespmem:s25], [sflag:$0x3], $0x80, $0x38;
	[tilespmem:$0x17E40] =	vst v63  }
0x124: {  	s31 =	sadd.s32 $0x60, s21;
	s25 =	simm.s32 $0x11640  }
0x125: {  	[hbm4b:s31+s3] =	stream.linear.scatter [tilespmem:s25], [sflag:$0x3], $0x80, $0x38;
	[tilespmem:$0x17E40] =	vst v63  }
0x126: {  	s31 =	sadd.s32 $0x70, s21;
	s25 =	simm.s32 $0x11A40  }
0x127: {  	[hbm4b:s31+s3] =	stream.linear.scatter [tilespmem:s25], [sflag:$0x3], $0x80, $0x38;
	[tilespmem:$0x17E40] =	vst v63  }
0x128: {  	s31 =	sadd.s32 $0x400, s21;
	s25 =	simm.s32 $0x11E40  }
0x129: {  	[hbm4b:s31+s3] =	stream.linear.scatter [tilespmem:s25], [sflag:$0x3], $0x80, $0x38;
	[tilespmem:$0x17E40] =	vst v63  }
0x12a: {  	s31 =	sadd.s32 $0x410, s21;
	s25 =	simm.s32 $0x12240  }
0x12b: {  	[hbm4b:s31+s3] =	stream.linear.scatter [tilespmem:s25], [sflag:$0x3], $0x80, $0x38;
	[tilespmem:$0x17E40] =	vst v63  }
0x12c: {  	s31 =	sadd.s32 $0x420, s21;
	s25 =	simm.s32 $0x12640  }
0x12d: {  	[hbm4b:s31+s3] =	stream.linear.scatter [tilespmem:s25], [sflag:$0x3], $0x80, $0x38;
	[tilespmem:$0x17E40] =	vst v63  }
0x12e: {  	s31 =	sadd.s32 $0x430, s21;
	s25 =	simm.s32 $0x12A40  }
0x12f: {  	[hbm4b:s31+s3] =	stream.linear.scatter [tilespmem:s25], [sflag:$0x3], $0x80, $0x38;
	[tilespmem:$0x17E40] =	vst v63  }
0x130: {  	s31 =	sadd.s32 $0x440, s21;
	s25 =	simm.s32 $0x12E40  }
0x131: {  	[hbm4b:s31+s3] =	stream.linear.scatter [tilespmem:s25], [sflag:$0x3], $0x80, $0x38;
	[tilespmem:$0x17E40] =	vst v63  }
0x132: {  	s31 =	sadd.s32 $0x450, s21;
	s25 =	simm.s32 $0x13240  }
0x133: {  	[hbm4b:s31+s3] =	stream.linear.scatter [tilespmem:s25], [sflag:$0x3], $0x80, $0x38;
	[tilespmem:$0x17E40] =	vst v63  }
0x134: {  	s31 =	sadd.s32 $0x460, s21;
	s25 =	simm.s32 $0x13640  }
0x135: {  	[hbm4b:s31+s3] =	stream.linear.scatter [tilespmem:s25], [sflag:$0x3], $0x80, $0x38;
	[tilespmem:$0x17E40] =	vst v63  }
0x136: {  	s31 =	sadd.s32 $0x470, s21;
	s25 =	simm.s32 $0x13A40  }
0x137: {  	[hbm4b:s31+s3] =	stream.linear.scatter [tilespmem:s25], [sflag:$0x3], $0x80, $0x38;
	[tilespmem:$0x17E40] =	vst v63  }
0x138: {  	s31 =	sadd.s32 $0x80, s21;
	s25 =	simm.s32 $0xFEC0  }
0x139: {  	[hbm4b:s31+s3] =	stream.linear.scatter [tilespmem:s25], [sflag:$0x3], $0x80, $0x38;
	[tilespmem:$0x17E40] =	vst v63  }
0x13a: {  	s31 =	sadd.s32 $0x90, s21;
	s25 =	simm.s32 $0x102C0  }
0x13b: {  	[hbm4b:s31+s3] =	stream.linear.scatter [tilespmem:s25], [sflag:$0x3], $0x80, $0x38;
	[tilespmem:$0x17E40] =	vst v63  }
0x13c: {  	s31 =	sadd.s32 $0xA0, s21;
	s25 =	simm.s32 $0x106C0  }
0x13d: {  	[hbm4b:s31+s3] =	stream.linear.scatter [tilespmem:s25], [sflag:$0x3], $0x80, $0x38;
	[tilespmem:$0x17E40] =	vst v63  }
0x13e: {  	s31 =	sadd.s32 $0xB0, s21;
	s25 =	simm.s32 $0x10AC0  }
0x13f: {  	[hbm4b:s31+s3] =	stream.linear.scatter [tilespmem:s25], [sflag:$0x3], $0x80, $0x38;
	[tilespmem:$0x17E40] =	vst v63  }
0x140: {  	s31 =	sadd.s32 $0xC0, s21;
	s25 =	simm.s32 $0x10EC0  }
0x141: {  	[hbm4b:s31+s3] =	stream.linear.scatter [tilespmem:s25], [sflag:$0x3], $0x80, $0x38;
	[tilespmem:$0x17E40] =	vst v63  }
0x142: {  	s31 =	sadd.s32 $0xD0, s21;
	s25 =	simm.s32 $0x112C0  }
0x143: {  	[hbm4b:s31+s3] =	stream.linear.scatter [tilespmem:s25], [sflag:$0x3], $0x80, $0x38;
	[tilespmem:$0x17E40] =	vst v63  }
0x144: {  	s31 =	sadd.s32 $0xE0, s21;
	s25 =	simm.s32 $0x116C0  }
0x145: {  	[hbm4b:s31+s3] =	stream.linear.scatter [tilespmem:s25], [sflag:$0x3], $0x80, $0x38;
	[tilespmem:$0x17E40] =	vst v63  }
0x146: {  	s31 =	sadd.s32 $0xF0, s21;
	s25 =	simm.s32 $0x11AC0  }
0x147: {  	[hbm4b:s31+s3] =	stream.linear.scatter [tilespmem:s25], [sflag:$0x3], $0x80, $0x38;
	[tilespmem:$0x17E40] =	vst v63  }
0x148: {  	s31 =	sadd.s32 $0x480, s21;
	s25 =	simm.s32 $0x11EC0  }
0x149: {  	[hbm4b:s31+s3] =	stream.linear.scatter [tilespmem:s25], [sflag:$0x3], $0x80, $0x38;
	[tilespmem:$0x17E40] =	vst v63  }
0x14a: {  	s31 =	sadd.s32 $0x490, s21;
	s25 =	simm.s32 $0x122C0  }
0x14b: {  	[hbm4b:s31+s3] =	stream.linear.scatter [tilespmem:s25], [sflag:$0x3], $0x80, $0x38;
	[tilespmem:$0x17E40] =	vst v63  }
0x14c: {  	s31 =	sadd.s32 $0x4A0, s21;
	s25 =	simm.s32 $0x126C0  }
0x14d: {  	[hbm4b:s31+s3] =	stream.linear.scatter [tilespmem:s25], [sflag:$0x3], $0x80, $0x38;
	[tilespmem:$0x17E40] =	vst v63  }
0x14e: {  	s31 =	sadd.s32 $0x4B0, s21;
	s25 =	simm.s32 $0x12AC0  }
0x14f: {  	[hbm4b:s31+s3] =	stream.linear.scatter [tilespmem:s25], [sflag:$0x3], $0x80, $0x38;
	[tilespmem:$0x17E40] =	vst v63  }
0x150: {  	s31 =	sadd.s32 $0x4C0, s21;
	s25 =	simm.s32 $0x12EC0  }
0x151: {  	[hbm4b:s31+s3] =	stream.linear.scatter [tilespmem:s25], [sflag:$0x3], $0x80, $0x38;
	[tilespmem:$0x17E40] =	vst v63  }
0x152: {  	s31 =	sadd.s32 $0x4D0, s21;
	s25 =	simm.s32 $0x132C0  }
0x153: {  	[hbm4b:s31+s3] =	stream.linear.scatter [tilespmem:s25], [sflag:$0x3], $0x80, $0x38;
	[tilespmem:$0x17E40] =	vst v63  }
0x154: {  	s31 =	sadd.s32 $0x4E0, s21;
	s25 =	simm.s32 $0x136C0  }
0x155: {  	[hbm4b:s31+s3] =	stream.linear.scatter [tilespmem:s25], [sflag:$0x3], $0x80, $0x38;
	[tilespmem:$0x17E40] =	vst v63  }
0x156: {  	s31 =	sadd.s32 $0x4F0, s21;
	s25 =	simm.s32 $0x13AC0  }
0x157: {  	[hbm4b:s31+s3] =	stream.linear.scatter [tilespmem:s25], [sflag:$0x3], $0x80, $0x38;
	[tilespmem:$0x17E40] =	vst v63  }
0x158: {  	s31 =	sadd.s32 $0x100, s21;
	s25 =	simm.s32 $0xFF40  }
0x159: {  	[hbm4b:s31+s3] =	stream.linear.scatter [tilespmem:s25], [sflag:$0x3], $0x80, $0x38;
	[tilespmem:$0x17E40] =	vst v63  }
0x15a: {  	s31 =	sadd.s32 $0x110, s21;
	s25 =	simm.s32 $0x10340  }
0x15b: {  	[hbm4b:s31+s3] =	stream.linear.scatter [tilespmem:s25], [sflag:$0x3], $0x80, $0x38;
	[tilespmem:$0x17E40] =	vst v63  }
0x15c: {  	s31 =	sadd.s32 $0x120, s21;
	s25 =	simm.s32 $0x10740  }
0x15d: {  	[hbm4b:s31+s3] =	stream.linear.scatter [tilespmem:s25], [sflag:$0x3], $0x80, $0x38;
	[tilespmem:$0x17E40] =	vst v63  }
0x15e: {  	s31 =	sadd.s32 $0x130, s21;
	s25 =	simm.s32 $0x10B40  }
0x15f: {  	[hbm4b:s31+s3] =	stream.linear.scatter [tilespmem:s25], [sflag:$0x3], $0x80, $0x38;
	[tilespmem:$0x17E40] =	vst v63  }
0x160: {  	s31 =	sadd.s32 $0x140, s21;
	s25 =	simm.s32 $0x10F40  }
0x161: {  	[hbm4b:s31+s3] =	stream.linear.scatter [tilespmem:s25], [sflag:$0x3], $0x80, $0x38;
	[tilespmem:$0x17E40] =	vst v63  }
0x162: {  	s31 =	sadd.s32 $0x150, s21;
	s25 =	simm.s32 $0x11340  }
0x163: {  	[hbm4b:s31+s3] =	stream.linear.scatter [tilespmem:s25], [sflag:$0x3], $0x80, $0x38;
	[tilespmem:$0x17E40] =	vst v63  }
0x164: {  	s31 =	sadd.s32 $0x160, s21;
	s25 =	simm.s32 $0x11740  }
0x165: {  	[hbm4b:s31+s3] =	stream.linear.scatter [tilespmem:s25], [sflag:$0x3], $0x80, $0x38;
	[tilespmem:$0x17E40] =	vst v63  }
0x166: {  	s31 =	sadd.s32 $0x170, s21;
	s25 =	simm.s32 $0x11B40  }
0x167: {  	[hbm4b:s31+s3] =	stream.linear.scatter [tilespmem:s25], [sflag:$0x3], $0x80, $0x38;
	[tilespmem:$0x17E40] =	vst v63  }
0x168: {  	s31 =	sadd.s32 $0x500, s21;
	s25 =	simm.s32 $0x11F40  }
0x169: {  	[hbm4b:s31+s3] =	stream.linear.scatter [tilespmem:s25], [sflag:$0x3], $0x80, $0x38;
	[tilespmem:$0x17E40] =	vst v63  }
0x16a: {  	s31 =	sadd.s32 $0x510, s21;
	s25 =	simm.s32 $0x12340  }
0x16b: {  	[hbm4b:s31+s3] =	stream.linear.scatter [tilespmem:s25], [sflag:$0x3], $0x80, $0x38;
	[tilespmem:$0x17E40] =	vst v63  }
0x16c: {  	s31 =	sadd.s32 $0x520, s21;
	s25 =	simm.s32 $0x12740  }
0x16d: {  	[hbm4b:s31+s3] =	stream.linear.scatter [tilespmem:s25], [sflag:$0x3], $0x80, $0x38;
	[tilespmem:$0x17E40] =	vst v63  }
0x16e: {  	s31 =	sadd.s32 $0x530, s21;
	s25 =	simm.s32 $0x12B40  }
0x16f: {  	[hbm4b:s31+s3] =	stream.linear.scatter [tilespmem:s25], [sflag:$0x3], $0x80, $0x38;
	[tilespmem:$0x17E40] =	vst v63  }
0x170: {  	s31 =	sadd.s32 $0x540, s21;
	s25 =	simm.s32 $0x12F40  }
0x171: {  	[hbm4b:s31+s3] =	stream.linear.scatter [tilespmem:s25], [sflag:$0x3], $0x80, $0x38;
	[tilespmem:$0x17E40] =	vst v63  }
0x172: {  	s31 =	sadd.s32 $0x550, s21;
	s25 =	simm.s32 $0x13340  }
0x173: {  	[hbm4b:s31+s3] =	stream.linear.scatter [tilespmem:s25], [sflag:$0x3], $0x80, $0x38;
	[tilespmem:$0x17E40] =	vst v63  }
0x174: {  	s31 =	sadd.s32 $0x560, s21;
	s25 =	simm.s32 $0x13740  }
0x175: {  	[hbm4b:s31+s3] =	stream.linear.scatter [tilespmem:s25], [sflag:$0x3], $0x80, $0x38;
	[tilespmem:$0x17E40] =	vst v63  }
0x176: {  	s31 =	sadd.s32 $0x570, s21;
	s25 =	simm.s32 $0x13B40  }
0x177: {  	[hbm4b:s31+s3] =	stream.linear.scatter [tilespmem:s25], [sflag:$0x3], $0x80, $0x38;
	[tilespmem:$0x17E40] =	vst v63  }
0x178: {  	s31 =	sadd.s32 $0x180, s21;
	s25 =	simm.s32 $0xFFC0  }
0x179: {  	[hbm4b:s31+s3] =	stream.linear.scatter [tilespmem:s25], [sflag:$0x3], $0x80, $0x38;
	[tilespmem:$0x17E40] =	vst v63  }
0x17a: {  	s31 =	sadd.s32 $0x190, s21;
	s25 =	simm.s32 $0x103C0  }
0x17b: {  	[hbm4b:s31+s3] =	stream.linear.scatter [tilespmem:s25], [sflag:$0x3], $0x80, $0x38;
	[tilespmem:$0x17E40] =	vst v63  }
0x17c: {  	s31 =	sadd.s32 $0x1A0, s21;
	s25 =	simm.s32 $0x107C0  }
0x17d: {  	[hbm4b:s31+s3] =	stream.linear.scatter [tilespmem:s25], [sflag:$0x3], $0x80, $0x38;
	[tilespmem:$0x17E40] =	vst v63  }
0x17e: {  	s31 =	sadd.s32 $0x1B0, s21;
	s25 =	simm.s32 $0x10BC0  }
0x17f: {  	[hbm4b:s31+s3] =	stream.linear.scatter [tilespmem:s25], [sflag:$0x3], $0x80, $0x38;
	[tilespmem:$0x17E40] =	vst v63  }
0x180: {  	s31 =	sadd.s32 $0x1C0, s21;
	s25 =	simm.s32 $0x10FC0  }
0x181: {  	[hbm4b:s31+s3] =	stream.linear.scatter [tilespmem:s25], [sflag:$0x3], $0x80, $0x38;
	[tilespmem:$0x17E40] =	vst v63  }
0x182: {  	s31 =	sadd.s32 $0x1D0, s21;
	s25 =	simm.s32 $0x113C0  }
0x183: {  	[hbm4b:s31+s3] =	stream.linear.scatter [tilespmem:s25], [sflag:$0x3], $0x80, $0x38;
	[tilespmem:$0x17E40] =	vst v63  }
0x184: {  	s31 =	sadd.s32 $0x1E0, s21;
	s25 =	simm.s32 $0x117C0  }
0x185: {  	[hbm4b:s31+s3] =	stream.linear.scatter [tilespmem:s25], [sflag:$0x3], $0x80, $0x38;
	[tilespmem:$0x17E40] =	vst v63  }
0x186: {  	s31 =	sadd.s32 $0x1F0, s21;
	s25 =	simm.s32 $0x11BC0  }
0x187: {  	[hbm4b:s31+s3] =	stream.linear.scatter [tilespmem:s25], [sflag:$0x3], $0x80, $0x38;
	[tilespmem:$0x17E40] =	vst v63  }
0x188: {  	s31 =	sadd.s32 $0x580, s21;
	s25 =	simm.s32 $0x11FC0  }
0x189: {  	[hbm4b:s31+s3] =	stream.linear.scatter [tilespmem:s25], [sflag:$0x3], $0x80, $0x38;
	[tilespmem:$0x17E40] =	vst v63  }
0x18a: {  	s31 =	sadd.s32 $0x590, s21;
	s25 =	simm.s32 $0x123C0  }
0x18b: {  	[hbm4b:s31+s3] =	stream.linear.scatter [tilespmem:s25], [sflag:$0x3], $0x80, $0x38;
	[tilespmem:$0x17E40] =	vst v63  }
0x18c: {  	s31 =	sadd.s32 $0x5A0, s21;
	s25 =	simm.s32 $0x127C0  }
0x18d: {  	[hbm4b:s31+s3] =	stream.linear.scatter [tilespmem:s25], [sflag:$0x3], $0x80, $0x38;
	[tilespmem:$0x17E40] =	vst v63  }
0x18e: {  	s31 =	sadd.s32 $0x5B0, s21;
	s25 =	simm.s32 $0x12BC0  }
0x18f: {  	[hbm4b:s31+s3] =	stream.linear.scatter [tilespmem:s25], [sflag:$0x3], $0x80, $0x38;
	[tilespmem:$0x17E40] =	vst v63  }
0x190: {  	s31 =	sadd.s32 $0x5C0, s21;
	s25 =	simm.s32 $0x12FC0  }
0x191: {  	[hbm4b:s31+s3] =	stream.linear.scatter [tilespmem:s25], [sflag:$0x3], $0x80, $0x38;
	[tilespmem:$0x17E40] =	vst v63  }
0x192: {  	s31 =	sadd.s32 $0x5D0, s21;
	s25 =	simm.s32 $0x133C0  }
0x193: {  	[hbm4b:s31+s3] =	stream.linear.scatter [tilespmem:s25], [sflag:$0x3], $0x80, $0x38;
	[tilespmem:$0x17E40] =	vst v63  }
0x194: {  	s31 =	sadd.s32 $0x5E0, s21;
	s25 =	simm.s32 $0x137C0  }
0x195: {  	[hbm4b:s31+s3] =	stream.linear.scatter [tilespmem:s25], [sflag:$0x3], $0x80, $0x38;
	[tilespmem:$0x17E40] =	vst v63  }
0x196: {  	s31 =	sadd.s32 $0x5F0, s21;
	s25 =	simm.s32 $0x13BC0  }
0x197: {  	[hbm4b:s31+s3] =	stream.linear.scatter [tilespmem:s25], [sflag:$0x3], $0x80, $0x38;
	[tilespmem:$0x17E40] =	vst v63  }
0x198: {  	s31 =	sadd.s32 $0x200, s21;
	s25 =	simm.s32 $0x10040  }
0x199: {  	[hbm4b:s31+s3] =	stream.linear.scatter [tilespmem:s25], [sflag:$0x3], $0x80, $0x38;
	[tilespmem:$0x17E40] =	vst v63  }
0x19a: {  	s31 =	sadd.s32 $0x210, s21;
	s25 =	simm.s32 $0x10440  }
0x19b: {  	[hbm4b:s31+s3] =	stream.linear.scatter [tilespmem:s25], [sflag:$0x3], $0x80, $0x38;
	[tilespmem:$0x17E40] =	vst v63  }
0x19c: {  	s31 =	sadd.s32 $0x220, s21;
	s25 =	simm.s32 $0x10840  }
0x19d: {  	[hbm4b:s31+s3] =	stream.linear.scatter [tilespmem:s25], [sflag:$0x3], $0x80, $0x38;
	[tilespmem:$0x17E40] =	vst v63  }
0x19e: {  	s31 =	sadd.s32 $0x230, s21;
	s25 =	simm.s32 $0x10C40  }
0x19f: {  	[hbm4b:s31+s3] =	stream.linear.scatter [tilespmem:s25], [sflag:$0x3], $0x80, $0x38;
	[tilespmem:$0x17E40] =	vst v63  }
0x1a0: {  	s31 =	sadd.s32 $0x240, s21;
	s25 =	simm.s32 $0x11040  }
0x1a1: {  	[hbm4b:s31+s3] =	stream.linear.scatter [tilespmem:s25], [sflag:$0x3], $0x80, $0x38;
	[tilespmem:$0x17E40] =	vst v63  }
0x1a2: {  	s31 =	sadd.s32 $0x250, s21;
	s25 =	simm.s32 $0x11440  }
0x1a3: {  	[hbm4b:s31+s3] =	stream.linear.scatter [tilespmem:s25], [sflag:$0x3], $0x80, $0x38;
	[tilespmem:$0x17E40] =	vst v63  }
0x1a4: {  	s31 =	sadd.s32 $0x260, s21;
	s25 =	simm.s32 $0x11840  }
0x1a5: {  	[hbm4b:s31+s3] =	stream.linear.scatter [tilespmem:s25], [sflag:$0x3], $0x80, $0x38;
	[tilespmem:$0x17E40] =	vst v63  }
0x1a6: {  	s31 =	sadd.s32 $0x270, s21;
	s25 =	simm.s32 $0x11C40  }
0x1a7: {  	[hbm4b:s31+s3] =	stream.linear.scatter [tilespmem:s25], [sflag:$0x3], $0x80, $0x38;
	[tilespmem:$0x17E40] =	vst v63  }
0x1a8: {  	s31 =	sadd.s32 $0x600, s21;
	s25 =	simm.s32 $0x12040  }
0x1a9: {  	[hbm4b:s31+s3] =	stream.linear.scatter [tilespmem:s25], [sflag:$0x3], $0x80, $0x38;
	[tilespmem:$0x17E40] =	vst v63  }
0x1aa: {  	s31 =	sadd.s32 $0x610, s21;
	s25 =	simm.s32 $0x12440  }
0x1ab: {  	[hbm4b:s31+s3] =	stream.linear.scatter [tilespmem:s25], [sflag:$0x3], $0x80, $0x38;
	[tilespmem:$0x17E40] =	vst v63  }
0x1ac: {  	s31 =	sadd.s32 $0x620, s21;
	s25 =	simm.s32 $0x12840  }
0x1ad: {  	[hbm4b:s31+s3] =	stream.linear.scatter [tilespmem:s25], [sflag:$0x3], $0x80, $0x38;
	[tilespmem:$0x17E40] =	vst v63  }
0x1ae: {  	s31 =	sadd.s32 $0x630, s21;
	s25 =	simm.s32 $0x12C40  }
0x1af: {  	[hbm4b:s31+s3] =	stream.linear.scatter [tilespmem:s25], [sflag:$0x3], $0x80, $0x38;
	[tilespmem:$0x17E40] =	vst v63  }
0x1b0: {  	s31 =	sadd.s32 $0x640, s21;
	s25 =	simm.s32 $0x13040  }
0x1b1: {  	[hbm4b:s31+s3] =	stream.linear.scatter [tilespmem:s25], [sflag:$0x3], $0x80, $0x38;
	[tilespmem:$0x17E40] =	vst v63  }
0x1b2: {  	s31 =	sadd.s32 $0x650, s21;
	s25 =	simm.s32 $0x13440  }
0x1b3: {  	[hbm4b:s31+s3] =	stream.linear.scatter [tilespmem:s25], [sflag:$0x3], $0x80, $0x38;
	[tilespmem:$0x17E40] =	vst v63  }
0x1b4: {  	s31 =	sadd.s32 $0x660, s21;
	s25 =	simm.s32 $0x13840  }
0x1b5: {  	[hbm4b:s31+s3] =	stream.linear.scatter [tilespmem:s25], [sflag:$0x3], $0x80, $0x38;
	[tilespmem:$0x17E40] =	vst v63  }
0x1b6: {  	s31 =	sadd.s32 $0x670, s21;
	s25 =	simm.s32 $0x13C40  }
0x1b7: {  	[hbm4b:s31+s3] =	stream.linear.scatter [tilespmem:s25], [sflag:$0x3], $0x80, $0x38;
	[tilespmem:$0x17E40] =	vst v63  }
0x1b8: {  	s31 =	sadd.s32 $0x280, s21;
	s25 =	simm.s32 $0x100C0  }
0x1b9: {  	[hbm4b:s31+s3] =	stream.linear.scatter [tilespmem:s25], [sflag:$0x3], $0x80, $0x38;
	[tilespmem:$0x17E40] =	vst v63  }
0x1ba: {  	s31 =	sadd.s32 $0x290, s21;
	s25 =	simm.s32 $0x104C0  }
0x1bb: {  	[hbm4b:s31+s3] =	stream.linear.scatter [tilespmem:s25], [sflag:$0x3], $0x80, $0x38;
	[tilespmem:$0x17E40] =	vst v63  }
0x1bc: {  	s31 =	sadd.s32 $0x2A0, s21;
	s25 =	simm.s32 $0x108C0  }
0x1bd: {  	[hbm4b:s31+s3] =	stream.linear.scatter [tilespmem:s25], [sflag:$0x3], $0x80, $0x38;
	[tilespmem:$0x17E40] =	vst v63  }
0x1be: {  	s31 =	sadd.s32 $0x2B0, s21;
	s25 =	simm.s32 $0x10CC0  }
0x1bf: {  	[hbm4b:s31+s3] =	stream.linear.scatter [tilespmem:s25], [sflag:$0x3], $0x80, $0x38;
	[tilespmem:$0x17E40] =	vst v63  }
0x1c0: {  	s31 =	sadd.s32 $0x2C0, s21;
	s25 =	simm.s32 $0x110C0  }
0x1c1: {  	[hbm4b:s31+s3] =	stream.linear.scatter [tilespmem:s25], [sflag:$0x3], $0x80, $0x38;
	[tilespmem:$0x17E40] =	vst v63  }
0x1c2: {  	s31 =	sadd.s32 $0x2D0, s21;
	s25 =	simm.s32 $0x114C0  }
0x1c3: {  	[hbm4b:s31+s3] =	stream.linear.scatter [tilespmem:s25], [sflag:$0x3], $0x80, $0x38;
	[tilespmem:$0x17E40] =	vst v63  }
0x1c4: {  	s31 =	sadd.s32 $0x2E0, s21;
	s25 =	simm.s32 $0x118C0  }
0x1c5: {  	[hbm4b:s31+s3] =	stream.linear.scatter [tilespmem:s25], [sflag:$0x3], $0x80, $0x38;
	[tilespmem:$0x17E40] =	vst v63  }
0x1c6: {  	s31 =	sadd.s32 $0x2F0, s21;
	s25 =	simm.s32 $0x11CC0  }
0x1c7: {  	[hbm4b:s31+s3] =	stream.linear.scatter [tilespmem:s25], [sflag:$0x3], $0x80, $0x38;
	[tilespmem:$0x17E40] =	vst v63  }
0x1c8: {  	s31 =	sadd.s32 $0x680, s21;
	s25 =	simm.s32 $0x120C0  }
0x1c9: {  	[hbm4b:s31+s3] =	stream.linear.scatter [tilespmem:s25], [sflag:$0x3], $0x80, $0x38;
	[tilespmem:$0x17E40] =	vst v63  }
0x1ca: {  	s31 =	sadd.s32 $0x690, s21;
	s25 =	simm.s32 $0x124C0  }
0x1cb: {  	[hbm4b:s31+s3] =	stream.linear.scatter [tilespmem:s25], [sflag:$0x3], $0x80, $0x38;
	[tilespmem:$0x17E40] =	vst v63  }
0x1cc: {  	s31 =	sadd.s32 $0x6A0, s21;
	s25 =	simm.s32 $0x128C0  }
0x1cd: {  	[hbm4b:s31+s3] =	stream.linear.scatter [tilespmem:s25], [sflag:$0x3], $0x80, $0x38;
	[tilespmem:$0x17E40] =	vst v63  }
0x1ce: {  	s31 =	sadd.s32 $0x6B0, s21;
	s25 =	simm.s32 $0x12CC0  }
0x1cf: {  	[hbm4b:s31+s3] =	stream.linear.scatter [tilespmem:s25], [sflag:$0x3], $0x80, $0x38;
	[tilespmem:$0x17E40] =	vst v63  }
0x1d0: {  	s31 =	sadd.s32 $0x6C0, s21;
	s25 =	simm.s32 $0x130C0  }
0x1d1: {  	[hbm4b:s31+s3] =	stream.linear.scatter [tilespmem:s25], [sflag:$0x3], $0x80, $0x38;
	[tilespmem:$0x17E40] =	vst v63  }
0x1d2: {  	s31 =	sadd.s32 $0x6D0, s21;
	s25 =	simm.s32 $0x134C0  }
0x1d3: {  	[hbm4b:s31+s3] =	stream.linear.scatter [tilespmem:s25], [sflag:$0x3], $0x80, $0x38;
	[tilespmem:$0x17E40] =	vst v63  }
0x1d4: {  	s31 =	sadd.s32 $0x6E0, s21;
	s25 =	simm.s32 $0x138C0  }
0x1d5: {  	[hbm4b:s31+s3] =	stream.linear.scatter [tilespmem:s25], [sflag:$0x3], $0x80, $0x38;
	[tilespmem:$0x17E40] =	vst v63  }
0x1d6: {  	s31 =	sadd.s32 $0x6F0, s21;
	s25 =	simm.s32 $0x13CC0  }
0x1d7: {  	[hbm4b:s31+s3] =	stream.linear.scatter [tilespmem:s25], [sflag:$0x3], $0x80, $0x38;
	[tilespmem:$0x17E40] =	vst v63  }
0x1d8: {  	s31 =	sadd.s32 $0x300, s21;
	s25 =	simm.s32 $0x10140  }
0x1d9: {  	[hbm4b:s31+s3] =	stream.linear.scatter [tilespmem:s25], [sflag:$0x3], $0x80, $0x38;
	[tilespmem:$0x17E40] =	vst v63  }
0x1da: {  	s31 =	sadd.s32 $0x310, s21;
	s25 =	simm.s32 $0x10540  }
0x1db: {  	[hbm4b:s31+s3] =	stream.linear.scatter [tilespmem:s25], [sflag:$0x3], $0x80, $0x38;
	[tilespmem:$0x17E40] =	vst v63  }
0x1dc: {  	s31 =	sadd.s32 $0x320, s21;
	s25 =	simm.s32 $0x10940  }
0x1dd: {  	[hbm4b:s31+s3] =	stream.linear.scatter [tilespmem:s25], [sflag:$0x3], $0x80, $0x38;
	[tilespmem:$0x17E40] =	vst v63  }
0x1de: {  	s31 =	sadd.s32 $0x330, s21;
	s25 =	simm.s32 $0x10D40  }
0x1df: {  	[hbm4b:s31+s3] =	stream.linear.scatter [tilespmem:s25], [sflag:$0x3], $0x80, $0x38;
	[tilespmem:$0x17E40] =	vst v63  }
0x1e0: {  	s31 =	sadd.s32 $0x340, s21;
	s25 =	simm.s32 $0x11140  }
0x1e1: {  	[hbm4b:s31+s3] =	stream.linear.scatter [tilespmem:s25], [sflag:$0x3], $0x80, $0x38;
	[tilespmem:$0x17E40] =	vst v63  }
0x1e2: {  	s31 =	sadd.s32 $0x350, s21;
	s25 =	simm.s32 $0x11540  }
0x1e3: {  	[hbm4b:s31+s3] =	stream.linear.scatter [tilespmem:s25], [sflag:$0x3], $0x80, $0x38;
	[tilespmem:$0x17E40] =	vst v63  }
0x1e4: {  	s31 =	sadd.s32 $0x360, s21;
	s25 =	simm.s32 $0x11940  }
0x1e5: {  	[hbm4b:s31+s3] =	stream.linear.scatter [tilespmem:s25], [sflag:$0x3], $0x80, $0x38;
	[tilespmem:$0x17E40] =	vst v63  }
0x1e6: {  	s31 =	sadd.s32 $0x370, s21;
	s25 =	simm.s32 $0x11D40  }
0x1e7: {  	[hbm4b:s31+s3] =	stream.linear.scatter [tilespmem:s25], [sflag:$0x3], $0x80, $0x38;
	[tilespmem:$0x17E40] =	vst v63  }
0x1e8: {  	s31 =	sadd.s32 $0x700, s21;
	s25 =	simm.s32 $0x12140  }
0x1e9: {  	[hbm4b:s31+s3] =	stream.linear.scatter [tilespmem:s25], [sflag:$0x3], $0x80, $0x38;
	[tilespmem:$0x17E40] =	vst v63  }
0x1ea: {  	s31 =	sadd.s32 $0x710, s21;
	s25 =	simm.s32 $0x12540  }
0x1eb: {  	[hbm4b:s31+s3] =	stream.linear.scatter [tilespmem:s25], [sflag:$0x3], $0x80, $0x38;
	[tilespmem:$0x17E40] =	vst v63  }
0x1ec: {  	s31 =	sadd.s32 $0x720, s21;
	s25 =	simm.s32 $0x12940  }
0x1ed: {  	[hbm4b:s31+s3] =	stream.linear.scatter [tilespmem:s25], [sflag:$0x3], $0x80, $0x38;
	[tilespmem:$0x17E40] =	vst v63  }
0x1ee: {  	s31 =	sadd.s32 $0x730, s21;
	s25 =	simm.s32 $0x12D40  }
0x1ef: {  	[hbm4b:s31+s3] =	stream.linear.scatter [tilespmem:s25], [sflag:$0x3], $0x80, $0x38;
	[tilespmem:$0x17E40] =	vst v63  }
0x1f0: {  	s31 =	sadd.s32 $0x740, s21;
	s25 =	simm.s32 $0x13140  }
0x1f1: {  	[hbm4b:s31+s3] =	stream.linear.scatter [tilespmem:s25], [sflag:$0x3], $0x80, $0x38;
	[tilespmem:$0x17E40] =	vst v63  }
0x1f2: {  	s31 =	sadd.s32 $0x750, s21;
	s25 =	simm.s32 $0x13540  }
0x1f3: {  	[hbm4b:s31+s3] =	stream.linear.scatter [tilespmem:s25], [sflag:$0x3], $0x80, $0x38;
	[tilespmem:$0x17E40] =	vst v63  }
0x1f4: {  	s31 =	sadd.s32 $0x760, s21;
	s25 =	simm.s32 $0x13940  }
0x1f5: {  	[hbm4b:s31+s3] =	stream.linear.scatter [tilespmem:s25], [sflag:$0x3], $0x80, $0x38;
	[tilespmem:$0x17E40] =	vst v63  }
0x1f6: {  	s31 =	sadd.s32 $0x770, s21;
	s25 =	simm.s32 $0x13D40  }
0x1f7: {  	[hbm4b:s31+s3] =	stream.linear.scatter [tilespmem:s25], [sflag:$0x3], $0x80, $0x38;
	[tilespmem:$0x17E40] =	vst v63  }
0x1f8: {  	s31 =	sadd.s32 $0x380, s21;
	s25 =	simm.s32 $0x101C0  }
0x1f9: {  	[hbm4b:s31+s3] =	stream.linear.scatter [tilespmem:s25], [sflag:$0x3], $0x80, $0x38;
	[tilespmem:$0x17E40] =	vst v63  }
0x1fa: {  	s31 =	sadd.s32 $0x390, s21;
	s25 =	simm.s32 $0x105C0  }
0x1fb: {  	[hbm4b:s31+s3] =	stream.linear.scatter [tilespmem:s25], [sflag:$0x3], $0x80, $0x38;
	[tilespmem:$0x17E40] =	vst v63  }
0x1fc: {  	s31 =	sadd.s32 $0x3A0, s21;
	s25 =	simm.s32 $0x109C0  }
0x1fd: {  	[hbm4b:s31+s3] =	stream.linear.scatter [tilespmem:s25], [sflag:$0x3], $0x80, $0x38;
	[tilespmem:$0x17E40] =	vst v63  }
0x1fe: {  	s31 =	sadd.s32 $0x3B0, s21;
	s25 =	simm.s32 $0x10DC0  }
0x1ff: {  	[hbm4b:s31+s3] =	stream.linear.scatter [tilespmem:s25], [sflag:$0x3], $0x80, $0x38;
	[tilespmem:$0x17E40] =	vst v63  }
0x200: {  	s31 =	sadd.s32 $0x3C0, s21;
	s25 =	simm.s32 $0x111C0  }
0x201: {  	[hbm4b:s31+s3] =	stream.linear.scatter [tilespmem:s25], [sflag:$0x3], $0x80, $0x38;
	[tilespmem:$0x17E40] =	vst v63  }
0x202: {  	s31 =	sadd.s32 $0x3D0, s21;
	s25 =	simm.s32 $0x115C0  }
0x203: {  	[hbm4b:s31+s3] =	stream.linear.scatter [tilespmem:s25], [sflag:$0x3], $0x80, $0x38;
	[tilespmem:$0x17E40] =	vst v63  }
0x204: {  	s31 =	sadd.s32 $0x3E0, s21;
	s25 =	simm.s32 $0x119C0  }
0x205: {  	[hbm4b:s31+s3] =	stream.linear.scatter [tilespmem:s25], [sflag:$0x3], $0x80, $0x38;
	[tilespmem:$0x17E40] =	vst v63  }
0x206: {  	s31 =	sadd.s32 $0x3F0, s21;
	s25 =	simm.s32 $0x11DC0  }
0x207: {  	[hbm4b:s31+s3] =	stream.linear.scatter [tilespmem:s25], [sflag:$0x3], $0x80, $0x38;
	[tilespmem:$0x17E40] =	vst v63  }
0x208: {  	s31 =	sadd.s32 $0x780, s21;
	s25 =	simm.s32 $0x121C0  }
0x209: {  	[hbm4b:s31+s3] =	stream.linear.scatter [tilespmem:s25], [sflag:$0x3], $0x80, $0x38;
	[tilespmem:$0x17E40] =	vst v63  }
0x20a: {  	s31 =	sadd.s32 $0x790, s21;
	s25 =	simm.s32 $0x125C0  }
0x20b: {  	[hbm4b:s31+s3] =	stream.linear.scatter [tilespmem:s25], [sflag:$0x3], $0x80, $0x38;
	[tilespmem:$0x17E40] =	vst v63  }
0x20c: {  	s31 =	sadd.s32 $0x7A0, s21;
	s25 =	simm.s32 $0x129C0  }
0x20d: {  	[hbm4b:s31+s3] =	stream.linear.scatter [tilespmem:s25], [sflag:$0x3], $0x80, $0x38;
	[tilespmem:$0x17E40] =	vst v63  }
0x20e: {  	s31 =	sadd.s32 $0x7B0, s21;
	s25 =	simm.s32 $0x12DC0  }
0x20f: {  	[hbm4b:s31+s3] =	stream.linear.scatter [tilespmem:s25], [sflag:$0x3], $0x80, $0x38;
	[tilespmem:$0x17E40] =	vst v63  }
0x210: {  	s31 =	sadd.s32 $0x7C0, s21;
	s25 =	simm.s32 $0x131C0  }
0x211: {  	[hbm4b:s31+s3] =	stream.linear.scatter [tilespmem:s25], [sflag:$0x3], $0x80, $0x38;
	[tilespmem:$0x17E40] =	vst v63  }
0x212: {  	s31 =	sadd.s32 $0x7D0, s21;
	s25 =	simm.s32 $0x135C0  }
0x213: {  	[hbm4b:s31+s3] =	stream.linear.scatter [tilespmem:s25], [sflag:$0x3], $0x80, $0x38;
	[tilespmem:$0x17E40] =	vst v63  }
0x214: {  	s31 =	sadd.s32 $0x7E0, s21;
	s25 =	simm.s32 $0x139C0  }
0x215: {  	[hbm4b:s31+s3] =	stream.linear.scatter [tilespmem:s25], [sflag:$0x3], $0x80, $0x38;
	[tilespmem:$0x17E40] =	vst v63  }
0x216: {  	s31 =	sadd.s32 $0x7F0, s21;
	s25 =	simm.s32 $0x13DC0  }
0x217: {  	[hbm4b:s31+s3] =	stream.linear.scatter [tilespmem:s25], [sflag:$0x3], $0x80, $0x38;
	[tilespmem:$0x17E40] =	vst v63  }
0x218: {  	_ =	swait.ge [sflag:s26], $0x400  }
0x219: {  	[sflag:s26] =	ssyncset.done $0x0  }
0x21a: {  	[sflag:s26] =	ssyncadd.s32 $0xFFFFFC00  }
0x21b: {  	_ =	swait.ge [sflag:s26], $0x400  }
0x21c: {  	[sflag:s26] =	ssyncset.done $0x0  }
0x21d: {  	[sflag:s26] =	ssyncadd.s32 $0xFFFFFC00  }
0x21e: {  	_ =	swait.ge [sflag:s26], $0x400  }
0x21f: {  	[sflag:s26] =	ssyncset.done $0x0  }
0x220: {  	[sflag:s26] =	ssyncadd.s32 $0xFFFFFC00  }
0x221: {  	_ =	swait.ge [sflag:s26], $0x400  }
0x222: {  	[sflag:s26] =	ssyncset.done $0x0  }
0x223: {  	[sflag:s26] =	ssyncadd.s32 $0xFFFFFC00  }
0x224: {  	_ =	swait.ge [sflag:s26], $0x400  }
0x225: {  	[sflag:s26] =	ssyncset.done $0x0  }
0x226: {  	[sflag:s26] =	ssyncadd.s32 $0xFFFFFC00  }
0x227: {  	_ =	swait.ge [sflag:s26], $0x400  }
0x228: {  	[sflag:s26] =	ssyncset.done $0x0  }
0x229: {  	[sflag:s26] =	ssyncadd.s32 $0xFFFFFC00  }
0x22a: {  	_ =	swait.ge [sflag:s26], $0x400  }
0x22b: {  	[sflag:s26] =	ssyncset.done $0x0  }
0x22c: {  	[sflag:s26] =	ssyncadd.s32 $0xFFFFFC00  }
0x22d: {  	_ =	swait.ge [sflag:s26], $0x400  }
0x22e: {  	[sflag:s26] =	ssyncset.done $0x0  }
0x22f: {  	[sflag:s26] =	ssyncadd.s32 $0xFFFFFC00  }
0x230: {  	_ =	swait.ge [sflag:s26], $0x400  }
0x231: {  	[sflag:s26] =	ssyncset.done $0x0  }
0x232: {  	[sflag:s26] =	ssyncadd.s32 $0xFFFFFC00  }
0x233: {  	_ =	swait.ge [sflag:s26], $0x400  }
0x234: {  	[sflag:s26] =	ssyncset.done $0x0  }
0x235: {  	[sflag:s26] =	ssyncadd.s32 $0xFFFFFC00  }
0x236: {  	_ =	swait.ge [sflag:s26], $0x400  }
0x237: {  	[sflag:s26] =	ssyncset.done $0x0  }
0x238: {  	[sflag:s26] =	ssyncadd.s32 $0xFFFFFC00  }
0x239: {  	_ =	swait.ge [sflag:s26], $0x400  }
0x23a: {  	[sflag:s26] =	ssyncset.done $0x0  }
0x23b: {  	[sflag:s26] =	ssyncadd.s32 $0xFFFFFC00  }
0x23c: {  	_ =	swait.ge [sflag:s26], $0x400  }
0x23d: {  	[sflag:s26] =	ssyncset.done $0x0  }
0x23e: {  	[sflag:s26] =	ssyncadd.s32 $0xFFFFFC00  }
0x23f: {  	_ =	swait.ge [sflag:s26], $0x400  }
0x240: {  	[sflag:s26] =	ssyncset.done $0x0  }
0x241: {  	[sflag:s26] =	ssyncadd.s32 $0xFFFFFC00  }
0x242: {  	_ =	swait.ge [sflag:s26], $0x400  }
0x243: {  	[sflag:s26] =	ssyncset.done $0x0  }
0x244: {  	[sflag:s26] =	ssyncadd.s32 $0xFFFFFC00  }
0x245: {  	_ =	swait.ge [sflag:s26], $0x400  }
0x246: {  	[sflag:s26] =	ssyncset.done $0x0  }
0x247: {  	p1 =	seq.s32 s30, $0xF000;
	[sflag:s26] =	ssyncadd.s32 $0xFFFFFC00  }
0x248: {  	v0 =	vld @!p1 [tilespmem:s24+$0x0];
	_ =	sdelay $0x4  }
0x249: {  	v0 =	vshll.u32 @!p1 v0, $0xC  }
0x24a: {  	v0 =	vshra.s32 @!p1 v0, $0x2  }
0x24b: {  	v0 =	vadd.s32 @!p1 s1, v0  }
0x24c: {  	(v2sf) =	vpush @!p1 v0, $0x0;
	_ =	sdelay $0x1  }
0x24d: {  	(v2sf) =	vpush @!p1 v0, $0x1;
	_ =	sdelay $0x1  }
0x24e: {  	(v2sf) =	vpush @!p1 v0, $0x2;
	_ =	sdelay $0x1  }
0x24f: {  	(v2sf) =	vpush @!p1 v0, $0x3;
	_ =	sdelay $0x1  }
0x250: {  	(v2sf) =	vpush @!p1 v0, $0x4;
	_ =	sdelay $0x1  }
0x251: {  	(v2sf) =	vpush @!p1 v0, $0x5;
	_ =	sdelay $0x1  }
0x252: {  	(v2sf) =	vpush @!p1 v0, $0x6;
	_ =	sdelay $0x1  }
0x253: {  	(v2sf) =	vpush @!p1 v0, $0x7  }
0x254: {  	s25 =	simm.s32 @!p1 $0xFE40;
	s31 =	spop @!p1 (v2sf)  }
0x255: {  	(v2sf) =	vpush @!p1 v0, $0x8;
	[tilespmem:s25], [sflag:$0x1] =	stream.linear.gather @!p1 [spmem:s31], $0x400, $0x38;
	[tilespmem:$0x17E40] =	vst v63  }
0x256: {  	s25 =	spop @!p1 (v2sf);
	s31 =	simm.s32 @!p1 $0x10240  }
0x257: {  	(v2sf) =	vpush @!p1 v0, $0x9;
	[tilespmem:s31], [sflag:$0x1] =	stream.linear.gather @!p1 [spmem:s25], $0x400, $0x38;
	[tilespmem:$0x17E40] =	vst v63  }
0x258: {  	s25 =	spop @!p1 (v2sf);
	s31 =	simm.s32 @!p1 $0x10640  }
0x259: {  	(v2sf) =	vpush @!p1 v0, $0xA;
	[tilespmem:s31], [sflag:$0x1] =	stream.linear.gather @!p1 [spmem:s25], $0x400, $0x38;
	[tilespmem:$0x17E40] =	vst v63  }
0x25a: {  	s25 =	spop @!p1 (v2sf);
	s31 =	simm.s32 @!p1 $0x10A40  }
0x25b: {  	(v2sf) =	vpush @!p1 v0, $0xB;
	[tilespmem:s31], [sflag:$0x1] =	stream.linear.gather @!p1 [spmem:s25], $0x400, $0x38;
	[tilespmem:$0x17E40] =	vst v63  }
0x25c: {  	s25 =	spop @!p1 (v2sf);
	s31 =	simm.s32 @!p1 $0x10E40  }
0x25d: {  	(v2sf) =	vpush @!p1 v0, $0xC;
	[tilespmem:s31], [sflag:$0x1] =	stream.linear.gather @!p1 [spmem:s25], $0x400, $0x38;
	[tilespmem:$0x17E40] =	vst v63  }
0x25e: {  	s25 =	spop @!p1 (v2sf);
	s31 =	simm.s32 @!p1 $0x11240  }
0x25f: {  	(v2sf) =	vpush @!p1 v0, $0xD;
	[tilespmem:s31], [sflag:$0x1] =	stream.linear.gather @!p1 [spmem:s25], $0x400, $0x38;
	[tilespmem:$0x17E40] =	vst v63  }
0x260: {  	s25 =	spop @!p1 (v2sf);
	s31 =	simm.s32 @!p1 $0x11640  }
0x261: {  	(v2sf) =	vpush @!p1 v0, $0xE;
	[tilespmem:s31], [sflag:$0x1] =	stream.linear.gather @!p1 [spmem:s25], $0x400, $0x38;
	[tilespmem:$0x17E40] =	vst v63  }
0x262: {  	s25 =	spop @!p1 (v2sf);
	s31 =	simm.s32 @!p1 $0x11A40  }
0x263: {  	(v2sf) =	vpush @!p1 v0, $0xF;
	[tilespmem:s31], [sflag:$0x1] =	stream.linear.gather @!p1 [spmem:s25], $0x400, $0x38;
	[tilespmem:$0x17E40] =	vst v63  }
0x264: {  	s25 =	spop @!p1 (v2sf);
	s31 =	simm.s32 @!p1 $0x11E40  }
0x265: {  	[tilespmem:s31], [sflag:$0x1] =	stream.linear.gather @!p1 [spmem:s25], $0x400, $0x38;
	[tilespmem:$0x17E40] =	vst v63  }
0x266: {  	s25 =	spop @!p1 (v2sf);
	s31 =	simm.s32 @!p1 $0x12240  }
0x267: {  	[tilespmem:s31], [sflag:$0x1] =	stream.linear.gather @!p1 [spmem:s25], $0x400, $0x38;
	[tilespmem:$0x17E40] =	vst v63  }
0x268: {  	s25 =	spop @!p1 (v2sf);
	s31 =	simm.s32 @!p1 $0x12640  }
0x269: {  	[tilespmem:s31], [sflag:$0x1] =	stream.linear.gather @!p1 [spmem:s25], $0x400, $0x38;
	[tilespmem:$0x17E40] =	vst v63  }
0x26a: {  	s25 =	spop @!p1 (v2sf);
	s31 =	simm.s32 @!p1 $0x12A40  }
0x26b: {  	[tilespmem:s31], [sflag:$0x1] =	stream.linear.gather @!p1 [spmem:s25], $0x400, $0x38;
	[tilespmem:$0x17E40] =	vst v63  }
0x26c: {  	s25 =	spop @!p1 (v2sf);
	s31 =	simm.s32 @!p1 $0x12E40  }
0x26d: {  	[tilespmem:s31], [sflag:$0x1] =	stream.linear.gather @!p1 [spmem:s25], $0x400, $0x38;
	[tilespmem:$0x17E40] =	vst v63  }
0x26e: {  	s25 =	spop @!p1 (v2sf);
	s31 =	simm.s32 @!p1 $0x13240  }
0x26f: {  	[tilespmem:s31], [sflag:$0x1] =	stream.linear.gather @!p1 [spmem:s25], $0x400, $0x38;
	[tilespmem:$0x17E40] =	vst v63  }
0x270: {  	s25 =	spop @!p1 (v2sf);
	s31 =	simm.s32 @!p1 $0x13640  }
0x271: {  	[tilespmem:s31], [sflag:$0x1] =	stream.linear.gather @!p1 [spmem:s25], $0x400, $0x38;
	[tilespmem:$0x17E40] =	vst v63  }
0x272: {  	p2 =	seq.s32 @!p1 s30, $0x0;
	s25 =	spop @!p1 (v2sf);
	s31 =	simm.s32 @!p1 $0x13A40  }
0x273: {  	[tilespmem:s31], [sflag:$0x1] =	stream.linear.gather @!p1 [spmem:s25], $0x400, $0x38;
	[tilespmem:$0x17E40] =	vst v63  }
0x274: {  	p1 =	por p1, !p2  }
0x275: {  	_ =	swait.ge @p1 [sflag:s29], $0x800  }
0x276: {  	[sflag:s29] =	ssyncset.done @p1 $0x0  }
0x277: {  	[sflag:s29] =	ssyncadd.s32 @p1 $0xFFFFF800  }
0x278: {  	_ =	swait.ge @p1 [sflag:s29], $0x800  }
0x279: {  	[sflag:s29] =	ssyncset.done @p1 $0x0  }
0x27a: {  	[sflag:s29] =	ssyncadd.s32 @p1 $0xFFFFF800  }
0x27b: {  	_ =	swait.ge @p1 [sflag:s29], $0x800  }
0x27c: {  	[sflag:s29] =	ssyncset.done @p1 $0x0  }
0x27d: {  	[sflag:s29] =	ssyncadd.s32 @p1 $0xFFFFF800  }
0x27e: {  	_ =	swait.ge @p1 [sflag:s29], $0x800  }
0x27f: {  	[sflag:s29] =	ssyncset.done @p1 $0x0  }
0x280: {  	[sflag:s29] =	ssyncadd.s32 @p1 $0xFFFFF800  }
0x281: {  	_ =	swait.ge @p1 [sflag:s29], $0x800  }
0x282: {  	[sflag:s29] =	ssyncset.done @p1 $0x0  }
0x283: {  	[sflag:s29] =	ssyncadd.s32 @p1 $0xFFFFF800  }
0x284: {  	_ =	swait.ge @p1 [sflag:s29], $0x800  }
0x285: {  	[sflag:s29] =	ssyncset.done @p1 $0x0  }
0x286: {  	[sflag:s29] =	ssyncadd.s32 @p1 $0xFFFFF800  }
0x287: {  	_ =	swait.ge @p1 [sflag:s29], $0x800  }
0x288: {  	[sflag:s29] =	ssyncset.done @p1 $0x0  }
0x289: {  	[sflag:s29] =	ssyncadd.s32 @p1 $0xFFFFF800  }
0x28a: {  	_ =	swait.ge @p1 [sflag:s29], $0x800  }
0x28b: {  	[sflag:s29] =	ssyncset.done @p1 $0x0  }
0x28c: {  	s31 =	sadd.s32 $0x800, s21;
	[sflag:s29] =	ssyncadd.s32 @p1 $0xFFFFF800  }
0x28d: {  	[hbm4b:s31+s3] =	stream.linear.scatter [tilespmem:s13], [sflag:$0x4], $0x80, $0x38;
	[tilespmem:$0x17E40] =	vst v63  }
0x28e: {  	s31 =	sadd.s32 $0x810, s21  }
0x28f: {  	[hbm4b:s31+s3] =	stream.linear.scatter [tilespmem:s15], [sflag:$0x4], $0x80, $0x38;
	[tilespmem:$0x17E40] =	vst v63  }
0x290: {  	s31 =	sadd.s32 $0x820, s21  }
0x291: {  	[hbm4b:s31+s3] =	stream.linear.scatter [tilespmem:s4], [sflag:$0x4], $0x80, $0x38;
	[tilespmem:$0x17E40] =	vst v63  }
0x292: {  	s31 =	sadd.s32 $0x830, s21  }
0x293: {  	[hbm4b:s31+s3] =	stream.linear.scatter [tilespmem:s5], [sflag:$0x4], $0x80, $0x38;
	[tilespmem:$0x17E40] =	vst v63  }
0x294: {  	s31 =	sadd.s32 $0x840, s21  }
0x295: {  	[hbm4b:s31+s3] =	stream.linear.scatter [tilespmem:s6], [sflag:$0x4], $0x80, $0x38;
	[tilespmem:$0x17E40] =	vst v63  }
0x296: {  	s31 =	sadd.s32 $0x850, s21  }
0x297: {  	[hbm4b:s31+s3] =	stream.linear.scatter [tilespmem:s7], [sflag:$0x4], $0x80, $0x38;
	[tilespmem:$0x17E40] =	vst v63  }
0x298: {  	s31 =	sadd.s32 $0x860, s21  }
0x299: {  	[hbm4b:s31+s3] =	stream.linear.scatter [tilespmem:s8], [sflag:$0x4], $0x80, $0x38;
	[tilespmem:$0x17E40] =	vst v63  }
0x29a: {  	s31 =	sadd.s32 $0x870, s21  }
0x29b: {  	[hbm4b:s31+s3] =	stream.linear.scatter [tilespmem:s10], [sflag:$0x4], $0x80, $0x38;
	[tilespmem:$0x17E40] =	vst v63  }
0x29c: {  	s31 =	sadd.s32 $0xC00, s21  }
0x29d: {  	[hbm4b:s31+s3] =	stream.linear.scatter [tilespmem:s11], [sflag:$0x4], $0x80, $0x38;
	[tilespmem:$0x17E40] =	vst v63  }
0x29e: {  	s31 =	sadd.s32 $0xC10, s21  }
0x29f: {  	[hbm4b:s31+s3] =	stream.linear.scatter [tilespmem:s12], [sflag:$0x4], $0x80, $0x38;
	[tilespmem:$0x17E40] =	vst v63  }
0x2a0: {  	s31 =	sadd.s32 $0xC20, s21  }
0x2a1: {  	[hbm4b:s31+s3] =	stream.linear.scatter [tilespmem:s14], [sflag:$0x4], $0x80, $0x38;
	[tilespmem:$0x17E40] =	vst v63  }
0x2a2: {  	s31 =	sadd.s32 $0xC30, s21  }
0x2a3: {  	[hbm4b:s31+s3] =	stream.linear.scatter [tilespmem:s16], [sflag:$0x4], $0x80, $0x38;
	[tilespmem:$0x17E40] =	vst v63  }
0x2a4: {  	s31 =	sadd.s32 $0xC40, s21  }
0x2a5: {  	[hbm4b:s31+s3] =	stream.linear.scatter [tilespmem:s17], [sflag:$0x4], $0x80, $0x38;
	[tilespmem:$0x17E40] =	vst v63  }
0x2a6: {  	s31 =	sadd.s32 $0xC50, s21  }
0x2a7: {  	[hbm4b:s31+s3] =	stream.linear.scatter [tilespmem:s18], [sflag:$0x4], $0x80, $0x38;
	[tilespmem:$0x17E40] =	vst v63  }
0x2a8: {  	s31 =	sadd.s32 $0xC60, s21  }
0x2a9: {  	[hbm4b:s31+s3] =	stream.linear.scatter [tilespmem:s19], [sflag:$0x4], $0x80, $0x38;
	[tilespmem:$0x17E40] =	vst v63  }
0x2aa: {  	s31 =	sadd.s32 $0xC70, s21  }
0x2ab: {  	[hbm4b:s31+s3] =	stream.linear.scatter [tilespmem:s20], [sflag:$0x4], $0x80, $0x38;
	[tilespmem:$0x17E40] =	vst v63  }
0x2ac: {  	s25 =	sadd.s32 $0x880, s21;
	s31 =	simm.s32 $0x13EC0  }
0x2ad: {  	[hbm4b:s25+s3] =	stream.linear.scatter [tilespmem:s31], [sflag:$0x4], $0x80, $0x38;
	[tilespmem:$0x17E40] =	vst v63  }
0x2ae: {  	s25 =	sadd.s32 $0x890, s21;
	s31 =	simm.s32 $0x142C0  }
0x2af: {  	[hbm4b:s25+s3] =	stream.linear.scatter [tilespmem:s31], [sflag:$0x4], $0x80, $0x38;
	[tilespmem:$0x17E40] =	vst v63  }
0x2b0: {  	s25 =	sadd.s32 $0x8A0, s21;
	s31 =	simm.s32 $0x146C0  }
0x2b1: {  	[hbm4b:s25+s3] =	stream.linear.scatter [tilespmem:s31], [sflag:$0x4], $0x80, $0x38;
	[tilespmem:$0x17E40] =	vst v63  }
0x2b2: {  	s25 =	sadd.s32 $0x8B0, s21;
	s31 =	simm.s32 $0x14AC0  }
0x2b3: {  	[hbm4b:s25+s3] =	stream.linear.scatter [tilespmem:s31], [sflag:$0x4], $0x80, $0x38;
	[tilespmem:$0x17E40] =	vst v63  }
0x2b4: {  	s25 =	sadd.s32 $0x8C0, s21;
	s31 =	simm.s32 $0x14EC0  }
0x2b5: {  	[hbm4b:s25+s3] =	stream.linear.scatter [tilespmem:s31], [sflag:$0x4], $0x80, $0x38;
	[tilespmem:$0x17E40] =	vst v63  }
0x2b6: {  	s25 =	sadd.s32 $0x8D0, s21;
	s31 =	simm.s32 $0x152C0  }
0x2b7: {  	[hbm4b:s25+s3] =	stream.linear.scatter [tilespmem:s31], [sflag:$0x4], $0x80, $0x38;
	[tilespmem:$0x17E40] =	vst v63  }
0x2b8: {  	s25 =	sadd.s32 $0x8E0, s21;
	s31 =	simm.s32 $0x156C0  }
0x2b9: {  	[hbm4b:s25+s3] =	stream.linear.scatter [tilespmem:s31], [sflag:$0x4], $0x80, $0x38;
	[tilespmem:$0x17E40] =	vst v63  }
0x2ba: {  	s25 =	sadd.s32 $0x8F0, s21;
	s31 =	simm.s32 $0x15AC0  }
0x2bb: {  	[hbm4b:s25+s3] =	stream.linear.scatter [tilespmem:s31], [sflag:$0x4], $0x80, $0x38;
	[tilespmem:$0x17E40] =	vst v63  }
0x2bc: {  	s25 =	sadd.s32 $0xC80, s21;
	s31 =	simm.s32 $0x15EC0  }
0x2bd: {  	[hbm4b:s25+s3] =	stream.linear.scatter [tilespmem:s31], [sflag:$0x4], $0x80, $0x38;
	[tilespmem:$0x17E40] =	vst v63  }
0x2be: {  	s25 =	sadd.s32 $0xC90, s21;
	s31 =	simm.s32 $0x162C0  }
0x2bf: {  	[hbm4b:s25+s3] =	stream.linear.scatter [tilespmem:s31], [sflag:$0x4], $0x80, $0x38;
	[tilespmem:$0x17E40] =	vst v63  }
0x2c0: {  	s25 =	sadd.s32 $0xCA0, s21;
	s31 =	simm.s32 $0x166C0  }
0x2c1: {  	[hbm4b:s25+s3] =	stream.linear.scatter [tilespmem:s31], [sflag:$0x4], $0x80, $0x38;
	[tilespmem:$0x17E40] =	vst v63  }
0x2c2: {  	s25 =	sadd.s32 $0xCB0, s21;
	s31 =	simm.s32 $0x16AC0  }
0x2c3: {  	[hbm4b:s25+s3] =	stream.linear.scatter [tilespmem:s31], [sflag:$0x4], $0x80, $0x38;
	[tilespmem:$0x17E40] =	vst v63  }
0x2c4: {  	s25 =	sadd.s32 $0xCC0, s21;
	s31 =	simm.s32 $0x16EC0  }
0x2c5: {  	[hbm4b:s25+s3] =	stream.linear.scatter [tilespmem:s31], [sflag:$0x4], $0x80, $0x38;
	[tilespmem:$0x17E40] =	vst v63  }
0x2c6: {  	s25 =	sadd.s32 $0xCD0, s21;
	s31 =	simm.s32 $0x172C0  }
0x2c7: {  	[hbm4b:s25+s3] =	stream.linear.scatter [tilespmem:s31], [sflag:$0x4], $0x80, $0x38;
	[tilespmem:$0x17E40] =	vst v63  }
0x2c8: {  	s25 =	sadd.s32 $0xCE0, s21;
	s31 =	simm.s32 $0x176C0  }
0x2c9: {  	[hbm4b:s25+s3] =	stream.linear.scatter [tilespmem:s31], [sflag:$0x4], $0x80, $0x38;
	[tilespmem:$0x17E40] =	vst v63  }
0x2ca: {  	s25 =	sadd.s32 $0xCF0, s21;
	s31 =	simm.s32 $0x17AC0  }
0x2cb: {  	[hbm4b:s25+s3] =	stream.linear.scatter [tilespmem:s31], [sflag:$0x4], $0x80, $0x38;
	[tilespmem:$0x17E40] =	vst v63  }
0x2cc: {  	s25 =	sadd.s32 $0x900, s21;
	s31 =	simm.s32 $0x13F40  }
0x2cd: {  	[hbm4b:s25+s3] =	stream.linear.scatter [tilespmem:s31], [sflag:$0x4], $0x80, $0x38;
	[tilespmem:$0x17E40] =	vst v63  }
0x2ce: {  	s25 =	sadd.s32 $0x910, s21;
	s31 =	simm.s32 $0x14340  }
0x2cf: {  	[hbm4b:s25+s3] =	stream.linear.scatter [tilespmem:s31], [sflag:$0x4], $0x80, $0x38;
	[tilespmem:$0x17E40] =	vst v63  }
0x2d0: {  	s25 =	sadd.s32 $0x920, s21;
	s31 =	simm.s32 $0x14740  }
0x2d1: {  	[hbm4b:s25+s3] =	stream.linear.scatter [tilespmem:s31], [sflag:$0x4], $0x80, $0x38;
	[tilespmem:$0x17E40] =	vst v63  }
0x2d2: {  	s25 =	sadd.s32 $0x930, s21;
	s31 =	simm.s32 $0x14B40  }
0x2d3: {  	[hbm4b:s25+s3] =	stream.linear.scatter [tilespmem:s31], [sflag:$0x4], $0x80, $0x38;
	[tilespmem:$0x17E40] =	vst v63  }
0x2d4: {  	s25 =	sadd.s32 $0x940, s21;
	s31 =	simm.s32 $0x14F40  }
0x2d5: {  	[hbm4b:s25+s3] =	stream.linear.scatter [tilespmem:s31], [sflag:$0x4], $0x80, $0x38;
	[tilespmem:$0x17E40] =	vst v63  }
0x2d6: {  	s25 =	sadd.s32 $0x950, s21;
	s31 =	simm.s32 $0x15340  }
0x2d7: {  	[hbm4b:s25+s3] =	stream.linear.scatter [tilespmem:s31], [sflag:$0x4], $0x80, $0x38;
	[tilespmem:$0x17E40] =	vst v63  }
0x2d8: {  	s25 =	sadd.s32 $0x960, s21;
	s31 =	simm.s32 $0x15740  }
0x2d9: {  	[hbm4b:s25+s3] =	stream.linear.scatter [tilespmem:s31], [sflag:$0x4], $0x80, $0x38;
	[tilespmem:$0x17E40] =	vst v63  }
0x2da: {  	s25 =	sadd.s32 $0x970, s21;
	s31 =	simm.s32 $0x15B40  }
0x2db: {  	[hbm4b:s25+s3] =	stream.linear.scatter [tilespmem:s31], [sflag:$0x4], $0x80, $0x38;
	[tilespmem:$0x17E40] =	vst v63  }
0x2dc: {  	s25 =	sadd.s32 $0xD00, s21;
	s31 =	simm.s32 $0x15F40  }
0x2dd: {  	[hbm4b:s25+s3] =	stream.linear.scatter [tilespmem:s31], [sflag:$0x4], $0x80, $0x38;
	[tilespmem:$0x17E40] =	vst v63  }
0x2de: {  	s25 =	sadd.s32 $0xD10, s21;
	s31 =	simm.s32 $0x16340  }
0x2df: {  	[hbm4b:s25+s3] =	stream.linear.scatter [tilespmem:s31], [sflag:$0x4], $0x80, $0x38;
	[tilespmem:$0x17E40] =	vst v63  }
0x2e0: {  	s25 =	sadd.s32 $0xD20, s21;
	s31 =	simm.s32 $0x16740  }
0x2e1: {  	[hbm4b:s25+s3] =	stream.linear.scatter [tilespmem:s31], [sflag:$0x4], $0x80, $0x38;
	[tilespmem:$0x17E40] =	vst v63  }
0x2e2: {  	s25 =	sadd.s32 $0xD30, s21;
	s31 =	simm.s32 $0x16B40  }
0x2e3: {  	[hbm4b:s25+s3] =	stream.linear.scatter [tilespmem:s31], [sflag:$0x4], $0x80, $0x38;
	[tilespmem:$0x17E40] =	vst v63  }
0x2e4: {  	s25 =	sadd.s32 $0xD40, s21;
	s31 =	simm.s32 $0x16F40  }
0x2e5: {  	[hbm4b:s25+s3] =	stream.linear.scatter [tilespmem:s31], [sflag:$0x4], $0x80, $0x38;
	[tilespmem:$0x17E40] =	vst v63  }
0x2e6: {  	s25 =	sadd.s32 $0xD50, s21;
	s31 =	simm.s32 $0x17340  }
0x2e7: {  	[hbm4b:s25+s3] =	stream.linear.scatter [tilespmem:s31], [sflag:$0x4], $0x80, $0x38;
	[tilespmem:$0x17E40] =	vst v63  }
0x2e8: {  	s25 =	sadd.s32 $0xD60, s21;
	s31 =	simm.s32 $0x17740  }
0x2e9: {  	[hbm4b:s25+s3] =	stream.linear.scatter [tilespmem:s31], [sflag:$0x4], $0x80, $0x38;
	[tilespmem:$0x17E40] =	vst v63  }
0x2ea: {  	s25 =	sadd.s32 $0xD70, s21;
	s31 =	simm.s32 $0x17B40  }
0x2eb: {  	[hbm4b:s25+s3] =	stream.linear.scatter [tilespmem:s31], [sflag:$0x4], $0x80, $0x38;
	[tilespmem:$0x17E40] =	vst v63  }
0x2ec: {  	s25 =	sadd.s32 $0x980, s21;
	s31 =	simm.s32 $0x13FC0  }
0x2ed: {  	[hbm4b:s25+s3] =	stream.linear.scatter [tilespmem:s31], [sflag:$0x4], $0x80, $0x38;
	[tilespmem:$0x17E40] =	vst v63  }
0x2ee: {  	s25 =	sadd.s32 $0x990, s21;
	s31 =	simm.s32 $0x143C0  }
0x2ef: {  	[hbm4b:s25+s3] =	stream.linear.scatter [tilespmem:s31], [sflag:$0x4], $0x80, $0x38;
	[tilespmem:$0x17E40] =	vst v63  }
0x2f0: {  	s25 =	sadd.s32 $0x9A0, s21;
	s31 =	simm.s32 $0x147C0  }
0x2f1: {  	[hbm4b:s25+s3] =	stream.linear.scatter [tilespmem:s31], [sflag:$0x4], $0x80, $0x38;
	[tilespmem:$0x17E40] =	vst v63  }
0x2f2: {  	s25 =	sadd.s32 $0x9B0, s21;
	s31 =	simm.s32 $0x14BC0  }
0x2f3: {  	[hbm4b:s25+s3] =	stream.linear.scatter [tilespmem:s31], [sflag:$0x4], $0x80, $0x38;
	[tilespmem:$0x17E40] =	vst v63  }
0x2f4: {  	s25 =	sadd.s32 $0x9C0, s21;
	s31 =	simm.s32 $0x14FC0  }
0x2f5: {  	[hbm4b:s25+s3] =	stream.linear.scatter [tilespmem:s31], [sflag:$0x4], $0x80, $0x38;
	[tilespmem:$0x17E40] =	vst v63  }
0x2f6: {  	s25 =	sadd.s32 $0x9D0, s21;
	s31 =	simm.s32 $0x153C0  }
0x2f7: {  	[hbm4b:s25+s3] =	stream.linear.scatter [tilespmem:s31], [sflag:$0x4], $0x80, $0x38;
	[tilespmem:$0x17E40] =	vst v63  }
0x2f8: {  	s25 =	sadd.s32 $0x9E0, s21;
	s31 =	simm.s32 $0x157C0  }
0x2f9: {  	[hbm4b:s25+s3] =	stream.linear.scatter [tilespmem:s31], [sflag:$0x4], $0x80, $0x38;
	[tilespmem:$0x17E40] =	vst v63  }
0x2fa: {  	s25 =	sadd.s32 $0x9F0, s21;
	s31 =	simm.s32 $0x15BC0  }
0x2fb: {  	[hbm4b:s25+s3] =	stream.linear.scatter [tilespmem:s31], [sflag:$0x4], $0x80, $0x38;
	[tilespmem:$0x17E40] =	vst v63  }
0x2fc: {  	s25 =	sadd.s32 $0xD80, s21;
	s31 =	simm.s32 $0x15FC0  }
0x2fd: {  	[hbm4b:s25+s3] =	stream.linear.scatter [tilespmem:s31], [sflag:$0x4], $0x80, $0x38;
	[tilespmem:$0x17E40] =	vst v63  }
0x2fe: {  	s25 =	sadd.s32 $0xD90, s21;
	s31 =	simm.s32 $0x163C0  }
0x2ff: {  	[hbm4b:s25+s3] =	stream.linear.scatter [tilespmem:s31], [sflag:$0x4], $0x80, $0x38;
	[tilespmem:$0x17E40] =	vst v63  }
0x300: {  	s25 =	sadd.s32 $0xDA0, s21;
	s31 =	simm.s32 $0x167C0  }
0x301: {  	[hbm4b:s25+s3] =	stream.linear.scatter [tilespmem:s31], [sflag:$0x4], $0x80, $0x38;
	[tilespmem:$0x17E40] =	vst v63  }
0x302: {  	s25 =	sadd.s32 $0xDB0, s21;
	s31 =	simm.s32 $0x16BC0  }
0x303: {  	[hbm4b:s25+s3] =	stream.linear.scatter [tilespmem:s31], [sflag:$0x4], $0x80, $0x38;
	[tilespmem:$0x17E40] =	vst v63  }
0x304: {  	s25 =	sadd.s32 $0xDC0, s21;
	s31 =	simm.s32 $0x16FC0  }
0x305: {  	[hbm4b:s25+s3] =	stream.linear.scatter [tilespmem:s31], [sflag:$0x4], $0x80, $0x38;
	[tilespmem:$0x17E40] =	vst v63  }
0x306: {  	s25 =	sadd.s32 $0xDD0, s21;
	s31 =	simm.s32 $0x173C0  }
0x307: {  	[hbm4b:s25+s3] =	stream.linear.scatter [tilespmem:s31], [sflag:$0x4], $0x80, $0x38;
	[tilespmem:$0x17E40] =	vst v63  }
0x308: {  	s25 =	sadd.s32 $0xDE0, s21;
	s31 =	simm.s32 $0x177C0  }
0x309: {  	[hbm4b:s25+s3] =	stream.linear.scatter [tilespmem:s31], [sflag:$0x4], $0x80, $0x38;
	[tilespmem:$0x17E40] =	vst v63  }
0x30a: {  	s25 =	sadd.s32 $0xDF0, s21;
	s31 =	simm.s32 $0x17BC0  }
0x30b: {  	[hbm4b:s25+s3] =	stream.linear.scatter [tilespmem:s31], [sflag:$0x4], $0x80, $0x38;
	[tilespmem:$0x17E40] =	vst v63  }
0x30c: {  	s25 =	sadd.s32 $0xA00, s21;
	s31 =	simm.s32 $0x14040  }
0x30d: {  	[hbm4b:s25+s3] =	stream.linear.scatter [tilespmem:s31], [sflag:$0x4], $0x80, $0x38;
	[tilespmem:$0x17E40] =	vst v63  }
0x30e: {  	s25 =	sadd.s32 $0xA10, s21;
	s31 =	simm.s32 $0x14440  }
0x30f: {  	[hbm4b:s25+s3] =	stream.linear.scatter [tilespmem:s31], [sflag:$0x4], $0x80, $0x38;
	[tilespmem:$0x17E40] =	vst v63  }
0x310: {  	s25 =	sadd.s32 $0xA20, s21;
	s31 =	simm.s32 $0x14840  }
0x311: {  	[hbm4b:s25+s3] =	stream.linear.scatter [tilespmem:s31], [sflag:$0x4], $0x80, $0x38;
	[tilespmem:$0x17E40] =	vst v63  }
0x312: {  	s25 =	sadd.s32 $0xA30, s21;
	s31 =	simm.s32 $0x14C40  }
0x313: {  	[hbm4b:s25+s3] =	stream.linear.scatter [tilespmem:s31], [sflag:$0x4], $0x80, $0x38;
	[tilespmem:$0x17E40] =	vst v63  }
0x314: {  	s25 =	sadd.s32 $0xA40, s21;
	s31 =	simm.s32 $0x15040  }
0x315: {  	[hbm4b:s25+s3] =	stream.linear.scatter [tilespmem:s31], [sflag:$0x4], $0x80, $0x38;
	[tilespmem:$0x17E40] =	vst v63  }
0x316: {  	s25 =	sadd.s32 $0xA50, s21;
	s31 =	simm.s32 $0x15440  }
0x317: {  	[hbm4b:s25+s3] =	stream.linear.scatter [tilespmem:s31], [sflag:$0x4], $0x80, $0x38;
	[tilespmem:$0x17E40] =	vst v63  }
0x318: {  	s25 =	sadd.s32 $0xA60, s21;
	s31 =	simm.s32 $0x15840  }
0x319: {  	[hbm4b:s25+s3] =	stream.linear.scatter [tilespmem:s31], [sflag:$0x4], $0x80, $0x38;
	[tilespmem:$0x17E40] =	vst v63  }
0x31a: {  	s25 =	sadd.s32 $0xA70, s21;
	s31 =	simm.s32 $0x15C40  }
0x31b: {  	[hbm4b:s25+s3] =	stream.linear.scatter [tilespmem:s31], [sflag:$0x4], $0x80, $0x38;
	[tilespmem:$0x17E40] =	vst v63  }
0x31c: {  	s25 =	sadd.s32 $0xE00, s21;
	s31 =	simm.s32 $0x16040  }
0x31d: {  	[hbm4b:s25+s3] =	stream.linear.scatter [tilespmem:s31], [sflag:$0x4], $0x80, $0x38;
	[tilespmem:$0x17E40] =	vst v63  }
0x31e: {  	s25 =	sadd.s32 $0xE10, s21;
	s31 =	simm.s32 $0x16440  }
0x31f: {  	[hbm4b:s25+s3] =	stream.linear.scatter [tilespmem:s31], [sflag:$0x4], $0x80, $0x38;
	[tilespmem:$0x17E40] =	vst v63  }
0x320: {  	s25 =	sadd.s32 $0xE20, s21;
	s31 =	simm.s32 $0x16840  }
0x321: {  	[hbm4b:s25+s3] =	stream.linear.scatter [tilespmem:s31], [sflag:$0x4], $0x80, $0x38;
	[tilespmem:$0x17E40] =	vst v63  }
0x322: {  	s25 =	sadd.s32 $0xE30, s21;
	s31 =	simm.s32 $0x16C40  }
0x323: {  	[hbm4b:s25+s3] =	stream.linear.scatter [tilespmem:s31], [sflag:$0x4], $0x80, $0x38;
	[tilespmem:$0x17E40] =	vst v63  }
0x324: {  	s25 =	sadd.s32 $0xE40, s21;
	s31 =	simm.s32 $0x17040  }
0x325: {  	[hbm4b:s25+s3] =	stream.linear.scatter [tilespmem:s31], [sflag:$0x4], $0x80, $0x38;
	[tilespmem:$0x17E40] =	vst v63  }
0x326: {  	s25 =	sadd.s32 $0xE50, s21;
	s31 =	simm.s32 $0x17440  }
0x327: {  	[hbm4b:s25+s3] =	stream.linear.scatter [tilespmem:s31], [sflag:$0x4], $0x80, $0x38;
	[tilespmem:$0x17E40] =	vst v63  }
0x328: {  	s25 =	sadd.s32 $0xE60, s21;
	s31 =	simm.s32 $0x17840  }
0x329: {  	[hbm4b:s25+s3] =	stream.linear.scatter [tilespmem:s31], [sflag:$0x4], $0x80, $0x38;
	[tilespmem:$0x17E40] =	vst v63  }
0x32a: {  	s25 =	sadd.s32 $0xE70, s21;
	s31 =	simm.s32 $0x17C40  }
0x32b: {  	[hbm4b:s25+s3] =	stream.linear.scatter [tilespmem:s31], [sflag:$0x4], $0x80, $0x38;
	[tilespmem:$0x17E40] =	vst v63  }
0x32c: {  	s25 =	sadd.s32 $0xA80, s21;
	s31 =	simm.s32 $0x140C0  }
0x32d: {  	[hbm4b:s25+s3] =	stream.linear.scatter [tilespmem:s31], [sflag:$0x4], $0x80, $0x38;
	[tilespmem:$0x17E40] =	vst v63  }
0x32e: {  	s25 =	sadd.s32 $0xA90, s21;
	s31 =	simm.s32 $0x144C0  }
0x32f: {  	[hbm4b:s25+s3] =	stream.linear.scatter [tilespmem:s31], [sflag:$0x4], $0x80, $0x38;
	[tilespmem:$0x17E40] =	vst v63  }
0x330: {  	s25 =	sadd.s32 $0xAA0, s21;
	s31 =	simm.s32 $0x148C0  }
0x331: {  	[hbm4b:s25+s3] =	stream.linear.scatter [tilespmem:s31], [sflag:$0x4], $0x80, $0x38;
	[tilespmem:$0x17E40] =	vst v63  }
0x332: {  	s25 =	sadd.s32 $0xAB0, s21;
	s31 =	simm.s32 $0x14CC0  }
0x333: {  	[hbm4b:s25+s3] =	stream.linear.scatter [tilespmem:s31], [sflag:$0x4], $0x80, $0x38;
	[tilespmem:$0x17E40] =	vst v63  }
0x334: {  	s25 =	sadd.s32 $0xAC0, s21;
	s31 =	simm.s32 $0x150C0  }
0x335: {  	[hbm4b:s25+s3] =	stream.linear.scatter [tilespmem:s31], [sflag:$0x4], $0x80, $0x38;
	[tilespmem:$0x17E40] =	vst v63  }
0x336: {  	s25 =	sadd.s32 $0xAD0, s21;
	s31 =	simm.s32 $0x154C0  }
0x337: {  	[hbm4b:s25+s3] =	stream.linear.scatter [tilespmem:s31], [sflag:$0x4], $0x80, $0x38;
	[tilespmem:$0x17E40] =	vst v63  }
0x338: {  	s25 =	sadd.s32 $0xAE0, s21;
	s31 =	simm.s32 $0x158C0  }
0x339: {  	[hbm4b:s25+s3] =	stream.linear.scatter [tilespmem:s31], [sflag:$0x4], $0x80, $0x38;
	[tilespmem:$0x17E40] =	vst v63  }
0x33a: {  	s25 =	sadd.s32 $0xAF0, s21;
	s31 =	simm.s32 $0x15CC0  }
0x33b: {  	[hbm4b:s25+s3] =	stream.linear.scatter [tilespmem:s31], [sflag:$0x4], $0x80, $0x38;
	[tilespmem:$0x17E40] =	vst v63  }
0x33c: {  	s25 =	sadd.s32 $0xE80, s21;
	s31 =	simm.s32 $0x160C0  }
0x33d: {  	[hbm4b:s25+s3] =	stream.linear.scatter [tilespmem:s31], [sflag:$0x4], $0x80, $0x38;
	[tilespmem:$0x17E40] =	vst v63  }
0x33e: {  	s25 =	sadd.s32 $0xE90, s21;
	s31 =	simm.s32 $0x164C0  }
0x33f: {  	[hbm4b:s25+s3] =	stream.linear.scatter [tilespmem:s31], [sflag:$0x4], $0x80, $0x38;
	[tilespmem:$0x17E40] =	vst v63  }
0x340: {  	s25 =	sadd.s32 $0xEA0, s21;
	s31 =	simm.s32 $0x168C0  }
0x341: {  	[hbm4b:s25+s3] =	stream.linear.scatter [tilespmem:s31], [sflag:$0x4], $0x80, $0x38;
	[tilespmem:$0x17E40] =	vst v63  }
0x342: {  	s25 =	sadd.s32 $0xEB0, s21;
	s31 =	simm.s32 $0x16CC0  }
0x343: {  	[hbm4b:s25+s3] =	stream.linear.scatter [tilespmem:s31], [sflag:$0x4], $0x80, $0x38;
	[tilespmem:$0x17E40] =	vst v63  }
0x344: {  	s25 =	sadd.s32 $0xEC0, s21;
	s31 =	simm.s32 $0x170C0  }
0x345: {  	[hbm4b:s25+s3] =	stream.linear.scatter [tilespmem:s31], [sflag:$0x4], $0x80, $0x38;
	[tilespmem:$0x17E40] =	vst v63  }
0x346: {  	s25 =	sadd.s32 $0xED0, s21;
	s31 =	simm.s32 $0x174C0  }
0x347: {  	[hbm4b:s25+s3] =	stream.linear.scatter [tilespmem:s31], [sflag:$0x4], $0x80, $0x38;
	[tilespmem:$0x17E40] =	vst v63  }
0x348: {  	s25 =	sadd.s32 $0xEE0, s21;
	s31 =	simm.s32 $0x178C0  }
0x349: {  	[hbm4b:s25+s3] =	stream.linear.scatter [tilespmem:s31], [sflag:$0x4], $0x80, $0x38;
	[tilespmem:$0x17E40] =	vst v63  }
0x34a: {  	s25 =	sadd.s32 $0xEF0, s21;
	s31 =	simm.s32 $0x17CC0  }
0x34b: {  	[hbm4b:s25+s3] =	stream.linear.scatter [tilespmem:s31], [sflag:$0x4], $0x80, $0x38;
	[tilespmem:$0x17E40] =	vst v63  }
0x34c: {  	s25 =	sadd.s32 $0xB00, s21;
	s31 =	simm.s32 $0x14140  }
0x34d: {  	[hbm4b:s25+s3] =	stream.linear.scatter [tilespmem:s31], [sflag:$0x4], $0x80, $0x38;
	[tilespmem:$0x17E40] =	vst v63  }
0x34e: {  	s25 =	sadd.s32 $0xB10, s21;
	s31 =	simm.s32 $0x14540  }
0x34f: {  	[hbm4b:s25+s3] =	stream.linear.scatter [tilespmem:s31], [sflag:$0x4], $0x80, $0x38;
	[tilespmem:$0x17E40] =	vst v63  }
0x350: {  	s25 =	sadd.s32 $0xB20, s21;
	s31 =	simm.s32 $0x14940  }
0x351: {  	[hbm4b:s25+s3] =	stream.linear.scatter [tilespmem:s31], [sflag:$0x4], $0x80, $0x38;
	[tilespmem:$0x17E40] =	vst v63  }
0x352: {  	s25 =	sadd.s32 $0xB30, s21;
	s31 =	simm.s32 $0x14D40  }
0x353: {  	[hbm4b:s25+s3] =	stream.linear.scatter [tilespmem:s31], [sflag:$0x4], $0x80, $0x38;
	[tilespmem:$0x17E40] =	vst v63  }
0x354: {  	s25 =	sadd.s32 $0xB40, s21;
	s31 =	simm.s32 $0x15140  }
0x355: {  	[hbm4b:s25+s3] =	stream.linear.scatter [tilespmem:s31], [sflag:$0x4], $0x80, $0x38;
	[tilespmem:$0x17E40] =	vst v63  }
0x356: {  	s25 =	sadd.s32 $0xB50, s21;
	s31 =	simm.s32 $0x15540  }
0x357: {  	[hbm4b:s25+s3] =	stream.linear.scatter [tilespmem:s31], [sflag:$0x4], $0x80, $0x38;
	[tilespmem:$0x17E40] =	vst v63  }
0x358: {  	s25 =	sadd.s32 $0xB60, s21;
	s31 =	simm.s32 $0x15940  }
0x359: {  	[hbm4b:s25+s3] =	stream.linear.scatter [tilespmem:s31], [sflag:$0x4], $0x80, $0x38;
	[tilespmem:$0x17E40] =	vst v63  }
0x35a: {  	s25 =	sadd.s32 $0xB70, s21;
	s31 =	simm.s32 $0x15D40  }
0x35b: {  	[hbm4b:s25+s3] =	stream.linear.scatter [tilespmem:s31], [sflag:$0x4], $0x80, $0x38;
	[tilespmem:$0x17E40] =	vst v63  }
0x35c: {  	s25 =	sadd.s32 $0xF00, s21;
	s31 =	simm.s32 $0x16140  }
0x35d: {  	[hbm4b:s25+s3] =	stream.linear.scatter [tilespmem:s31], [sflag:$0x4], $0x80, $0x38;
	[tilespmem:$0x17E40] =	vst v63  }
0x35e: {  	s25 =	sadd.s32 $0xF10, s21;
	s31 =	simm.s32 $0x16540  }
0x35f: {  	[hbm4b:s25+s3] =	stream.linear.scatter [tilespmem:s31], [sflag:$0x4], $0x80, $0x38;
	[tilespmem:$0x17E40] =	vst v63  }
0x360: {  	s25 =	sadd.s32 $0xF20, s21;
	s31 =	simm.s32 $0x16940  }
0x361: {  	[hbm4b:s25+s3] =	stream.linear.scatter [tilespmem:s31], [sflag:$0x4], $0x80, $0x38;
	[tilespmem:$0x17E40] =	vst v63  }
0x362: {  	s25 =	sadd.s32 $0xF30, s21;
	s31 =	simm.s32 $0x16D40  }
0x363: {  	[hbm4b:s25+s3] =	stream.linear.scatter [tilespmem:s31], [sflag:$0x4], $0x80, $0x38;
	[tilespmem:$0x17E40] =	vst v63  }
0x364: {  	s25 =	sadd.s32 $0xF40, s21;
	s31 =	simm.s32 $0x17140  }
0x365: {  	[hbm4b:s25+s3] =	stream.linear.scatter [tilespmem:s31], [sflag:$0x4], $0x80, $0x38;
	[tilespmem:$0x17E40] =	vst v63  }
0x366: {  	s25 =	sadd.s32 $0xF50, s21;
	s31 =	simm.s32 $0x17540  }
0x367: {  	[hbm4b:s25+s3] =	stream.linear.scatter [tilespmem:s31], [sflag:$0x4], $0x80, $0x38;
	[tilespmem:$0x17E40] =	vst v63  }
0x368: {  	s25 =	sadd.s32 $0xF60, s21;
	s31 =	simm.s32 $0x17940  }
0x369: {  	[hbm4b:s25+s3] =	stream.linear.scatter [tilespmem:s31], [sflag:$0x4], $0x80, $0x38;
	[tilespmem:$0x17E40] =	vst v63  }
0x36a: {  	s25 =	sadd.s32 $0xF70, s21;
	s31 =	simm.s32 $0x17D40  }
0x36b: {  	[hbm4b:s25+s3] =	stream.linear.scatter [tilespmem:s31], [sflag:$0x4], $0x80, $0x38;
	[tilespmem:$0x17E40] =	vst v63  }
0x36c: {  	s25 =	sadd.s32 $0xB80, s21;
	s31 =	simm.s32 $0x141C0  }
0x36d: {  	[hbm4b:s25+s3] =	stream.linear.scatter [tilespmem:s31], [sflag:$0x4], $0x80, $0x38;
	[tilespmem:$0x17E40] =	vst v63  }
0x36e: {  	s25 =	sadd.s32 $0xB90, s21;
	s31 =	simm.s32 $0x145C0  }
0x36f: {  	[hbm4b:s25+s3] =	stream.linear.scatter [tilespmem:s31], [sflag:$0x4], $0x80, $0x38;
	[tilespmem:$0x17E40] =	vst v63  }
0x370: {  	s25 =	sadd.s32 $0xBA0, s21;
	s31 =	simm.s32 $0x149C0  }
0x371: {  	[hbm4b:s25+s3] =	stream.linear.scatter [tilespmem:s31], [sflag:$0x4], $0x80, $0x38;
	[tilespmem:$0x17E40] =	vst v63  }
0x372: {  	s25 =	sadd.s32 $0xBB0, s21;
	s31 =	simm.s32 $0x14DC0  }
0x373: {  	[hbm4b:s25+s3] =	stream.linear.scatter [tilespmem:s31], [sflag:$0x4], $0x80, $0x38;
	[tilespmem:$0x17E40] =	vst v63  }
0x374: {  	s25 =	sadd.s32 $0xBC0, s21;
	s31 =	simm.s32 $0x151C0  }
0x375: {  	[hbm4b:s25+s3] =	stream.linear.scatter [tilespmem:s31], [sflag:$0x4], $0x80, $0x38;
	[tilespmem:$0x17E40] =	vst v63  }
0x376: {  	s25 =	sadd.s32 $0xBD0, s21;
	s31 =	simm.s32 $0x155C0  }
0x377: {  	[hbm4b:s25+s3] =	stream.linear.scatter [tilespmem:s31], [sflag:$0x4], $0x80, $0x38;
	[tilespmem:$0x17E40] =	vst v63  }
0x378: {  	s25 =	sadd.s32 $0xBE0, s21;
	s31 =	simm.s32 $0x159C0  }
0x379: {  	[hbm4b:s25+s3] =	stream.linear.scatter [tilespmem:s31], [sflag:$0x4], $0x80, $0x38;
	[tilespmem:$0x17E40] =	vst v63  }
0x37a: {  	s25 =	sadd.s32 $0xBF0, s21;
	s31 =	simm.s32 $0x15DC0  }
0x37b: {  	[hbm4b:s25+s3] =	stream.linear.scatter [tilespmem:s31], [sflag:$0x4], $0x80, $0x38;
	[tilespmem:$0x17E40] =	vst v63  }
0x37c: {  	s25 =	sadd.s32 $0xF80, s21;
	s31 =	simm.s32 $0x161C0  }
0x37d: {  	[hbm4b:s25+s3] =	stream.linear.scatter [tilespmem:s31], [sflag:$0x4], $0x80, $0x38;
	[tilespmem:$0x17E40] =	vst v63  }
0x37e: {  	s25 =	sadd.s32 $0xF90, s21;
	s31 =	simm.s32 $0x165C0  }
0x37f: {  	[hbm4b:s25+s3] =	stream.linear.scatter [tilespmem:s31], [sflag:$0x4], $0x80, $0x38;
	[tilespmem:$0x17E40] =	vst v63  }
0x380: {  	s25 =	sadd.s32 $0xFA0, s21;
	s31 =	simm.s32 $0x169C0  }
0x381: {  	[hbm4b:s25+s3] =	stream.linear.scatter [tilespmem:s31], [sflag:$0x4], $0x80, $0x38;
	[tilespmem:$0x17E40] =	vst v63  }
0x382: {  	s25 =	sadd.s32 $0xFB0, s21;
	s31 =	simm.s32 $0x16DC0  }
0x383: {  	[hbm4b:s25+s3] =	stream.linear.scatter [tilespmem:s31], [sflag:$0x4], $0x80, $0x38;
	[tilespmem:$0x17E40] =	vst v63  }
0x384: {  	s30 =	sadd.s32 $0x1000, s30;
	s31 =	sadd.s32 $0xFC0, s21  }
0x385: {  	[hbm4b:s31+s3] =	stream.linear.scatter [tilespmem:s0], [sflag:$0x4], $0x80, $0x38;
	[tilespmem:$0x17E40] =	vst v63  }
0x386: {  	p1 =	sne.s32 s30, $0x10000;
	s31 =	sadd.s32 $0xFD0, s21  }
0x387: {  	[hbm4b:s31+s3] =	stream.linear.scatter [tilespmem:s23], [sflag:$0x4], $0x80, $0x38;
	[tilespmem:$0x17E40] =	vst v63  }
.Ltmp0:
0x388: {  	_ = 	snop;
	(pc) =	sbr.rel @p1 .LBB2_2-.Ltmp0, $4  }
0x389: {  	s31 =	sadd.s32 $0xFE0, s21  }
0x38a: {  	[hbm4b:s31+s3] =	stream.linear.scatter [tilespmem:s28], [sflag:$0x4], $0x80, $0x38;
	[tilespmem:$0x17E40] =	vst v63  }
0x38b: {  	s24 =	sadd.s32 $0x20, s24;
	s21 =	sadd.s32 $0xFF0, s21  }
0x38c: {  	[hbm4b:s21+s3] =	stream.linear.scatter [tilespmem:s22], [sflag:$0x4], $0x80, $0x38;
	[tilespmem:$0x17E40] =	vst v63  }
0x38d: {  	s21 =	simm.s32 $0x3  }
0x38e: {  	_ =	swait.ge [sflag:s21], $0x800  }
0x38f: {  	[sflag:s21] =	ssyncset.done $0x0  }
0x390: {  	[sflag:s21] =	ssyncadd.s32 $0xFFFFF800  }
0x391: {  	_ =	swait.ge [sflag:s21], $0x800  }
0x392: {  	[sflag:s21] =	ssyncset.done $0x0  }
0x393: {  	[sflag:s21] =	ssyncadd.s32 $0xFFFFF800  }
0x394: {  	_ =	swait.ge [sflag:s21], $0x800  }
0x395: {  	[sflag:s21] =	ssyncset.done $0x0  }
0x396: {  	[sflag:s21] =	ssyncadd.s32 $0xFFFFF800  }
0x397: {  	_ =	swait.ge [sflag:s21], $0x800  }
0x398: {  	[sflag:s21] =	ssyncset.done $0x0  }
0x399: {  	[sflag:s21] =	ssyncadd.s32 $0xFFFFF800  }
0x39a: {  	_ =	swait.ge [sflag:s21], $0x800  }
0x39b: {  	[sflag:s21] =	ssyncset.done $0x0  }
0x39c: {  	[sflag:s21] =	ssyncadd.s32 $0xFFFFF800  }
0x39d: {  	_ =	swait.ge [sflag:s21], $0x800  }
0x39e: {  	[sflag:s21] =	ssyncset.done $0x0  }
0x39f: {  	[sflag:s21] =	ssyncadd.s32 $0xFFFFF800  }
0x3a0: {  	_ =	swait.ge [sflag:s21], $0x800  }
0x3a1: {  	[sflag:s21] =	ssyncset.done $0x0  }
0x3a2: {  	[sflag:s21] =	ssyncadd.s32 $0xFFFFF800  }
0x3a3: {  	_ =	swait.ge [sflag:s21], $0x800  }
0x3a4: {  	[sflag:s21] =	ssyncset.done $0x0  }
0x3a5: {  	[sflag:s21] =	ssyncadd.s32 $0xFFFFF800  }
0x3a6: {  	_ =	swait.ge [sflag:s29], $0x800  }
0x3a7: {  	[sflag:s29] =	ssyncset.done $0x0  }
0x3a8: {  	[sflag:s29] =	ssyncadd.s32 $0xFFFFF800  }
0x3a9: {  	_ =	swait.ge [sflag:s29], $0x800  }
0x3aa: {  	[sflag:s29] =	ssyncset.done $0x0  }
0x3ab: {  	[sflag:s29] =	ssyncadd.s32 $0xFFFFF800  }
0x3ac: {  	_ =	swait.ge [sflag:s29], $0x800  }
0x3ad: {  	[sflag:s29] =	ssyncset.done $0x0  }
0x3ae: {  	[sflag:s29] =	ssyncadd.s32 $0xFFFFF800  }
0x3af: {  	_ =	swait.ge [sflag:s29], $0x800  }
0x3b0: {  	[sflag:s29] =	ssyncset.done $0x0  }
0x3b1: {  	[sflag:s29] =	ssyncadd.s32 $0xFFFFF800  }
0x3b2: {  	_ =	swait.ge [sflag:s29], $0x800  }
0x3b3: {  	[sflag:s29] =	ssyncset.done $0x0  }
0x3b4: {  	[sflag:s29] =	ssyncadd.s32 $0xFFFFF800  }
0x3b5: {  	_ =	swait.ge [sflag:s29], $0x800  }
0x3b6: {  	[sflag:s29] =	ssyncset.done $0x0  }
0x3b7: {  	[sflag:s29] =	ssyncadd.s32 $0xFFFFF800  }
0x3b8: {  	_ =	swait.ge [sflag:s29], $0x800  }
0x3b9: {  	[sflag:s29] =	ssyncset.done $0x0  }
0x3ba: {  	[sflag:s29] =	ssyncadd.s32 $0xFFFFF800  }
0x3bb: {  	_ =	swait.ge [sflag:s29], $0x800  }
0x3bc: {  	s24 =	rddreg [dreg:$0xe]  }
0x3bd: {  	s31 =	rddreg [dreg:$0xa];
	s24 =	sadd.s32 $0x1, s24  }
0x3be: {  	p1 =	sne.s32 s24, s31  }
.Ltmp1:
0x3bf: {  	_ = 	snop;
	(pc) =	sbr.rel @p1 .LBB2_1-.Ltmp1, $3  }
0x3c0: {  	_ =	sdelay $0x1  }
0x3c1: {  	[sflag:s29] =	ssyncset.done $0x0  }
0x3c2: {  	[sflag:s29] =	ssyncadd.s32 $0xFFFFF800  }
0x3c3: {  	_ =	sfence.sel $0x180000  }
0x3c4: {  	[bflag:$0x0] =	sbarrier.arrive $0xFFFF  }
0x3c5: {  	_ =	strace $0x90000047  }
0x3c6: {  	s0 =	stileid.u32;
	[bflag:$0x2] =	sbarrier.arrive $0xFFFF  }
0x3c7: {  	p0 =	sne.s32 s0, $0x0;
	s0 =	rddreg [dreg:$0x5]  }
0x3c8: {  	s0 =	sadd.s32 @!p0 $0x100000, s0  }
0x3c9: {  	[sflag:s0] =	ssyncadd.tile.s32 @!p0 $0x1;
	_ =	shalt  }
.Lfunc_end2:
_tile_overlayer_lowered:
.L_overlay_start_2:
0x3ca: {  	(tag) =	ssettag $0x2  }
0x3cb: {  	s0 =	rddreg [dreg:$0x0];
	s2 =	stileid.u32  }
0x3cc: {  	s1 =	rddreg [dreg:$0x1];
	p0 =	sne.s32 s2, $0x0  }
0x3cd: {  	s3 =	rddreg [dreg:$0x2];
	[bflag:$0x3] =	sbarrier.arrive $0xFFFF;
	s2 =	simm.s32 @!p0 $0x1C06  }
0x3ce: {  	[timem:s3], [sflag:s2] =	dma.local @!p0 [hbm:s0], s1  }
0x3cf: {  	s0 =	simm.s32 @!p0 $0x6  }
0x3d0: {  	_ =	swait.ge @!p0 [sflag:s0], s1  }
0x3d1: {  	s1 =	ssub.s32 @!p0 $0x0, s1;
	[sflag:s0] =	ssyncset.done @!p0 $0x0  }
0x3d2: {  	[sflag:s0] =	ssyncadd.s32 @!p0 s1  }
0x3d3: {  	[bflag:$0x3] =	sbarrier.arrive $0xFFFF  }
0x3d4: {  	_ =	shalt  }

</sc_bundles>
